<compile_context>
chip_gen: v7x
topology: tpu7x:2x2x1
jax: 0.10.2.dev20260603
libtpu: 0.0.44.dev20260713+nightly
codegen_flags: <defaults>
</compile_context>

<pallas_src>
import jax
import jax.numpy as jnp
from jax import lax
from jax.experimental import pallas as pl
from jax.experimental.pallas import tpu as pltpu
from jax.experimental.pallas import tpu_sc as plsc

B = 4096
S = 200
D = 64
C_OUT = 2
NC, NS = 2, 16
NW = NC * NS
BPW = B // NW
P = 16
R = 8
G = S // R
GSZ = P * R
NCH = BPW // P
LG = D // 16
XW = 128
XROWS = BPW * S // XW


def _pool_body(xl_hbm, table, out, xrows, idx2a, idx2b, acca, accb, obuf,
               sema, semb):
    wid = lax.axis_index("s") * NC + lax.axis_index("c")
    pltpu.sync_copy(xl_hbm.at[pl.ds(wid * XROWS, XROWS)], xrows)
    zero = jnp.zeros((16,), jnp.float32)
    lane = jax.lax.iota(jnp.int32, 16)
    lane_hi = lane >> 3
    lane_lo = lane & 7

    idx2s = (idx2a, idx2b)
    accs = (acca, accb)
    sems = (sema, semb)

    def build(c, idx2):
        def bld_g(g, _):
            def bld_p(p2, _):
                flat = (c * P + p2 * 2 + lane_hi) * S + g * R + lane_lo
                v = plsc.load_gather(xrows, [flat >> 7, flat & 127])
                idx2[pl.ds(g * GSZ + p2 * 16, 16)] = v
                return 0

            lax.fori_loop(0, P // 2, bld_p, 0)
            return 0

        lax.fori_loop(0, G, bld_g, 0)

    def zero_fire(idx2, acc_v, sem):
        def zbody(r, _):
            for k in range(LG):
                acc_v[r, pl.ds(k * 16, 16)] = zero
            return 0

        lax.fori_loop(0, GSZ, zbody, 0)

        def fire(g, _):
            pltpu.async_copy(
                table.at[idx2.at[pl.ds(g * GSZ, GSZ)]],
                acc_v,
                sem,
                add=True,
            )
            return 0

        lax.fori_loop(0, G, fire, 0)

    def drain_reduce(c, idx2, acc_v, sem):
        def drain(g, _):
            pltpu.make_async_copy(
                table.at[idx2.at[pl.ds(0, GSZ)]], acc_v, sem
            ).wait()
            return 0

        lax.fori_loop(0, G, drain, 0)

        def red(p, _):
            for k in range(LG):
                v = acc_v[p * R, pl.ds(k * 16, 16)]
                for j in range(1, R):
                    v = v + acc_v[p * R + j, pl.ds(k * 16, 16)]
                obuf[c * P + p, pl.ds(k * 16, 16)] = v
            return 0

        lax.fori_loop(0, P, red, 0)

    build(0, idx2s[0])
    zero_fire(idx2s[0], accs[0], sems[0])
    for c in range(1, NCH):
        b = c % 2
        build(c, idx2s[b])
        zero_fire(idx2s[b], accs[b], sems[b])
        drain_reduce(c - 1, idx2s[1 - b], accs[1 - b], sems[1 - b])
    last = (NCH - 1) % 2
    drain_reduce(NCH - 1, idx2s[last], accs[last], sems[last])

    pltpu.sync_copy(obuf, out.at[pl.ds(wid * BPW, BPW)])


def _proj_body(p_ref, w_ref, b_ref, o_ref):
    acc = lax.dot_general(
        p_ref[...],
        w_ref[...],
        (((1,), (1,)), ((), ())),
        preferred_element_type=jnp.float32,
        precision=lax.Precision.HIGHEST,
    )
    o_ref[...] = acc * (1.0 / S) + b_ref[...]


def kernel(x, emb_table, W, b):
    x_lin = x.reshape(NW * XROWS, XW)

    mesh = plsc.VectorSubcoreMesh(
        core_axis_name="c", subcore_axis_name="s", num_cores=NC, num_subcores=NS
    )
    pooled_sums = pl.kernel(
        _pool_body,
        out_type=jax.ShapeDtypeStruct((B, D), jnp.float32),
        mesh=mesh,
        compiler_params=pltpu.CompilerParams(
            use_tc_tiling_on_sc=False, needs_layout_passes=False
        ),
        scratch_types=[
            pltpu.VMEM((XROWS, XW), jnp.int32),
            pltpu.VMEM((G * GSZ,), jnp.int32),
            pltpu.VMEM((G * GSZ,), jnp.int32),
            pltpu.VMEM((GSZ, D), jnp.float32),
            pltpu.VMEM((GSZ, D), jnp.float32),
            pltpu.VMEM((BPW, D), jnp.float32),
            pltpu.SemaphoreType.DMA,
            pltpu.SemaphoreType.DMA,
        ],
    )(x_lin, emb_table)

    out = pl.pallas_call(
        _proj_body,
        out_shape=jax.ShapeDtypeStruct((B, C_OUT), jnp.float32),
    )(pooled_sums, W, b.reshape(1, C_OUT))
    return out

# --- scband reference (transcript-rebuilt; emitter-appended) ---
"""Pipeline reference for scband-fast-text-model-helper-70102456205966 (READ-ONLY COPY).

The authoritative reference and input builder live on the scoring server;
editing this copy changes nothing except your own understanding.
"""

import jax, jax.numpy as jnp
import numpy as np

VOCAB = 1000000
D_W = 64
NUM_CLASSES = 2
BATCH = 4096
SEQ = 200

def setup_inputs(seed: int = 0) -> dict:
    key = jax.random.key(seed)
    k1, k2, k3 = jax.random.split(key, 3)
    x = jax.random.randint(k1, (BATCH, SEQ), 0, VOCAB, dtype=jnp.int64 if jax.config.jax_enable_x64 else jnp.int32).astype(jnp.int32)
    emb_table = jax.random.normal(k2, (VOCAB, D_W), dtype=jnp.float32)
    # Xavier-uniform init for linear layer, matching nn.init.xavier_uniform_
    limit = float(np.sqrt(6.0 / (D_W + NUM_CLASSES)))
    W = jax.random.uniform(k3, (NUM_CLASSES, D_W), dtype=jnp.float32, minval=-limit, maxval=limit)
    b = jnp.zeros((NUM_CLASSES,), dtype=jnp.float32)
    return {"x": x, "emb_table": emb_table, "W": W, "b": b}

def reference(x, emb_table, W, b):
    # Embedding lookup (gather): [B, L] -> [B, L, D]
    emb = jnp.take(emb_table, x, axis=0)
    # Mean pooling over sequence dim
    pooled = jnp.mean(emb, axis=1)
    # Dropout is identity in eval mode; Linear layer
    out = pooled @ W.T + b
    return out

if __name__ == "__main__":
    import jax
    _d = setup_inputs()
    print(jax.jit(kernel)(*tuple(_d.values())))

</pallas_src>

<mosaic_0001>
#map = affine_map<(d0, d1) -> (0, 0)>
module attributes {stable_mosaic.version = 14 : i64} {
  func.func @_pool_body(%arg0: i32, %arg1: i32, %arg2: memref<6400x128xi32, #tpu.memory_space<hbm>>, %arg3: memref<1000000x64xf32, #tpu.memory_space<hbm>>, %arg4: memref<4096x64xf32, #tpu.memory_space<hbm>>, %arg5: memref<200x128xi32, #tpu.memory_space<vmem>>, %arg6: memref<3200xi32, #tpu.memory_space<vmem>>, %arg7: memref<3200xi32, #tpu.memory_space<vmem>>, %arg8: memref<128x64xf32, #tpu.memory_space<vmem>>, %arg9: memref<128x64xf32, #tpu.memory_space<vmem>>, %arg10: memref<128x64xf32, #tpu.memory_space<vmem>>, %arg11: memref<!tpu.dma_semaphore, #tpu.memory_space<semaphore_mem>>, %arg12: memref<!tpu.dma_semaphore, #tpu.memory_space<semaphore_mem>>) attributes {dimension_semantics = [#tpu.dimension_semantics<core_parallel>, #tpu.dimension_semantics<subcore_parallel>], iteration_bounds = array<i64: 2, 16>, scalar_prefetch = 0 : i64, scratch_operands = 8 : i64, tpu.core_type = #tpu.core_type<sc_vector_subcore>, window_params = [{transform_indices = #map}, {transform_indices = #map}, {transform_indices = #map}]} {
    %mul3A = arith.constant 2 : i32
    %mul3A_0 = arith.muli %arg1, %mul3A : i32
    %add3A = arith.addi %mul3A_0, %arg0 : i32
    %mul3A_1 = arith.constant 200 : i32
    %mul3A_2 = arith.muli %add3A, %mul3A_1 : i32
    "tpu.region"() ({
      %run_scoped3A = tpu.sem_alloc : memref<!tpu.dma_semaphore, #tpu.memory_space<semaphore_mem>>
      %dma_start3A = arith.constant 0 : i32
      %dma_start3A_289 = tpu.memref_slice %arg2[%mul3A_2, %dma_start3A] : memref<6400x128xi32, #tpu.memory_space<hbm>> -> memref<200x128xi32, #tpu.memory_space<hbm>>
      %dma_start3A_290 = arith.constant 0 : i32
      %dma_start3A_291 = tpu.memref_slice %arg2[%mul3A_2, %dma_start3A_290] : memref<6400x128xi32, #tpu.memory_space<hbm>> -> memref<200x128xi32, #tpu.memory_space<hbm>>
      tpu.enqueue_dma source(%dma_start3A_291 : memref<200x128xi32, #tpu.memory_space<hbm>>) target(%arg5 : memref<200x128xi32, #tpu.memory_space<vmem>>) target_semaphore(%run_scoped3A : memref<!tpu.dma_semaphore, #tpu.memory_space<semaphore_mem>>)
      %dma_wait3A = arith.constant 0 : i32
      %dma_wait3A_292 = tpu.memref_slice %arg2[%mul3A_2, %dma_wait3A] : memref<6400x128xi32, #tpu.memory_space<hbm>> -> memref<200x128xi32, #tpu.memory_space<hbm>>
      %dma_wait3A_293 = arith.constant 0 : i32
      %dma_wait3A_294 = tpu.memref_slice %arg2[%mul3A_2, %dma_wait3A_293] : memref<6400x128xi32, #tpu.memory_space<hbm>> -> memref<200x128xi32, #tpu.memory_space<hbm>>
      tpu.wait_dma2 semaphore(%run_scoped3A : memref<!tpu.dma_semaphore, #tpu.memory_space<semaphore_mem>>) src(%dma_wait3A_294 : memref<200x128xi32, #tpu.memory_space<hbm>>) dst(%arg5 : memref<200x128xi32, #tpu.memory_space<vmem>>)
      tpu.yield
    }) : () -> ()
    %broadcast_in_dim3A = arith.constant 0.000000e+00 : f32
    %broadcast_in_dim3A_3 = vector.broadcast %broadcast_in_dim3A : f32 to vector<16xf32>
    %iota3A = tpu.iota {dimensions = array<i32: 0>} : vector<16xi32>
    %shift_right_arithmetic3A = arith.constant 3 : i32
    %shift_right_arithmetic3A_4 = vector.broadcast %shift_right_arithmetic3A : i32 to vector<16xi32>
    %shift_right_arithmetic3A_5 = arith.shrsi %iota3A, %shift_right_arithmetic3A_4 : vector<16xi32>
    %and3A = arith.constant 7 : i32
    %and3A_6 = vector.broadcast %and3A : i32 to vector<16xi32>
    %and3A_7 = arith.andi %iota3A, %and3A_6 : vector<16xi32>
    %scan3A = arith.constant 0 : i32
    %scan3A_8 = arith.constant 0 : i32
    %scan3A_9 = arith.constant 25 : i32
    %scan3A_10 = arith.addi %scan3A_8, %scan3A_9 : i32
    %scan3A_11 = arith.constant 1 : i32
    %scan3A_12 = scf.for %scan3A_289 = %scan3A_8 to %scan3A_10 step %scan3A_11 iter_args(%scan3A_290 = %scan3A) -> (i32)  : i32 {
      %scan3A_291 = arith.constant 0 : i32
      %scan3A_292 = arith.constant 0 : i32
      %scan3A_293 = arith.constant 8 : i32
      %scan3A_294 = arith.addi %scan3A_292, %scan3A_293 : i32
      %scan3A_295 = arith.constant 1 : i32
      %scan3A_296 = scf.for %scan3A_299 = %scan3A_292 to %scan3A_294 step %scan3A_295 iter_args(%scan3A_300 = %scan3A_291) -> (i32)  : i32 {
        %mul3A_301 = arith.constant 2 : i32
        %mul3A_302 = arith.muli %scan3A_299, %mul3A_301 : i32
        %add3A_303 = arith.constant 0 : i32
        %add3A_304 = arith.addi %add3A_303, %mul3A_302 : i32
        %add3A_305 = vector.broadcast %add3A_304 : i32 to vector<16xi32>
        %add3A_306 = arith.addi %add3A_305, %shift_right_arithmetic3A_5 : vector<16xi32>
        %mul3A_307 = arith.constant 200 : i32
        %mul3A_308 = vector.broadcast %mul3A_307 : i32 to vector<16xi32>
        %mul3A_309 = arith.muli %add3A_306, %mul3A_308 : vector<16xi32>
        %mul3A_310 = arith.constant 8 : i32
        %mul3A_311 = arith.muli %scan3A_289, %mul3A_310 : i32
        %add3A_312 = vector.broadcast %mul3A_311 : i32 to vector<16xi32>
        %add3A_313 = arith.addi %mul3A_309, %add3A_312 : vector<16xi32>
        %add3A_314 = arith.addi %add3A_313, %and3A_7 : vector<16xi32>
        %shift_right_arithmetic3A_315 = arith.constant 7 : i32
        %shift_right_arithmetic3A_316 = vector.broadcast %shift_right_arithmetic3A_315 : i32 to vector<16xi32>
        %shift_right_arithmetic3A_317 = arith.shrsi %add3A_314, %shift_right_arithmetic3A_316 : vector<16xi32>
        %and3A_318 = arith.constant 127 : i32
        %and3A_319 = vector.broadcast %and3A_318 : i32 to vector<16xi32>
        %and3A_320 = arith.andi %add3A_314, %and3A_319 : vector<16xi32>
        %gather3A = tpu.vector_load_idx %arg5[%shift_right_arithmetic3A_317, %and3A_320] : memref<200x128xi32, #tpu.memory_space<vmem>>[vector<16xi32>, vector<16xi32>], vector<16xi32>,
        %mul3A_321 = arith.constant 128 : i32
        %mul3A_322 = arith.muli %scan3A_289, %mul3A_321 : i32
        %mul3A_323 = arith.constant 16 : i32
        %mul3A_324 = arith.muli %scan3A_299, %mul3A_323 : i32
        %add3A_325 = arith.addi %mul3A_322, %mul3A_324 : i32
        %swap3A = arith.index_cast %add3A_325 : i32 to index
        %swap3A_326 = tpu.vector_load %arg6[%swap3A] {strides = array<i32>} : memref<3200xi32, #tpu.memory_space<vmem>>, vector<16xi32>,
        tpu.vector_store %arg6[%swap3A], %gather3A {strides = array<i32>} : memref<3200xi32, #tpu.memory_space<vmem>>, vector<16xi32>,
        %scan3A_327 = arith.constant 0 : i32
        scf.yield %scan3A_327 : i32
      }
      %scan3A_297 = arith.constant 8 : i32
      %scan3A_298 = arith.constant 0 : i32
      scf.yield %scan3A_298 : i32
    }
    %scan3A_13 = arith.constant 25 : i32
    %scan3A_14 = arith.constant 0 : i32
    %scan3A_15 = arith.constant 0 : i32
    %scan3A_16 = arith.constant 128 : i32
    %scan3A_17 = arith.addi %scan3A_15, %scan3A_16 : i32
    %scan3A_18 = arith.constant 1 : i32
    %scan3A_19 = scf.for %scan3A_289 = %scan3A_15 to %scan3A_17 step %scan3A_18 iter_args(%scan3A_290 = %scan3A_14) -> (i32)  : i32 {
      %swap3A = arith.index_cast %scan3A_289 : i32 to index
      %swap3A_291 = arith.constant 0 : index
      %swap3A_292 = tpu.vector_load %arg8[%swap3A, %swap3A_291] {strides = array<i32>} : memref<128x64xf32, #tpu.memory_space<vmem>>, vector<16xf32>,
      tpu.vector_store %arg8[%swap3A, %swap3A_291], %broadcast_in_dim3A_3 {strides = array<i32>} : memref<128x64xf32, #tpu.memory_space<vmem>>, vector<16xf32>,
      %swap3A_293 = arith.index_cast %scan3A_289 : i32 to index
      %swap3A_294 = arith.constant 16 : index
      %swap3A_295 = tpu.vector_load %arg8[%swap3A_293, %swap3A_294] {strides = array<i32>} : memref<128x64xf32, #tpu.memory_space<vmem>>, vector<16xf32>,
      tpu.vector_store %arg8[%swap3A_293, %swap3A_294], %broadcast_in_dim3A_3 {strides = array<i32>} : memref<128x64xf32, #tpu.memory_space<vmem>>, vector<16xf32>,
      %swap3A_296 = arith.index_cast %scan3A_289 : i32 to index
      %swap3A_297 = arith.constant 32 : index
      %swap3A_298 = tpu.vector_load %arg8[%swap3A_296, %swap3A_297] {strides = array<i32>} : memref<128x64xf32, #tpu.memory_space<vmem>>, vector<16xf32>,
      tpu.vector_store %arg8[%swap3A_296, %swap3A_297], %broadcast_in_dim3A_3 {strides = array<i32>} : memref<128x64xf32, #tpu.memory_space<vmem>>, vector<16xf32>,
      %swap3A_299 = arith.index_cast %scan3A_289 : i32 to index
      %swap3A_300 = arith.constant 48 : index
      %swap3A_301 = tpu.vector_load %arg8[%swap3A_299, %swap3A_300] {strides = array<i32>} : memref<128x64xf32, #tpu.memory_space<vmem>>, vector<16xf32>,
      tpu.vector_store %arg8[%swap3A_299, %swap3A_300], %broadcast_in_dim3A_3 {strides = array<i32>} : memref<128x64xf32, #tpu.memory_space<vmem>>, vector<16xf32>,
      %scan3A_302 = arith.constant 0 : i32
      scf.yield %scan3A_302 : i32
    }
    %scan3A_20 = arith.constant 128 : i32
    %scan3A_21 = arith.constant 0 : i32
    %scan3A_22 = arith.constant 0 : i32
    %scan3A_23 = arith.constant 25 : i32
    %scan3A_24 = arith.addi %scan3A_22, %scan3A_23 : i32
    %scan3A_25 = arith.constant 1 : i32
    %scan3A_26 = scf.for %scan3A_289 = %scan3A_22 to %scan3A_24 step %scan3A_25 iter_args(%scan3A_290 = %scan3A_21) -> (i32)  : i32 {
      %mul3A_291 = arith.constant 128 : i32
      %mul3A_292 = arith.muli %scan3A_289, %mul3A_291 : i32
      %dma_start3A = tpu.memref_slice %arg6[%mul3A_292] : memref<3200xi32, #tpu.memory_space<vmem>> -> memref<128xi32, #tpu.memory_space<vmem>>
      %dma_start3A_293 = arith.constant 0 : i32
      %dma_start3A_294 = arith.constant 0 : i32
      %dma_start3A_295 = tpu.memref_slice %arg3[%dma_start3A_293, %dma_start3A_294] : memref<1000000x64xf32, #tpu.memory_space<hbm>> -> memref<1000000x64xf32, #tpu.memory_space<hbm>>
      tpu.enqueue_indirect_dma source(%dma_start3A_295 : memref<1000000x64xf32, #tpu.memory_space<hbm>>) target(%arg8 : memref<128x64xf32, #tpu.memory_space<vmem>>) offsets(%dma_start3A : memref<128xi32, #tpu.memory_space<vmem>>) semaphore(%arg11 : memref<!tpu.dma_semaphore, #tpu.memory_space<semaphore_mem>>) {add = true}
      %scan3A_296 = arith.constant 0 : i32
      scf.yield %scan3A_296 : i32
    }
    %scan3A_27 = arith.constant 25 : i32
    %scan3A_28 = arith.constant 0 : i32
    %scan3A_29 = arith.constant 0 : i32
    %scan3A_30 = arith.constant 25 : i32
    %scan3A_31 = arith.addi %scan3A_29, %scan3A_30 : i32
    %scan3A_32 = arith.constant 1 : i32
    %scan3A_33 = scf.for %scan3A_289 = %scan3A_29 to %scan3A_31 step %scan3A_32 iter_args(%scan3A_290 = %scan3A_28) -> (i32)  : i32 {
      %scan3A_291 = arith.constant 0 : i32
      %scan3A_292 = arith.constant 0 : i32
      %scan3A_293 = arith.constant 8 : i32
      %scan3A_294 = arith.addi %scan3A_292, %scan3A_293 : i32
      %scan3A_295 = arith.constant 1 : i32
      %scan3A_296 = scf.for %scan3A_299 = %scan3A_292 to %scan3A_294 step %scan3A_295 iter_args(%scan3A_300 = %scan3A_291) -> (i32)  : i32 {
        %mul3A_301 = arith.constant 2 : i32
        %mul3A_302 = arith.muli %scan3A_299, %mul3A_301 : i32
        %add3A_303 = arith.constant 16 : i32
        %add3A_304 = arith.addi %add3A_303, %mul3A_302 : i32
        %add3A_305 = vector.broadcast %add3A_304 : i32 to vector<16xi32>
        %add3A_306 = arith.addi %add3A_305, %shift_right_arithmetic3A_5 : vector<16xi32>
        %mul3A_307 = arith.constant 200 : i32
        %mul3A_308 = vector.broadcast %mul3A_307 : i32 to vector<16xi32>
        %mul3A_309 = arith.muli %add3A_306, %mul3A_308 : vector<16xi32>
        %mul3A_310 = arith.constant 8 : i32
        %mul3A_311 = arith.muli %scan3A_289, %mul3A_310 : i32
        %add3A_312 = vector.broadcast %mul3A_311 : i32 to vector<16xi32>
        %add3A_313 = arith.addi %mul3A_309, %add3A_312 : vector<16xi32>
        %add3A_314 = arith.addi %add3A_313, %and3A_7 : vector<16xi32>
        %shift_right_arithmetic3A_315 = arith.constant 7 : i32
        %shift_right_arithmetic3A_316 = vector.broadcast %shift_right_arithmetic3A_315 : i32 to vector<16xi32>
        %shift_right_arithmetic3A_317 = arith.shrsi %add3A_314, %shift_right_arithmetic3A_316 : vector<16xi32>
        %and3A_318 = arith.constant 127 : i32
        %and3A_319 = vector.broadcast %and3A_318 : i32 to vector<16xi32>
        %and3A_320 = arith.andi %add3A_314, %and3A_319 : vector<16xi32>
        %gather3A = tpu.vector_load_idx %arg5[%shift_right_arithmetic3A_317, %and3A_320] : memref<200x128xi32, #tpu.memory_space<vmem>>[vector<16xi32>, vector<16xi32>], vector<16xi32>,
        %mul3A_321 = arith.constant 128 : i32
        %mul3A_322 = arith.muli %scan3A_289, %mul3A_321 : i32
        %mul3A_323 = arith.constant 16 : i32
        %mul3A_324 = arith.muli %scan3A_299, %mul3A_323 : i32
        %add3A_325 = arith.addi %mul3A_322, %mul3A_324 : i32
        %swap3A = arith.index_cast %add3A_325 : i32 to index
        %swap3A_326 = tpu.vector_load %arg7[%swap3A] {strides = array<i32>} : memref<3200xi32, #tpu.memory_space<vmem>>, vector<16xi32>,
        tpu.vector_store %arg7[%swap3A], %gather3A {strides = array<i32>} : memref<3200xi32, #tpu.memory_space<vmem>>, vector<16xi32>,
        %scan3A_327 = arith.constant 0 : i32
        scf.yield %scan3A_327 : i32
      }
      %scan3A_297 = arith.constant 8 : i32
      %scan3A_298 = arith.constant 0 : i32
      scf.yield %scan3A_298 : i32
    }
    %scan3A_34 = arith.constant 25 : i32
    %scan3A_35 = arith.constant 0 : i32
    %scan3A_36 = arith.constant 0 : i32
    %scan3A_37 = arith.constant 128 : i32
    %scan3A_38 = arith.addi %scan3A_36, %scan3A_37 : i32
    %scan3A_39 = arith.constant 1 : i32
    %scan3A_40 = scf.for %scan3A_289 = %scan3A_36 to %scan3A_38 step %scan3A_39 iter_args(%scan3A_290 = %scan3A_35) -> (i32)  : i32 {
      %swap3A = arith.index_cast %scan3A_289 : i32 to index
      %swap3A_291 = arith.constant 0 : index
      %swap3A_292 = tpu.vector_load %arg9[%swap3A, %swap3A_291] {strides = array<i32>} : memref<128x64xf32, #tpu.memory_space<vmem>>, vector<16xf32>,
      tpu.vector_store %arg9[%swap3A, %swap3A_291], %broadcast_in_dim3A_3 {strides = array<i32>} : memref<128x64xf32, #tpu.memory_space<vmem>>, vector<16xf32>,
      %swap3A_293 = arith.index_cast %scan3A_289 : i32 to index
      %swap3A_294 = arith.constant 16 : index
      %swap3A_295 = tpu.vector_load %arg9[%swap3A_293, %swap3A_294] {strides = array<i32>} : memref<128x64xf32, #tpu.memory_space<vmem>>, vector<16xf32>,
      tpu.vector_store %arg9[%swap3A_293, %swap3A_294], %broadcast_in_dim3A_3 {strides = array<i32>} : memref<128x64xf32, #tpu.memory_space<vmem>>, vector<16xf32>,
      %swap3A_296 = arith.index_cast %scan3A_289 : i32 to index
      %swap3A_297 = arith.constant 32 : index
      %swap3A_298 = tpu.vector_load %arg9[%swap3A_296, %swap3A_297] {strides = array<i32>} : memref<128x64xf32, #tpu.memory_space<vmem>>, vector<16xf32>,
      tpu.vector_store %arg9[%swap3A_296, %swap3A_297], %broadcast_in_dim3A_3 {strides = array<i32>} : memref<128x64xf32, #tpu.memory_space<vmem>>, vector<16xf32>,
      %swap3A_299 = arith.index_cast %scan3A_289 : i32 to index
      %swap3A_300 = arith.constant 48 : index
      %swap3A_301 = tpu.vector_load %arg9[%swap3A_299, %swap3A_300] {strides = array<i32>} : memref<128x64xf32, #tpu.memory_space<vmem>>, vector<16xf32>,
      tpu.vector_store %arg9[%swap3A_299, %swap3A_300], %broadcast_in_dim3A_3 {strides = array<i32>} : memref<128x64xf32, #tpu.memory_space<vmem>>, vector<16xf32>,
      %scan3A_302 = arith.constant 0 : i32
      scf.yield %scan3A_302 : i32
    }
    %scan3A_41 = arith.constant 128 : i32
    %scan3A_42 = arith.constant 0 : i32
    %scan3A_43 = arith.constant 0 : i32
    %scan3A_44 = arith.constant 25 : i32
    %scan3A_45 = arith.addi %scan3A_43, %scan3A_44 : i32
    %scan3A_46 = arith.constant 1 : i32
    %scan3A_47 = scf.for %scan3A_289 = %scan3A_43 to %scan3A_45 step %scan3A_46 iter_args(%scan3A_290 = %scan3A_42) -> (i32)  : i32 {
      %mul3A_291 = arith.constant 128 : i32
      %mul3A_292 = arith.muli %scan3A_289, %mul3A_291 : i32
      %dma_start3A = tpu.memref_slice %arg7[%mul3A_292] : memref<3200xi32, #tpu.memory_space<vmem>> -> memref<128xi32, #tpu.memory_space<vmem>>
      %dma_start3A_293 = arith.constant 0 : i32
      %dma_start3A_294 = arith.constant 0 : i32
      %dma_start3A_295 = tpu.memref_slice %arg3[%dma_start3A_293, %dma_start3A_294] : memref<1000000x64xf32, #tpu.memory_space<hbm>> -> memref<1000000x64xf32, #tpu.memory_space<hbm>>
      tpu.enqueue_indirect_dma source(%dma_start3A_295 : memref<1000000x64xf32, #tpu.memory_space<hbm>>) target(%arg9 : memref<128x64xf32, #tpu.memory_space<vmem>>) offsets(%dma_start3A : memref<128xi32, #tpu.memory_space<vmem>>) semaphore(%arg12 : memref<!tpu.dma_semaphore, #tpu.memory_space<semaphore_mem>>) {add = true}
      %scan3A_296 = arith.constant 0 : i32
      scf.yield %scan3A_296 : i32
    }
    %scan3A_48 = arith.constant 25 : i32
    %scan3A_49 = arith.constant 0 : i32
    %scan3A_50 = arith.constant 0 : i32
    %scan3A_51 = arith.constant 25 : i32
    %scan3A_52 = arith.addi %scan3A_50, %scan3A_51 : i32
    %scan3A_53 = arith.constant 1 : i32
    %scan3A_54 = scf.for %scan3A_289 = %scan3A_50 to %scan3A_52 step %scan3A_53 iter_args(%scan3A_290 = %scan3A_49) -> (i32)  : i32 {
      %dma_wait3A = arith.constant 0 : i32
      %dma_wait3A_291 = tpu.memref_slice %arg6[%dma_wait3A] : memref<3200xi32, #tpu.memory_space<vmem>> -> memref<128xi32, #tpu.memory_space<vmem>>
      %dma_wait3A_292 = arith.constant 0 : i32
      %dma_wait3A_293 = arith.constant 0 : i32
      %dma_wait3A_294 = tpu.memref_slice %arg3[%dma_wait3A_292, %dma_wait3A_293] : memref<1000000x64xf32, #tpu.memory_space<hbm>> -> memref<1000000x64xf32, #tpu.memory_space<hbm>>
      tpu.wait_indirect_dma semaphore(%arg11 : memref<!tpu.dma_semaphore, #tpu.memory_space<semaphore_mem>>) src(%dma_wait3A_294 : memref<1000000x64xf32, #tpu.memory_space<hbm>>) dst(%arg8 : memref<128x64xf32, #tpu.memory_space<vmem>>)
      %scan3A_295 = arith.constant 0 : i32
      scf.yield %scan3A_295 : i32
    }
    %scan3A_55 = arith.constant 25 : i32
    %scan3A_56 = arith.constant 0 : i32
    %scan3A_57 = arith.constant 0 : i32
    %scan3A_58 = arith.constant 16 : i32
    %scan3A_59 = arith.addi %scan3A_57, %scan3A_58 : i32
    %scan3A_60 = arith.constant 1 : i32
    %scan3A_61 = scf.for %scan3A_289 = %scan3A_57 to %scan3A_59 step %scan3A_60 iter_args(%scan3A_290 = %scan3A_56) -> (i32)  : i32 {
      %mul3A_291 = arith.constant 8 : i32
      %mul3A_292 = arith.muli %scan3A_289, %mul3A_291 : i32
      %get3A = arith.index_cast %mul3A_292 : i32 to index
      %get3A_293 = arith.constant 0 : index
      %get3A_294 = tpu.vector_load %arg8[%get3A, %get3A_293] {strides = array<i32>} : memref<128x64xf32, #tpu.memory_space<vmem>>, vector<16xf32>,
      %mul3A_295 = arith.constant 8 : i32
      %mul3A_296 = arith.muli %scan3A_289, %mul3A_295 : i32
      %add3A_297 = arith.constant 1 : i32
      %add3A_298 = arith.addi %mul3A_296, %add3A_297 : i32
      %get3A_299 = arith.index_cast %add3A_298 : i32 to index
      %get3A_300 = arith.constant 0 : index
      %get3A_301 = tpu.vector_load %arg8[%get3A_299, %get3A_300] {strides = array<i32>} : memref<128x64xf32, #tpu.memory_space<vmem>>, vector<16xf32>,
      %add3A_302 = arith.addf %get3A_294, %get3A_301 : vector<16xf32>
      %mul3A_303 = arith.constant 8 : i32
      %mul3A_304 = arith.muli %scan3A_289, %mul3A_303 : i32
      %add3A_305 = arith.constant 2 : i32
      %add3A_306 = arith.addi %mul3A_304, %add3A_305 : i32
      %get3A_307 = arith.index_cast %add3A_306 : i32 to index
      %get3A_308 = arith.constant 0 : index
      %get3A_309 = tpu.vector_load %arg8[%get3A_307, %get3A_308] {strides = array<i32>} : memref<128x64xf32, #tpu.memory_space<vmem>>, vector<16xf32>,
      %add3A_310 = arith.addf %add3A_302, %get3A_309 : vector<16xf32>
      %mul3A_311 = arith.constant 8 : i32
      %mul3A_312 = arith.muli %scan3A_289, %mul3A_311 : i32
      %add3A_313 = arith.constant 3 : i32
      %add3A_314 = arith.addi %mul3A_312, %add3A_313 : i32
      %get3A_315 = arith.index_cast %add3A_314 : i32 to index
      %get3A_316 = arith.constant 0 : index
      %get3A_317 = tpu.vector_load %arg8[%get3A_315, %get3A_316] {strides = array<i32>} : memref<128x64xf32, #tpu.memory_space<vmem>>, vector<16xf32>,
      %add3A_318 = arith.addf %add3A_310, %get3A_317 : vector<16xf32>
      %mul3A_319 = arith.constant 8 : i32
      %mul3A_320 = arith.muli %scan3A_289, %mul3A_319 : i32
      %add3A_321 = arith.constant 4 : i32
      %add3A_322 = arith.addi %mul3A_320, %add3A_321 : i32
      %get3A_323 = arith.index_cast %add3A_322 : i32 to index
      %get3A_324 = arith.constant 0 : index
      %get3A_325 = tpu.vector_load %arg8[%get3A_323, %get3A_324] {strides = array<i32>} : memref<128x64xf32, #tpu.memory_space<vmem>>, vector<16xf32>,
      %add3A_326 = arith.addf %add3A_318, %get3A_325 : vector<16xf32>
      %mul3A_327 = arith.constant 8 : i32
      %mul3A_328 = arith.muli %scan3A_289, %mul3A_327 : i32
      %add3A_329 = arith.constant 5 : i32
      %add3A_330 = arith.addi %mul3A_328, %add3A_329 : i32
      %get3A_331 = arith.index_cast %add3A_330 : i32 to index
      %get3A_332 = arith.constant 0 : index
      %get3A_333 = tpu.vector_load %arg8[%get3A_331, %get3A_332] {strides = array<i32>} : memref<128x64xf32, #tpu.memory_space<vmem>>, vector<16xf32>,
      %add3A_334 = arith.addf %add3A_326, %get3A_333 : vector<16xf32>
      %mul3A_335 = arith.constant 8 : i32
      %mul3A_336 = arith.muli %scan3A_289, %mul3A_335 : i32
      %add3A_337 = arith.constant 6 : i32
      %add3A_338 = arith.addi %mul3A_336, %add3A_337 : i32
      %get3A_339 = arith.index_cast %add3A_338 : i32 to index
      %get3A_340 = arith.constant 0 : index
      %get3A_341 = tpu.vector_load %arg8[%get3A_339, %get3A_340] {strides = array<i32>} : memref<128x64xf32, #tpu.memory_space<vmem>>, vector<16xf32>,
      %add3A_342 = arith.addf %add3A_334, %get3A_341 : vector<16xf32>
      %mul3A_343 = arith.constant 8 : i32
      %mul3A_344 = arith.muli %scan3A_289, %mul3A_343 : i32
      %add3A_345 = arith.constant 7 : i32
      %add3A_346 = arith.addi %mul3A_344, %add3A_345 : i32
      %get3A_347 = arith.index_cast %add3A_346 : i32 to index
      %get3A_348 = arith.constant 0 : index
      %get3A_349 = tpu.vector_load %arg8[%get3A_347, %get3A_348] {strides = array<i32>} : memref<128x64xf32, #tpu.memory_space<vmem>>, vector<16xf32>,
      %add3A_350 = arith.addf %add3A_342, %get3A_349 : vector<16xf32>
      %add3A_351 = arith.constant 0 : i32
      %add3A_352 = arith.addi %add3A_351, %scan3A_289 : i32
      %swap3A = arith.index_cast %add3A_352 : i32 to index
      %swap3A_353 = arith.constant 0 : index
      %swap3A_354 = tpu.vector_load %arg10[%swap3A, %swap3A_353] {strides = array<i32>} : memref<128x64xf32, #tpu.memory_space<vmem>>, vector<16xf32>,
      tpu.vector_store %arg10[%swap3A, %swap3A_353], %add3A_350 {strides = array<i32>} : memref<128x64xf32, #tpu.memory_space<vmem>>, vector<16xf32>,
      %mul3A_355 = arith.constant 8 : i32
      %mul3A_356 = arith.muli %scan3A_289, %mul3A_355 : i32
      %get3A_357 = arith.index_cast %mul3A_356 : i32 to index
      %get3A_358 = arith.constant 16 : index
      %get3A_359 = tpu.vector_load %arg8[%get3A_357, %get3A_358] {strides = array<i32>} : memref<128x64xf32, #tpu.memory_space<vmem>>, vector<16xf32>,
      %mul3A_360 = arith.constant 8 : i32
      %mul3A_361 = arith.muli %scan3A_289, %mul3A_360 : i32
      %add3A_362 = arith.constant 1 : i32
      %add3A_363 = arith.addi %mul3A_361, %add3A_362 : i32
      %get3A_364 = arith.index_cast %add3A_363 : i32 to index
      %get3A_365 = arith.constant 16 : index
      %get3A_366 = tpu.vector_load %arg8[%get3A_364, %get3A_365] {strides = array<i32>} : memref<128x64xf32, #tpu.memory_space<vmem>>, vector<16xf32>,
      %add3A_367 = arith.addf %get3A_359, %get3A_366 : vector<16xf32>
      %mul3A_368 = arith.constant 8 : i32
      %mul3A_369 = arith.muli %scan3A_289, %mul3A_368 : i32
      %add3A_370 = arith.constant 2 : i32
      %add3A_371 = arith.addi %mul3A_369, %add3A_370 : i32
      %get3A_372 = arith.index_cast %add3A_371 : i32 to index
      %get3A_373 = arith.constant 16 : index
      %get3A_374 = tpu.vector_load %arg8[%get3A_372, %get3A_373] {strides = array<i32>} : memref<128x64xf32, #tpu.memory_space<vmem>>, vector<16xf32>,
      %add3A_375 = arith.addf %add3A_367, %get3A_374 : vector<16xf32>
      %mul3A_376 = arith.constant 8 : i32
      %mul3A_377 = arith.muli %scan3A_289, %mul3A_376 : i32
      %add3A_378 = arith.constant 3 : i32
      %add3A_379 = arith.addi %mul3A_377, %add3A_378 : i32
      %get3A_380 = arith.index_cast %add3A_379 : i32 to index
      %get3A_381 = arith.constant 16 : index
      %get3A_382 = tpu.vector_load %arg8[%get3A_380, %get3A_381] {strides = array<i32>} : memref<128x64xf32, #tpu.memory_space<vmem>>, vector<16xf32>,
      %add3A_383 = arith.addf %add3A_375, %get3A_382 : vector<16xf32>
      %mul3A_384 = arith.constant 8 : i32
      %mul3A_385 = arith.muli %scan3A_289, %mul3A_384 : i32
      %add3A_386 = arith.constant 4 : i32
      %add3A_387 = arith.addi %mul3A_385, %add3A_386 : i32
      %get3A_388 = arith.index_cast %add3A_387 : i32 to index
      %get3A_389 = arith.constant 16 : index
      %get3A_390 = tpu.vector_load %arg8[%get3A_388, %get3A_389] {strides = array<i32>} : memref<128x64xf32, #tpu.memory_space<vmem>>, vector<16xf32>,
      %add3A_391 = arith.addf %add3A_383, %get3A_390 : vector<16xf32>
      %mul3A_392 = arith.constant 8 : i32
      %mul3A_393 = arith.muli %scan3A_289, %mul3A_392 : i32
      %add3A_394 = arith.constant 5 : i32
      %add3A_395 = arith.addi %mul3A_393, %add3A_394 : i32
      %get3A_396 = arith.index_cast %add3A_395 : i32 to index
      %get3A_397 = arith.constant 16 : index
      %get3A_398 = tpu.vector_load %arg8[%get3A_396, %get3A_397] {strides = array<i32>} : memref<128x64xf32, #tpu.memory_space<vmem>>, vector<16xf32>,
      %add3A_399 = arith.addf %add3A_391, %get3A_398 : vector<16xf32>
      %mul3A_400 = arith.constant 8 : i32
      %mul3A_401 = arith.muli %scan3A_289, %mul3A_400 : i32
      %add3A_402 = arith.constant 6 : i32
      %add3A_403 = arith.addi %mul3A_401, %add3A_402 : i32
      %get3A_404 = arith.index_cast %add3A_403 : i32 to index
      %get3A_405 = arith.constant 16 : index
      %get3A_406 = tpu.vector_load %arg8[%get3A_404, %get3A_405] {strides = array<i32>} : memref<128x64xf32, #tpu.memory_space<vmem>>, vector<16xf32>,
      %add3A_407 = arith.addf %add3A_399, %get3A_406 : vector<16xf32>
      %mul3A_408 = arith.constant 8 : i32
      %mul3A_409 = arith.muli %scan3A_289, %mul3A_408 : i32
      %add3A_410 = arith.constant 7 : i32
      %add3A_411 = arith.addi %mul3A_409, %add3A_410 : i32
      %get3A_412 = arith.index_cast %add3A_411 : i32 to index
      %get3A_413 = arith.constant 16 : index
      %get3A_414 = tpu.vector_load %arg8[%get3A_412, %get3A_413] {strides = array<i32>} : memref<128x64xf32, #tpu.memory_space<vmem>>, vector<16xf32>,
      %add3A_415 = arith.addf %add3A_407, %get3A_414 : vector<16xf32>
      %add3A_416 = arith.constant 0 : i32
      %add3A_417 = arith.addi %add3A_416, %scan3A_289 : i32
      %swap3A_418 = arith.index_cast %add3A_417 : i32 to index
      %swap3A_419 = arith.constant 16 : index
      %swap3A_420 = tpu.vector_load %arg10[%swap3A_418, %swap3A_419] {strides = array<i32>} : memref<128x64xf32, #tpu.memory_space<vmem>>, vector<16xf32>,
      tpu.vector_store %arg10[%swap3A_418, %swap3A_419], %add3A_415 {strides = array<i32>} : memref<128x64xf32, #tpu.memory_space<vmem>>, vector<16xf32>,
      %mul3A_421 = arith.constant 8 : i32
      %mul3A_422 = arith.muli %scan3A_289, %mul3A_421 : i32
      %get3A_423 = arith.index_cast %mul3A_422 : i32 to index
      %get3A_424 = arith.constant 32 : index
      %get3A_425 = tpu.vector_load %arg8[%get3A_423, %get3A_424] {strides = array<i32>} : memref<128x64xf32, #tpu.memory_space<vmem>>, vector<16xf32>,
      %mul3A_426 = arith.constant 8 : i32
      %mul3A_427 = arith.muli %scan3A_289, %mul3A_426 : i32
      %add3A_428 = arith.constant 1 : i32
      %add3A_429 = arith.addi %mul3A_427, %add3A_428 : i32
      %get3A_430 = arith.index_cast %add3A_429 : i32 to index
      %get3A_431 = arith.constant 32 : index
      %get3A_432 = tpu.vector_load %arg8[%get3A_430, %get3A_431] {strides = array<i32>} : memref<128x64xf32, #tpu.memory_space<vmem>>, vector<16xf32>,
      %add3A_433 = arith.addf %get3A_425, %get3A_432 : vector<16xf32>
      %mul3A_434 = arith.constant 8 : i32
      %mul3A_435 = arith.muli %scan3A_289, %mul3A_434 : i32
      %add3A_436 = arith.constant 2 : i32
      %add3A_437 = arith.addi %mul3A_435, %add3A_436 : i32
      %get3A_438 = arith.index_cast %add3A_437 : i32 to index
      %get3A_439 = arith.constant 32 : index
      %get3A_440 = tpu.vector_load %arg8[%get3A_438, %get3A_439] {strides = array<i32>} : memref<128x64xf32, #tpu.memory_space<vmem>>, vector<16xf32>,
      %add3A_441 = arith.addf %add3A_433, %get3A_440 : vector<16xf32>
      %mul3A_442 = arith.constant 8 : i32
      %mul3A_443 = arith.muli %scan3A_289, %mul3A_442 : i32
      %add3A_444 = arith.constant 3 : i32
      %add3A_445 = arith.addi %mul3A_443, %add3A_444 : i32
      %get3A_446 = arith.index_cast %add3A_445 : i32 to index
      %get3A_447 = arith.constant 32 : index
      %get3A_448 = tpu.vector_load %arg8[%get3A_446, %get3A_447] {strides = array<i32>} : memref<128x64xf32, #tpu.memory_space<vmem>>, vector<16xf32>,
      %add3A_449 = arith.addf %add3A_441, %get3A_448 : vector<16xf32>
      %mul3A_450 = arith.constant 8 : i32
      %mul3A_451 = arith.muli %scan3A_289, %mul3A_450 : i32
      %add3A_452 = arith.constant 4 : i32
      %add3A_453 = arith.addi %mul3A_451, %add3A_452 : i32
      %get3A_454 = arith.index_cast %add3A_453 : i32 to index
      %get3A_455 = arith.constant 32 : index
      %get3A_456 = tpu.vector_load %arg8[%get3A_454, %get3A_455] {strides = array<i32>} : memref<128x64xf32, #tpu.memory_space<vmem>>, vector<16xf32>,
      %add3A_457 = arith.addf %add3A_449, %get3A_456 : vector<16xf32>
      %mul3A_458 = arith.constant 8 : i32
      %mul3A_459 = arith.muli %scan3A_289, %mul3A_458 : i32
      %add3A_460 = arith.constant 5 : i32
      %add3A_461 = arith.addi %mul3A_459, %add3A_460 : i32
      %get3A_462 = arith.index_cast %add3A_461 : i32 to index
      %get3A_463 = arith.constant 32 : index
      %get3A_464 = tpu.vector_load %arg8[%get3A_462, %get3A_463] {strides = array<i32>} : memref<128x64xf32, #tpu.memory_space<vmem>>, vector<16xf32>,
      %add3A_465 = arith.addf %add3A_457, %get3A_464 : vector<16xf32>
      %mul3A_466 = arith.constant 8 : i32
      %mul3A_467 = arith.muli %scan3A_289, %mul3A_466 : i32
      %add3A_468 = arith.constant 6 : i32
      %add3A_469 = arith.addi %mul3A_467, %add3A_468 : i32
      %get3A_470 = arith.index_cast %add3A_469 : i32 to index
      %get3A_471 = arith.constant 32 : index
      %get3A_472 = tpu.vector_load %arg8[%get3A_470, %get3A_471] {strides = array<i32>} : memref<128x64xf32, #tpu.memory_space<vmem>>, vector<16xf32>,
      %add3A_473 = arith.addf %add3A_465, %get3A_472 : vector<16xf32>
      %mul3A_474 = arith.constant 8 : i32
      %mul3A_475 = arith.muli %scan3A_289, %mul3A_474 : i32
      %add3A_476 = arith.constant 7 : i32
      %add3A_477 = arith.addi %mul3A_475, %add3A_476 : i32
      %get3A_478 = arith.index_cast %add3A_477 : i32 to index
      %get3A_479 = arith.constant 32 : index
      %get3A_480 = tpu.vector_load %arg8[%get3A_478, %get3A_479] {strides = array<i32>} : memref<128x64xf32, #tpu.memory_space<vmem>>, vector<16xf32>,
      %add3A_481 = arith.addf %add3A_473, %get3A_480 : vector<16xf32>
      %add3A_482 = arith.constant 0 : i32
      %add3A_483 = arith.addi %add3A_482, %scan3A_289 : i32
      %swap3A_484 = arith.index_cast %add3A_483 : i32 to index
      %swap3A_485 = arith.constant 32 : index
      %swap3A_486 = tpu.vector_load %arg10[%swap3A_484, %swap3A_485] {strides = array<i32>} : memref<128x64xf32, #tpu.memory_space<vmem>>, vector<16xf32>,
      tpu.vector_store %arg10[%swap3A_484, %swap3A_485], %add3A_481 {strides = array<i32>} : memref<128x64xf32, #tpu.memory_space<vmem>>, vector<16xf32>,
      %mul3A_487 = arith.constant 8 : i32
      %mul3A_488 = arith.muli %scan3A_289, %mul3A_487 : i32
      %get3A_489 = arith.index_cast %mul3A_488 : i32 to index
      %get3A_490 = arith.constant 48 : index
      %get3A_491 = tpu.vector_load %arg8[%get3A_489, %get3A_490] {strides = array<i32>} : memref<128x64xf32, #tpu.memory_space<vmem>>, vector<16xf32>,
      %mul3A_492 = arith.constant 8 : i32
      %mul3A_493 = arith.muli %scan3A_289, %mul3A_492 : i32
      %add3A_494 = arith.constant 1 : i32
      %add3A_495 = arith.addi %mul3A_493, %add3A_494 : i32
      %get3A_496 = arith.index_cast %add3A_495 : i32 to index
      %get3A_497 = arith.constant 48 : index
      %get3A_498 = tpu.vector_load %arg8[%get3A_496, %get3A_497] {strides = array<i32>} : memref<128x64xf32, #tpu.memory_space<vmem>>, vector<16xf32>,
      %add3A_499 = arith.addf %get3A_491, %get3A_498 : vector<16xf32>
      %mul3A_500 = arith.constant 8 : i32
      %mul3A_501 = arith.muli %scan3A_289, %mul3A_500 : i32
      %add3A_502 = arith.constant 2 : i32
      %add3A_503 = arith.addi %mul3A_501, %add3A_502 : i32
      %get3A_504 = arith.index_cast %add3A_503 : i32 to index
      %get3A_505 = arith.constant 48 : index
      %get3A_506 = tpu.vector_load %arg8[%get3A_504, %get3A_505] {strides = array<i32>} : memref<128x64xf32, #tpu.memory_space<vmem>>, vector<16xf32>,
      %add3A_507 = arith.addf %add3A_499, %get3A_506 : vector<16xf32>
      %mul3A_508 = arith.constant 8 : i32
      %mul3A_509 = arith.muli %scan3A_289, %mul3A_508 : i32
      %add3A_510 = arith.constant 3 : i32
      %add3A_511 = arith.addi %mul3A_509, %add3A_510 : i32
      %get3A_512 = arith.index_cast %add3A_511 : i32 to index
      %get3A_513 = arith.constant 48 : index
      %get3A_514 = tpu.vector_load %arg8[%get3A_512, %get3A_513] {strides = array<i32>} : memref<128x64xf32, #tpu.memory_space<vmem>>, vector<16xf32>,
      %add3A_515 = arith.addf %add3A_507, %get3A_514 : vector<16xf32>
      %mul3A_516 = arith.constant 8 : i32
      %mul3A_517 = arith.muli %scan3A_289, %mul3A_516 : i32
      %add3A_518 = arith.constant 4 : i32
      %add3A_519 = arith.addi %mul3A_517, %add3A_518 : i32
      %get3A_520 = arith.index_cast %add3A_519 : i32 to index
      %get3A_521 = arith.constant 48 : index
      %get3A_522 = tpu.vector_load %arg8[%get3A_520, %get3A_521] {strides = array<i32>} : memref<128x64xf32, #tpu.memory_space<vmem>>, vector<16xf32>,
      %add3A_523 = arith.addf %add3A_515, %get3A_522 : vector<16xf32>
      %mul3A_524 = arith.constant 8 : i32
      %mul3A_525 = arith.muli %scan3A_289, %mul3A_524 : i32
      %add3A_526 = arith.constant 5 : i32
      %add3A_527 = arith.addi %mul3A_525, %add3A_526 : i32
      %get3A_528 = arith.index_cast %add3A_527 : i32 to index
      %get3A_529 = arith.constant 48 : index
      %get3A_530 = tpu.vector_load %arg8[%get3A_528, %get3A_529] {strides = array<i32>} : memref<128x64xf32, #tpu.memory_space<vmem>>, vector<16xf32>,
      %add3A_531 = arith.addf %add3A_523, %get3A_530 : vector<16xf32>
      %mul3A_532 = arith.constant 8 : i32
      %mul3A_533 = arith.muli %scan3A_289, %mul3A_532 : i32
      %add3A_534 = arith.constant 6 : i32
      %add3A_535 = arith.addi %mul3A_533, %add3A_534 : i32
      %get3A_536 = arith.index_cast %add3A_535 : i32 to index
      %get3A_537 = arith.constant 48 : index
      %get3A_538 = tpu.vector_load %arg8[%get3A_536, %get3A_537] {strides = array<i32>} : memref<128x64xf32, #tpu.memory_space<vmem>>, vector<16xf32>,
      %add3A_539 = arith.addf %add3A_531, %get3A_538 : vector<16xf32>
      %mul3A_540 = arith.constant 8 : i32
      %mul3A_541 = arith.muli %scan3A_289, %mul3A_540 : i32
      %add3A_542 = arith.constant 7 : i32
      %add3A_543 = arith.addi %mul3A_541, %add3A_542 : i32
      %get3A_544 = arith.index_cast %add3A_543 : i32 to index
      %get3A_545 = arith.constant 48 : index
      %get3A_546 = tpu.vector_load %arg8[%get3A_544, %get3A_545] {strides = array<i32>} : memref<128x64xf32, #tpu.memory_space<vmem>>, vector<16xf32>,
      %add3A_547 = arith.addf %add3A_539, %get3A_546 : vector<16xf32>
      %add3A_548 = arith.constant 0 : i32
      %add3A_549 = arith.addi %add3A_548, %scan3A_289 : i32
      %swap3A_550 = arith.index_cast %add3A_549 : i32 to index
      %swap3A_551 = arith.constant 48 : index
      %swap3A_552 = tpu.vector_load %arg10[%swap3A_550, %swap3A_551] {strides = array<i32>} : memref<128x64xf32, #tpu.memory_space<vmem>>, vector<16xf32>,
      tpu.vector_store %arg10[%swap3A_550, %swap3A_551], %add3A_547 {strides = array<i32>} : memref<128x64xf32, #tpu.memory_space<vmem>>, vector<16xf32>,
      %scan3A_553 = arith.constant 0 : i32
      scf.yield %scan3A_553 : i32
    }
    %scan3A_62 = arith.constant 16 : i32
    %scan3A_63 = arith.constant 0 : i32
    %scan3A_64 = arith.constant 0 : i32
    %scan3A_65 = arith.constant 25 : i32
    %scan3A_66 = arith.addi %scan3A_64, %scan3A_65 : i32
    %scan3A_67 = arith.constant 1 : i32
    %scan3A_68 = scf.for %scan3A_289 = %scan3A_64 to %scan3A_66 step %scan3A_67 iter_args(%scan3A_290 = %scan3A_63) -> (i32)  : i32 {
      %scan3A_291 = arith.constant 0 : i32
      %scan3A_292 = arith.constant 0 : i32
      %scan3A_293 = arith.constant 8 : i32
      %scan3A_294 = arith.addi %scan3A_292, %scan3A_293 : i32
      %scan3A_295 = arith.constant 1 : i32
      %scan3A_296 = scf.for %scan3A_299 = %scan3A_292 to %scan3A_294 step %scan3A_295 iter_args(%scan3A_300 = %scan3A_291) -> (i32)  : i32 {
        %mul3A_301 = arith.constant 2 : i32
        %mul3A_302 = arith.muli %scan3A_299, %mul3A_301 : i32
        %add3A_303 = arith.constant 32 : i32
        %add3A_304 = arith.addi %add3A_303, %mul3A_302 : i32
        %add3A_305 = vector.broadcast %add3A_304 : i32 to vector<16xi32>
        %add3A_306 = arith.addi %add3A_305, %shift_right_arithmetic3A_5 : vector<16xi32>
        %mul3A_307 = arith.constant 200 : i32
        %mul3A_308 = vector.broadcast %mul3A_307 : i32 to vector<16xi32>
        %mul3A_309 = arith.muli %add3A_306, %mul3A_308 : vector<16xi32>
        %mul3A_310 = arith.constant 8 : i32
        %mul3A_311 = arith.muli %scan3A_289, %mul3A_310 : i32
        %add3A_312 = vector.broadcast %mul3A_311 : i32 to vector<16xi32>
        %add3A_313 = arith.addi %mul3A_309, %add3A_312 : vector<16xi32>
        %add3A_314 = arith.addi %add3A_313, %and3A_7 : vector<16xi32>
        %shift_right_arithmetic3A_315 = arith.constant 7 : i32
        %shift_right_arithmetic3A_316 = vector.broadcast %shift_right_arithmetic3A_315 : i32 to vector<16xi32>
        %shift_right_arithmetic3A_317 = arith.shrsi %add3A_314, %shift_right_arithmetic3A_316 : vector<16xi32>
        %and3A_318 = arith.constant 127 : i32
        %and3A_319 = vector.broadcast %and3A_318 : i32 to vector<16xi32>
        %and3A_320 = arith.andi %add3A_314, %and3A_319 : vector<16xi32>
        %gather3A = tpu.vector_load_idx %arg5[%shift_right_arithmetic3A_317, %and3A_320] : memref<200x128xi32, #tpu.memory_space<vmem>>[vector<16xi32>, vector<16xi32>], vector<16xi32>,
        %mul3A_321 = arith.constant 128 : i32
        %mul3A_322 = arith.muli %scan3A_289, %mul3A_321 : i32
        %mul3A_323 = arith.constant 16 : i32
        %mul3A_324 = arith.muli %scan3A_299, %mul3A_323 : i32
        %add3A_325 = arith.addi %mul3A_322, %mul3A_324 : i32
        %swap3A = arith.index_cast %add3A_325 : i32 to index
        %swap3A_326 = tpu.vector_load %arg6[%swap3A] {strides = array<i32>} : memref<3200xi32, #tpu.memory_space<vmem>>, vector<16xi32>,
        tpu.vector_store %arg6[%swap3A], %gather3A {strides = array<i32>} : memref<3200xi32, #tpu.memory_space<vmem>>, vector<16xi32>,
        %scan3A_327 = arith.constant 0 : i32
        scf.yield %scan3A_327 : i32
      }
      %scan3A_297 = arith.constant 8 : i32
      %scan3A_298 = arith.constant 0 : i32
      scf.yield %scan3A_298 : i32
    }
    %scan3A_69 = arith.constant 25 : i32
    %scan3A_70 = arith.constant 0 : i32
    %scan3A_71 = arith.constant 0 : i32
    %scan3A_72 = arith.constant 128 : i32
    %scan3A_73 = arith.addi %scan3A_71, %scan3A_72 : i32
    %scan3A_74 = arith.constant 1 : i32
    %scan3A_75 = scf.for %scan3A_289 = %scan3A_71 to %scan3A_73 step %scan3A_74 iter_args(%scan3A_290 = %scan3A_70) -> (i32)  : i32 {
      %swap3A = arith.index_cast %scan3A_289 : i32 to index
      %swap3A_291 = arith.constant 0 : index
      %swap3A_292 = tpu.vector_load %arg8[%swap3A, %swap3A_291] {strides = array<i32>} : memref<128x64xf32, #tpu.memory_space<vmem>>, vector<16xf32>,
      tpu.vector_store %arg8[%swap3A, %swap3A_291], %broadcast_in_dim3A_3 {strides = array<i32>} : memref<128x64xf32, #tpu.memory_space<vmem>>, vector<16xf32>,
      %swap3A_293 = arith.index_cast %scan3A_289 : i32 to index
      %swap3A_294 = arith.constant 16 : index
      %swap3A_295 = tpu.vector_load %arg8[%swap3A_293, %swap3A_294] {strides = array<i32>} : memref<128x64xf32, #tpu.memory_space<vmem>>, vector<16xf32>,
      tpu.vector_store %arg8[%swap3A_293, %swap3A_294], %broadcast_in_dim3A_3 {strides = array<i32>} : memref<128x64xf32, #tpu.memory_space<vmem>>, vector<16xf32>,
      %swap3A_296 = arith.index_cast %scan3A_289 : i32 to index
      %swap3A_297 = arith.constant 32 : index
      %swap3A_298 = tpu.vector_load %arg8[%swap3A_296, %swap3A_297] {strides = array<i32>} : memref<128x64xf32, #tpu.memory_space<vmem>>, vector<16xf32>,
      tpu.vector_store %arg8[%swap3A_296, %swap3A_297], %broadcast_in_dim3A_3 {strides = array<i32>} : memref<128x64xf32, #tpu.memory_space<vmem>>, vector<16xf32>,
      %swap3A_299 = arith.index_cast %scan3A_289 : i32 to index
      %swap3A_300 = arith.constant 48 : index
      %swap3A_301 = tpu.vector_load %arg8[%swap3A_299, %swap3A_300] {strides = array<i32>} : memref<128x64xf32, #tpu.memory_space<vmem>>, vector<16xf32>,
      tpu.vector_store %arg8[%swap3A_299, %swap3A_300], %broadcast_in_dim3A_3 {strides = array<i32>} : memref<128x64xf32, #tpu.memory_space<vmem>>, vector<16xf32>,
      %scan3A_302 = arith.constant 0 : i32
      scf.yield %scan3A_302 : i32
    }
    %scan3A_76 = arith.constant 128 : i32
    %scan3A_77 = arith.constant 0 : i32
    %scan3A_78 = arith.constant 0 : i32
    %scan3A_79 = arith.constant 25 : i32
    %scan3A_80 = arith.addi %scan3A_78, %scan3A_79 : i32
    %scan3A_81 = arith.constant 1 : i32
    %scan3A_82 = scf.for %scan3A_289 = %scan3A_78 to %scan3A_80 step %scan3A_81 iter_args(%scan3A_290 = %scan3A_77) -> (i32)  : i32 {
      %mul3A_291 = arith.constant 128 : i32
      %mul3A_292 = arith.muli %scan3A_289, %mul3A_291 : i32
      %dma_start3A = tpu.memref_slice %arg6[%mul3A_292] : memref<3200xi32, #tpu.memory_space<vmem>> -> memref<128xi32, #tpu.memory_space<vmem>>
      %dma_start3A_293 = arith.constant 0 : i32
      %dma_start3A_294 = arith.constant 0 : i32
      %dma_start3A_295 = tpu.memref_slice %arg3[%dma_start3A_293, %dma_start3A_294] : memref<1000000x64xf32, #tpu.memory_space<hbm>> -> memref<1000000x64xf32, #tpu.memory_space<hbm>>
      tpu.enqueue_indirect_dma source(%dma_start3A_295 : memref<1000000x64xf32, #tpu.memory_space<hbm>>) target(%arg8 : memref<128x64xf32, #tpu.memory_space<vmem>>) offsets(%dma_start3A : memref<128xi32, #tpu.memory_space<vmem>>) semaphore(%arg11 : memref<!tpu.dma_semaphore, #tpu.memory_space<semaphore_mem>>) {add = true}
      %scan3A_296 = arith.constant 0 : i32
      scf.yield %scan3A_296 : i32
    }
    %scan3A_83 = arith.constant 25 : i32
    %scan3A_84 = arith.constant 0 : i32
    %scan3A_85 = arith.constant 0 : i32
    %scan3A_86 = arith.constant 25 : i32
    %scan3A_87 = arith.addi %scan3A_85, %scan3A_86 : i32
    %scan3A_88 = arith.constant 1 : i32
    %scan3A_89 = scf.for %scan3A_289 = %scan3A_85 to %scan3A_87 step %scan3A_88 iter_args(%scan3A_290 = %scan3A_84) -> (i32)  : i32 {
      %dma_wait3A = arith.constant 0 : i32
      %dma_wait3A_291 = tpu.memref_slice %arg7[%dma_wait3A] : memref<3200xi32, #tpu.memory_space<vmem>> -> memref<128xi32, #tpu.memory_space<vmem>>
      %dma_wait3A_292 = arith.constant 0 : i32
      %dma_wait3A_293 = arith.constant 0 : i32
      %dma_wait3A_294 = tpu.memref_slice %arg3[%dma_wait3A_292, %dma_wait3A_293] : memref<1000000x64xf32, #tpu.memory_space<hbm>> -> memref<1000000x64xf32, #tpu.memory_space<hbm>>
      tpu.wait_indirect_dma semaphore(%arg12 : memref<!tpu.dma_semaphore, #tpu.memory_space<semaphore_mem>>) src(%dma_wait3A_294 : memref<1000000x64xf32, #tpu.memory_space<hbm>>) dst(%arg9 : memref<128x64xf32, #tpu.memory_space<vmem>>)
      %scan3A_295 = arith.constant 0 : i32
      scf.yield %scan3A_295 : i32
    }
    %scan3A_90 = arith.constant 25 : i32
    %scan3A_91 = arith.constant 0 : i32
    %scan3A_92 = arith.constant 0 : i32
    %scan3A_93 = arith.constant 16 : i32
    %scan3A_94 = arith.addi %scan3A_92, %scan3A_93 : i32
    %scan3A_95 = arith.constant 1 : i32
    %scan3A_96 = scf.for %scan3A_289 = %scan3A_92 to %scan3A_94 step %scan3A_95 iter_args(%scan3A_290 = %scan3A_91) -> (i32)  : i32 {
      %mul3A_291 = arith.constant 8 : i32
      %mul3A_292 = arith.muli %scan3A_289, %mul3A_291 : i32
      %get3A = arith.index_cast %mul3A_292 : i32 to index
      %get3A_293 = arith.constant 0 : index
      %get3A_294 = tpu.vector_load %arg9[%get3A, %get3A_293] {strides = array<i32>} : memref<128x64xf32, #tpu.memory_space<vmem>>, vector<16xf32>,
      %mul3A_295 = arith.constant 8 : i32
      %mul3A_296 = arith.muli %scan3A_289, %mul3A_295 : i32
      %add3A_297 = arith.constant 1 : i32
      %add3A_298 = arith.addi %mul3A_296, %add3A_297 : i32
      %get3A_299 = arith.index_cast %add3A_298 : i32 to index
      %get3A_300 = arith.constant 0 : index
      %get3A_301 = tpu.vector_load %arg9[%get3A_299, %get3A_300] {strides = array<i32>} : memref<128x64xf32, #tpu.memory_space<vmem>>, vector<16xf32>,
      %add3A_302 = arith.addf %get3A_294, %get3A_301 : vector<16xf32>
      %mul3A_303 = arith.constant 8 : i32
      %mul3A_304 = arith.muli %scan3A_289, %mul3A_303 : i32
      %add3A_305 = arith.constant 2 : i32
      %add3A_306 = arith.addi %mul3A_304, %add3A_305 : i32
      %get3A_307 = arith.index_cast %add3A_306 : i32 to index
      %get3A_308 = arith.constant 0 : index
      %get3A_309 = tpu.vector_load %arg9[%get3A_307, %get3A_308] {strides = array<i32>} : memref<128x64xf32, #tpu.memory_space<vmem>>, vector<16xf32>,
      %add3A_310 = arith.addf %add3A_302, %get3A_309 : vector<16xf32>
      %mul3A_311 = arith.constant 8 : i32
      %mul3A_312 = arith.muli %scan3A_289, %mul3A_311 : i32
      %add3A_313 = arith.constant 3 : i32
      %add3A_314 = arith.addi %mul3A_312, %add3A_313 : i32
      %get3A_315 = arith.index_cast %add3A_314 : i32 to index
      %get3A_316 = arith.constant 0 : index
      %get3A_317 = tpu.vector_load %arg9[%get3A_315, %get3A_316] {strides = array<i32>} : memref<128x64xf32, #tpu.memory_space<vmem>>, vector<16xf32>,
      %add3A_318 = arith.addf %add3A_310, %get3A_317 : vector<16xf32>
      %mul3A_319 = arith.constant 8 : i32
      %mul3A_320 = arith.muli %scan3A_289, %mul3A_319 : i32
      %add3A_321 = arith.constant 4 : i32
      %add3A_322 = arith.addi %mul3A_320, %add3A_321 : i32
      %get3A_323 = arith.index_cast %add3A_322 : i32 to index
      %get3A_324 = arith.constant 0 : index
      %get3A_325 = tpu.vector_load %arg9[%get3A_323, %get3A_324] {strides = array<i32>} : memref<128x64xf32, #tpu.memory_space<vmem>>, vector<16xf32>,
      %add3A_326 = arith.addf %add3A_318, %get3A_325 : vector<16xf32>
      %mul3A_327 = arith.constant 8 : i32
      %mul3A_328 = arith.muli %scan3A_289, %mul3A_327 : i32
      %add3A_329 = arith.constant 5 : i32
      %add3A_330 = arith.addi %mul3A_328, %add3A_329 : i32
      %get3A_331 = arith.index_cast %add3A_330 : i32 to index
      %get3A_332 = arith.constant 0 : index
      %get3A_333 = tpu.vector_load %arg9[%get3A_331, %get3A_332] {strides = array<i32>} : memref<128x64xf32, #tpu.memory_space<vmem>>, vector<16xf32>,
      %add3A_334 = arith.addf %add3A_326, %get3A_333 : vector<16xf32>
      %mul3A_335 = arith.constant 8 : i32
      %mul3A_336 = arith.muli %scan3A_289, %mul3A_335 : i32
      %add3A_337 = arith.constant 6 : i32
      %add3A_338 = arith.addi %mul3A_336, %add3A_337 : i32
      %get3A_339 = arith.index_cast %add3A_338 : i32 to index
      %get3A_340 = arith.constant 0 : index
      %get3A_341 = tpu.vector_load %arg9[%get3A_339, %get3A_340] {strides = array<i32>} : memref<128x64xf32, #tpu.memory_space<vmem>>, vector<16xf32>,
      %add3A_342 = arith.addf %add3A_334, %get3A_341 : vector<16xf32>
      %mul3A_343 = arith.constant 8 : i32
      %mul3A_344 = arith.muli %scan3A_289, %mul3A_343 : i32
      %add3A_345 = arith.constant 7 : i32
      %add3A_346 = arith.addi %mul3A_344, %add3A_345 : i32
      %get3A_347 = arith.index_cast %add3A_346 : i32 to index
      %get3A_348 = arith.constant 0 : index
      %get3A_349 = tpu.vector_load %arg9[%get3A_347, %get3A_348] {strides = array<i32>} : memref<128x64xf32, #tpu.memory_space<vmem>>, vector<16xf32>,
      %add3A_350 = arith.addf %add3A_342, %get3A_349 : vector<16xf32>
      %add3A_351 = arith.constant 16 : i32
      %add3A_352 = arith.addi %add3A_351, %scan3A_289 : i32
      %swap3A = arith.index_cast %add3A_352 : i32 to index
      %swap3A_353 = arith.constant 0 : index
      %swap3A_354 = tpu.vector_load %arg10[%swap3A, %swap3A_353] {strides = array<i32>} : memref<128x64xf32, #tpu.memory_space<vmem>>, vector<16xf32>,
      tpu.vector_store %arg10[%swap3A, %swap3A_353], %add3A_350 {strides = array<i32>} : memref<128x64xf32, #tpu.memory_space<vmem>>, vector<16xf32>,
      %mul3A_355 = arith.constant 8 : i32
      %mul3A_356 = arith.muli %scan3A_289, %mul3A_355 : i32
      %get3A_357 = arith.index_cast %mul3A_356 : i32 to index
      %get3A_358 = arith.constant 16 : index
      %get3A_359 = tpu.vector_load %arg9[%get3A_357, %get3A_358] {strides = array<i32>} : memref<128x64xf32, #tpu.memory_space<vmem>>, vector<16xf32>,
      %mul3A_360 = arith.constant 8 : i32
      %mul3A_361 = arith.muli %scan3A_289, %mul3A_360 : i32
      %add3A_362 = arith.constant 1 : i32
      %add3A_363 = arith.addi %mul3A_361, %add3A_362 : i32
      %get3A_364 = arith.index_cast %add3A_363 : i32 to index
      %get3A_365 = arith.constant 16 : index
      %get3A_366 = tpu.vector_load %arg9[%get3A_364, %get3A_365] {strides = array<i32>} : memref<128x64xf32, #tpu.memory_space<vmem>>, vector<16xf32>,
      %add3A_367 = arith.addf %get3A_359, %get3A_366 : vector<16xf32>
      %mul3A_368 = arith.constant 8 : i32
      %mul3A_369 = arith.muli %scan3A_289, %mul3A_368 : i32
      %add3A_370 = arith.constant 2 : i32
      %add3A_371 = arith.addi %mul3A_369, %add3A_370 : i32
      %get3A_372 = arith.index_cast %add3A_371 : i32 to index
      %get3A_373 = arith.constant 16 : index
      %get3A_374 = tpu.vector_load %arg9[%get3A_372, %get3A_373] {strides = array<i32>} : memref<128x64xf32, #tpu.memory_space<vmem>>, vector<16xf32>,
      %add3A_375 = arith.addf %add3A_367, %get3A_374 : vector<16xf32>
      %mul3A_376 = arith.constant 8 : i32
      %mul3A_377 = arith.muli %scan3A_289, %mul3A_376 : i32
      %add3A_378 = arith.constant 3 : i32
      %add3A_379 = arith.addi %mul3A_377, %add3A_378 : i32
      %get3A_380 = arith.index_cast %add3A_379 : i32 to index
      %get3A_381 = arith.constant 16 : index
      %get3A_382 = tpu.vector_load %arg9[%get3A_380, %get3A_381] {strides = array<i32>} : memref<128x64xf32, #tpu.memory_space<vmem>>, vector<16xf32>,
      %add3A_383 = arith.addf %add3A_375, %get3A_382 : vector<16xf32>
      %mul3A_384 = arith.constant 8 : i32
      %mul3A_385 = arith.muli %scan3A_289, %mul3A_384 : i32
      %add3A_386 = arith.constant 4 : i32
      %add3A_387 = arith.addi %mul3A_385, %add3A_386 : i32
      %get3A_388 = arith.index_cast %add3A_387 : i32 to index
      %get3A_389 = arith.constant 16 : index
      %get3A_390 = tpu.vector_load %arg9[%get3A_388, %get3A_389] {strides = array<i32>} : memref<128x64xf32, #tpu.memory_space<vmem>>, vector<16xf32>,
      %add3A_391 = arith.addf %add3A_383, %get3A_390 : vector<16xf32>
      %mul3A_392 = arith.constant 8 : i32
      %mul3A_393 = arith.muli %scan3A_289, %mul3A_392 : i32
      %add3A_394 = arith.constant 5 : i32
      %add3A_395 = arith.addi %mul3A_393, %add3A_394 : i32
      %get3A_396 = arith.index_cast %add3A_395 : i32 to index
      %get3A_397 = arith.constant 16 : index
      %get3A_398 = tpu.vector_load %arg9[%get3A_396, %get3A_397] {strides = array<i32>} : memref<128x64xf32, #tpu.memory_space<vmem>>, vector<16xf32>,
      %add3A_399 = arith.addf %add3A_391, %get3A_398 : vector<16xf32>
      %mul3A_400 = arith.constant 8 : i32
      %mul3A_401 = arith.muli %scan3A_289, %mul3A_400 : i32
      %add3A_402 = arith.constant 6 : i32
      %add3A_403 = arith.addi %mul3A_401, %add3A_402 : i32
      %get3A_404 = arith.index_cast %add3A_403 : i32 to index
      %get3A_405 = arith.constant 16 : index
      %get3A_406 = tpu.vector_load %arg9[%get3A_404, %get3A_405] {strides = array<i32>} : memref<128x64xf32, #tpu.memory_space<vmem>>, vector<16xf32>,
      %add3A_407 = arith.addf %add3A_399, %get3A_406 : vector<16xf32>
      %mul3A_408 = arith.constant 8 : i32
      %mul3A_409 = arith.muli %scan3A_289, %mul3A_408 : i32
      %add3A_410 = arith.constant 7 : i32
      %add3A_411 = arith.addi %mul3A_409, %add3A_410 : i32
      %get3A_412 = arith.index_cast %add3A_411 : i32 to index
      %get3A_413 = arith.constant 16 : index
      %get3A_414 = tpu.vector_load %arg9[%get3A_412, %get3A_413] {strides = array<i32>} : memref<128x64xf32, #tpu.memory_space<vmem>>, vector<16xf32>,
      %add3A_415 = arith.addf %add3A_407, %get3A_414 : vector<16xf32>
      %add3A_416 = arith.constant 16 : i32
      %add3A_417 = arith.addi %add3A_416, %scan3A_289 : i32
      %swap3A_418 = arith.index_cast %add3A_417 : i32 to index
      %swap3A_419 = arith.constant 16 : index
      %swap3A_420 = tpu.vector_load %arg10[%swap3A_418, %swap3A_419] {strides = array<i32>} : memref<128x64xf32, #tpu.memory_space<vmem>>, vector<16xf32>,
      tpu.vector_store %arg10[%swap3A_418, %swap3A_419], %add3A_415 {strides = array<i32>} : memref<128x64xf32, #tpu.memory_space<vmem>>, vector<16xf32>,
      %mul3A_421 = arith.constant 8 : i32
      %mul3A_422 = arith.muli %scan3A_289, %mul3A_421 : i32
      %get3A_423 = arith.index_cast %mul3A_422 : i32 to index
      %get3A_424 = arith.constant 32 : index
      %get3A_425 = tpu.vector_load %arg9[%get3A_423, %get3A_424] {strides = array<i32>} : memref<128x64xf32, #tpu.memory_space<vmem>>, vector<16xf32>,
      %mul3A_426 = arith.constant 8 : i32
      %mul3A_427 = arith.muli %scan3A_289, %mul3A_426 : i32
      %add3A_428 = arith.constant 1 : i32
      %add3A_429 = arith.addi %mul3A_427, %add3A_428 : i32
      %get3A_430 = arith.index_cast %add3A_429 : i32 to index
      %get3A_431 = arith.constant 32 : index
      %get3A_432 = tpu.vector_load %arg9[%get3A_430, %get3A_431] {strides = array<i32>} : memref<128x64xf32, #tpu.memory_space<vmem>>, vector<16xf32>,
      %add3A_433 = arith.addf %get3A_425, %get3A_432 : vector<16xf32>
      %mul3A_434 = arith.constant 8 : i32
      %mul3A_435 = arith.muli %scan3A_289, %mul3A_434 : i32
      %add3A_436 = arith.constant 2 : i32
      %add3A_437 = arith.addi %mul3A_435, %add3A_436 : i32
      %get3A_438 = arith.index_cast %add3A_437 : i32 to index
      %get3A_439 = arith.constant 32 : index
      %get3A_440 = tpu.vector_load %arg9[%get3A_438, %get3A_439] {strides = array<i32>} : memref<128x64xf32, #tpu.memory_space<vmem>>, vector<16xf32>,
      %add3A_441 = arith.addf %add3A_433, %get3A_440 : vector<16xf32>
      %mul3A_442 = arith.constant 8 : i32
      %mul3A_443 = arith.muli %scan3A_289, %mul3A_442 : i32
      %add3A_444 = arith.constant 3 : i32
      %add3A_445 = arith.addi %mul3A_443, %add3A_444 : i32
      %get3A_446 = arith.index_cast %add3A_445 : i32 to index
      %get3A_447 = arith.constant 32 : index
      %get3A_448 = tpu.vector_load %arg9[%get3A_446, %get3A_447] {strides = array<i32>} : memref<128x64xf32, #tpu.memory_space<vmem>>, vector<16xf32>,
      %add3A_449 = arith.addf %add3A_441, %get3A_448 : vector<16xf32>
      %mul3A_450 = arith.constant 8 : i32
      %mul3A_451 = arith.muli %scan3A_289, %mul3A_450 : i32
      %add3A_452 = arith.constant 4 : i32
      %add3A_453 = arith.addi %mul3A_451, %add3A_452 : i32
      %get3A_454 = arith.index_cast %add3A_453 : i32 to index
      %get3A_455 = arith.constant 32 : index
      %get3A_456 = tpu.vector_load %arg9[%get3A_454, %get3A_455] {strides = array<i32>} : memref<128x64xf32, #tpu.memory_space<vmem>>, vector<16xf32>,
      %add3A_457 = arith.addf %add3A_449, %get3A_456 : vector<16xf32>
      %mul3A_458 = arith.constant 8 : i32
      %mul3A_459 = arith.muli %scan3A_289, %mul3A_458 : i32
      %add3A_460 = arith.constant 5 : i32
      %add3A_461 = arith.addi %mul3A_459, %add3A_460 : i32
      %get3A_462 = arith.index_cast %add3A_461 : i32 to index
      %get3A_463 = arith.constant 32 : index
      %get3A_464 = tpu.vector_load %arg9[%get3A_462, %get3A_463] {strides = array<i32>} : memref<128x64xf32, #tpu.memory_space<vmem>>, vector<16xf32>,
      %add3A_465 = arith.addf %add3A_457, %get3A_464 : vector<16xf32>
      %mul3A_466 = arith.constant 8 : i32
      %mul3A_467 = arith.muli %scan3A_289, %mul3A_466 : i32
      %add3A_468 = arith.constant 6 : i32
      %add3A_469 = arith.addi %mul3A_467, %add3A_468 : i32
      %get3A_470 = arith.index_cast %add3A_469 : i32 to index
      %get3A_471 = arith.constant 32 : index
      %get3A_472 = tpu.vector_load %arg9[%get3A_470, %get3A_471] {strides = array<i32>} : memref<128x64xf32, #tpu.memory_space<vmem>>, vector<16xf32>,
      %add3A_473 = arith.addf %add3A_465, %get3A_472 : vector<16xf32>
      %mul3A_474 = arith.constant 8 : i32
      %mul3A_475 = arith.muli %scan3A_289, %mul3A_474 : i32
      %add3A_476 = arith.constant 7 : i32
      %add3A_477 = arith.addi %mul3A_475, %add3A_476 : i32
      %get3A_478 = arith.index_cast %add3A_477 : i32 to index
      %get3A_479 = arith.constant 32 : index
      %get3A_480 = tpu.vector_load %arg9[%get3A_478, %get3A_479] {strides = array<i32>} : memref<128x64xf32, #tpu.memory_space<vmem>>, vector<16xf32>,
      %add3A_481 = arith.addf %add3A_473, %get3A_480 : vector<16xf32>
      %add3A_482 = arith.constant 16 : i32
      %add3A_483 = arith.addi %add3A_482, %scan3A_289 : i32
      %swap3A_484 = arith.index_cast %add3A_483 : i32 to index
      %swap3A_485 = arith.constant 32 : index
      %swap3A_486 = tpu.vector_load %arg10[%swap3A_484, %swap3A_485] {strides = array<i32>} : memref<128x64xf32, #tpu.memory_space<vmem>>, vector<16xf32>,
      tpu.vector_store %arg10[%swap3A_484, %swap3A_485], %add3A_481 {strides = array<i32>} : memref<128x64xf32, #tpu.memory_space<vmem>>, vector<16xf32>,
      %mul3A_487 = arith.constant 8 : i32
      %mul3A_488 = arith.muli %scan3A_289, %mul3A_487 : i32
      %get3A_489 = arith.index_cast %mul3A_488 : i32 to index
      %get3A_490 = arith.constant 48 : index
      %get3A_491 = tpu.vector_load %arg9[%get3A_489, %get3A_490] {strides = array<i32>} : memref<128x64xf32, #tpu.memory_space<vmem>>, vector<16xf32>,
      %mul3A_492 = arith.constant 8 : i32
      %mul3A_493 = arith.muli %scan3A_289, %mul3A_492 : i32
      %add3A_494 = arith.constant 1 : i32
      %add3A_495 = arith.addi %mul3A_493, %add3A_494 : i32
      %get3A_496 = arith.index_cast %add3A_495 : i32 to index
      %get3A_497 = arith.constant 48 : index
      %get3A_498 = tpu.vector_load %arg9[%get3A_496, %get3A_497] {strides = array<i32>} : memref<128x64xf32, #tpu.memory_space<vmem>>, vector<16xf32>,
      %add3A_499 = arith.addf %get3A_491, %get3A_498 : vector<16xf32>
      %mul3A_500 = arith.constant 8 : i32
      %mul3A_501 = arith.muli %scan3A_289, %mul3A_500 : i32
      %add3A_502 = arith.constant 2 : i32
      %add3A_503 = arith.addi %mul3A_501, %add3A_502 : i32
      %get3A_504 = arith.index_cast %add3A_503 : i32 to index
      %get3A_505 = arith.constant 48 : index
      %get3A_506 = tpu.vector_load %arg9[%get3A_504, %get3A_505] {strides = array<i32>} : memref<128x64xf32, #tpu.memory_space<vmem>>, vector<16xf32>,
      %add3A_507 = arith.addf %add3A_499, %get3A_506 : vector<16xf32>
      %mul3A_508 = arith.constant 8 : i32
      %mul3A_509 = arith.muli %scan3A_289, %mul3A_508 : i32
      %add3A_510 = arith.constant 3 : i32
      %add3A_511 = arith.addi %mul3A_509, %add3A_510 : i32
      %get3A_512 = arith.index_cast %add3A_511 : i32 to index
      %get3A_513 = arith.constant 48 : index
      %get3A_514 = tpu.vector_load %arg9[%get3A_512, %get3A_513] {strides = array<i32>} : memref<128x64xf32, #tpu.memory_space<vmem>>, vector<16xf32>,
      %add3A_515 = arith.addf %add3A_507, %get3A_514 : vector<16xf32>
      %mul3A_516 = arith.constant 8 : i32
      %mul3A_517 = arith.muli %scan3A_289, %mul3A_516 : i32
      %add3A_518 = arith.constant 4 : i32
      %add3A_519 = arith.addi %mul3A_517, %add3A_518 : i32
      %get3A_520 = arith.index_cast %add3A_519 : i32 to index
      %get3A_521 = arith.constant 48 : index
      %get3A_522 = tpu.vector_load %arg9[%get3A_520, %get3A_521] {strides = array<i32>} : memref<128x64xf32, #tpu.memory_space<vmem>>, vector<16xf32>,
      %add3A_523 = arith.addf %add3A_515, %get3A_522 : vector<16xf32>
      %mul3A_524 = arith.constant 8 : i32
      %mul3A_525 = arith.muli %scan3A_289, %mul3A_524 : i32
      %add3A_526 = arith.constant 5 : i32
      %add3A_527 = arith.addi %mul3A_525, %add3A_526 : i32
      %get3A_528 = arith.index_cast %add3A_527 : i32 to index
      %get3A_529 = arith.constant 48 : index
      %get3A_530 = tpu.vector_load %arg9[%get3A_528, %get3A_529] {strides = array<i32>} : memref<128x64xf32, #tpu.memory_space<vmem>>, vector<16xf32>,
      %add3A_531 = arith.addf %add3A_523, %get3A_530 : vector<16xf32>
      %mul3A_532 = arith.constant 8 : i32
      %mul3A_533 = arith.muli %scan3A_289, %mul3A_532 : i32
      %add3A_534 = arith.constant 6 : i32
      %add3A_535 = arith.addi %mul3A_533, %add3A_534 : i32
      %get3A_536 = arith.index_cast %add3A_535 : i32 to index
      %get3A_537 = arith.constant 48 : index
      %get3A_538 = tpu.vector_load %arg9[%get3A_536, %get3A_537] {strides = array<i32>} : memref<128x64xf32, #tpu.memory_space<vmem>>, vector<16xf32>,
      %add3A_539 = arith.addf %add3A_531, %get3A_538 : vector<16xf32>
      %mul3A_540 = arith.constant 8 : i32
      %mul3A_541 = arith.muli %scan3A_289, %mul3A_540 : i32
      %add3A_542 = arith.constant 7 : i32
      %add3A_543 = arith.addi %mul3A_541, %add3A_542 : i32
      %get3A_544 = arith.index_cast %add3A_543 : i32 to index
      %get3A_545 = arith.constant 48 : index
      %get3A_546 = tpu.vector_load %arg9[%get3A_544, %get3A_545] {strides = array<i32>} : memref<128x64xf32, #tpu.memory_space<vmem>>, vector<16xf32>,
      %add3A_547 = arith.addf %add3A_539, %get3A_546 : vector<16xf32>
      %add3A_548 = arith.constant 16 : i32
      %add3A_549 = arith.addi %add3A_548, %scan3A_289 : i32
      %swap3A_550 = arith.index_cast %add3A_549 : i32 to index
      %swap3A_551 = arith.constant 48 : index
      %swap3A_552 = tpu.vector_load %arg10[%swap3A_550, %swap3A_551] {strides = array<i32>} : memref<128x64xf32, #tpu.memory_space<vmem>>, vector<16xf32>,
      tpu.vector_store %arg10[%swap3A_550, %swap3A_551], %add3A_547 {strides = array<i32>} : memref<128x64xf32, #tpu.memory_space<vmem>>, vector<16xf32>,
      %scan3A_553 = arith.constant 0 : i32
      scf.yield %scan3A_553 : i32
    }
    %scan3A_97 = arith.constant 16 : i32
    %scan3A_98 = arith.constant 0 : i32
    %scan3A_99 = arith.constant 0 : i32
    %scan3A_100 = arith.constant 25 : i32
    %scan3A_101 = arith.addi %scan3A_99, %scan3A_100 : i32
    %scan3A_102 = arith.constant 1 : i32
    %scan3A_103 = scf.for %scan3A_289 = %scan3A_99 to %scan3A_101 step %scan3A_102 iter_args(%scan3A_290 = %scan3A_98) -> (i32)  : i32 {
      %scan3A_291 = arith.constant 0 : i32
      %scan3A_292 = arith.constant 0 : i32
      %scan3A_293 = arith.constant 8 : i32
      %scan3A_294 = arith.addi %scan3A_292, %scan3A_293 : i32
      %scan3A_295 = arith.constant 1 : i32
      %scan3A_296 = scf.for %scan3A_299 = %scan3A_292 to %scan3A_294 step %scan3A_295 iter_args(%scan3A_300 = %scan3A_291) -> (i32)  : i32 {
        %mul3A_301 = arith.constant 2 : i32
        %mul3A_302 = arith.muli %scan3A_299, %mul3A_301 : i32
        %add3A_303 = arith.constant 48 : i32
        %add3A_304 = arith.addi %add3A_303, %mul3A_302 : i32
        %add3A_305 = vector.broadcast %add3A_304 : i32 to vector<16xi32>
        %add3A_306 = arith.addi %add3A_305, %shift_right_arithmetic3A_5 : vector<16xi32>
        %mul3A_307 = arith.constant 200 : i32
        %mul3A_308 = vector.broadcast %mul3A_307 : i32 to vector<16xi32>
        %mul3A_309 = arith.muli %add3A_306, %mul3A_308 : vector<16xi32>
        %mul3A_310 = arith.constant 8 : i32
        %mul3A_311 = arith.muli %scan3A_289, %mul3A_310 : i32
        %add3A_312 = vector.broadcast %mul3A_311 : i32 to vector<16xi32>
        %add3A_313 = arith.addi %mul3A_309, %add3A_312 : vector<16xi32>
        %add3A_314 = arith.addi %add3A_313, %and3A_7 : vector<16xi32>
        %shift_right_arithmetic3A_315 = arith.constant 7 : i32
        %shift_right_arithmetic3A_316 = vector.broadcast %shift_right_arithmetic3A_315 : i32 to vector<16xi32>
        %shift_right_arithmetic3A_317 = arith.shrsi %add3A_314, %shift_right_arithmetic3A_316 : vector<16xi32>
        %and3A_318 = arith.constant 127 : i32
        %and3A_319 = vector.broadcast %and3A_318 : i32 to vector<16xi32>
        %and3A_320 = arith.andi %add3A_314, %and3A_319 : vector<16xi32>
        %gather3A = tpu.vector_load_idx %arg5[%shift_right_arithmetic3A_317, %and3A_320] : memref<200x128xi32, #tpu.memory_space<vmem>>[vector<16xi32>, vector<16xi32>], vector<16xi32>,
        %mul3A_321 = arith.constant 128 : i32
        %mul3A_322 = arith.muli %scan3A_289, %mul3A_321 : i32
        %mul3A_323 = arith.constant 16 : i32
        %mul3A_324 = arith.muli %scan3A_299, %mul3A_323 : i32
        %add3A_325 = arith.addi %mul3A_322, %mul3A_324 : i32
        %swap3A = arith.index_cast %add3A_325 : i32 to index
        %swap3A_326 = tpu.vector_load %arg7[%swap3A] {strides = array<i32>} : memref<3200xi32, #tpu.memory_space<vmem>>, vector<16xi32>,
        tpu.vector_store %arg7[%swap3A], %gather3A {strides = array<i32>} : memref<3200xi32, #tpu.memory_space<vmem>>, vector<16xi32>,
        %scan3A_327 = arith.constant 0 : i32
        scf.yield %scan3A_327 : i32
      }
      %scan3A_297 = arith.constant 8 : i32
      %scan3A_298 = arith.constant 0 : i32
      scf.yield %scan3A_298 : i32
    }
    %scan3A_104 = arith.constant 25 : i32
    %scan3A_105 = arith.constant 0 : i32
    %scan3A_106 = arith.constant 0 : i32
    %scan3A_107 = arith.constant 128 : i32
    %scan3A_108 = arith.addi %scan3A_106, %scan3A_107 : i32
    %scan3A_109 = arith.constant 1 : i32
    %scan3A_110 = scf.for %scan3A_289 = %scan3A_106 to %scan3A_108 step %scan3A_109 iter_args(%scan3A_290 = %scan3A_105) -> (i32)  : i32 {
      %swap3A = arith.index_cast %scan3A_289 : i32 to index
      %swap3A_291 = arith.constant 0 : index
      %swap3A_292 = tpu.vector_load %arg9[%swap3A, %swap3A_291] {strides = array<i32>} : memref<128x64xf32, #tpu.memory_space<vmem>>, vector<16xf32>,
      tpu.vector_store %arg9[%swap3A, %swap3A_291], %broadcast_in_dim3A_3 {strides = array<i32>} : memref<128x64xf32, #tpu.memory_space<vmem>>, vector<16xf32>,
      %swap3A_293 = arith.index_cast %scan3A_289 : i32 to index
      %swap3A_294 = arith.constant 16 : index
      %swap3A_295 = tpu.vector_load %arg9[%swap3A_293, %swap3A_294] {strides = array<i32>} : memref<128x64xf32, #tpu.memory_space<vmem>>, vector<16xf32>,
      tpu.vector_store %arg9[%swap3A_293, %swap3A_294], %broadcast_in_dim3A_3 {strides = array<i32>} : memref<128x64xf32, #tpu.memory_space<vmem>>, vector<16xf32>,
      %swap3A_296 = arith.index_cast %scan3A_289 : i32 to index
      %swap3A_297 = arith.constant 32 : index
      %swap3A_298 = tpu.vector_load %arg9[%swap3A_296, %swap3A_297] {strides = array<i32>} : memref<128x64xf32, #tpu.memory_space<vmem>>, vector<16xf32>,
      tpu.vector_store %arg9[%swap3A_296, %swap3A_297], %broadcast_in_dim3A_3 {strides = array<i32>} : memref<128x64xf32, #tpu.memory_space<vmem>>, vector<16xf32>,
      %swap3A_299 = arith.index_cast %scan3A_289 : i32 to index
      %swap3A_300 = arith.constant 48 : index
      %swap3A_301 = tpu.vector_load %arg9[%swap3A_299, %swap3A_300] {strides = array<i32>} : memref<128x64xf32, #tpu.memory_space<vmem>>, vector<16xf32>,
      tpu.vector_store %arg9[%swap3A_299, %swap3A_300], %broadcast_in_dim3A_3 {strides = array<i32>} : memref<128x64xf32, #tpu.memory_space<vmem>>, vector<16xf32>,
      %scan3A_302 = arith.constant 0 : i32
      scf.yield %scan3A_302 : i32
    }
    %scan3A_111 = arith.constant 128 : i32
    %scan3A_112 = arith.constant 0 : i32
    %scan3A_113 = arith.constant 0 : i32
    %scan3A_114 = arith.constant 25 : i32
    %scan3A_115 = arith.addi %scan3A_113, %scan3A_114 : i32
    %scan3A_116 = arith.constant 1 : i32
    %scan3A_117 = scf.for %scan3A_289 = %scan3A_113 to %scan3A_115 step %scan3A_116 iter_args(%scan3A_290 = %scan3A_112) -> (i32)  : i32 {
      %mul3A_291 = arith.constant 128 : i32
      %mul3A_292 = arith.muli %scan3A_289, %mul3A_291 : i32
      %dma_start3A = tpu.memref_slice %arg7[%mul3A_292] : memref<3200xi32, #tpu.memory_space<vmem>> -> memref<128xi32, #tpu.memory_space<vmem>>
      %dma_start3A_293 = arith.constant 0 : i32
      %dma_start3A_294 = arith.constant 0 : i32
      %dma_start3A_295 = tpu.memref_slice %arg3[%dma_start3A_293, %dma_start3A_294] : memref<1000000x64xf32, #tpu.memory_space<hbm>> -> memref<1000000x64xf32, #tpu.memory_space<hbm>>
      tpu.enqueue_indirect_dma source(%dma_start3A_295 : memref<1000000x64xf32, #tpu.memory_space<hbm>>) target(%arg9 : memref<128x64xf32, #tpu.memory_space<vmem>>) offsets(%dma_start3A : memref<128xi32, #tpu.memory_space<vmem>>) semaphore(%arg12 : memref<!tpu.dma_semaphore, #tpu.memory_space<semaphore_mem>>) {add = true}
      %scan3A_296 = arith.constant 0 : i32
      scf.yield %scan3A_296 : i32
    }
    %scan3A_118 = arith.constant 25 : i32
    %scan3A_119 = arith.constant 0 : i32
    %scan3A_120 = arith.constant 0 : i32
    %scan3A_121 = arith.constant 25 : i32
    %scan3A_122 = arith.addi %scan3A_120, %scan3A_121 : i32
    %scan3A_123 = arith.constant 1 : i32
    %scan3A_124 = scf.for %scan3A_289 = %scan3A_120 to %scan3A_122 step %scan3A_123 iter_args(%scan3A_290 = %scan3A_119) -> (i32)  : i32 {
      %dma_wait3A = arith.constant 0 : i32
      %dma_wait3A_291 = tpu.memref_slice %arg6[%dma_wait3A] : memref<3200xi32, #tpu.memory_space<vmem>> -> memref<128xi32, #tpu.memory_space<vmem>>
      %dma_wait3A_292 = arith.constant 0 : i32
      %dma_wait3A_293 = arith.constant 0 : i32
      %dma_wait3A_294 = tpu.memref_slice %arg3[%dma_wait3A_292, %dma_wait3A_293] : memref<1000000x64xf32, #tpu.memory_space<hbm>> -> memref<1000000x64xf32, #tpu.memory_space<hbm>>
      tpu.wait_indirect_dma semaphore(%arg11 : memref<!tpu.dma_semaphore, #tpu.memory_space<semaphore_mem>>) src(%dma_wait3A_294 : memref<1000000x64xf32, #tpu.memory_space<hbm>>) dst(%arg8 : memref<128x64xf32, #tpu.memory_space<vmem>>)
      %scan3A_295 = arith.constant 0 : i32
      scf.yield %scan3A_295 : i32
    }
    %scan3A_125 = arith.constant 25 : i32
    %scan3A_126 = arith.constant 0 : i32
    %scan3A_127 = arith.constant 0 : i32
    %scan3A_128 = arith.constant 16 : i32
    %scan3A_129 = arith.addi %scan3A_127, %scan3A_128 : i32
    %scan3A_130 = arith.constant 1 : i32
    %scan3A_131 = scf.for %scan3A_289 = %scan3A_127 to %scan3A_129 step %scan3A_130 iter_args(%scan3A_290 = %scan3A_126) -> (i32)  : i32 {
      %mul3A_291 = arith.constant 8 : i32
      %mul3A_292 = arith.muli %scan3A_289, %mul3A_291 : i32
      %get3A = arith.index_cast %mul3A_292 : i32 to index
      %get3A_293 = arith.constant 0 : index
      %get3A_294 = tpu.vector_load %arg8[%get3A, %get3A_293] {strides = array<i32>} : memref<128x64xf32, #tpu.memory_space<vmem>>, vector<16xf32>,
      %mul3A_295 = arith.constant 8 : i32
      %mul3A_296 = arith.muli %scan3A_289, %mul3A_295 : i32
      %add3A_297 = arith.constant 1 : i32
      %add3A_298 = arith.addi %mul3A_296, %add3A_297 : i32
      %get3A_299 = arith.index_cast %add3A_298 : i32 to index
      %get3A_300 = arith.constant 0 : index
      %get3A_301 = tpu.vector_load %arg8[%get3A_299, %get3A_300] {strides = array<i32>} : memref<128x64xf32, #tpu.memory_space<vmem>>, vector<16xf32>,
      %add3A_302 = arith.addf %get3A_294, %get3A_301 : vector<16xf32>
      %mul3A_303 = arith.constant 8 : i32
      %mul3A_304 = arith.muli %scan3A_289, %mul3A_303 : i32
      %add3A_305 = arith.constant 2 : i32
      %add3A_306 = arith.addi %mul3A_304, %add3A_305 : i32
      %get3A_307 = arith.index_cast %add3A_306 : i32 to index
      %get3A_308 = arith.constant 0 : index
      %get3A_309 = tpu.vector_load %arg8[%get3A_307, %get3A_308] {strides = array<i32>} : memref<128x64xf32, #tpu.memory_space<vmem>>, vector<16xf32>,
      %add3A_310 = arith.addf %add3A_302, %get3A_309 : vector<16xf32>
      %mul3A_311 = arith.constant 8 : i32
      %mul3A_312 = arith.muli %scan3A_289, %mul3A_311 : i32
      %add3A_313 = arith.constant 3 : i32
      %add3A_314 = arith.addi %mul3A_312, %add3A_313 : i32
      %get3A_315 = arith.index_cast %add3A_314 : i32 to index
      %get3A_316 = arith.constant 0 : index
      %get3A_317 = tpu.vector_load %arg8[%get3A_315, %get3A_316] {strides = array<i32>} : memref<128x64xf32, #tpu.memory_space<vmem>>, vector<16xf32>,
      %add3A_318 = arith.addf %add3A_310, %get3A_317 : vector<16xf32>
      %mul3A_319 = arith.constant 8 : i32
      %mul3A_320 = arith.muli %scan3A_289, %mul3A_319 : i32
      %add3A_321 = arith.constant 4 : i32
      %add3A_322 = arith.addi %mul3A_320, %add3A_321 : i32
      %get3A_323 = arith.index_cast %add3A_322 : i32 to index
      %get3A_324 = arith.constant 0 : index
      %get3A_325 = tpu.vector_load %arg8[%get3A_323, %get3A_324] {strides = array<i32>} : memref<128x64xf32, #tpu.memory_space<vmem>>, vector<16xf32>,
      %add3A_326 = arith.addf %add3A_318, %get3A_325 : vector<16xf32>
      %mul3A_327 = arith.constant 8 : i32
      %mul3A_328 = arith.muli %scan3A_289, %mul3A_327 : i32
      %add3A_329 = arith.constant 5 : i32
      %add3A_330 = arith.addi %mul3A_328, %add3A_329 : i32
      %get3A_331 = arith.index_cast %add3A_330 : i32 to index
      %get3A_332 = arith.constant 0 : index
      %get3A_333 = tpu.vector_load %arg8[%get3A_331, %get3A_332] {strides = array<i32>} : memref<128x64xf32, #tpu.memory_space<vmem>>, vector<16xf32>,
      %add3A_334 = arith.addf %add3A_326, %get3A_333 : vector<16xf32>
      %mul3A_335 = arith.constant 8 : i32
      %mul3A_336 = arith.muli %scan3A_289, %mul3A_335 : i32
      %add3A_337 = arith.constant 6 : i32
      %add3A_338 = arith.addi %mul3A_336, %add3A_337 : i32
      %get3A_339 = arith.index_cast %add3A_338 : i32 to index
      %get3A_340 = arith.constant 0 : index
      %get3A_341 = tpu.vector_load %arg8[%get3A_339, %get3A_340] {strides = array<i32>} : memref<128x64xf32, #tpu.memory_space<vmem>>, vector<16xf32>,
      %add3A_342 = arith.addf %add3A_334, %get3A_341 : vector<16xf32>
      %mul3A_343 = arith.constant 8 : i32
      %mul3A_344 = arith.muli %scan3A_289, %mul3A_343 : i32
      %add3A_345 = arith.constant 7 : i32
      %add3A_346 = arith.addi %mul3A_344, %add3A_345 : i32
      %get3A_347 = arith.index_cast %add3A_346 : i32 to index
      %get3A_348 = arith.constant 0 : index
      %get3A_349 = tpu.vector_load %arg8[%get3A_347, %get3A_348] {strides = array<i32>} : memref<128x64xf32, #tpu.memory_space<vmem>>, vector<16xf32>,
      %add3A_350 = arith.addf %add3A_342, %get3A_349 : vector<16xf32>
      %add3A_351 = arith.constant 32 : i32
      %add3A_352 = arith.addi %add3A_351, %scan3A_289 : i32
      %swap3A = arith.index_cast %add3A_352 : i32 to index
      %swap3A_353 = arith.constant 0 : index
      %swap3A_354 = tpu.vector_load %arg10[%swap3A, %swap3A_353] {strides = array<i32>} : memref<128x64xf32, #tpu.memory_space<vmem>>, vector<16xf32>,
      tpu.vector_store %arg10[%swap3A, %swap3A_353], %add3A_350 {strides = array<i32>} : memref<128x64xf32, #tpu.memory_space<vmem>>, vector<16xf32>,
      %mul3A_355 = arith.constant 8 : i32
      %mul3A_356 = arith.muli %scan3A_289, %mul3A_355 : i32
      %get3A_357 = arith.index_cast %mul3A_356 : i32 to index
      %get3A_358 = arith.constant 16 : index
      %get3A_359 = tpu.vector_load %arg8[%get3A_357, %get3A_358] {strides = array<i32>} : memref<128x64xf32, #tpu.memory_space<vmem>>, vector<16xf32>,
      %mul3A_360 = arith.constant 8 : i32
      %mul3A_361 = arith.muli %scan3A_289, %mul3A_360 : i32
      %add3A_362 = arith.constant 1 : i32
      %add3A_363 = arith.addi %mul3A_361, %add3A_362 : i32
      %get3A_364 = arith.index_cast %add3A_363 : i32 to index
      %get3A_365 = arith.constant 16 : index
      %get3A_366 = tpu.vector_load %arg8[%get3A_364, %get3A_365] {strides = array<i32>} : memref<128x64xf32, #tpu.memory_space<vmem>>, vector<16xf32>,
      %add3A_367 = arith.addf %get3A_359, %get3A_366 : vector<16xf32>
      %mul3A_368 = arith.constant 8 : i32
      %mul3A_369 = arith.muli %scan3A_289, %mul3A_368 : i32
      %add3A_370 = arith.constant 2 : i32
      %add3A_371 = arith.addi %mul3A_369, %add3A_370 : i32
      %get3A_372 = arith.index_cast %add3A_371 : i32 to index
      %get3A_373 = arith.constant 16 : index
      %get3A_374 = tpu.vector_load %arg8[%get3A_372, %get3A_373] {strides = array<i32>} : memref<128x64xf32, #tpu.memory_space<vmem>>, vector<16xf32>,
      %add3A_375 = arith.addf %add3A_367, %get3A_374 : vector<16xf32>
      %mul3A_376 = arith.constant 8 : i32
      %mul3A_377 = arith.muli %scan3A_289, %mul3A_376 : i32
      %add3A_378 = arith.constant 3 : i32
      %add3A_379 = arith.addi %mul3A_377, %add3A_378 : i32
      %get3A_380 = arith.index_cast %add3A_379 : i32 to index
      %get3A_381 = arith.constant 16 : index
      %get3A_382 = tpu.vector_load %arg8[%get3A_380, %get3A_381] {strides = array<i32>} : memref<128x64xf32, #tpu.memory_space<vmem>>, vector<16xf32>,
      %add3A_383 = arith.addf %add3A_375, %get3A_382 : vector<16xf32>
      %mul3A_384 = arith.constant 8 : i32
      %mul3A_385 = arith.muli %scan3A_289, %mul3A_384 : i32
      %add3A_386 = arith.constant 4 : i32
      %add3A_387 = arith.addi %mul3A_385, %add3A_386 : i32
      %get3A_388 = arith.index_cast %add3A_387 : i32 to index
      %get3A_389 = arith.constant 16 : index
      %get3A_390 = tpu.vector_load %arg8[%get3A_388, %get3A_389] {strides = array<i32>} : memref<128x64xf32, #tpu.memory_space<vmem>>, vector<16xf32>,
      %add3A_391 = arith.addf %add3A_383, %get3A_390 : vector<16xf32>
      %mul3A_392 = arith.constant 8 : i32
      %mul3A_393 = arith.muli %scan3A_289, %mul3A_392 : i32
      %add3A_394 = arith.constant 5 : i32
      %add3A_395 = arith.addi %mul3A_393, %add3A_394 : i32
      %get3A_396 = arith.index_cast %add3A_395 : i32 to index
      %get3A_397 = arith.constant 16 : index
      %get3A_398 = tpu.vector_load %arg8[%get3A_396, %get3A_397] {strides = array<i32>} : memref<128x64xf32, #tpu.memory_space<vmem>>, vector<16xf32>,
      %add3A_399 = arith.addf %add3A_391, %get3A_398 : vector<16xf32>
      %mul3A_400 = arith.constant 8 : i32
      %mul3A_401 = arith.muli %scan3A_289, %mul3A_400 : i32
      %add3A_402 = arith.constant 6 : i32
      %add3A_403 = arith.addi %mul3A_401, %add3A_402 : i32
      %get3A_404 = arith.index_cast %add3A_403 : i32 to index
      %get3A_405 = arith.constant 16 : index
      %get3A_406 = tpu.vector_load %arg8[%get3A_404, %get3A_405] {strides = array<i32>} : memref<128x64xf32, #tpu.memory_space<vmem>>, vector<16xf32>,
      %add3A_407 = arith.addf %add3A_399, %get3A_406 : vector<16xf32>
      %mul3A_408 = arith.constant 8 : i32
      %mul3A_409 = arith.muli %scan3A_289, %mul3A_408 : i32
      %add3A_410 = arith.constant 7 : i32
      %add3A_411 = arith.addi %mul3A_409, %add3A_410 : i32
      %get3A_412 = arith.index_cast %add3A_411 : i32 to index
      %get3A_413 = arith.constant 16 : index
      %get3A_414 = tpu.vector_load %arg8[%get3A_412, %get3A_413] {strides = array<i32>} : memref<128x64xf32, #tpu.memory_space<vmem>>, vector<16xf32>,
      %add3A_415 = arith.addf %add3A_407, %get3A_414 : vector<16xf32>
      %add3A_416 = arith.constant 32 : i32
      %add3A_417 = arith.addi %add3A_416, %scan3A_289 : i32
      %swap3A_418 = arith.index_cast %add3A_417 : i32 to index
      %swap3A_419 = arith.constant 16 : index
      %swap3A_420 = tpu.vector_load %arg10[%swap3A_418, %swap3A_419] {strides = array<i32>} : memref<128x64xf32, #tpu.memory_space<vmem>>, vector<16xf32>,
      tpu.vector_store %arg10[%swap3A_418, %swap3A_419], %add3A_415 {strides = array<i32>} : memref<128x64xf32, #tpu.memory_space<vmem>>, vector<16xf32>,
      %mul3A_421 = arith.constant 8 : i32
      %mul3A_422 = arith.muli %scan3A_289, %mul3A_421 : i32
      %get3A_423 = arith.index_cast %mul3A_422 : i32 to index
      %get3A_424 = arith.constant 32 : index
      %get3A_425 = tpu.vector_load %arg8[%get3A_423, %get3A_424] {strides = array<i32>} : memref<128x64xf32, #tpu.memory_space<vmem>>, vector<16xf32>,
      %mul3A_426 = arith.constant 8 : i32
      %mul3A_427 = arith.muli %scan3A_289, %mul3A_426 : i32
      %add3A_428 = arith.constant 1 : i32
      %add3A_429 = arith.addi %mul3A_427, %add3A_428 : i32
      %get3A_430 = arith.index_cast %add3A_429 : i32 to index
      %get3A_431 = arith.constant 32 : index
      %get3A_432 = tpu.vector_load %arg8[%get3A_430, %get3A_431] {strides = array<i32>} : memref<128x64xf32, #tpu.memory_space<vmem>>, vector<16xf32>,
      %add3A_433 = arith.addf %get3A_425, %get3A_432 : vector<16xf32>
      %mul3A_434 = arith.constant 8 : i32
      %mul3A_435 = arith.muli %scan3A_289, %mul3A_434 : i32
      %add3A_436 = arith.constant 2 : i32
      %add3A_437 = arith.addi %mul3A_435, %add3A_436 : i32
      %get3A_438 = arith.index_cast %add3A_437 : i32 to index
      %get3A_439 = arith.constant 32 : index
      %get3A_440 = tpu.vector_load %arg8[%get3A_438, %get3A_439] {strides = array<i32>} : memref<128x64xf32, #tpu.memory_space<vmem>>, vector<16xf32>,
      %add3A_441 = arith.addf %add3A_433, %get3A_440 : vector<16xf32>
      %mul3A_442 = arith.constant 8 : i32
      %mul3A_443 = arith.muli %scan3A_289, %mul3A_442 : i32
      %add3A_444 = arith.constant 3 : i32
      %add3A_445 = arith.addi %mul3A_443, %add3A_444 : i32
      %get3A_446 = arith.index_cast %add3A_445 : i32 to index
      %get3A_447 = arith.constant 32 : index
      %get3A_448 = tpu.vector_load %arg8[%get3A_446, %get3A_447] {strides = array<i32>} : memref<128x64xf32, #tpu.memory_space<vmem>>, vector<16xf32>,
      %add3A_449 = arith.addf %add3A_441, %get3A_448 : vector<16xf32>
      %mul3A_450 = arith.constant 8 : i32
      %mul3A_451 = arith.muli %scan3A_289, %mul3A_450 : i32
      %add3A_452 = arith.constant 4 : i32
      %add3A_453 = arith.addi %mul3A_451, %add3A_452 : i32
      %get3A_454 = arith.index_cast %add3A_453 : i32 to index
      %get3A_455 = arith.constant 32 : index
      %get3A_456 = tpu.vector_load %arg8[%get3A_454, %get3A_455] {strides = array<i32>} : memref<128x64xf32, #tpu.memory_space<vmem>>, vector<16xf32>,
      %add3A_457 = arith.addf %add3A_449, %get3A_456 : vector<16xf32>
      %mul3A_458 = arith.constant 8 : i32
      %mul3A_459 = arith.muli %scan3A_289, %mul3A_458 : i32
      %add3A_460 = arith.constant 5 : i32
      %add3A_461 = arith.addi %mul3A_459, %add3A_460 : i32
      %get3A_462 = arith.index_cast %add3A_461 : i32 to index
      %get3A_463 = arith.constant 32 : index
      %get3A_464 = tpu.vector_load %arg8[%get3A_462, %get3A_463] {strides = array<i32>} : memref<128x64xf32, #tpu.memory_space<vmem>>, vector<16xf32>,
      %add3A_465 = arith.addf %add3A_457, %get3A_464 : vector<16xf32>
      %mul3A_466 = arith.constant 8 : i32
      %mul3A_467 = arith.muli %scan3A_289, %mul3A_466 : i32
      %add3A_468 = arith.constant 6 : i32
      %add3A_469 = arith.addi %mul3A_467, %add3A_468 : i32
      %get3A_470 = arith.index_cast %add3A_469 : i32 to index
      %get3A_471 = arith.constant 32 : index
      %get3A_472 = tpu.vector_load %arg8[%get3A_470, %get3A_471] {strides = array<i32>} : memref<128x64xf32, #tpu.memory_space<vmem>>, vector<16xf32>,
      %add3A_473 = arith.addf %add3A_465, %get3A_472 : vector<16xf32>
      %mul3A_474 = arith.constant 8 : i32
      %mul3A_475 = arith.muli %scan3A_289, %mul3A_474 : i32
      %add3A_476 = arith.constant 7 : i32
      %add3A_477 = arith.addi %mul3A_475, %add3A_476 : i32
      %get3A_478 = arith.index_cast %add3A_477 : i32 to index
      %get3A_479 = arith.constant 32 : index
      %get3A_480 = tpu.vector_load %arg8[%get3A_478, %get3A_479] {strides = array<i32>} : memref<128x64xf32, #tpu.memory_space<vmem>>, vector<16xf32>,
      %add3A_481 = arith.addf %add3A_473, %get3A_480 : vector<16xf32>
      %add3A_482 = arith.constant 32 : i32
      %add3A_483 = arith.addi %add3A_482, %scan3A_289 : i32
      %swap3A_484 = arith.index_cast %add3A_483 : i32 to index
      %swap3A_485 = arith.constant 32 : index
      %swap3A_486 = tpu.vector_load %arg10[%swap3A_484, %swap3A_485] {strides = array<i32>} : memref<128x64xf32, #tpu.memory_space<vmem>>, vector<16xf32>,
      tpu.vector_store %arg10[%swap3A_484, %swap3A_485], %add3A_481 {strides = array<i32>} : memref<128x64xf32, #tpu.memory_space<vmem>>, vector<16xf32>,
      %mul3A_487 = arith.constant 8 : i32
      %mul3A_488 = arith.muli %scan3A_289, %mul3A_487 : i32
      %get3A_489 = arith.index_cast %mul3A_488 : i32 to index
      %get3A_490 = arith.constant 48 : index
      %get3A_491 = tpu.vector_load %arg8[%get3A_489, %get3A_490] {strides = array<i32>} : memref<128x64xf32, #tpu.memory_space<vmem>>, vector<16xf32>,
      %mul3A_492 = arith.constant 8 : i32
      %mul3A_493 = arith.muli %scan3A_289, %mul3A_492 : i32
      %add3A_494 = arith.constant 1 : i32
      %add3A_495 = arith.addi %mul3A_493, %add3A_494 : i32
      %get3A_496 = arith.index_cast %add3A_495 : i32 to index
      %get3A_497 = arith.constant 48 : index
      %get3A_498 = tpu.vector_load %arg8[%get3A_496, %get3A_497] {strides = array<i32>} : memref<128x64xf32, #tpu.memory_space<vmem>>, vector<16xf32>,
      %add3A_499 = arith.addf %get3A_491, %get3A_498 : vector<16xf32>
      %mul3A_500 = arith.constant 8 : i32
      %mul3A_501 = arith.muli %scan3A_289, %mul3A_500 : i32
      %add3A_502 = arith.constant 2 : i32
      %add3A_503 = arith.addi %mul3A_501, %add3A_502 : i32
      %get3A_504 = arith.index_cast %add3A_503 : i32 to index
      %get3A_505 = arith.constant 48 : index
      %get3A_506 = tpu.vector_load %arg8[%get3A_504, %get3A_505] {strides = array<i32>} : memref<128x64xf32, #tpu.memory_space<vmem>>, vector<16xf32>,
      %add3A_507 = arith.addf %add3A_499, %get3A_506 : vector<16xf32>
      %mul3A_508 = arith.constant 8 : i32
      %mul3A_509 = arith.muli %scan3A_289, %mul3A_508 : i32
      %add3A_510 = arith.constant 3 : i32
      %add3A_511 = arith.addi %mul3A_509, %add3A_510 : i32
      %get3A_512 = arith.index_cast %add3A_511 : i32 to index
      %get3A_513 = arith.constant 48 : index
      %get3A_514 = tpu.vector_load %arg8[%get3A_512, %get3A_513] {strides = array<i32>} : memref<128x64xf32, #tpu.memory_space<vmem>>, vector<16xf32>,
      %add3A_515 = arith.addf %add3A_507, %get3A_514 : vector<16xf32>
      %mul3A_516 = arith.constant 8 : i32
      %mul3A_517 = arith.muli %scan3A_289, %mul3A_516 : i32
      %add3A_518 = arith.constant 4 : i32
      %add3A_519 = arith.addi %mul3A_517, %add3A_518 : i32
      %get3A_520 = arith.index_cast %add3A_519 : i32 to index
      %get3A_521 = arith.constant 48 : index
      %get3A_522 = tpu.vector_load %arg8[%get3A_520, %get3A_521] {strides = array<i32>} : memref<128x64xf32, #tpu.memory_space<vmem>>, vector<16xf32>,
      %add3A_523 = arith.addf %add3A_515, %get3A_522 : vector<16xf32>
      %mul3A_524 = arith.constant 8 : i32
      %mul3A_525 = arith.muli %scan3A_289, %mul3A_524 : i32
      %add3A_526 = arith.constant 5 : i32
      %add3A_527 = arith.addi %mul3A_525, %add3A_526 : i32
      %get3A_528 = arith.index_cast %add3A_527 : i32 to index
      %get3A_529 = arith.constant 48 : index
      %get3A_530 = tpu.vector_load %arg8[%get3A_528, %get3A_529] {strides = array<i32>} : memref<128x64xf32, #tpu.memory_space<vmem>>, vector<16xf32>,
      %add3A_531 = arith.addf %add3A_523, %get3A_530 : vector<16xf32>
      %mul3A_532 = arith.constant 8 : i32
      %mul3A_533 = arith.muli %scan3A_289, %mul3A_532 : i32
      %add3A_534 = arith.constant 6 : i32
      %add3A_535 = arith.addi %mul3A_533, %add3A_534 : i32
      %get3A_536 = arith.index_cast %add3A_535 : i32 to index
      %get3A_537 = arith.constant 48 : index
      %get3A_538 = tpu.vector_load %arg8[%get3A_536, %get3A_537] {strides = array<i32>} : memref<128x64xf32, #tpu.memory_space<vmem>>, vector<16xf32>,
      %add3A_539 = arith.addf %add3A_531, %get3A_538 : vector<16xf32>
      %mul3A_540 = arith.constant 8 : i32
      %mul3A_541 = arith.muli %scan3A_289, %mul3A_540 : i32
      %add3A_542 = arith.constant 7 : i32
      %add3A_543 = arith.addi %mul3A_541, %add3A_542 : i32
      %get3A_544 = arith.index_cast %add3A_543 : i32 to index
      %get3A_545 = arith.constant 48 : index
      %get3A_546 = tpu.vector_load %arg8[%get3A_544, %get3A_545] {strides = array<i32>} : memref<128x64xf32, #tpu.memory_space<vmem>>, vector<16xf32>,
      %add3A_547 = arith.addf %add3A_539, %get3A_546 : vector<16xf32>
      %add3A_548 = arith.constant 32 : i32
      %add3A_549 = arith.addi %add3A_548, %scan3A_289 : i32
      %swap3A_550 = arith.index_cast %add3A_549 : i32 to index
      %swap3A_551 = arith.constant 48 : index
      %swap3A_552 = tpu.vector_load %arg10[%swap3A_550, %swap3A_551] {strides = array<i32>} : memref<128x64xf32, #tpu.memory_space<vmem>>, vector<16xf32>,
      tpu.vector_store %arg10[%swap3A_550, %swap3A_551], %add3A_547 {strides = array<i32>} : memref<128x64xf32, #tpu.memory_space<vmem>>, vector<16xf32>,
      %scan3A_553 = arith.constant 0 : i32
      scf.yield %scan3A_553 : i32
    }
    %scan3A_132 = arith.constant 16 : i32
    %scan3A_133 = arith.constant 0 : i32
    %scan3A_134 = arith.constant 0 : i32
    %scan3A_135 = arith.constant 25 : i32
    %scan3A_136 = arith.addi %scan3A_134, %scan3A_135 : i32
    %scan3A_137 = arith.constant 1 : i32
    %scan3A_138 = scf.for %scan3A_289 = %scan3A_134 to %scan3A_136 step %scan3A_137 iter_args(%scan3A_290 = %scan3A_133) -> (i32)  : i32 {
      %scan3A_291 = arith.constant 0 : i32
      %scan3A_292 = arith.constant 0 : i32
      %scan3A_293 = arith.constant 8 : i32
      %scan3A_294 = arith.addi %scan3A_292, %scan3A_293 : i32
      %scan3A_295 = arith.constant 1 : i32
      %scan3A_296 = scf.for %scan3A_299 = %scan3A_292 to %scan3A_294 step %scan3A_295 iter_args(%scan3A_300 = %scan3A_291) -> (i32)  : i32 {
        %mul3A_301 = arith.constant 2 : i32
        %mul3A_302 = arith.muli %scan3A_299, %mul3A_301 : i32
        %add3A_303 = arith.constant 64 : i32
        %add3A_304 = arith.addi %add3A_303, %mul3A_302 : i32
        %add3A_305 = vector.broadcast %add3A_304 : i32 to vector<16xi32>
        %add3A_306 = arith.addi %add3A_305, %shift_right_arithmetic3A_5 : vector<16xi32>
        %mul3A_307 = arith.constant 200 : i32
        %mul3A_308 = vector.broadcast %mul3A_307 : i32 to vector<16xi32>
        %mul3A_309 = arith.muli %add3A_306, %mul3A_308 : vector<16xi32>
        %mul3A_310 = arith.constant 8 : i32
        %mul3A_311 = arith.muli %scan3A_289, %mul3A_310 : i32
        %add3A_312 = vector.broadcast %mul3A_311 : i32 to vector<16xi32>
        %add3A_313 = arith.addi %mul3A_309, %add3A_312 : vector<16xi32>
        %add3A_314 = arith.addi %add3A_313, %and3A_7 : vector<16xi32>
        %shift_right_arithmetic3A_315 = arith.constant 7 : i32
        %shift_right_arithmetic3A_316 = vector.broadcast %shift_right_arithmetic3A_315 : i32 to vector<16xi32>
        %shift_right_arithmetic3A_317 = arith.shrsi %add3A_314, %shift_right_arithmetic3A_316 : vector<16xi32>
        %and3A_318 = arith.constant 127 : i32
        %and3A_319 = vector.broadcast %and3A_318 : i32 to vector<16xi32>
        %and3A_320 = arith.andi %add3A_314, %and3A_319 : vector<16xi32>
        %gather3A = tpu.vector_load_idx %arg5[%shift_right_arithmetic3A_317, %and3A_320] : memref<200x128xi32, #tpu.memory_space<vmem>>[vector<16xi32>, vector<16xi32>], vector<16xi32>,
        %mul3A_321 = arith.constant 128 : i32
        %mul3A_322 = arith.muli %scan3A_289, %mul3A_321 : i32
        %mul3A_323 = arith.constant 16 : i32
        %mul3A_324 = arith.muli %scan3A_299, %mul3A_323 : i32
        %add3A_325 = arith.addi %mul3A_322, %mul3A_324 : i32
        %swap3A = arith.index_cast %add3A_325 : i32 to index
        %swap3A_326 = tpu.vector_load %arg6[%swap3A] {strides = array<i32>} : memref<3200xi32, #tpu.memory_space<vmem>>, vector<16xi32>,
        tpu.vector_store %arg6[%swap3A], %gather3A {strides = array<i32>} : memref<3200xi32, #tpu.memory_space<vmem>>, vector<16xi32>,
        %scan3A_327 = arith.constant 0 : i32
        scf.yield %scan3A_327 : i32
      }
      %scan3A_297 = arith.constant 8 : i32
      %scan3A_298 = arith.constant 0 : i32
      scf.yield %scan3A_298 : i32
    }
    %scan3A_139 = arith.constant 25 : i32
    %scan3A_140 = arith.constant 0 : i32
    %scan3A_141 = arith.constant 0 : i32
    %scan3A_142 = arith.constant 128 : i32
    %scan3A_143 = arith.addi %scan3A_141, %scan3A_142 : i32
    %scan3A_144 = arith.constant 1 : i32
    %scan3A_145 = scf.for %scan3A_289 = %scan3A_141 to %scan3A_143 step %scan3A_144 iter_args(%scan3A_290 = %scan3A_140) -> (i32)  : i32 {
      %swap3A = arith.index_cast %scan3A_289 : i32 to index
      %swap3A_291 = arith.constant 0 : index
      %swap3A_292 = tpu.vector_load %arg8[%swap3A, %swap3A_291] {strides = array<i32>} : memref<128x64xf32, #tpu.memory_space<vmem>>, vector<16xf32>,
      tpu.vector_store %arg8[%swap3A, %swap3A_291], %broadcast_in_dim3A_3 {strides = array<i32>} : memref<128x64xf32, #tpu.memory_space<vmem>>, vector<16xf32>,
      %swap3A_293 = arith.index_cast %scan3A_289 : i32 to index
      %swap3A_294 = arith.constant 16 : index
      %swap3A_295 = tpu.vector_load %arg8[%swap3A_293, %swap3A_294] {strides = array<i32>} : memref<128x64xf32, #tpu.memory_space<vmem>>, vector<16xf32>,
      tpu.vector_store %arg8[%swap3A_293, %swap3A_294], %broadcast_in_dim3A_3 {strides = array<i32>} : memref<128x64xf32, #tpu.memory_space<vmem>>, vector<16xf32>,
      %swap3A_296 = arith.index_cast %scan3A_289 : i32 to index
      %swap3A_297 = arith.constant 32 : index
      %swap3A_298 = tpu.vector_load %arg8[%swap3A_296, %swap3A_297] {strides = array<i32>} : memref<128x64xf32, #tpu.memory_space<vmem>>, vector<16xf32>,
      tpu.vector_store %arg8[%swap3A_296, %swap3A_297], %broadcast_in_dim3A_3 {strides = array<i32>} : memref<128x64xf32, #tpu.memory_space<vmem>>, vector<16xf32>,
      %swap3A_299 = arith.index_cast %scan3A_289 : i32 to index
      %swap3A_300 = arith.constant 48 : index
      %swap3A_301 = tpu.vector_load %arg8[%swap3A_299, %swap3A_300] {strides = array<i32>} : memref<128x64xf32, #tpu.memory_space<vmem>>, vector<16xf32>,
      tpu.vector_store %arg8[%swap3A_299, %swap3A_300], %broadcast_in_dim3A_3 {strides = array<i32>} : memref<128x64xf32, #tpu.memory_space<vmem>>, vector<16xf32>,
      %scan3A_302 = arith.constant 0 : i32
      scf.yield %scan3A_302 : i32
    }
    %scan3A_146 = arith.constant 128 : i32
    %scan3A_147 = arith.constant 0 : i32
    %scan3A_148 = arith.constant 0 : i32
    %scan3A_149 = arith.constant 25 : i32
    %scan3A_150 = arith.addi %scan3A_148, %scan3A_149 : i32
    %scan3A_151 = arith.constant 1 : i32
    %scan3A_152 = scf.for %scan3A_289 = %scan3A_148 to %scan3A_150 step %scan3A_151 iter_args(%scan3A_290 = %scan3A_147) -> (i32)  : i32 {
      %mul3A_291 = arith.constant 128 : i32
      %mul3A_292 = arith.muli %scan3A_289, %mul3A_291 : i32
      %dma_start3A = tpu.memref_slice %arg6[%mul3A_292] : memref<3200xi32, #tpu.memory_space<vmem>> -> memref<128xi32, #tpu.memory_space<vmem>>
      %dma_start3A_293 = arith.constant 0 : i32
      %dma_start3A_294 = arith.constant 0 : i32
      %dma_start3A_295 = tpu.memref_slice %arg3[%dma_start3A_293, %dma_start3A_294] : memref<1000000x64xf32, #tpu.memory_space<hbm>> -> memref<1000000x64xf32, #tpu.memory_space<hbm>>
      tpu.enqueue_indirect_dma source(%dma_start3A_295 : memref<1000000x64xf32, #tpu.memory_space<hbm>>) target(%arg8 : memref<128x64xf32, #tpu.memory_space<vmem>>) offsets(%dma_start3A : memref<128xi32, #tpu.memory_space<vmem>>) semaphore(%arg11 : memref<!tpu.dma_semaphore, #tpu.memory_space<semaphore_mem>>) {add = true}
      %scan3A_296 = arith.constant 0 : i32
      scf.yield %scan3A_296 : i32
    }
    %scan3A_153 = arith.constant 25 : i32
    %scan3A_154 = arith.constant 0 : i32
    %scan3A_155 = arith.constant 0 : i32
    %scan3A_156 = arith.constant 25 : i32
    %scan3A_157 = arith.addi %scan3A_155, %scan3A_156 : i32
    %scan3A_158 = arith.constant 1 : i32
    %scan3A_159 = scf.for %scan3A_289 = %scan3A_155 to %scan3A_157 step %scan3A_158 iter_args(%scan3A_290 = %scan3A_154) -> (i32)  : i32 {
      %dma_wait3A = arith.constant 0 : i32
      %dma_wait3A_291 = tpu.memref_slice %arg7[%dma_wait3A] : memref<3200xi32, #tpu.memory_space<vmem>> -> memref<128xi32, #tpu.memory_space<vmem>>
      %dma_wait3A_292 = arith.constant 0 : i32
      %dma_wait3A_293 = arith.constant 0 : i32
      %dma_wait3A_294 = tpu.memref_slice %arg3[%dma_wait3A_292, %dma_wait3A_293] : memref<1000000x64xf32, #tpu.memory_space<hbm>> -> memref<1000000x64xf32, #tpu.memory_space<hbm>>
      tpu.wait_indirect_dma semaphore(%arg12 : memref<!tpu.dma_semaphore, #tpu.memory_space<semaphore_mem>>) src(%dma_wait3A_294 : memref<1000000x64xf32, #tpu.memory_space<hbm>>) dst(%arg9 : memref<128x64xf32, #tpu.memory_space<vmem>>)
      %scan3A_295 = arith.constant 0 : i32
      scf.yield %scan3A_295 : i32
    }
    %scan3A_160 = arith.constant 25 : i32
    %scan3A_161 = arith.constant 0 : i32
    %scan3A_162 = arith.constant 0 : i32
    %scan3A_163 = arith.constant 16 : i32
    %scan3A_164 = arith.addi %scan3A_162, %scan3A_163 : i32
    %scan3A_165 = arith.constant 1 : i32
    %scan3A_166 = scf.for %scan3A_289 = %scan3A_162 to %scan3A_164 step %scan3A_165 iter_args(%scan3A_290 = %scan3A_161) -> (i32)  : i32 {
      %mul3A_291 = arith.constant 8 : i32
      %mul3A_292 = arith.muli %scan3A_289, %mul3A_291 : i32
      %get3A = arith.index_cast %mul3A_292 : i32 to index
      %get3A_293 = arith.constant 0 : index
      %get3A_294 = tpu.vector_load %arg9[%get3A, %get3A_293] {strides = array<i32>} : memref<128x64xf32, #tpu.memory_space<vmem>>, vector<16xf32>,
      %mul3A_295 = arith.constant 8 : i32
      %mul3A_296 = arith.muli %scan3A_289, %mul3A_295 : i32
      %add3A_297 = arith.constant 1 : i32
      %add3A_298 = arith.addi %mul3A_296, %add3A_297 : i32
      %get3A_299 = arith.index_cast %add3A_298 : i32 to index
      %get3A_300 = arith.constant 0 : index
      %get3A_301 = tpu.vector_load %arg9[%get3A_299, %get3A_300] {strides = array<i32>} : memref<128x64xf32, #tpu.memory_space<vmem>>, vector<16xf32>,
      %add3A_302 = arith.addf %get3A_294, %get3A_301 : vector<16xf32>
      %mul3A_303 = arith.constant 8 : i32
      %mul3A_304 = arith.muli %scan3A_289, %mul3A_303 : i32
      %add3A_305 = arith.constant 2 : i32
      %add3A_306 = arith.addi %mul3A_304, %add3A_305 : i32
      %get3A_307 = arith.index_cast %add3A_306 : i32 to index
      %get3A_308 = arith.constant 0 : index
      %get3A_309 = tpu.vector_load %arg9[%get3A_307, %get3A_308] {strides = array<i32>} : memref<128x64xf32, #tpu.memory_space<vmem>>, vector<16xf32>,
      %add3A_310 = arith.addf %add3A_302, %get3A_309 : vector<16xf32>
      %mul3A_311 = arith.constant 8 : i32
      %mul3A_312 = arith.muli %scan3A_289, %mul3A_311 : i32
      %add3A_313 = arith.constant 3 : i32
      %add3A_314 = arith.addi %mul3A_312, %add3A_313 : i32
      %get3A_315 = arith.index_cast %add3A_314 : i32 to index
      %get3A_316 = arith.constant 0 : index
      %get3A_317 = tpu.vector_load %arg9[%get3A_315, %get3A_316] {strides = array<i32>} : memref<128x64xf32, #tpu.memory_space<vmem>>, vector<16xf32>,
      %add3A_318 = arith.addf %add3A_310, %get3A_317 : vector<16xf32>
      %mul3A_319 = arith.constant 8 : i32
      %mul3A_320 = arith.muli %scan3A_289, %mul3A_319 : i32
      %add3A_321 = arith.constant 4 : i32
      %add3A_322 = arith.addi %mul3A_320, %add3A_321 : i32
      %get3A_323 = arith.index_cast %add3A_322 : i32 to index
      %get3A_324 = arith.constant 0 : index
      %get3A_325 = tpu.vector_load %arg9[%get3A_323, %get3A_324] {strides = array<i32>} : memref<128x64xf32, #tpu.memory_space<vmem>>, vector<16xf32>,
      %add3A_326 = arith.addf %add3A_318, %get3A_325 : vector<16xf32>
      %mul3A_327 = arith.constant 8 : i32
      %mul3A_328 = arith.muli %scan3A_289, %mul3A_327 : i32
      %add3A_329 = arith.constant 5 : i32
      %add3A_330 = arith.addi %mul3A_328, %add3A_329 : i32
      %get3A_331 = arith.index_cast %add3A_330 : i32 to index
      %get3A_332 = arith.constant 0 : index
      %get3A_333 = tpu.vector_load %arg9[%get3A_331, %get3A_332] {strides = array<i32>} : memref<128x64xf32, #tpu.memory_space<vmem>>, vector<16xf32>,
      %add3A_334 = arith.addf %add3A_326, %get3A_333 : vector<16xf32>
      %mul3A_335 = arith.constant 8 : i32
      %mul3A_336 = arith.muli %scan3A_289, %mul3A_335 : i32
      %add3A_337 = arith.constant 6 : i32
      %add3A_338 = arith.addi %mul3A_336, %add3A_337 : i32
      %get3A_339 = arith.index_cast %add3A_338 : i32 to index
      %get3A_340 = arith.constant 0 : index
      %get3A_341 = tpu.vector_load %arg9[%get3A_339, %get3A_340] {strides = array<i32>} : memref<128x64xf32, #tpu.memory_space<vmem>>, vector<16xf32>,
      %add3A_342 = arith.addf %add3A_334, %get3A_341 : vector<16xf32>
      %mul3A_343 = arith.constant 8 : i32
      %mul3A_344 = arith.muli %scan3A_289, %mul3A_343 : i32
      %add3A_345 = arith.constant 7 : i32
      %add3A_346 = arith.addi %mul3A_344, %add3A_345 : i32
      %get3A_347 = arith.index_cast %add3A_346 : i32 to index
      %get3A_348 = arith.constant 0 : index
      %get3A_349 = tpu.vector_load %arg9[%get3A_347, %get3A_348] {strides = array<i32>} : memref<128x64xf32, #tpu.memory_space<vmem>>, vector<16xf32>,
      %add3A_350 = arith.addf %add3A_342, %get3A_349 : vector<16xf32>
      %add3A_351 = arith.constant 48 : i32
      %add3A_352 = arith.addi %add3A_351, %scan3A_289 : i32
      %swap3A = arith.index_cast %add3A_352 : i32 to index
      %swap3A_353 = arith.constant 0 : index
      %swap3A_354 = tpu.vector_load %arg10[%swap3A, %swap3A_353] {strides = array<i32>} : memref<128x64xf32, #tpu.memory_space<vmem>>, vector<16xf32>,
      tpu.vector_store %arg10[%swap3A, %swap3A_353], %add3A_350 {strides = array<i32>} : memref<128x64xf32, #tpu.memory_space<vmem>>, vector<16xf32>,
      %mul3A_355 = arith.constant 8 : i32
      %mul3A_356 = arith.muli %scan3A_289, %mul3A_355 : i32
      %get3A_357 = arith.index_cast %mul3A_356 : i32 to index
      %get3A_358 = arith.constant 16 : index
      %get3A_359 = tpu.vector_load %arg9[%get3A_357, %get3A_358] {strides = array<i32>} : memref<128x64xf32, #tpu.memory_space<vmem>>, vector<16xf32>,
      %mul3A_360 = arith.constant 8 : i32
      %mul3A_361 = arith.muli %scan3A_289, %mul3A_360 : i32
      %add3A_362 = arith.constant 1 : i32
      %add3A_363 = arith.addi %mul3A_361, %add3A_362 : i32
      %get3A_364 = arith.index_cast %add3A_363 : i32 to index
      %get3A_365 = arith.constant 16 : index
      %get3A_366 = tpu.vector_load %arg9[%get3A_364, %get3A_365] {strides = array<i32>} : memref<128x64xf32, #tpu.memory_space<vmem>>, vector<16xf32>,
      %add3A_367 = arith.addf %get3A_359, %get3A_366 : vector<16xf32>
      %mul3A_368 = arith.constant 8 : i32
      %mul3A_369 = arith.muli %scan3A_289, %mul3A_368 : i32
      %add3A_370 = arith.constant 2 : i32
      %add3A_371 = arith.addi %mul3A_369, %add3A_370 : i32
      %get3A_372 = arith.index_cast %add3A_371 : i32 to index
      %get3A_373 = arith.constant 16 : index
      %get3A_374 = tpu.vector_load %arg9[%get3A_372, %get3A_373] {strides = array<i32>} : memref<128x64xf32, #tpu.memory_space<vmem>>, vector<16xf32>,
      %add3A_375 = arith.addf %add3A_367, %get3A_374 : vector<16xf32>
      %mul3A_376 = arith.constant 8 : i32
      %mul3A_377 = arith.muli %scan3A_289, %mul3A_376 : i32
      %add3A_378 = arith.constant 3 : i32
      %add3A_379 = arith.addi %mul3A_377, %add3A_378 : i32
      %get3A_380 = arith.index_cast %add3A_379 : i32 to index
      %get3A_381 = arith.constant 16 : index
      %get3A_382 = tpu.vector_load %arg9[%get3A_380, %get3A_381] {strides = array<i32>} : memref<128x64xf32, #tpu.memory_space<vmem>>, vector<16xf32>,
      %add3A_383 = arith.addf %add3A_375, %get3A_382 : vector<16xf32>
      %mul3A_384 = arith.constant 8 : i32
      %mul3A_385 = arith.muli %scan3A_289, %mul3A_384 : i32
      %add3A_386 = arith.constant 4 : i32
      %add3A_387 = arith.addi %mul3A_385, %add3A_386 : i32
      %get3A_388 = arith.index_cast %add3A_387 : i32 to index
      %get3A_389 = arith.constant 16 : index
      %get3A_390 = tpu.vector_load %arg9[%get3A_388, %get3A_389] {strides = array<i32>} : memref<128x64xf32, #tpu.memory_space<vmem>>, vector<16xf32>,
      %add3A_391 = arith.addf %add3A_383, %get3A_390 : vector<16xf32>
      %mul3A_392 = arith.constant 8 : i32
      %mul3A_393 = arith.muli %scan3A_289, %mul3A_392 : i32
      %add3A_394 = arith.constant 5 : i32
      %add3A_395 = arith.addi %mul3A_393, %add3A_394 : i32
      %get3A_396 = arith.index_cast %add3A_395 : i32 to index
      %get3A_397 = arith.constant 16 : index
      %get3A_398 = tpu.vector_load %arg9[%get3A_396, %get3A_397] {strides = array<i32>} : memref<128x64xf32, #tpu.memory_space<vmem>>, vector<16xf32>,
      %add3A_399 = arith.addf %add3A_391, %get3A_398 : vector<16xf32>
      %mul3A_400 = arith.constant 8 : i32
      %mul3A_401 = arith.muli %scan3A_289, %mul3A_400 : i32
      %add3A_402 = arith.constant 6 : i32
      %add3A_403 = arith.addi %mul3A_401, %add3A_402 : i32
      %get3A_404 = arith.index_cast %add3A_403 : i32 to index
      %get3A_405 = arith.constant 16 : index
      %get3A_406 = tpu.vector_load %arg9[%get3A_404, %get3A_405] {strides = array<i32>} : memref<128x64xf32, #tpu.memory_space<vmem>>, vector<16xf32>,
      %add3A_407 = arith.addf %add3A_399, %get3A_406 : vector<16xf32>
      %mul3A_408 = arith.constant 8 : i32
      %mul3A_409 = arith.muli %scan3A_289, %mul3A_408 : i32
      %add3A_410 = arith.constant 7 : i32
      %add3A_411 = arith.addi %mul3A_409, %add3A_410 : i32
      %get3A_412 = arith.index_cast %add3A_411 : i32 to index
      %get3A_413 = arith.constant 16 : index
      %get3A_414 = tpu.vector_load %arg9[%get3A_412, %get3A_413] {strides = array<i32>} : memref<128x64xf32, #tpu.memory_space<vmem>>, vector<16xf32>,
      %add3A_415 = arith.addf %add3A_407, %get3A_414 : vector<16xf32>
      %add3A_416 = arith.constant 48 : i32
      %add3A_417 = arith.addi %add3A_416, %scan3A_289 : i32
      %swap3A_418 = arith.index_cast %add3A_417 : i32 to index
      %swap3A_419 = arith.constant 16 : index
      %swap3A_420 = tpu.vector_load %arg10[%swap3A_418, %swap3A_419] {strides = array<i32>} : memref<128x64xf32, #tpu.memory_space<vmem>>, vector<16xf32>,
      tpu.vector_store %arg10[%swap3A_418, %swap3A_419], %add3A_415 {strides = array<i32>} : memref<128x64xf32, #tpu.memory_space<vmem>>, vector<16xf32>,
      %mul3A_421 = arith.constant 8 : i32
      %mul3A_422 = arith.muli %scan3A_289, %mul3A_421 : i32
      %get3A_423 = arith.index_cast %mul3A_422 : i32 to index
      %get3A_424 = arith.constant 32 : index
      %get3A_425 = tpu.vector_load %arg9[%get3A_423, %get3A_424] {strides = array<i32>} : memref<128x64xf32, #tpu.memory_space<vmem>>, vector<16xf32>,
      %mul3A_426 = arith.constant 8 : i32
      %mul3A_427 = arith.muli %scan3A_289, %mul3A_426 : i32
      %add3A_428 = arith.constant 1 : i32
      %add3A_429 = arith.addi %mul3A_427, %add3A_428 : i32
      %get3A_430 = arith.index_cast %add3A_429 : i32 to index
      %get3A_431 = arith.constant 32 : index
      %get3A_432 = tpu.vector_load %arg9[%get3A_430, %get3A_431] {strides = array<i32>} : memref<128x64xf32, #tpu.memory_space<vmem>>, vector<16xf32>,
      %add3A_433 = arith.addf %get3A_425, %get3A_432 : vector<16xf32>
      %mul3A_434 = arith.constant 8 : i32
      %mul3A_435 = arith.muli %scan3A_289, %mul3A_434 : i32
      %add3A_436 = arith.constant 2 : i32
      %add3A_437 = arith.addi %mul3A_435, %add3A_436 : i32
      %get3A_438 = arith.index_cast %add3A_437 : i32 to index
      %get3A_439 = arith.constant 32 : index
      %get3A_440 = tpu.vector_load %arg9[%get3A_438, %get3A_439] {strides = array<i32>} : memref<128x64xf32, #tpu.memory_space<vmem>>, vector<16xf32>,
      %add3A_441 = arith.addf %add3A_433, %get3A_440 : vector<16xf32>
      %mul3A_442 = arith.constant 8 : i32
      %mul3A_443 = arith.muli %scan3A_289, %mul3A_442 : i32
      %add3A_444 = arith.constant 3 : i32
      %add3A_445 = arith.addi %mul3A_443, %add3A_444 : i32
      %get3A_446 = arith.index_cast %add3A_445 : i32 to index
      %get3A_447 = arith.constant 32 : index
      %get3A_448 = tpu.vector_load %arg9[%get3A_446, %get3A_447] {strides = array<i32>} : memref<128x64xf32, #tpu.memory_space<vmem>>, vector<16xf32>,
      %add3A_449 = arith.addf %add3A_441, %get3A_448 : vector<16xf32>
      %mul3A_450 = arith.constant 8 : i32
      %mul3A_451 = arith.muli %scan3A_289, %mul3A_450 : i32
      %add3A_452 = arith.constant 4 : i32
      %add3A_453 = arith.addi %mul3A_451, %add3A_452 : i32
      %get3A_454 = arith.index_cast %add3A_453 : i32 to index
      %get3A_455 = arith.constant 32 : index
      %get3A_456 = tpu.vector_load %arg9[%get3A_454, %get3A_455] {strides = array<i32>} : memref<128x64xf32, #tpu.memory_space<vmem>>, vector<16xf32>,
      %add3A_457 = arith.addf %add3A_449, %get3A_456 : vector<16xf32>
      %mul3A_458 = arith.constant 8 : i32
      %mul3A_459 = arith.muli %scan3A_289, %mul3A_458 : i32
      %add3A_460 = arith.constant 5 : i32
      %add3A_461 = arith.addi %mul3A_459, %add3A_460 : i32
      %get3A_462 = arith.index_cast %add3A_461 : i32 to index
      %get3A_463 = arith.constant 32 : index
      %get3A_464 = tpu.vector_load %arg9[%get3A_462, %get3A_463] {strides = array<i32>} : memref<128x64xf32, #tpu.memory_space<vmem>>, vector<16xf32>,
      %add3A_465 = arith.addf %add3A_457, %get3A_464 : vector<16xf32>
      %mul3A_466 = arith.constant 8 : i32
      %mul3A_467 = arith.muli %scan3A_289, %mul3A_466 : i32
      %add3A_468 = arith.constant 6 : i32
      %add3A_469 = arith.addi %mul3A_467, %add3A_468 : i32
      %get3A_470 = arith.index_cast %add3A_469 : i32 to index
      %get3A_471 = arith.constant 32 : index
      %get3A_472 = tpu.vector_load %arg9[%get3A_470, %get3A_471] {strides = array<i32>} : memref<128x64xf32, #tpu.memory_space<vmem>>, vector<16xf32>,
      %add3A_473 = arith.addf %add3A_465, %get3A_472 : vector<16xf32>
      %mul3A_474 = arith.constant 8 : i32
      %mul3A_475 = arith.muli %scan3A_289, %mul3A_474 : i32
      %add3A_476 = arith.constant 7 : i32
      %add3A_477 = arith.addi %mul3A_475, %add3A_476 : i32
      %get3A_478 = arith.index_cast %add3A_477 : i32 to index
      %get3A_479 = arith.constant 32 : index
      %get3A_480 = tpu.vector_load %arg9[%get3A_478, %get3A_479] {strides = array<i32>} : memref<128x64xf32, #tpu.memory_space<vmem>>, vector<16xf32>,
      %add3A_481 = arith.addf %add3A_473, %get3A_480 : vector<16xf32>
      %add3A_482 = arith.constant 48 : i32
      %add3A_483 = arith.addi %add3A_482, %scan3A_289 : i32
      %swap3A_484 = arith.index_cast %add3A_483 : i32 to index
      %swap3A_485 = arith.constant 32 : index
      %swap3A_486 = tpu.vector_load %arg10[%swap3A_484, %swap3A_485] {strides = array<i32>} : memref<128x64xf32, #tpu.memory_space<vmem>>, vector<16xf32>,
      tpu.vector_store %arg10[%swap3A_484, %swap3A_485], %add3A_481 {strides = array<i32>} : memref<128x64xf32, #tpu.memory_space<vmem>>, vector<16xf32>,
      %mul3A_487 = arith.constant 8 : i32
      %mul3A_488 = arith.muli %scan3A_289, %mul3A_487 : i32
      %get3A_489 = arith.index_cast %mul3A_488 : i32 to index
      %get3A_490 = arith.constant 48 : index
      %get3A_491 = tpu.vector_load %arg9[%get3A_489, %get3A_490] {strides = array<i32>} : memref<128x64xf32, #tpu.memory_space<vmem>>, vector<16xf32>,
      %mul3A_492 = arith.constant 8 : i32
      %mul3A_493 = arith.muli %scan3A_289, %mul3A_492 : i32
      %add3A_494 = arith.constant 1 : i32
      %add3A_495 = arith.addi %mul3A_493, %add3A_494 : i32
      %get3A_496 = arith.index_cast %add3A_495 : i32 to index
      %get3A_497 = arith.constant 48 : index
      %get3A_498 = tpu.vector_load %arg9[%get3A_496, %get3A_497] {strides = array<i32>} : memref<128x64xf32, #tpu.memory_space<vmem>>, vector<16xf32>,
      %add3A_499 = arith.addf %get3A_491, %get3A_498 : vector<16xf32>
      %mul3A_500 = arith.constant 8 : i32
      %mul3A_501 = arith.muli %scan3A_289, %mul3A_500 : i32
      %add3A_502 = arith.constant 2 : i32
      %add3A_503 = arith.addi %mul3A_501, %add3A_502 : i32
      %get3A_504 = arith.index_cast %add3A_503 : i32 to index
      %get3A_505 = arith.constant 48 : index
      %get3A_506 = tpu.vector_load %arg9[%get3A_504, %get3A_505] {strides = array<i32>} : memref<128x64xf32, #tpu.memory_space<vmem>>, vector<16xf32>,
      %add3A_507 = arith.addf %add3A_499, %get3A_506 : vector<16xf32>
      %mul3A_508 = arith.constant 8 : i32
      %mul3A_509 = arith.muli %scan3A_289, %mul3A_508 : i32
      %add3A_510 = arith.constant 3 : i32
      %add3A_511 = arith.addi %mul3A_509, %add3A_510 : i32
      %get3A_512 = arith.index_cast %add3A_511 : i32 to index
      %get3A_513 = arith.constant 48 : index
      %get3A_514 = tpu.vector_load %arg9[%get3A_512, %get3A_513] {strides = array<i32>} : memref<128x64xf32, #tpu.memory_space<vmem>>, vector<16xf32>,
      %add3A_515 = arith.addf %add3A_507, %get3A_514 : vector<16xf32>
      %mul3A_516 = arith.constant 8 : i32
      %mul3A_517 = arith.muli %scan3A_289, %mul3A_516 : i32
      %add3A_518 = arith.constant 4 : i32
      %add3A_519 = arith.addi %mul3A_517, %add3A_518 : i32
      %get3A_520 = arith.index_cast %add3A_519 : i32 to index
      %get3A_521 = arith.constant 48 : index
      %get3A_522 = tpu.vector_load %arg9[%get3A_520, %get3A_521] {strides = array<i32>} : memref<128x64xf32, #tpu.memory_space<vmem>>, vector<16xf32>,
      %add3A_523 = arith.addf %add3A_515, %get3A_522 : vector<16xf32>
      %mul3A_524 = arith.constant 8 : i32
      %mul3A_525 = arith.muli %scan3A_289, %mul3A_524 : i32
      %add3A_526 = arith.constant 5 : i32
      %add3A_527 = arith.addi %mul3A_525, %add3A_526 : i32
      %get3A_528 = arith.index_cast %add3A_527 : i32 to index
      %get3A_529 = arith.constant 48 : index
      %get3A_530 = tpu.vector_load %arg9[%get3A_528, %get3A_529] {strides = array<i32>} : memref<128x64xf32, #tpu.memory_space<vmem>>, vector<16xf32>,
      %add3A_531 = arith.addf %add3A_523, %get3A_530 : vector<16xf32>
      %mul3A_532 = arith.constant 8 : i32
      %mul3A_533 = arith.muli %scan3A_289, %mul3A_532 : i32
      %add3A_534 = arith.constant 6 : i32
      %add3A_535 = arith.addi %mul3A_533, %add3A_534 : i32
      %get3A_536 = arith.index_cast %add3A_535 : i32 to index
      %get3A_537 = arith.constant 48 : index
      %get3A_538 = tpu.vector_load %arg9[%get3A_536, %get3A_537] {strides = array<i32>} : memref<128x64xf32, #tpu.memory_space<vmem>>, vector<16xf32>,
      %add3A_539 = arith.addf %add3A_531, %get3A_538 : vector<16xf32>
      %mul3A_540 = arith.constant 8 : i32
      %mul3A_541 = arith.muli %scan3A_289, %mul3A_540 : i32
      %add3A_542 = arith.constant 7 : i32
      %add3A_543 = arith.addi %mul3A_541, %add3A_542 : i32
      %get3A_544 = arith.index_cast %add3A_543 : i32 to index
      %get3A_545 = arith.constant 48 : index
      %get3A_546 = tpu.vector_load %arg9[%get3A_544, %get3A_545] {strides = array<i32>} : memref<128x64xf32, #tpu.memory_space<vmem>>, vector<16xf32>,
      %add3A_547 = arith.addf %add3A_539, %get3A_546 : vector<16xf32>
      %add3A_548 = arith.constant 48 : i32
      %add3A_549 = arith.addi %add3A_548, %scan3A_289 : i32
      %swap3A_550 = arith.index_cast %add3A_549 : i32 to index
      %swap3A_551 = arith.constant 48 : index
      %swap3A_552 = tpu.vector_load %arg10[%swap3A_550, %swap3A_551] {strides = array<i32>} : memref<128x64xf32, #tpu.memory_space<vmem>>, vector<16xf32>,
      tpu.vector_store %arg10[%swap3A_550, %swap3A_551], %add3A_547 {strides = array<i32>} : memref<128x64xf32, #tpu.memory_space<vmem>>, vector<16xf32>,
      %scan3A_553 = arith.constant 0 : i32
      scf.yield %scan3A_553 : i32
    }
    %scan3A_167 = arith.constant 16 : i32
    %scan3A_168 = arith.constant 0 : i32
    %scan3A_169 = arith.constant 0 : i32
    %scan3A_170 = arith.constant 25 : i32
    %scan3A_171 = arith.addi %scan3A_169, %scan3A_170 : i32
    %scan3A_172 = arith.constant 1 : i32
    %scan3A_173 = scf.for %scan3A_289 = %scan3A_169 to %scan3A_171 step %scan3A_172 iter_args(%scan3A_290 = %scan3A_168) -> (i32)  : i32 {
      %scan3A_291 = arith.constant 0 : i32
      %scan3A_292 = arith.constant 0 : i32
      %scan3A_293 = arith.constant 8 : i32
      %scan3A_294 = arith.addi %scan3A_292, %scan3A_293 : i32
      %scan3A_295 = arith.constant 1 : i32
      %scan3A_296 = scf.for %scan3A_299 = %scan3A_292 to %scan3A_294 step %scan3A_295 iter_args(%scan3A_300 = %scan3A_291) -> (i32)  : i32 {
        %mul3A_301 = arith.constant 2 : i32
        %mul3A_302 = arith.muli %scan3A_299, %mul3A_301 : i32
        %add3A_303 = arith.constant 80 : i32
        %add3A_304 = arith.addi %add3A_303, %mul3A_302 : i32
        %add3A_305 = vector.broadcast %add3A_304 : i32 to vector<16xi32>
        %add3A_306 = arith.addi %add3A_305, %shift_right_arithmetic3A_5 : vector<16xi32>
        %mul3A_307 = arith.constant 200 : i32
        %mul3A_308 = vector.broadcast %mul3A_307 : i32 to vector<16xi32>
        %mul3A_309 = arith.muli %add3A_306, %mul3A_308 : vector<16xi32>
        %mul3A_310 = arith.constant 8 : i32
        %mul3A_311 = arith.muli %scan3A_289, %mul3A_310 : i32
        %add3A_312 = vector.broadcast %mul3A_311 : i32 to vector<16xi32>
        %add3A_313 = arith.addi %mul3A_309, %add3A_312 : vector<16xi32>
        %add3A_314 = arith.addi %add3A_313, %and3A_7 : vector<16xi32>
        %shift_right_arithmetic3A_315 = arith.constant 7 : i32
        %shift_right_arithmetic3A_316 = vector.broadcast %shift_right_arithmetic3A_315 : i32 to vector<16xi32>
        %shift_right_arithmetic3A_317 = arith.shrsi %add3A_314, %shift_right_arithmetic3A_316 : vector<16xi32>
        %and3A_318 = arith.constant 127 : i32
        %and3A_319 = vector.broadcast %and3A_318 : i32 to vector<16xi32>
        %and3A_320 = arith.andi %add3A_314, %and3A_319 : vector<16xi32>
        %gather3A = tpu.vector_load_idx %arg5[%shift_right_arithmetic3A_317, %and3A_320] : memref<200x128xi32, #tpu.memory_space<vmem>>[vector<16xi32>, vector<16xi32>], vector<16xi32>,
        %mul3A_321 = arith.constant 128 : i32
        %mul3A_322 = arith.muli %scan3A_289, %mul3A_321 : i32
        %mul3A_323 = arith.constant 16 : i32
        %mul3A_324 = arith.muli %scan3A_299, %mul3A_323 : i32
        %add3A_325 = arith.addi %mul3A_322, %mul3A_324 : i32
        %swap3A = arith.index_cast %add3A_325 : i32 to index
        %swap3A_326 = tpu.vector_load %arg7[%swap3A] {strides = array<i32>} : memref<3200xi32, #tpu.memory_space<vmem>>, vector<16xi32>,
        tpu.vector_store %arg7[%swap3A], %gather3A {strides = array<i32>} : memref<3200xi32, #tpu.memory_space<vmem>>, vector<16xi32>,
        %scan3A_327 = arith.constant 0 : i32
        scf.yield %scan3A_327 : i32
      }
      %scan3A_297 = arith.constant 8 : i32
      %scan3A_298 = arith.constant 0 : i32
      scf.yield %scan3A_298 : i32
    }
    %scan3A_174 = arith.constant 25 : i32
    %scan3A_175 = arith.constant 0 : i32
    %scan3A_176 = arith.constant 0 : i32
    %scan3A_177 = arith.constant 128 : i32
    %scan3A_178 = arith.addi %scan3A_176, %scan3A_177 : i32
    %scan3A_179 = arith.constant 1 : i32
    %scan3A_180 = scf.for %scan3A_289 = %scan3A_176 to %scan3A_178 step %scan3A_179 iter_args(%scan3A_290 = %scan3A_175) -> (i32)  : i32 {
      %swap3A = arith.index_cast %scan3A_289 : i32 to index
      %swap3A_291 = arith.constant 0 : index
      %swap3A_292 = tpu.vector_load %arg9[%swap3A, %swap3A_291] {strides = array<i32>} : memref<128x64xf32, #tpu.memory_space<vmem>>, vector<16xf32>,
      tpu.vector_store %arg9[%swap3A, %swap3A_291], %broadcast_in_dim3A_3 {strides = array<i32>} : memref<128x64xf32, #tpu.memory_space<vmem>>, vector<16xf32>,
      %swap3A_293 = arith.index_cast %scan3A_289 : i32 to index
      %swap3A_294 = arith.constant 16 : index
      %swap3A_295 = tpu.vector_load %arg9[%swap3A_293, %swap3A_294] {strides = array<i32>} : memref<128x64xf32, #tpu.memory_space<vmem>>, vector<16xf32>,
      tpu.vector_store %arg9[%swap3A_293, %swap3A_294], %broadcast_in_dim3A_3 {strides = array<i32>} : memref<128x64xf32, #tpu.memory_space<vmem>>, vector<16xf32>,
      %swap3A_296 = arith.index_cast %scan3A_289 : i32 to index
      %swap3A_297 = arith.constant 32 : index
      %swap3A_298 = tpu.vector_load %arg9[%swap3A_296, %swap3A_297] {strides = array<i32>} : memref<128x64xf32, #tpu.memory_space<vmem>>, vector<16xf32>,
      tpu.vector_store %arg9[%swap3A_296, %swap3A_297], %broadcast_in_dim3A_3 {strides = array<i32>} : memref<128x64xf32, #tpu.memory_space<vmem>>, vector<16xf32>,
      %swap3A_299 = arith.index_cast %scan3A_289 : i32 to index
      %swap3A_300 = arith.constant 48 : index
      %swap3A_301 = tpu.vector_load %arg9[%swap3A_299, %swap3A_300] {strides = array<i32>} : memref<128x64xf32, #tpu.memory_space<vmem>>, vector<16xf32>,
      tpu.vector_store %arg9[%swap3A_299, %swap3A_300], %broadcast_in_dim3A_3 {strides = array<i32>} : memref<128x64xf32, #tpu.memory_space<vmem>>, vector<16xf32>,
      %scan3A_302 = arith.constant 0 : i32
      scf.yield %scan3A_302 : i32
    }
    %scan3A_181 = arith.constant 128 : i32
    %scan3A_182 = arith.constant 0 : i32
    %scan3A_183 = arith.constant 0 : i32
    %scan3A_184 = arith.constant 25 : i32
    %scan3A_185 = arith.addi %scan3A_183, %scan3A_184 : i32
    %scan3A_186 = arith.constant 1 : i32
    %scan3A_187 = scf.for %scan3A_289 = %scan3A_183 to %scan3A_185 step %scan3A_186 iter_args(%scan3A_290 = %scan3A_182) -> (i32)  : i32 {
      %mul3A_291 = arith.constant 128 : i32
      %mul3A_292 = arith.muli %scan3A_289, %mul3A_291 : i32
      %dma_start3A = tpu.memref_slice %arg7[%mul3A_292] : memref<3200xi32, #tpu.memory_space<vmem>> -> memref<128xi32, #tpu.memory_space<vmem>>
      %dma_start3A_293 = arith.constant 0 : i32
      %dma_start3A_294 = arith.constant 0 : i32
      %dma_start3A_295 = tpu.memref_slice %arg3[%dma_start3A_293, %dma_start3A_294] : memref<1000000x64xf32, #tpu.memory_space<hbm>> -> memref<1000000x64xf32, #tpu.memory_space<hbm>>
      tpu.enqueue_indirect_dma source(%dma_start3A_295 : memref<1000000x64xf32, #tpu.memory_space<hbm>>) target(%arg9 : memref<128x64xf32, #tpu.memory_space<vmem>>) offsets(%dma_start3A : memref<128xi32, #tpu.memory_space<vmem>>) semaphore(%arg12 : memref<!tpu.dma_semaphore, #tpu.memory_space<semaphore_mem>>) {add = true}
      %scan3A_296 = arith.constant 0 : i32
      scf.yield %scan3A_296 : i32
    }
    %scan3A_188 = arith.constant 25 : i32
    %scan3A_189 = arith.constant 0 : i32
    %scan3A_190 = arith.constant 0 : i32
    %scan3A_191 = arith.constant 25 : i32
    %scan3A_192 = arith.addi %scan3A_190, %scan3A_191 : i32
    %scan3A_193 = arith.constant 1 : i32
    %scan3A_194 = scf.for %scan3A_289 = %scan3A_190 to %scan3A_192 step %scan3A_193 iter_args(%scan3A_290 = %scan3A_189) -> (i32)  : i32 {
      %dma_wait3A = arith.constant 0 : i32
      %dma_wait3A_291 = tpu.memref_slice %arg6[%dma_wait3A] : memref<3200xi32, #tpu.memory_space<vmem>> -> memref<128xi32, #tpu.memory_space<vmem>>
      %dma_wait3A_292 = arith.constant 0 : i32
      %dma_wait3A_293 = arith.constant 0 : i32
      %dma_wait3A_294 = tpu.memref_slice %arg3[%dma_wait3A_292, %dma_wait3A_293] : memref<1000000x64xf32, #tpu.memory_space<hbm>> -> memref<1000000x64xf32, #tpu.memory_space<hbm>>
      tpu.wait_indirect_dma semaphore(%arg11 : memref<!tpu.dma_semaphore, #tpu.memory_space<semaphore_mem>>) src(%dma_wait3A_294 : memref<1000000x64xf32, #tpu.memory_space<hbm>>) dst(%arg8 : memref<128x64xf32, #tpu.memory_space<vmem>>)
      %scan3A_295 = arith.constant 0 : i32
      scf.yield %scan3A_295 : i32
    }
    %scan3A_195 = arith.constant 25 : i32
    %scan3A_196 = arith.constant 0 : i32
    %scan3A_197 = arith.constant 0 : i32
    %scan3A_198 = arith.constant 16 : i32
    %scan3A_199 = arith.addi %scan3A_197, %scan3A_198 : i32
    %scan3A_200 = arith.constant 1 : i32
    %scan3A_201 = scf.for %scan3A_289 = %scan3A_197 to %scan3A_199 step %scan3A_200 iter_args(%scan3A_290 = %scan3A_196) -> (i32)  : i32 {
      %mul3A_291 = arith.constant 8 : i32
      %mul3A_292 = arith.muli %scan3A_289, %mul3A_291 : i32
      %get3A = arith.index_cast %mul3A_292 : i32 to index
      %get3A_293 = arith.constant 0 : index
      %get3A_294 = tpu.vector_load %arg8[%get3A, %get3A_293] {strides = array<i32>} : memref<128x64xf32, #tpu.memory_space<vmem>>, vector<16xf32>,
      %mul3A_295 = arith.constant 8 : i32
      %mul3A_296 = arith.muli %scan3A_289, %mul3A_295 : i32
      %add3A_297 = arith.constant 1 : i32
      %add3A_298 = arith.addi %mul3A_296, %add3A_297 : i32
      %get3A_299 = arith.index_cast %add3A_298 : i32 to index
      %get3A_300 = arith.constant 0 : index
      %get3A_301 = tpu.vector_load %arg8[%get3A_299, %get3A_300] {strides = array<i32>} : memref<128x64xf32, #tpu.memory_space<vmem>>, vector<16xf32>,
      %add3A_302 = arith.addf %get3A_294, %get3A_301 : vector<16xf32>
      %mul3A_303 = arith.constant 8 : i32
      %mul3A_304 = arith.muli %scan3A_289, %mul3A_303 : i32
      %add3A_305 = arith.constant 2 : i32
      %add3A_306 = arith.addi %mul3A_304, %add3A_305 : i32
      %get3A_307 = arith.index_cast %add3A_306 : i32 to index
      %get3A_308 = arith.constant 0 : index
      %get3A_309 = tpu.vector_load %arg8[%get3A_307, %get3A_308] {strides = array<i32>} : memref<128x64xf32, #tpu.memory_space<vmem>>, vector<16xf32>,
      %add3A_310 = arith.addf %add3A_302, %get3A_309 : vector<16xf32>
      %mul3A_311 = arith.constant 8 : i32
      %mul3A_312 = arith.muli %scan3A_289, %mul3A_311 : i32
      %add3A_313 = arith.constant 3 : i32
      %add3A_314 = arith.addi %mul3A_312, %add3A_313 : i32
      %get3A_315 = arith.index_cast %add3A_314 : i32 to index
      %get3A_316 = arith.constant 0 : index
      %get3A_317 = tpu.vector_load %arg8[%get3A_315, %get3A_316] {strides = array<i32>} : memref<128x64xf32, #tpu.memory_space<vmem>>, vector<16xf32>,
      %add3A_318 = arith.addf %add3A_310, %get3A_317 : vector<16xf32>
      %mul3A_319 = arith.constant 8 : i32
      %mul3A_320 = arith.muli %scan3A_289, %mul3A_319 : i32
      %add3A_321 = arith.constant 4 : i32
      %add3A_322 = arith.addi %mul3A_320, %add3A_321 : i32
      %get3A_323 = arith.index_cast %add3A_322 : i32 to index
      %get3A_324 = arith.constant 0 : index
      %get3A_325 = tpu.vector_load %arg8[%get3A_323, %get3A_324] {strides = array<i32>} : memref<128x64xf32, #tpu.memory_space<vmem>>, vector<16xf32>,
      %add3A_326 = arith.addf %add3A_318, %get3A_325 : vector<16xf32>
      %mul3A_327 = arith.constant 8 : i32
      %mul3A_328 = arith.muli %scan3A_289, %mul3A_327 : i32
      %add3A_329 = arith.constant 5 : i32
      %add3A_330 = arith.addi %mul3A_328, %add3A_329 : i32
      %get3A_331 = arith.index_cast %add3A_330 : i32 to index
      %get3A_332 = arith.constant 0 : index
      %get3A_333 = tpu.vector_load %arg8[%get3A_331, %get3A_332] {strides = array<i32>} : memref<128x64xf32, #tpu.memory_space<vmem>>, vector<16xf32>,
      %add3A_334 = arith.addf %add3A_326, %get3A_333 : vector<16xf32>
      %mul3A_335 = arith.constant 8 : i32
      %mul3A_336 = arith.muli %scan3A_289, %mul3A_335 : i32
      %add3A_337 = arith.constant 6 : i32
      %add3A_338 = arith.addi %mul3A_336, %add3A_337 : i32
      %get3A_339 = arith.index_cast %add3A_338 : i32 to index
      %get3A_340 = arith.constant 0 : index
      %get3A_341 = tpu.vector_load %arg8[%get3A_339, %get3A_340] {strides = array<i32>} : memref<128x64xf32, #tpu.memory_space<vmem>>, vector<16xf32>,
      %add3A_342 = arith.addf %add3A_334, %get3A_341 : vector<16xf32>
      %mul3A_343 = arith.constant 8 : i32
      %mul3A_344 = arith.muli %scan3A_289, %mul3A_343 : i32
      %add3A_345 = arith.constant 7 : i32
      %add3A_346 = arith.addi %mul3A_344, %add3A_345 : i32
      %get3A_347 = arith.index_cast %add3A_346 : i32 to index
      %get3A_348 = arith.constant 0 : index
      %get3A_349 = tpu.vector_load %arg8[%get3A_347, %get3A_348] {strides = array<i32>} : memref<128x64xf32, #tpu.memory_space<vmem>>, vector<16xf32>,
      %add3A_350 = arith.addf %add3A_342, %get3A_349 : vector<16xf32>
      %add3A_351 = arith.constant 64 : i32
      %add3A_352 = arith.addi %add3A_351, %scan3A_289 : i32
      %swap3A = arith.index_cast %add3A_352 : i32 to index
      %swap3A_353 = arith.constant 0 : index
      %swap3A_354 = tpu.vector_load %arg10[%swap3A, %swap3A_353] {strides = array<i32>} : memref<128x64xf32, #tpu.memory_space<vmem>>, vector<16xf32>,
      tpu.vector_store %arg10[%swap3A, %swap3A_353], %add3A_350 {strides = array<i32>} : memref<128x64xf32, #tpu.memory_space<vmem>>, vector<16xf32>,
      %mul3A_355 = arith.constant 8 : i32
      %mul3A_356 = arith.muli %scan3A_289, %mul3A_355 : i32
      %get3A_357 = arith.index_cast %mul3A_356 : i32 to index
      %get3A_358 = arith.constant 16 : index
      %get3A_359 = tpu.vector_load %arg8[%get3A_357, %get3A_358] {strides = array<i32>} : memref<128x64xf32, #tpu.memory_space<vmem>>, vector<16xf32>,
      %mul3A_360 = arith.constant 8 : i32
      %mul3A_361 = arith.muli %scan3A_289, %mul3A_360 : i32
      %add3A_362 = arith.constant 1 : i32
      %add3A_363 = arith.addi %mul3A_361, %add3A_362 : i32
      %get3A_364 = arith.index_cast %add3A_363 : i32 to index
      %get3A_365 = arith.constant 16 : index
      %get3A_366 = tpu.vector_load %arg8[%get3A_364, %get3A_365] {strides = array<i32>} : memref<128x64xf32, #tpu.memory_space<vmem>>, vector<16xf32>,
      %add3A_367 = arith.addf %get3A_359, %get3A_366 : vector<16xf32>
      %mul3A_368 = arith.constant 8 : i32
      %mul3A_369 = arith.muli %scan3A_289, %mul3A_368 : i32
      %add3A_370 = arith.constant 2 : i32
      %add3A_371 = arith.addi %mul3A_369, %add3A_370 : i32
      %get3A_372 = arith.index_cast %add3A_371 : i32 to index
      %get3A_373 = arith.constant 16 : index
      %get3A_374 = tpu.vector_load %arg8[%get3A_372, %get3A_373] {strides = array<i32>} : memref<128x64xf32, #tpu.memory_space<vmem>>, vector<16xf32>,
      %add3A_375 = arith.addf %add3A_367, %get3A_374 : vector<16xf32>
      %mul3A_376 = arith.constant 8 : i32
      %mul3A_377 = arith.muli %scan3A_289, %mul3A_376 : i32
      %add3A_378 = arith.constant 3 : i32
      %add3A_379 = arith.addi %mul3A_377, %add3A_378 : i32
      %get3A_380 = arith.index_cast %add3A_379 : i32 to index
      %get3A_381 = arith.constant 16 : index
      %get3A_382 = tpu.vector_load %arg8[%get3A_380, %get3A_381] {strides = array<i32>} : memref<128x64xf32, #tpu.memory_space<vmem>>, vector<16xf32>,
      %add3A_383 = arith.addf %add3A_375, %get3A_382 : vector<16xf32>
      %mul3A_384 = arith.constant 8 : i32
      %mul3A_385 = arith.muli %scan3A_289, %mul3A_384 : i32
      %add3A_386 = arith.constant 4 : i32
      %add3A_387 = arith.addi %mul3A_385, %add3A_386 : i32
      %get3A_388 = arith.index_cast %add3A_387 : i32 to index
      %get3A_389 = arith.constant 16 : index
      %get3A_390 = tpu.vector_load %arg8[%get3A_388, %get3A_389] {strides = array<i32>} : memref<128x64xf32, #tpu.memory_space<vmem>>, vector<16xf32>,
      %add3A_391 = arith.addf %add3A_383, %get3A_390 : vector<16xf32>
      %mul3A_392 = arith.constant 8 : i32
      %mul3A_393 = arith.muli %scan3A_289, %mul3A_392 : i32
      %add3A_394 = arith.constant 5 : i32
      %add3A_395 = arith.addi %mul3A_393, %add3A_394 : i32
      %get3A_396 = arith.index_cast %add3A_395 : i32 to index
      %get3A_397 = arith.constant 16 : index
      %get3A_398 = tpu.vector_load %arg8[%get3A_396, %get3A_397] {strides = array<i32>} : memref<128x64xf32, #tpu.memory_space<vmem>>, vector<16xf32>,
      %add3A_399 = arith.addf %add3A_391, %get3A_398 : vector<16xf32>
      %mul3A_400 = arith.constant 8 : i32
      %mul3A_401 = arith.muli %scan3A_289, %mul3A_400 : i32
      %add3A_402 = arith.constant 6 : i32
      %add3A_403 = arith.addi %mul3A_401, %add3A_402 : i32
      %get3A_404 = arith.index_cast %add3A_403 : i32 to index
      %get3A_405 = arith.constant 16 : index
      %get3A_406 = tpu.vector_load %arg8[%get3A_404, %get3A_405] {strides = array<i32>} : memref<128x64xf32, #tpu.memory_space<vmem>>, vector<16xf32>,
      %add3A_407 = arith.addf %add3A_399, %get3A_406 : vector<16xf32>
      %mul3A_408 = arith.constant 8 : i32
      %mul3A_409 = arith.muli %scan3A_289, %mul3A_408 : i32
      %add3A_410 = arith.constant 7 : i32
      %add3A_411 = arith.addi %mul3A_409, %add3A_410 : i32
      %get3A_412 = arith.index_cast %add3A_411 : i32 to index
      %get3A_413 = arith.constant 16 : index
      %get3A_414 = tpu.vector_load %arg8[%get3A_412, %get3A_413] {strides = array<i32>} : memref<128x64xf32, #tpu.memory_space<vmem>>, vector<16xf32>,
      %add3A_415 = arith.addf %add3A_407, %get3A_414 : vector<16xf32>
      %add3A_416 = arith.constant 64 : i32
      %add3A_417 = arith.addi %add3A_416, %scan3A_289 : i32
      %swap3A_418 = arith.index_cast %add3A_417 : i32 to index
      %swap3A_419 = arith.constant 16 : index
      %swap3A_420 = tpu.vector_load %arg10[%swap3A_418, %swap3A_419] {strides = array<i32>} : memref<128x64xf32, #tpu.memory_space<vmem>>, vector<16xf32>,
      tpu.vector_store %arg10[%swap3A_418, %swap3A_419], %add3A_415 {strides = array<i32>} : memref<128x64xf32, #tpu.memory_space<vmem>>, vector<16xf32>,
      %mul3A_421 = arith.constant 8 : i32
      %mul3A_422 = arith.muli %scan3A_289, %mul3A_421 : i32
      %get3A_423 = arith.index_cast %mul3A_422 : i32 to index
      %get3A_424 = arith.constant 32 : index
      %get3A_425 = tpu.vector_load %arg8[%get3A_423, %get3A_424] {strides = array<i32>} : memref<128x64xf32, #tpu.memory_space<vmem>>, vector<16xf32>,
      %mul3A_426 = arith.constant 8 : i32
      %mul3A_427 = arith.muli %scan3A_289, %mul3A_426 : i32
      %add3A_428 = arith.constant 1 : i32
      %add3A_429 = arith.addi %mul3A_427, %add3A_428 : i32
      %get3A_430 = arith.index_cast %add3A_429 : i32 to index
      %get3A_431 = arith.constant 32 : index
      %get3A_432 = tpu.vector_load %arg8[%get3A_430, %get3A_431] {strides = array<i32>} : memref<128x64xf32, #tpu.memory_space<vmem>>, vector<16xf32>,
      %add3A_433 = arith.addf %get3A_425, %get3A_432 : vector<16xf32>
      %mul3A_434 = arith.constant 8 : i32
      %mul3A_435 = arith.muli %scan3A_289, %mul3A_434 : i32
      %add3A_436 = arith.constant 2 : i32
      %add3A_437 = arith.addi %mul3A_435, %add3A_436 : i32
      %get3A_438 = arith.index_cast %add3A_437 : i32 to index
      %get3A_439 = arith.constant 32 : index
      %get3A_440 = tpu.vector_load %arg8[%get3A_438, %get3A_439] {strides = array<i32>} : memref<128x64xf32, #tpu.memory_space<vmem>>, vector<16xf32>,
      %add3A_441 = arith.addf %add3A_433, %get3A_440 : vector<16xf32>
      %mul3A_442 = arith.constant 8 : i32
      %mul3A_443 = arith.muli %scan3A_289, %mul3A_442 : i32
      %add3A_444 = arith.constant 3 : i32
      %add3A_445 = arith.addi %mul3A_443, %add3A_444 : i32
      %get3A_446 = arith.index_cast %add3A_445 : i32 to index
      %get3A_447 = arith.constant 32 : index
      %get3A_448 = tpu.vector_load %arg8[%get3A_446, %get3A_447] {strides = array<i32>} : memref<128x64xf32, #tpu.memory_space<vmem>>, vector<16xf32>,
      %add3A_449 = arith.addf %add3A_441, %get3A_448 : vector<16xf32>
      %mul3A_450 = arith.constant 8 : i32
      %mul3A_451 = arith.muli %scan3A_289, %mul3A_450 : i32
      %add3A_452 = arith.constant 4 : i32
      %add3A_453 = arith.addi %mul3A_451, %add3A_452 : i32
      %get3A_454 = arith.index_cast %add3A_453 : i32 to index
      %get3A_455 = arith.constant 32 : index
      %get3A_456 = tpu.vector_load %arg8[%get3A_454, %get3A_455] {strides = array<i32>} : memref<128x64xf32, #tpu.memory_space<vmem>>, vector<16xf32>,
      %add3A_457 = arith.addf %add3A_449, %get3A_456 : vector<16xf32>
      %mul3A_458 = arith.constant 8 : i32
      %mul3A_459 = arith.muli %scan3A_289, %mul3A_458 : i32
      %add3A_460 = arith.constant 5 : i32
      %add3A_461 = arith.addi %mul3A_459, %add3A_460 : i32
      %get3A_462 = arith.index_cast %add3A_461 : i32 to index
      %get3A_463 = arith.constant 32 : index
      %get3A_464 = tpu.vector_load %arg8[%get3A_462, %get3A_463] {strides = array<i32>} : memref<128x64xf32, #tpu.memory_space<vmem>>, vector<16xf32>,
      %add3A_465 = arith.addf %add3A_457, %get3A_464 : vector<16xf32>
      %mul3A_466 = arith.constant 8 : i32
      %mul3A_467 = arith.muli %scan3A_289, %mul3A_466 : i32
      %add3A_468 = arith.constant 6 : i32
      %add3A_469 = arith.addi %mul3A_467, %add3A_468 : i32
      %get3A_470 = arith.index_cast %add3A_469 : i32 to index
      %get3A_471 = arith.constant 32 : index
      %get3A_472 = tpu.vector_load %arg8[%get3A_470, %get3A_471] {strides = array<i32>} : memref<128x64xf32, #tpu.memory_space<vmem>>, vector<16xf32>,
      %add3A_473 = arith.addf %add3A_465, %get3A_472 : vector<16xf32>
      %mul3A_474 = arith.constant 8 : i32
      %mul3A_475 = arith.muli %scan3A_289, %mul3A_474 : i32
      %add3A_476 = arith.constant 7 : i32
      %add3A_477 = arith.addi %mul3A_475, %add3A_476 : i32
      %get3A_478 = arith.index_cast %add3A_477 : i32 to index
      %get3A_479 = arith.constant 32 : index
      %get3A_480 = tpu.vector_load %arg8[%get3A_478, %get3A_479] {strides = array<i32>} : memref<128x64xf32, #tpu.memory_space<vmem>>, vector<16xf32>,
      %add3A_481 = arith.addf %add3A_473, %get3A_480 : vector<16xf32>
      %add3A_482 = arith.constant 64 : i32
      %add3A_483 = arith.addi %add3A_482, %scan3A_289 : i32
      %swap3A_484 = arith.index_cast %add3A_483 : i32 to index
      %swap3A_485 = arith.constant 32 : index
      %swap3A_486 = tpu.vector_load %arg10[%swap3A_484, %swap3A_485] {strides = array<i32>} : memref<128x64xf32, #tpu.memory_space<vmem>>, vector<16xf32>,
      tpu.vector_store %arg10[%swap3A_484, %swap3A_485], %add3A_481 {strides = array<i32>} : memref<128x64xf32, #tpu.memory_space<vmem>>, vector<16xf32>,
      %mul3A_487 = arith.constant 8 : i32
      %mul3A_488 = arith.muli %scan3A_289, %mul3A_487 : i32
      %get3A_489 = arith.index_cast %mul3A_488 : i32 to index
      %get3A_490 = arith.constant 48 : index
      %get3A_491 = tpu.vector_load %arg8[%get3A_489, %get3A_490] {strides = array<i32>} : memref<128x64xf32, #tpu.memory_space<vmem>>, vector<16xf32>,
      %mul3A_492 = arith.constant 8 : i32
      %mul3A_493 = arith.muli %scan3A_289, %mul3A_492 : i32
      %add3A_494 = arith.constant 1 : i32
      %add3A_495 = arith.addi %mul3A_493, %add3A_494 : i32
      %get3A_496 = arith.index_cast %add3A_495 : i32 to index
      %get3A_497 = arith.constant 48 : index
      %get3A_498 = tpu.vector_load %arg8[%get3A_496, %get3A_497] {strides = array<i32>} : memref<128x64xf32, #tpu.memory_space<vmem>>, vector<16xf32>,
      %add3A_499 = arith.addf %get3A_491, %get3A_498 : vector<16xf32>
      %mul3A_500 = arith.constant 8 : i32
      %mul3A_501 = arith.muli %scan3A_289, %mul3A_500 : i32
      %add3A_502 = arith.constant 2 : i32
      %add3A_503 = arith.addi %mul3A_501, %add3A_502 : i32
      %get3A_504 = arith.index_cast %add3A_503 : i32 to index
      %get3A_505 = arith.constant 48 : index
      %get3A_506 = tpu.vector_load %arg8[%get3A_504, %get3A_505] {strides = array<i32>} : memref<128x64xf32, #tpu.memory_space<vmem>>, vector<16xf32>,
      %add3A_507 = arith.addf %add3A_499, %get3A_506 : vector<16xf32>
      %mul3A_508 = arith.constant 8 : i32
      %mul3A_509 = arith.muli %scan3A_289, %mul3A_508 : i32
      %add3A_510 = arith.constant 3 : i32
      %add3A_511 = arith.addi %mul3A_509, %add3A_510 : i32
      %get3A_512 = arith.index_cast %add3A_511 : i32 to index
      %get3A_513 = arith.constant 48 : index
      %get3A_514 = tpu.vector_load %arg8[%get3A_512, %get3A_513] {strides = array<i32>} : memref<128x64xf32, #tpu.memory_space<vmem>>, vector<16xf32>,
      %add3A_515 = arith.addf %add3A_507, %get3A_514 : vector<16xf32>
      %mul3A_516 = arith.constant 8 : i32
      %mul3A_517 = arith.muli %scan3A_289, %mul3A_516 : i32
      %add3A_518 = arith.constant 4 : i32
      %add3A_519 = arith.addi %mul3A_517, %add3A_518 : i32
      %get3A_520 = arith.index_cast %add3A_519 : i32 to index
      %get3A_521 = arith.constant 48 : index
      %get3A_522 = tpu.vector_load %arg8[%get3A_520, %get3A_521] {strides = array<i32>} : memref<128x64xf32, #tpu.memory_space<vmem>>, vector<16xf32>,
      %add3A_523 = arith.addf %add3A_515, %get3A_522 : vector<16xf32>
      %mul3A_524 = arith.constant 8 : i32
      %mul3A_525 = arith.muli %scan3A_289, %mul3A_524 : i32
      %add3A_526 = arith.constant 5 : i32
      %add3A_527 = arith.addi %mul3A_525, %add3A_526 : i32
      %get3A_528 = arith.index_cast %add3A_527 : i32 to index
      %get3A_529 = arith.constant 48 : index
      %get3A_530 = tpu.vector_load %arg8[%get3A_528, %get3A_529] {strides = array<i32>} : memref<128x64xf32, #tpu.memory_space<vmem>>, vector<16xf32>,
      %add3A_531 = arith.addf %add3A_523, %get3A_530 : vector<16xf32>
      %mul3A_532 = arith.constant 8 : i32
      %mul3A_533 = arith.muli %scan3A_289, %mul3A_532 : i32
      %add3A_534 = arith.constant 6 : i32
      %add3A_535 = arith.addi %mul3A_533, %add3A_534 : i32
      %get3A_536 = arith.index_cast %add3A_535 : i32 to index
      %get3A_537 = arith.constant 48 : index
      %get3A_538 = tpu.vector_load %arg8[%get3A_536, %get3A_537] {strides = array<i32>} : memref<128x64xf32, #tpu.memory_space<vmem>>, vector<16xf32>,
      %add3A_539 = arith.addf %add3A_531, %get3A_538 : vector<16xf32>
      %mul3A_540 = arith.constant 8 : i32
      %mul3A_541 = arith.muli %scan3A_289, %mul3A_540 : i32
      %add3A_542 = arith.constant 7 : i32
      %add3A_543 = arith.addi %mul3A_541, %add3A_542 : i32
      %get3A_544 = arith.index_cast %add3A_543 : i32 to index
      %get3A_545 = arith.constant 48 : index
      %get3A_546 = tpu.vector_load %arg8[%get3A_544, %get3A_545] {strides = array<i32>} : memref<128x64xf32, #tpu.memory_space<vmem>>, vector<16xf32>,
      %add3A_547 = arith.addf %add3A_539, %get3A_546 : vector<16xf32>
      %add3A_548 = arith.constant 64 : i32
      %add3A_549 = arith.addi %add3A_548, %scan3A_289 : i32
      %swap3A_550 = arith.index_cast %add3A_549 : i32 to index
      %swap3A_551 = arith.constant 48 : index
      %swap3A_552 = tpu.vector_load %arg10[%swap3A_550, %swap3A_551] {strides = array<i32>} : memref<128x64xf32, #tpu.memory_space<vmem>>, vector<16xf32>,
      tpu.vector_store %arg10[%swap3A_550, %swap3A_551], %add3A_547 {strides = array<i32>} : memref<128x64xf32, #tpu.memory_space<vmem>>, vector<16xf32>,
      %scan3A_553 = arith.constant 0 : i32
      scf.yield %scan3A_553 : i32
    }
    %scan3A_202 = arith.constant 16 : i32
    %scan3A_203 = arith.constant 0 : i32
    %scan3A_204 = arith.constant 0 : i32
    %scan3A_205 = arith.constant 25 : i32
    %scan3A_206 = arith.addi %scan3A_204, %scan3A_205 : i32
    %scan3A_207 = arith.constant 1 : i32
    %scan3A_208 = scf.for %scan3A_289 = %scan3A_204 to %scan3A_206 step %scan3A_207 iter_args(%scan3A_290 = %scan3A_203) -> (i32)  : i32 {
      %scan3A_291 = arith.constant 0 : i32
      %scan3A_292 = arith.constant 0 : i32
      %scan3A_293 = arith.constant 8 : i32
      %scan3A_294 = arith.addi %scan3A_292, %scan3A_293 : i32
      %scan3A_295 = arith.constant 1 : i32
      %scan3A_296 = scf.for %scan3A_299 = %scan3A_292 to %scan3A_294 step %scan3A_295 iter_args(%scan3A_300 = %scan3A_291) -> (i32)  : i32 {
        %mul3A_301 = arith.constant 2 : i32
        %mul3A_302 = arith.muli %scan3A_299, %mul3A_301 : i32
        %add3A_303 = arith.constant 96 : i32
        %add3A_304 = arith.addi %add3A_303, %mul3A_302 : i32
        %add3A_305 = vector.broadcast %add3A_304 : i32 to vector<16xi32>
        %add3A_306 = arith.addi %add3A_305, %shift_right_arithmetic3A_5 : vector<16xi32>
        %mul3A_307 = arith.constant 200 : i32
        %mul3A_308 = vector.broadcast %mul3A_307 : i32 to vector<16xi32>
        %mul3A_309 = arith.muli %add3A_306, %mul3A_308 : vector<16xi32>
        %mul3A_310 = arith.constant 8 : i32
        %mul3A_311 = arith.muli %scan3A_289, %mul3A_310 : i32
        %add3A_312 = vector.broadcast %mul3A_311 : i32 to vector<16xi32>
        %add3A_313 = arith.addi %mul3A_309, %add3A_312 : vector<16xi32>
        %add3A_314 = arith.addi %add3A_313, %and3A_7 : vector<16xi32>
        %shift_right_arithmetic3A_315 = arith.constant 7 : i32
        %shift_right_arithmetic3A_316 = vector.broadcast %shift_right_arithmetic3A_315 : i32 to vector<16xi32>
        %shift_right_arithmetic3A_317 = arith.shrsi %add3A_314, %shift_right_arithmetic3A_316 : vector<16xi32>
        %and3A_318 = arith.constant 127 : i32
        %and3A_319 = vector.broadcast %and3A_318 : i32 to vector<16xi32>
        %and3A_320 = arith.andi %add3A_314, %and3A_319 : vector<16xi32>
        %gather3A = tpu.vector_load_idx %arg5[%shift_right_arithmetic3A_317, %and3A_320] : memref<200x128xi32, #tpu.memory_space<vmem>>[vector<16xi32>, vector<16xi32>], vector<16xi32>,
        %mul3A_321 = arith.constant 128 : i32
        %mul3A_322 = arith.muli %scan3A_289, %mul3A_321 : i32
        %mul3A_323 = arith.constant 16 : i32
        %mul3A_324 = arith.muli %scan3A_299, %mul3A_323 : i32
        %add3A_325 = arith.addi %mul3A_322, %mul3A_324 : i32
        %swap3A = arith.index_cast %add3A_325 : i32 to index
        %swap3A_326 = tpu.vector_load %arg6[%swap3A] {strides = array<i32>} : memref<3200xi32, #tpu.memory_space<vmem>>, vector<16xi32>,
        tpu.vector_store %arg6[%swap3A], %gather3A {strides = array<i32>} : memref<3200xi32, #tpu.memory_space<vmem>>, vector<16xi32>,
        %scan3A_327 = arith.constant 0 : i32
        scf.yield %scan3A_327 : i32
      }
      %scan3A_297 = arith.constant 8 : i32
      %scan3A_298 = arith.constant 0 : i32
      scf.yield %scan3A_298 : i32
    }
    %scan3A_209 = arith.constant 25 : i32
    %scan3A_210 = arith.constant 0 : i32
    %scan3A_211 = arith.constant 0 : i32
    %scan3A_212 = arith.constant 128 : i32
    %scan3A_213 = arith.addi %scan3A_211, %scan3A_212 : i32
    %scan3A_214 = arith.constant 1 : i32
    %scan3A_215 = scf.for %scan3A_289 = %scan3A_211 to %scan3A_213 step %scan3A_214 iter_args(%scan3A_290 = %scan3A_210) -> (i32)  : i32 {
      %swap3A = arith.index_cast %scan3A_289 : i32 to index
      %swap3A_291 = arith.constant 0 : index
      %swap3A_292 = tpu.vector_load %arg8[%swap3A, %swap3A_291] {strides = array<i32>} : memref<128x64xf32, #tpu.memory_space<vmem>>, vector<16xf32>,
      tpu.vector_store %arg8[%swap3A, %swap3A_291], %broadcast_in_dim3A_3 {strides = array<i32>} : memref<128x64xf32, #tpu.memory_space<vmem>>, vector<16xf32>,
      %swap3A_293 = arith.index_cast %scan3A_289 : i32 to index
      %swap3A_294 = arith.constant 16 : index
      %swap3A_295 = tpu.vector_load %arg8[%swap3A_293, %swap3A_294] {strides = array<i32>} : memref<128x64xf32, #tpu.memory_space<vmem>>, vector<16xf32>,
      tpu.vector_store %arg8[%swap3A_293, %swap3A_294], %broadcast_in_dim3A_3 {strides = array<i32>} : memref<128x64xf32, #tpu.memory_space<vmem>>, vector<16xf32>,
      %swap3A_296 = arith.index_cast %scan3A_289 : i32 to index
      %swap3A_297 = arith.constant 32 : index
      %swap3A_298 = tpu.vector_load %arg8[%swap3A_296, %swap3A_297] {strides = array<i32>} : memref<128x64xf32, #tpu.memory_space<vmem>>, vector<16xf32>,
      tpu.vector_store %arg8[%swap3A_296, %swap3A_297], %broadcast_in_dim3A_3 {strides = array<i32>} : memref<128x64xf32, #tpu.memory_space<vmem>>, vector<16xf32>,
      %swap3A_299 = arith.index_cast %scan3A_289 : i32 to index
      %swap3A_300 = arith.constant 48 : index
      %swap3A_301 = tpu.vector_load %arg8[%swap3A_299, %swap3A_300] {strides = array<i32>} : memref<128x64xf32, #tpu.memory_space<vmem>>, vector<16xf32>,
      tpu.vector_store %arg8[%swap3A_299, %swap3A_300], %broadcast_in_dim3A_3 {strides = array<i32>} : memref<128x64xf32, #tpu.memory_space<vmem>>, vector<16xf32>,
      %scan3A_302 = arith.constant 0 : i32
      scf.yield %scan3A_302 : i32
    }
    %scan3A_216 = arith.constant 128 : i32
    %scan3A_217 = arith.constant 0 : i32
    %scan3A_218 = arith.constant 0 : i32
    %scan3A_219 = arith.constant 25 : i32
    %scan3A_220 = arith.addi %scan3A_218, %scan3A_219 : i32
    %scan3A_221 = arith.constant 1 : i32
    %scan3A_222 = scf.for %scan3A_289 = %scan3A_218 to %scan3A_220 step %scan3A_221 iter_args(%scan3A_290 = %scan3A_217) -> (i32)  : i32 {
      %mul3A_291 = arith.constant 128 : i32
      %mul3A_292 = arith.muli %scan3A_289, %mul3A_291 : i32
      %dma_start3A = tpu.memref_slice %arg6[%mul3A_292] : memref<3200xi32, #tpu.memory_space<vmem>> -> memref<128xi32, #tpu.memory_space<vmem>>
      %dma_start3A_293 = arith.constant 0 : i32
      %dma_start3A_294 = arith.constant 0 : i32
      %dma_start3A_295 = tpu.memref_slice %arg3[%dma_start3A_293, %dma_start3A_294] : memref<1000000x64xf32, #tpu.memory_space<hbm>> -> memref<1000000x64xf32, #tpu.memory_space<hbm>>
      tpu.enqueue_indirect_dma source(%dma_start3A_295 : memref<1000000x64xf32, #tpu.memory_space<hbm>>) target(%arg8 : memref<128x64xf32, #tpu.memory_space<vmem>>) offsets(%dma_start3A : memref<128xi32, #tpu.memory_space<vmem>>) semaphore(%arg11 : memref<!tpu.dma_semaphore, #tpu.memory_space<semaphore_mem>>) {add = true}
      %scan3A_296 = arith.constant 0 : i32
      scf.yield %scan3A_296 : i32
    }
    %scan3A_223 = arith.constant 25 : i32
    %scan3A_224 = arith.constant 0 : i32
    %scan3A_225 = arith.constant 0 : i32
    %scan3A_226 = arith.constant 25 : i32
    %scan3A_227 = arith.addi %scan3A_225, %scan3A_226 : i32
    %scan3A_228 = arith.constant 1 : i32
    %scan3A_229 = scf.for %scan3A_289 = %scan3A_225 to %scan3A_227 step %scan3A_228 iter_args(%scan3A_290 = %scan3A_224) -> (i32)  : i32 {
      %dma_wait3A = arith.constant 0 : i32
      %dma_wait3A_291 = tpu.memref_slice %arg7[%dma_wait3A] : memref<3200xi32, #tpu.memory_space<vmem>> -> memref<128xi32, #tpu.memory_space<vmem>>
      %dma_wait3A_292 = arith.constant 0 : i32
      %dma_wait3A_293 = arith.constant 0 : i32
      %dma_wait3A_294 = tpu.memref_slice %arg3[%dma_wait3A_292, %dma_wait3A_293] : memref<1000000x64xf32, #tpu.memory_space<hbm>> -> memref<1000000x64xf32, #tpu.memory_space<hbm>>
      tpu.wait_indirect_dma semaphore(%arg12 : memref<!tpu.dma_semaphore, #tpu.memory_space<semaphore_mem>>) src(%dma_wait3A_294 : memref<1000000x64xf32, #tpu.memory_space<hbm>>) dst(%arg9 : memref<128x64xf32, #tpu.memory_space<vmem>>)
      %scan3A_295 = arith.constant 0 : i32
      scf.yield %scan3A_295 : i32
    }
    %scan3A_230 = arith.constant 25 : i32
    %scan3A_231 = arith.constant 0 : i32
    %scan3A_232 = arith.constant 0 : i32
    %scan3A_233 = arith.constant 16 : i32
    %scan3A_234 = arith.addi %scan3A_232, %scan3A_233 : i32
    %scan3A_235 = arith.constant 1 : i32
    %scan3A_236 = scf.for %scan3A_289 = %scan3A_232 to %scan3A_234 step %scan3A_235 iter_args(%scan3A_290 = %scan3A_231) -> (i32)  : i32 {
      %mul3A_291 = arith.constant 8 : i32
      %mul3A_292 = arith.muli %scan3A_289, %mul3A_291 : i32
      %get3A = arith.index_cast %mul3A_292 : i32 to index
      %get3A_293 = arith.constant 0 : index
      %get3A_294 = tpu.vector_load %arg9[%get3A, %get3A_293] {strides = array<i32>} : memref<128x64xf32, #tpu.memory_space<vmem>>, vector<16xf32>,
      %mul3A_295 = arith.constant 8 : i32
      %mul3A_296 = arith.muli %scan3A_289, %mul3A_295 : i32
      %add3A_297 = arith.constant 1 : i32
      %add3A_298 = arith.addi %mul3A_296, %add3A_297 : i32
      %get3A_299 = arith.index_cast %add3A_298 : i32 to index
      %get3A_300 = arith.constant 0 : index
      %get3A_301 = tpu.vector_load %arg9[%get3A_299, %get3A_300] {strides = array<i32>} : memref<128x64xf32, #tpu.memory_space<vmem>>, vector<16xf32>,
      %add3A_302 = arith.addf %get3A_294, %get3A_301 : vector<16xf32>
      %mul3A_303 = arith.constant 8 : i32
      %mul3A_304 = arith.muli %scan3A_289, %mul3A_303 : i32
      %add3A_305 = arith.constant 2 : i32
      %add3A_306 = arith.addi %mul3A_304, %add3A_305 : i32
      %get3A_307 = arith.index_cast %add3A_306 : i32 to index
      %get3A_308 = arith.constant 0 : index
      %get3A_309 = tpu.vector_load %arg9[%get3A_307, %get3A_308] {strides = array<i32>} : memref<128x64xf32, #tpu.memory_space<vmem>>, vector<16xf32>,
      %add3A_310 = arith.addf %add3A_302, %get3A_309 : vector<16xf32>
      %mul3A_311 = arith.constant 8 : i32
      %mul3A_312 = arith.muli %scan3A_289, %mul3A_311 : i32
      %add3A_313 = arith.constant 3 : i32
      %add3A_314 = arith.addi %mul3A_312, %add3A_313 : i32
      %get3A_315 = arith.index_cast %add3A_314 : i32 to index
      %get3A_316 = arith.constant 0 : index
      %get3A_317 = tpu.vector_load %arg9[%get3A_315, %get3A_316] {strides = array<i32>} : memref<128x64xf32, #tpu.memory_space<vmem>>, vector<16xf32>,
      %add3A_318 = arith.addf %add3A_310, %get3A_317 : vector<16xf32>
      %mul3A_319 = arith.constant 8 : i32
      %mul3A_320 = arith.muli %scan3A_289, %mul3A_319 : i32
      %add3A_321 = arith.constant 4 : i32
      %add3A_322 = arith.addi %mul3A_320, %add3A_321 : i32
      %get3A_323 = arith.index_cast %add3A_322 : i32 to index
      %get3A_324 = arith.constant 0 : index
      %get3A_325 = tpu.vector_load %arg9[%get3A_323, %get3A_324] {strides = array<i32>} : memref<128x64xf32, #tpu.memory_space<vmem>>, vector<16xf32>,
      %add3A_326 = arith.addf %add3A_318, %get3A_325 : vector<16xf32>
      %mul3A_327 = arith.constant 8 : i32
      %mul3A_328 = arith.muli %scan3A_289, %mul3A_327 : i32
      %add3A_329 = arith.constant 5 : i32
      %add3A_330 = arith.addi %mul3A_328, %add3A_329 : i32
      %get3A_331 = arith.index_cast %add3A_330 : i32 to index
      %get3A_332 = arith.constant 0 : index
      %get3A_333 = tpu.vector_load %arg9[%get3A_331, %get3A_332] {strides = array<i32>} : memref<128x64xf32, #tpu.memory_space<vmem>>, vector<16xf32>,
      %add3A_334 = arith.addf %add3A_326, %get3A_333 : vector<16xf32>
      %mul3A_335 = arith.constant 8 : i32
      %mul3A_336 = arith.muli %scan3A_289, %mul3A_335 : i32
      %add3A_337 = arith.constant 6 : i32
      %add3A_338 = arith.addi %mul3A_336, %add3A_337 : i32
      %get3A_339 = arith.index_cast %add3A_338 : i32 to index
      %get3A_340 = arith.constant 0 : index
      %get3A_341 = tpu.vector_load %arg9[%get3A_339, %get3A_340] {strides = array<i32>} : memref<128x64xf32, #tpu.memory_space<vmem>>, vector<16xf32>,
      %add3A_342 = arith.addf %add3A_334, %get3A_341 : vector<16xf32>
      %mul3A_343 = arith.constant 8 : i32
      %mul3A_344 = arith.muli %scan3A_289, %mul3A_343 : i32
      %add3A_345 = arith.constant 7 : i32
      %add3A_346 = arith.addi %mul3A_344, %add3A_345 : i32
      %get3A_347 = arith.index_cast %add3A_346 : i32 to index
      %get3A_348 = arith.constant 0 : index
      %get3A_349 = tpu.vector_load %arg9[%get3A_347, %get3A_348] {strides = array<i32>} : memref<128x64xf32, #tpu.memory_space<vmem>>, vector<16xf32>,
      %add3A_350 = arith.addf %add3A_342, %get3A_349 : vector<16xf32>
      %add3A_351 = arith.constant 80 : i32
      %add3A_352 = arith.addi %add3A_351, %scan3A_289 : i32
      %swap3A = arith.index_cast %add3A_352 : i32 to index
      %swap3A_353 = arith.constant 0 : index
      %swap3A_354 = tpu.vector_load %arg10[%swap3A, %swap3A_353] {strides = array<i32>} : memref<128x64xf32, #tpu.memory_space<vmem>>, vector<16xf32>,
      tpu.vector_store %arg10[%swap3A, %swap3A_353], %add3A_350 {strides = array<i32>} : memref<128x64xf32, #tpu.memory_space<vmem>>, vector<16xf32>,
      %mul3A_355 = arith.constant 8 : i32
      %mul3A_356 = arith.muli %scan3A_289, %mul3A_355 : i32
      %get3A_357 = arith.index_cast %mul3A_356 : i32 to index
      %get3A_358 = arith.constant 16 : index
      %get3A_359 = tpu.vector_load %arg9[%get3A_357, %get3A_358] {strides = array<i32>} : memref<128x64xf32, #tpu.memory_space<vmem>>, vector<16xf32>,
      %mul3A_360 = arith.constant 8 : i32
      %mul3A_361 = arith.muli %scan3A_289, %mul3A_360 : i32
      %add3A_362 = arith.constant 1 : i32
      %add3A_363 = arith.addi %mul3A_361, %add3A_362 : i32
      %get3A_364 = arith.index_cast %add3A_363 : i32 to index
      %get3A_365 = arith.constant 16 : index
      %get3A_366 = tpu.vector_load %arg9[%get3A_364, %get3A_365] {strides = array<i32>} : memref<128x64xf32, #tpu.memory_space<vmem>>, vector<16xf32>,
      %add3A_367 = arith.addf %get3A_359, %get3A_366 : vector<16xf32>
      %mul3A_368 = arith.constant 8 : i32
      %mul3A_369 = arith.muli %scan3A_289, %mul3A_368 : i32
      %add3A_370 = arith.constant 2 : i32
      %add3A_371 = arith.addi %mul3A_369, %add3A_370 : i32
      %get3A_372 = arith.index_cast %add3A_371 : i32 to index
      %get3A_373 = arith.constant 16 : index
      %get3A_374 = tpu.vector_load %arg9[%get3A_372, %get3A_373] {strides = array<i32>} : memref<128x64xf32, #tpu.memory_space<vmem>>, vector<16xf32>,
      %add3A_375 = arith.addf %add3A_367, %get3A_374 : vector<16xf32>
      %mul3A_376 = arith.constant 8 : i32
      %mul3A_377 = arith.muli %scan3A_289, %mul3A_376 : i32
      %add3A_378 = arith.constant 3 : i32
      %add3A_379 = arith.addi %mul3A_377, %add3A_378 : i32
      %get3A_380 = arith.index_cast %add3A_379 : i32 to index
      %get3A_381 = arith.constant 16 : index
      %get3A_382 = tpu.vector_load %arg9[%get3A_380, %get3A_381] {strides = array<i32>} : memref<128x64xf32, #tpu.memory_space<vmem>>, vector<16xf32>,
      %add3A_383 = arith.addf %add3A_375, %get3A_382 : vector<16xf32>
      %mul3A_384 = arith.constant 8 : i32
      %mul3A_385 = arith.muli %scan3A_289, %mul3A_384 : i32
      %add3A_386 = arith.constant 4 : i32
      %add3A_387 = arith.addi %mul3A_385, %add3A_386 : i32
      %get3A_388 = arith.index_cast %add3A_387 : i32 to index
      %get3A_389 = arith.constant 16 : index
      %get3A_390 = tpu.vector_load %arg9[%get3A_388, %get3A_389] {strides = array<i32>} : memref<128x64xf32, #tpu.memory_space<vmem>>, vector<16xf32>,
      %add3A_391 = arith.addf %add3A_383, %get3A_390 : vector<16xf32>
      %mul3A_392 = arith.constant 8 : i32
      %mul3A_393 = arith.muli %scan3A_289, %mul3A_392 : i32
      %add3A_394 = arith.constant 5 : i32
      %add3A_395 = arith.addi %mul3A_393, %add3A_394 : i32
      %get3A_396 = arith.index_cast %add3A_395 : i32 to index
      %get3A_397 = arith.constant 16 : index
      %get3A_398 = tpu.vector_load %arg9[%get3A_396, %get3A_397] {strides = array<i32>} : memref<128x64xf32, #tpu.memory_space<vmem>>, vector<16xf32>,
      %add3A_399 = arith.addf %add3A_391, %get3A_398 : vector<16xf32>
      %mul3A_400 = arith.constant 8 : i32
      %mul3A_401 = arith.muli %scan3A_289, %mul3A_400 : i32
      %add3A_402 = arith.constant 6 : i32
      %add3A_403 = arith.addi %mul3A_401, %add3A_402 : i32
      %get3A_404 = arith.index_cast %add3A_403 : i32 to index
      %get3A_405 = arith.constant 16 : index
      %get3A_406 = tpu.vector_load %arg9[%get3A_404, %get3A_405] {strides = array<i32>} : memref<128x64xf32, #tpu.memory_space<vmem>>, vector<16xf32>,
      %add3A_407 = arith.addf %add3A_399, %get3A_406 : vector<16xf32>
      %mul3A_408 = arith.constant 8 : i32
      %mul3A_409 = arith.muli %scan3A_289, %mul3A_408 : i32
      %add3A_410 = arith.constant 7 : i32
      %add3A_411 = arith.addi %mul3A_409, %add3A_410 : i32
      %get3A_412 = arith.index_cast %add3A_411 : i32 to index
      %get3A_413 = arith.constant 16 : index
      %get3A_414 = tpu.vector_load %arg9[%get3A_412, %get3A_413] {strides = array<i32>} : memref<128x64xf32, #tpu.memory_space<vmem>>, vector<16xf32>,
      %add3A_415 = arith.addf %add3A_407, %get3A_414 : vector<16xf32>
      %add3A_416 = arith.constant 80 : i32
      %add3A_417 = arith.addi %add3A_416, %scan3A_289 : i32
      %swap3A_418 = arith.index_cast %add3A_417 : i32 to index
      %swap3A_419 = arith.constant 16 : index
      %swap3A_420 = tpu.vector_load %arg10[%swap3A_418, %swap3A_419] {strides = array<i32>} : memref<128x64xf32, #tpu.memory_space<vmem>>, vector<16xf32>,
      tpu.vector_store %arg10[%swap3A_418, %swap3A_419], %add3A_415 {strides = array<i32>} : memref<128x64xf32, #tpu.memory_space<vmem>>, vector<16xf32>,
      %mul3A_421 = arith.constant 8 : i32
      %mul3A_422 = arith.muli %scan3A_289, %mul3A_421 : i32
      %get3A_423 = arith.index_cast %mul3A_422 : i32 to index
      %get3A_424 = arith.constant 32 : index
      %get3A_425 = tpu.vector_load %arg9[%get3A_423, %get3A_424] {strides = array<i32>} : memref<128x64xf32, #tpu.memory_space<vmem>>, vector<16xf32>,
      %mul3A_426 = arith.constant 8 : i32
      %mul3A_427 = arith.muli %scan3A_289, %mul3A_426 : i32
      %add3A_428 = arith.constant 1 : i32
      %add3A_429 = arith.addi %mul3A_427, %add3A_428 : i32
      %get3A_430 = arith.index_cast %add3A_429 : i32 to index
      %get3A_431 = arith.constant 32 : index
      %get3A_432 = tpu.vector_load %arg9[%get3A_430, %get3A_431] {strides = array<i32>} : memref<128x64xf32, #tpu.memory_space<vmem>>, vector<16xf32>,
      %add3A_433 = arith.addf %get3A_425, %get3A_432 : vector<16xf32>
      %mul3A_434 = arith.constant 8 : i32
      %mul3A_435 = arith.muli %scan3A_289, %mul3A_434 : i32
      %add3A_436 = arith.constant 2 : i32
      %add3A_437 = arith.addi %mul3A_435, %add3A_436 : i32
      %get3A_438 = arith.index_cast %add3A_437 : i32 to index
      %get3A_439 = arith.constant 32 : index
      %get3A_440 = tpu.vector_load %arg9[%get3A_438, %get3A_439] {strides = array<i32>} : memref<128x64xf32, #tpu.memory_space<vmem>>, vector<16xf32>,
      %add3A_441 = arith.addf %add3A_433, %get3A_440 : vector<16xf32>
      %mul3A_442 = arith.constant 8 : i32
      %mul3A_443 = arith.muli %scan3A_289, %mul3A_442 : i32
      %add3A_444 = arith.constant 3 : i32
      %add3A_445 = arith.addi %mul3A_443, %add3A_444 : i32
      %get3A_446 = arith.index_cast %add3A_445 : i32 to index
      %get3A_447 = arith.constant 32 : index
      %get3A_448 = tpu.vector_load %arg9[%get3A_446, %get3A_447] {strides = array<i32>} : memref<128x64xf32, #tpu.memory_space<vmem>>, vector<16xf32>,
      %add3A_449 = arith.addf %add3A_441, %get3A_448 : vector<16xf32>
      %mul3A_450 = arith.constant 8 : i32
      %mul3A_451 = arith.muli %scan3A_289, %mul3A_450 : i32
      %add3A_452 = arith.constant 4 : i32
      %add3A_453 = arith.addi %mul3A_451, %add3A_452 : i32
      %get3A_454 = arith.index_cast %add3A_453 : i32 to index
      %get3A_455 = arith.constant 32 : index
      %get3A_456 = tpu.vector_load %arg9[%get3A_454, %get3A_455] {strides = array<i32>} : memref<128x64xf32, #tpu.memory_space<vmem>>, vector<16xf32>,
      %add3A_457 = arith.addf %add3A_449, %get3A_456 : vector<16xf32>
      %mul3A_458 = arith.constant 8 : i32
      %mul3A_459 = arith.muli %scan3A_289, %mul3A_458 : i32
      %add3A_460 = arith.constant 5 : i32
      %add3A_461 = arith.addi %mul3A_459, %add3A_460 : i32
      %get3A_462 = arith.index_cast %add3A_461 : i32 to index
      %get3A_463 = arith.constant 32 : index
      %get3A_464 = tpu.vector_load %arg9[%get3A_462, %get3A_463] {strides = array<i32>} : memref<128x64xf32, #tpu.memory_space<vmem>>, vector<16xf32>,
      %add3A_465 = arith.addf %add3A_457, %get3A_464 : vector<16xf32>
      %mul3A_466 = arith.constant 8 : i32
      %mul3A_467 = arith.muli %scan3A_289, %mul3A_466 : i32
      %add3A_468 = arith.constant 6 : i32
      %add3A_469 = arith.addi %mul3A_467, %add3A_468 : i32
      %get3A_470 = arith.index_cast %add3A_469 : i32 to index
      %get3A_471 = arith.constant 32 : index
      %get3A_472 = tpu.vector_load %arg9[%get3A_470, %get3A_471] {strides = array<i32>} : memref<128x64xf32, #tpu.memory_space<vmem>>, vector<16xf32>,
      %add3A_473 = arith.addf %add3A_465, %get3A_472 : vector<16xf32>
      %mul3A_474 = arith.constant 8 : i32
      %mul3A_475 = arith.muli %scan3A_289, %mul3A_474 : i32
      %add3A_476 = arith.constant 7 : i32
      %add3A_477 = arith.addi %mul3A_475, %add3A_476 : i32
      %get3A_478 = arith.index_cast %add3A_477 : i32 to index
      %get3A_479 = arith.constant 32 : index
      %get3A_480 = tpu.vector_load %arg9[%get3A_478, %get3A_479] {strides = array<i32>} : memref<128x64xf32, #tpu.memory_space<vmem>>, vector<16xf32>,
      %add3A_481 = arith.addf %add3A_473, %get3A_480 : vector<16xf32>
      %add3A_482 = arith.constant 80 : i32
      %add3A_483 = arith.addi %add3A_482, %scan3A_289 : i32
      %swap3A_484 = arith.index_cast %add3A_483 : i32 to index
      %swap3A_485 = arith.constant 32 : index
      %swap3A_486 = tpu.vector_load %arg10[%swap3A_484, %swap3A_485] {strides = array<i32>} : memref<128x64xf32, #tpu.memory_space<vmem>>, vector<16xf32>,
      tpu.vector_store %arg10[%swap3A_484, %swap3A_485], %add3A_481 {strides = array<i32>} : memref<128x64xf32, #tpu.memory_space<vmem>>, vector<16xf32>,
      %mul3A_487 = arith.constant 8 : i32
      %mul3A_488 = arith.muli %scan3A_289, %mul3A_487 : i32
      %get3A_489 = arith.index_cast %mul3A_488 : i32 to index
      %get3A_490 = arith.constant 48 : index
      %get3A_491 = tpu.vector_load %arg9[%get3A_489, %get3A_490] {strides = array<i32>} : memref<128x64xf32, #tpu.memory_space<vmem>>, vector<16xf32>,
      %mul3A_492 = arith.constant 8 : i32
      %mul3A_493 = arith.muli %scan3A_289, %mul3A_492 : i32
      %add3A_494 = arith.constant 1 : i32
      %add3A_495 = arith.addi %mul3A_493, %add3A_494 : i32
      %get3A_496 = arith.index_cast %add3A_495 : i32 to index
      %get3A_497 = arith.constant 48 : index
      %get3A_498 = tpu.vector_load %arg9[%get3A_496, %get3A_497] {strides = array<i32>} : memref<128x64xf32, #tpu.memory_space<vmem>>, vector<16xf32>,
      %add3A_499 = arith.addf %get3A_491, %get3A_498 : vector<16xf32>
      %mul3A_500 = arith.constant 8 : i32
      %mul3A_501 = arith.muli %scan3A_289, %mul3A_500 : i32
      %add3A_502 = arith.constant 2 : i32
      %add3A_503 = arith.addi %mul3A_501, %add3A_502 : i32
      %get3A_504 = arith.index_cast %add3A_503 : i32 to index
      %get3A_505 = arith.constant 48 : index
      %get3A_506 = tpu.vector_load %arg9[%get3A_504, %get3A_505] {strides = array<i32>} : memref<128x64xf32, #tpu.memory_space<vmem>>, vector<16xf32>,
      %add3A_507 = arith.addf %add3A_499, %get3A_506 : vector<16xf32>
      %mul3A_508 = arith.constant 8 : i32
      %mul3A_509 = arith.muli %scan3A_289, %mul3A_508 : i32
      %add3A_510 = arith.constant 3 : i32
      %add3A_511 = arith.addi %mul3A_509, %add3A_510 : i32
      %get3A_512 = arith.index_cast %add3A_511 : i32 to index
      %get3A_513 = arith.constant 48 : index
      %get3A_514 = tpu.vector_load %arg9[%get3A_512, %get3A_513] {strides = array<i32>} : memref<128x64xf32, #tpu.memory_space<vmem>>, vector<16xf32>,
      %add3A_515 = arith.addf %add3A_507, %get3A_514 : vector<16xf32>
      %mul3A_516 = arith.constant 8 : i32
      %mul3A_517 = arith.muli %scan3A_289, %mul3A_516 : i32
      %add3A_518 = arith.constant 4 : i32
      %add3A_519 = arith.addi %mul3A_517, %add3A_518 : i32
      %get3A_520 = arith.index_cast %add3A_519 : i32 to index
      %get3A_521 = arith.constant 48 : index
      %get3A_522 = tpu.vector_load %arg9[%get3A_520, %get3A_521] {strides = array<i32>} : memref<128x64xf32, #tpu.memory_space<vmem>>, vector<16xf32>,
      %add3A_523 = arith.addf %add3A_515, %get3A_522 : vector<16xf32>
      %mul3A_524 = arith.constant 8 : i32
      %mul3A_525 = arith.muli %scan3A_289, %mul3A_524 : i32
      %add3A_526 = arith.constant 5 : i32
      %add3A_527 = arith.addi %mul3A_525, %add3A_526 : i32
      %get3A_528 = arith.index_cast %add3A_527 : i32 to index
      %get3A_529 = arith.constant 48 : index
      %get3A_530 = tpu.vector_load %arg9[%get3A_528, %get3A_529] {strides = array<i32>} : memref<128x64xf32, #tpu.memory_space<vmem>>, vector<16xf32>,
      %add3A_531 = arith.addf %add3A_523, %get3A_530 : vector<16xf32>
      %mul3A_532 = arith.constant 8 : i32
      %mul3A_533 = arith.muli %scan3A_289, %mul3A_532 : i32
      %add3A_534 = arith.constant 6 : i32
      %add3A_535 = arith.addi %mul3A_533, %add3A_534 : i32
      %get3A_536 = arith.index_cast %add3A_535 : i32 to index
      %get3A_537 = arith.constant 48 : index
      %get3A_538 = tpu.vector_load %arg9[%get3A_536, %get3A_537] {strides = array<i32>} : memref<128x64xf32, #tpu.memory_space<vmem>>, vector<16xf32>,
      %add3A_539 = arith.addf %add3A_531, %get3A_538 : vector<16xf32>
      %mul3A_540 = arith.constant 8 : i32
      %mul3A_541 = arith.muli %scan3A_289, %mul3A_540 : i32
      %add3A_542 = arith.constant 7 : i32
      %add3A_543 = arith.addi %mul3A_541, %add3A_542 : i32
      %get3A_544 = arith.index_cast %add3A_543 : i32 to index
      %get3A_545 = arith.constant 48 : index
      %get3A_546 = tpu.vector_load %arg9[%get3A_544, %get3A_545] {strides = array<i32>} : memref<128x64xf32, #tpu.memory_space<vmem>>, vector<16xf32>,
      %add3A_547 = arith.addf %add3A_539, %get3A_546 : vector<16xf32>
      %add3A_548 = arith.constant 80 : i32
      %add3A_549 = arith.addi %add3A_548, %scan3A_289 : i32
      %swap3A_550 = arith.index_cast %add3A_549 : i32 to index
      %swap3A_551 = arith.constant 48 : index
      %swap3A_552 = tpu.vector_load %arg10[%swap3A_550, %swap3A_551] {strides = array<i32>} : memref<128x64xf32, #tpu.memory_space<vmem>>, vector<16xf32>,
      tpu.vector_store %arg10[%swap3A_550, %swap3A_551], %add3A_547 {strides = array<i32>} : memref<128x64xf32, #tpu.memory_space<vmem>>, vector<16xf32>,
      %scan3A_553 = arith.constant 0 : i32
      scf.yield %scan3A_553 : i32
    }
    %scan3A_237 = arith.constant 16 : i32
    %scan3A_238 = arith.constant 0 : i32
    %scan3A_239 = arith.constant 0 : i32
    %scan3A_240 = arith.constant 25 : i32
    %scan3A_241 = arith.addi %scan3A_239, %scan3A_240 : i32
    %scan3A_242 = arith.constant 1 : i32
    %scan3A_243 = scf.for %scan3A_289 = %scan3A_239 to %scan3A_241 step %scan3A_242 iter_args(%scan3A_290 = %scan3A_238) -> (i32)  : i32 {
      %scan3A_291 = arith.constant 0 : i32
      %scan3A_292 = arith.constant 0 : i32
      %scan3A_293 = arith.constant 8 : i32
      %scan3A_294 = arith.addi %scan3A_292, %scan3A_293 : i32
      %scan3A_295 = arith.constant 1 : i32
      %scan3A_296 = scf.for %scan3A_299 = %scan3A_292 to %scan3A_294 step %scan3A_295 iter_args(%scan3A_300 = %scan3A_291) -> (i32)  : i32 {
        %mul3A_301 = arith.constant 2 : i32
        %mul3A_302 = arith.muli %scan3A_299, %mul3A_301 : i32
        %add3A_303 = arith.constant 112 : i32
        %add3A_304 = arith.addi %add3A_303, %mul3A_302 : i32
        %add3A_305 = vector.broadcast %add3A_304 : i32 to vector<16xi32>
        %add3A_306 = arith.addi %add3A_305, %shift_right_arithmetic3A_5 : vector<16xi32>
        %mul3A_307 = arith.constant 200 : i32
        %mul3A_308 = vector.broadcast %mul3A_307 : i32 to vector<16xi32>
        %mul3A_309 = arith.muli %add3A_306, %mul3A_308 : vector<16xi32>
        %mul3A_310 = arith.constant 8 : i32
        %mul3A_311 = arith.muli %scan3A_289, %mul3A_310 : i32
        %add3A_312 = vector.broadcast %mul3A_311 : i32 to vector<16xi32>
        %add3A_313 = arith.addi %mul3A_309, %add3A_312 : vector<16xi32>
        %add3A_314 = arith.addi %add3A_313, %and3A_7 : vector<16xi32>
        %shift_right_arithmetic3A_315 = arith.constant 7 : i32
        %shift_right_arithmetic3A_316 = vector.broadcast %shift_right_arithmetic3A_315 : i32 to vector<16xi32>
        %shift_right_arithmetic3A_317 = arith.shrsi %add3A_314, %shift_right_arithmetic3A_316 : vector<16xi32>
        %and3A_318 = arith.constant 127 : i32
        %and3A_319 = vector.broadcast %and3A_318 : i32 to vector<16xi32>
        %and3A_320 = arith.andi %add3A_314, %and3A_319 : vector<16xi32>
        %gather3A = tpu.vector_load_idx %arg5[%shift_right_arithmetic3A_317, %and3A_320] : memref<200x128xi32, #tpu.memory_space<vmem>>[vector<16xi32>, vector<16xi32>], vector<16xi32>,
        %mul3A_321 = arith.constant 128 : i32
        %mul3A_322 = arith.muli %scan3A_289, %mul3A_321 : i32
        %mul3A_323 = arith.constant 16 : i32
        %mul3A_324 = arith.muli %scan3A_299, %mul3A_323 : i32
        %add3A_325 = arith.addi %mul3A_322, %mul3A_324 : i32
        %swap3A = arith.index_cast %add3A_325 : i32 to index
        %swap3A_326 = tpu.vector_load %arg7[%swap3A] {strides = array<i32>} : memref<3200xi32, #tpu.memory_space<vmem>>, vector<16xi32>,
        tpu.vector_store %arg7[%swap3A], %gather3A {strides = array<i32>} : memref<3200xi32, #tpu.memory_space<vmem>>, vector<16xi32>,
        %scan3A_327 = arith.constant 0 : i32
        scf.yield %scan3A_327 : i32
      }
      %scan3A_297 = arith.constant 8 : i32
      %scan3A_298 = arith.constant 0 : i32
      scf.yield %scan3A_298 : i32
    }
    %scan3A_244 = arith.constant 25 : i32
    %scan3A_245 = arith.constant 0 : i32
    %scan3A_246 = arith.constant 0 : i32
    %scan3A_247 = arith.constant 128 : i32
    %scan3A_248 = arith.addi %scan3A_246, %scan3A_247 : i32
    %scan3A_249 = arith.constant 1 : i32
    %scan3A_250 = scf.for %scan3A_289 = %scan3A_246 to %scan3A_248 step %scan3A_249 iter_args(%scan3A_290 = %scan3A_245) -> (i32)  : i32 {
      %swap3A = arith.index_cast %scan3A_289 : i32 to index
      %swap3A_291 = arith.constant 0 : index
      %swap3A_292 = tpu.vector_load %arg9[%swap3A, %swap3A_291] {strides = array<i32>} : memref<128x64xf32, #tpu.memory_space<vmem>>, vector<16xf32>,
      tpu.vector_store %arg9[%swap3A, %swap3A_291], %broadcast_in_dim3A_3 {strides = array<i32>} : memref<128x64xf32, #tpu.memory_space<vmem>>, vector<16xf32>,
      %swap3A_293 = arith.index_cast %scan3A_289 : i32 to index
      %swap3A_294 = arith.constant 16 : index
      %swap3A_295 = tpu.vector_load %arg9[%swap3A_293, %swap3A_294] {strides = array<i32>} : memref<128x64xf32, #tpu.memory_space<vmem>>, vector<16xf32>,
      tpu.vector_store %arg9[%swap3A_293, %swap3A_294], %broadcast_in_dim3A_3 {strides = array<i32>} : memref<128x64xf32, #tpu.memory_space<vmem>>, vector<16xf32>,
      %swap3A_296 = arith.index_cast %scan3A_289 : i32 to index
      %swap3A_297 = arith.constant 32 : index
      %swap3A_298 = tpu.vector_load %arg9[%swap3A_296, %swap3A_297] {strides = array<i32>} : memref<128x64xf32, #tpu.memory_space<vmem>>, vector<16xf32>,
      tpu.vector_store %arg9[%swap3A_296, %swap3A_297], %broadcast_in_dim3A_3 {strides = array<i32>} : memref<128x64xf32, #tpu.memory_space<vmem>>, vector<16xf32>,
      %swap3A_299 = arith.index_cast %scan3A_289 : i32 to index
      %swap3A_300 = arith.constant 48 : index
      %swap3A_301 = tpu.vector_load %arg9[%swap3A_299, %swap3A_300] {strides = array<i32>} : memref<128x64xf32, #tpu.memory_space<vmem>>, vector<16xf32>,
      tpu.vector_store %arg9[%swap3A_299, %swap3A_300], %broadcast_in_dim3A_3 {strides = array<i32>} : memref<128x64xf32, #tpu.memory_space<vmem>>, vector<16xf32>,
      %scan3A_302 = arith.constant 0 : i32
      scf.yield %scan3A_302 : i32
    }
    %scan3A_251 = arith.constant 128 : i32
    %scan3A_252 = arith.constant 0 : i32
    %scan3A_253 = arith.constant 0 : i32
    %scan3A_254 = arith.constant 25 : i32
    %scan3A_255 = arith.addi %scan3A_253, %scan3A_254 : i32
    %scan3A_256 = arith.constant 1 : i32
    %scan3A_257 = scf.for %scan3A_289 = %scan3A_253 to %scan3A_255 step %scan3A_256 iter_args(%scan3A_290 = %scan3A_252) -> (i32)  : i32 {
      %mul3A_291 = arith.constant 128 : i32
      %mul3A_292 = arith.muli %scan3A_289, %mul3A_291 : i32
      %dma_start3A = tpu.memref_slice %arg7[%mul3A_292] : memref<3200xi32, #tpu.memory_space<vmem>> -> memref<128xi32, #tpu.memory_space<vmem>>
      %dma_start3A_293 = arith.constant 0 : i32
      %dma_start3A_294 = arith.constant 0 : i32
      %dma_start3A_295 = tpu.memref_slice %arg3[%dma_start3A_293, %dma_start3A_294] : memref<1000000x64xf32, #tpu.memory_space<hbm>> -> memref<1000000x64xf32, #tpu.memory_space<hbm>>
      tpu.enqueue_indirect_dma source(%dma_start3A_295 : memref<1000000x64xf32, #tpu.memory_space<hbm>>) target(%arg9 : memref<128x64xf32, #tpu.memory_space<vmem>>) offsets(%dma_start3A : memref<128xi32, #tpu.memory_space<vmem>>) semaphore(%arg12 : memref<!tpu.dma_semaphore, #tpu.memory_space<semaphore_mem>>) {add = true}
      %scan3A_296 = arith.constant 0 : i32
      scf.yield %scan3A_296 : i32
    }
    %scan3A_258 = arith.constant 25 : i32
    %scan3A_259 = arith.constant 0 : i32
    %scan3A_260 = arith.constant 0 : i32
    %scan3A_261 = arith.constant 25 : i32
    %scan3A_262 = arith.addi %scan3A_260, %scan3A_261 : i32
    %scan3A_263 = arith.constant 1 : i32
    %scan3A_264 = scf.for %scan3A_289 = %scan3A_260 to %scan3A_262 step %scan3A_263 iter_args(%scan3A_290 = %scan3A_259) -> (i32)  : i32 {
      %dma_wait3A = arith.constant 0 : i32
      %dma_wait3A_291 = tpu.memref_slice %arg6[%dma_wait3A] : memref<3200xi32, #tpu.memory_space<vmem>> -> memref<128xi32, #tpu.memory_space<vmem>>
      %dma_wait3A_292 = arith.constant 0 : i32
      %dma_wait3A_293 = arith.constant 0 : i32
      %dma_wait3A_294 = tpu.memref_slice %arg3[%dma_wait3A_292, %dma_wait3A_293] : memref<1000000x64xf32, #tpu.memory_space<hbm>> -> memref<1000000x64xf32, #tpu.memory_space<hbm>>
      tpu.wait_indirect_dma semaphore(%arg11 : memref<!tpu.dma_semaphore, #tpu.memory_space<semaphore_mem>>) src(%dma_wait3A_294 : memref<1000000x64xf32, #tpu.memory_space<hbm>>) dst(%arg8 : memref<128x64xf32, #tpu.memory_space<vmem>>)
      %scan3A_295 = arith.constant 0 : i32
      scf.yield %scan3A_295 : i32
    }
    %scan3A_265 = arith.constant 25 : i32
    %scan3A_266 = arith.constant 0 : i32
    %scan3A_267 = arith.constant 0 : i32
    %scan3A_268 = arith.constant 16 : i32
    %scan3A_269 = arith.addi %scan3A_267, %scan3A_268 : i32
    %scan3A_270 = arith.constant 1 : i32
    %scan3A_271 = scf.for %scan3A_289 = %scan3A_267 to %scan3A_269 step %scan3A_270 iter_args(%scan3A_290 = %scan3A_266) -> (i32)  : i32 {
      %mul3A_291 = arith.constant 8 : i32
      %mul3A_292 = arith.muli %scan3A_289, %mul3A_291 : i32
      %get3A = arith.index_cast %mul3A_292 : i32 to index
      %get3A_293 = arith.constant 0 : index
      %get3A_294 = tpu.vector_load %arg8[%get3A, %get3A_293] {strides = array<i32>} : memref<128x64xf32, #tpu.memory_space<vmem>>, vector<16xf32>,
      %mul3A_295 = arith.constant 8 : i32
      %mul3A_296 = arith.muli %scan3A_289, %mul3A_295 : i32
      %add3A_297 = arith.constant 1 : i32
      %add3A_298 = arith.addi %mul3A_296, %add3A_297 : i32
      %get3A_299 = arith.index_cast %add3A_298 : i32 to index
      %get3A_300 = arith.constant 0 : index
      %get3A_301 = tpu.vector_load %arg8[%get3A_299, %get3A_300] {strides = array<i32>} : memref<128x64xf32, #tpu.memory_space<vmem>>, vector<16xf32>,
      %add3A_302 = arith.addf %get3A_294, %get3A_301 : vector<16xf32>
      %mul3A_303 = arith.constant 8 : i32
      %mul3A_304 = arith.muli %scan3A_289, %mul3A_303 : i32
      %add3A_305 = arith.constant 2 : i32
      %add3A_306 = arith.addi %mul3A_304, %add3A_305 : i32
      %get3A_307 = arith.index_cast %add3A_306 : i32 to index
      %get3A_308 = arith.constant 0 : index
      %get3A_309 = tpu.vector_load %arg8[%get3A_307, %get3A_308] {strides = array<i32>} : memref<128x64xf32, #tpu.memory_space<vmem>>, vector<16xf32>,
      %add3A_310 = arith.addf %add3A_302, %get3A_309 : vector<16xf32>
      %mul3A_311 = arith.constant 8 : i32
      %mul3A_312 = arith.muli %scan3A_289, %mul3A_311 : i32
      %add3A_313 = arith.constant 3 : i32
      %add3A_314 = arith.addi %mul3A_312, %add3A_313 : i32
      %get3A_315 = arith.index_cast %add3A_314 : i32 to index
      %get3A_316 = arith.constant 0 : index
      %get3A_317 = tpu.vector_load %arg8[%get3A_315, %get3A_316] {strides = array<i32>} : memref<128x64xf32, #tpu.memory_space<vmem>>, vector<16xf32>,
      %add3A_318 = arith.addf %add3A_310, %get3A_317 : vector<16xf32>
      %mul3A_319 = arith.constant 8 : i32
      %mul3A_320 = arith.muli %scan3A_289, %mul3A_319 : i32
      %add3A_321 = arith.constant 4 : i32
      %add3A_322 = arith.addi %mul3A_320, %add3A_321 : i32
      %get3A_323 = arith.index_cast %add3A_322 : i32 to index
      %get3A_324 = arith.constant 0 : index
      %get3A_325 = tpu.vector_load %arg8[%get3A_323, %get3A_324] {strides = array<i32>} : memref<128x64xf32, #tpu.memory_space<vmem>>, vector<16xf32>,
      %add3A_326 = arith.addf %add3A_318, %get3A_325 : vector<16xf32>
      %mul3A_327 = arith.constant 8 : i32
      %mul3A_328 = arith.muli %scan3A_289, %mul3A_327 : i32
      %add3A_329 = arith.constant 5 : i32
      %add3A_330 = arith.addi %mul3A_328, %add3A_329 : i32
      %get3A_331 = arith.index_cast %add3A_330 : i32 to index
      %get3A_332 = arith.constant 0 : index
      %get3A_333 = tpu.vector_load %arg8[%get3A_331, %get3A_332] {strides = array<i32>} : memref<128x64xf32, #tpu.memory_space<vmem>>, vector<16xf32>,
      %add3A_334 = arith.addf %add3A_326, %get3A_333 : vector<16xf32>
      %mul3A_335 = arith.constant 8 : i32
      %mul3A_336 = arith.muli %scan3A_289, %mul3A_335 : i32
      %add3A_337 = arith.constant 6 : i32
      %add3A_338 = arith.addi %mul3A_336, %add3A_337 : i32
      %get3A_339 = arith.index_cast %add3A_338 : i32 to index
      %get3A_340 = arith.constant 0 : index
      %get3A_341 = tpu.vector_load %arg8[%get3A_339, %get3A_340] {strides = array<i32>} : memref<128x64xf32, #tpu.memory_space<vmem>>, vector<16xf32>,
      %add3A_342 = arith.addf %add3A_334, %get3A_341 : vector<16xf32>
      %mul3A_343 = arith.constant 8 : i32
      %mul3A_344 = arith.muli %scan3A_289, %mul3A_343 : i32
      %add3A_345 = arith.constant 7 : i32
      %add3A_346 = arith.addi %mul3A_344, %add3A_345 : i32
      %get3A_347 = arith.index_cast %add3A_346 : i32 to index
      %get3A_348 = arith.constant 0 : index
      %get3A_349 = tpu.vector_load %arg8[%get3A_347, %get3A_348] {strides = array<i32>} : memref<128x64xf32, #tpu.memory_space<vmem>>, vector<16xf32>,
      %add3A_350 = arith.addf %add3A_342, %get3A_349 : vector<16xf32>
      %add3A_351 = arith.constant 96 : i32
      %add3A_352 = arith.addi %add3A_351, %scan3A_289 : i32
      %swap3A = arith.index_cast %add3A_352 : i32 to index
      %swap3A_353 = arith.constant 0 : index
      %swap3A_354 = tpu.vector_load %arg10[%swap3A, %swap3A_353] {strides = array<i32>} : memref<128x64xf32, #tpu.memory_space<vmem>>, vector<16xf32>,
      tpu.vector_store %arg10[%swap3A, %swap3A_353], %add3A_350 {strides = array<i32>} : memref<128x64xf32, #tpu.memory_space<vmem>>, vector<16xf32>,
      %mul3A_355 = arith.constant 8 : i32
      %mul3A_356 = arith.muli %scan3A_289, %mul3A_355 : i32
      %get3A_357 = arith.index_cast %mul3A_356 : i32 to index
      %get3A_358 = arith.constant 16 : index
      %get3A_359 = tpu.vector_load %arg8[%get3A_357, %get3A_358] {strides = array<i32>} : memref<128x64xf32, #tpu.memory_space<vmem>>, vector<16xf32>,
      %mul3A_360 = arith.constant 8 : i32
      %mul3A_361 = arith.muli %scan3A_289, %mul3A_360 : i32
      %add3A_362 = arith.constant 1 : i32
      %add3A_363 = arith.addi %mul3A_361, %add3A_362 : i32
      %get3A_364 = arith.index_cast %add3A_363 : i32 to index
      %get3A_365 = arith.constant 16 : index
      %get3A_366 = tpu.vector_load %arg8[%get3A_364, %get3A_365] {strides = array<i32>} : memref<128x64xf32, #tpu.memory_space<vmem>>, vector<16xf32>,
      %add3A_367 = arith.addf %get3A_359, %get3A_366 : vector<16xf32>
      %mul3A_368 = arith.constant 8 : i32
      %mul3A_369 = arith.muli %scan3A_289, %mul3A_368 : i32
      %add3A_370 = arith.constant 2 : i32
      %add3A_371 = arith.addi %mul3A_369, %add3A_370 : i32
      %get3A_372 = arith.index_cast %add3A_371 : i32 to index
      %get3A_373 = arith.constant 16 : index
      %get3A_374 = tpu.vector_load %arg8[%get3A_372, %get3A_373] {strides = array<i32>} : memref<128x64xf32, #tpu.memory_space<vmem>>, vector<16xf32>,
      %add3A_375 = arith.addf %add3A_367, %get3A_374 : vector<16xf32>
      %mul3A_376 = arith.constant 8 : i32
      %mul3A_377 = arith.muli %scan3A_289, %mul3A_376 : i32
      %add3A_378 = arith.constant 3 : i32
      %add3A_379 = arith.addi %mul3A_377, %add3A_378 : i32
      %get3A_380 = arith.index_cast %add3A_379 : i32 to index
      %get3A_381 = arith.constant 16 : index
      %get3A_382 = tpu.vector_load %arg8[%get3A_380, %get3A_381] {strides = array<i32>} : memref<128x64xf32, #tpu.memory_space<vmem>>, vector<16xf32>,
      %add3A_383 = arith.addf %add3A_375, %get3A_382 : vector<16xf32>
      %mul3A_384 = arith.constant 8 : i32
      %mul3A_385 = arith.muli %scan3A_289, %mul3A_384 : i32
      %add3A_386 = arith.constant 4 : i32
      %add3A_387 = arith.addi %mul3A_385, %add3A_386 : i32
      %get3A_388 = arith.index_cast %add3A_387 : i32 to index
      %get3A_389 = arith.constant 16 : index
      %get3A_390 = tpu.vector_load %arg8[%get3A_388, %get3A_389] {strides = array<i32>} : memref<128x64xf32, #tpu.memory_space<vmem>>, vector<16xf32>,
      %add3A_391 = arith.addf %add3A_383, %get3A_390 : vector<16xf32>
      %mul3A_392 = arith.constant 8 : i32
      %mul3A_393 = arith.muli %scan3A_289, %mul3A_392 : i32
      %add3A_394 = arith.constant 5 : i32
      %add3A_395 = arith.addi %mul3A_393, %add3A_394 : i32
      %get3A_396 = arith.index_cast %add3A_395 : i32 to index
      %get3A_397 = arith.constant 16 : index
      %get3A_398 = tpu.vector_load %arg8[%get3A_396, %get3A_397] {strides = array<i32>} : memref<128x64xf32, #tpu.memory_space<vmem>>, vector<16xf32>,
      %add3A_399 = arith.addf %add3A_391, %get3A_398 : vector<16xf32>
      %mul3A_400 = arith.constant 8 : i32
      %mul3A_401 = arith.muli %scan3A_289, %mul3A_400 : i32
      %add3A_402 = arith.constant 6 : i32
      %add3A_403 = arith.addi %mul3A_401, %add3A_402 : i32
      %get3A_404 = arith.index_cast %add3A_403 : i32 to index
      %get3A_405 = arith.constant 16 : index
      %get3A_406 = tpu.vector_load %arg8[%get3A_404, %get3A_405] {strides = array<i32>} : memref<128x64xf32, #tpu.memory_space<vmem>>, vector<16xf32>,
      %add3A_407 = arith.addf %add3A_399, %get3A_406 : vector<16xf32>
      %mul3A_408 = arith.constant 8 : i32
      %mul3A_409 = arith.muli %scan3A_289, %mul3A_408 : i32
      %add3A_410 = arith.constant 7 : i32
      %add3A_411 = arith.addi %mul3A_409, %add3A_410 : i32
      %get3A_412 = arith.index_cast %add3A_411 : i32 to index
      %get3A_413 = arith.constant 16 : index
      %get3A_414 = tpu.vector_load %arg8[%get3A_412, %get3A_413] {strides = array<i32>} : memref<128x64xf32, #tpu.memory_space<vmem>>, vector<16xf32>,
      %add3A_415 = arith.addf %add3A_407, %get3A_414 : vector<16xf32>
      %add3A_416 = arith.constant 96 : i32
      %add3A_417 = arith.addi %add3A_416, %scan3A_289 : i32
      %swap3A_418 = arith.index_cast %add3A_417 : i32 to index
      %swap3A_419 = arith.constant 16 : index
      %swap3A_420 = tpu.vector_load %arg10[%swap3A_418, %swap3A_419] {strides = array<i32>} : memref<128x64xf32, #tpu.memory_space<vmem>>, vector<16xf32>,
      tpu.vector_store %arg10[%swap3A_418, %swap3A_419], %add3A_415 {strides = array<i32>} : memref<128x64xf32, #tpu.memory_space<vmem>>, vector<16xf32>,
      %mul3A_421 = arith.constant 8 : i32
      %mul3A_422 = arith.muli %scan3A_289, %mul3A_421 : i32
      %get3A_423 = arith.index_cast %mul3A_422 : i32 to index
      %get3A_424 = arith.constant 32 : index
      %get3A_425 = tpu.vector_load %arg8[%get3A_423, %get3A_424] {strides = array<i32>} : memref<128x64xf32, #tpu.memory_space<vmem>>, vector<16xf32>,
      %mul3A_426 = arith.constant 8 : i32
      %mul3A_427 = arith.muli %scan3A_289, %mul3A_426 : i32
      %add3A_428 = arith.constant 1 : i32
      %add3A_429 = arith.addi %mul3A_427, %add3A_428 : i32
      %get3A_430 = arith.index_cast %add3A_429 : i32 to index
      %get3A_431 = arith.constant 32 : index
      %get3A_432 = tpu.vector_load %arg8[%get3A_430, %get3A_431] {strides = array<i32>} : memref<128x64xf32, #tpu.memory_space<vmem>>, vector<16xf32>,
      %add3A_433 = arith.addf %get3A_425, %get3A_432 : vector<16xf32>
      %mul3A_434 = arith.constant 8 : i32
      %mul3A_435 = arith.muli %scan3A_289, %mul3A_434 : i32
      %add3A_436 = arith.constant 2 : i32
      %add3A_437 = arith.addi %mul3A_435, %add3A_436 : i32
      %get3A_438 = arith.index_cast %add3A_437 : i32 to index
      %get3A_439 = arith.constant 32 : index
      %get3A_440 = tpu.vector_load %arg8[%get3A_438, %get3A_439] {strides = array<i32>} : memref<128x64xf32, #tpu.memory_space<vmem>>, vector<16xf32>,
      %add3A_441 = arith.addf %add3A_433, %get3A_440 : vector<16xf32>
      %mul3A_442 = arith.constant 8 : i32
      %mul3A_443 = arith.muli %scan3A_289, %mul3A_442 : i32
      %add3A_444 = arith.constant 3 : i32
      %add3A_445 = arith.addi %mul3A_443, %add3A_444 : i32
      %get3A_446 = arith.index_cast %add3A_445 : i32 to index
      %get3A_447 = arith.constant 32 : index
      %get3A_448 = tpu.vector_load %arg8[%get3A_446, %get3A_447] {strides = array<i32>} : memref<128x64xf32, #tpu.memory_space<vmem>>, vector<16xf32>,
      %add3A_449 = arith.addf %add3A_441, %get3A_448 : vector<16xf32>
      %mul3A_450 = arith.constant 8 : i32
      %mul3A_451 = arith.muli %scan3A_289, %mul3A_450 : i32
      %add3A_452 = arith.constant 4 : i32
      %add3A_453 = arith.addi %mul3A_451, %add3A_452 : i32
      %get3A_454 = arith.index_cast %add3A_453 : i32 to index
      %get3A_455 = arith.constant 32 : index
      %get3A_456 = tpu.vector_load %arg8[%get3A_454, %get3A_455] {strides = array<i32>} : memref<128x64xf32, #tpu.memory_space<vmem>>, vector<16xf32>,
      %add3A_457 = arith.addf %add3A_449, %get3A_456 : vector<16xf32>
      %mul3A_458 = arith.constant 8 : i32
      %mul3A_459 = arith.muli %scan3A_289, %mul3A_458 : i32
      %add3A_460 = arith.constant 5 : i32
      %add3A_461 = arith.addi %mul3A_459, %add3A_460 : i32
      %get3A_462 = arith.index_cast %add3A_461 : i32 to index
      %get3A_463 = arith.constant 32 : index
      %get3A_464 = tpu.vector_load %arg8[%get3A_462, %get3A_463] {strides = array<i32>} : memref<128x64xf32, #tpu.memory_space<vmem>>, vector<16xf32>,
      %add3A_465 = arith.addf %add3A_457, %get3A_464 : vector<16xf32>
      %mul3A_466 = arith.constant 8 : i32
      %mul3A_467 = arith.muli %scan3A_289, %mul3A_466 : i32
      %add3A_468 = arith.constant 6 : i32
      %add3A_469 = arith.addi %mul3A_467, %add3A_468 : i32
      %get3A_470 = arith.index_cast %add3A_469 : i32 to index
      %get3A_471 = arith.constant 32 : index
      %get3A_472 = tpu.vector_load %arg8[%get3A_470, %get3A_471] {strides = array<i32>} : memref<128x64xf32, #tpu.memory_space<vmem>>, vector<16xf32>,
      %add3A_473 = arith.addf %add3A_465, %get3A_472 : vector<16xf32>
      %mul3A_474 = arith.constant 8 : i32
      %mul3A_475 = arith.muli %scan3A_289, %mul3A_474 : i32
      %add3A_476 = arith.constant 7 : i32
      %add3A_477 = arith.addi %mul3A_475, %add3A_476 : i32
      %get3A_478 = arith.index_cast %add3A_477 : i32 to index
      %get3A_479 = arith.constant 32 : index
      %get3A_480 = tpu.vector_load %arg8[%get3A_478, %get3A_479] {strides = array<i32>} : memref<128x64xf32, #tpu.memory_space<vmem>>, vector<16xf32>,
      %add3A_481 = arith.addf %add3A_473, %get3A_480 : vector<16xf32>
      %add3A_482 = arith.constant 96 : i32
      %add3A_483 = arith.addi %add3A_482, %scan3A_289 : i32
      %swap3A_484 = arith.index_cast %add3A_483 : i32 to index
      %swap3A_485 = arith.constant 32 : index
      %swap3A_486 = tpu.vector_load %arg10[%swap3A_484, %swap3A_485] {strides = array<i32>} : memref<128x64xf32, #tpu.memory_space<vmem>>, vector<16xf32>,
      tpu.vector_store %arg10[%swap3A_484, %swap3A_485], %add3A_481 {strides = array<i32>} : memref<128x64xf32, #tpu.memory_space<vmem>>, vector<16xf32>,
      %mul3A_487 = arith.constant 8 : i32
      %mul3A_488 = arith.muli %scan3A_289, %mul3A_487 : i32
      %get3A_489 = arith.index_cast %mul3A_488 : i32 to index
      %get3A_490 = arith.constant 48 : index
      %get3A_491 = tpu.vector_load %arg8[%get3A_489, %get3A_490] {strides = array<i32>} : memref<128x64xf32, #tpu.memory_space<vmem>>, vector<16xf32>,
      %mul3A_492 = arith.constant 8 : i32
      %mul3A_493 = arith.muli %scan3A_289, %mul3A_492 : i32
      %add3A_494 = arith.constant 1 : i32
      %add3A_495 = arith.addi %mul3A_493, %add3A_494 : i32
      %get3A_496 = arith.index_cast %add3A_495 : i32 to index
      %get3A_497 = arith.constant 48 : index
      %get3A_498 = tpu.vector_load %arg8[%get3A_496, %get3A_497] {strides = array<i32>} : memref<128x64xf32, #tpu.memory_space<vmem>>, vector<16xf32>,
      %add3A_499 = arith.addf %get3A_491, %get3A_498 : vector<16xf32>
      %mul3A_500 = arith.constant 8 : i32
      %mul3A_501 = arith.muli %scan3A_289, %mul3A_500 : i32
      %add3A_502 = arith.constant 2 : i32
      %add3A_503 = arith.addi %mul3A_501, %add3A_502 : i32
      %get3A_504 = arith.index_cast %add3A_503 : i32 to index
      %get3A_505 = arith.constant 48 : index
      %get3A_506 = tpu.vector_load %arg8[%get3A_504, %get3A_505] {strides = array<i32>} : memref<128x64xf32, #tpu.memory_space<vmem>>, vector<16xf32>,
      %add3A_507 = arith.addf %add3A_499, %get3A_506 : vector<16xf32>
      %mul3A_508 = arith.constant 8 : i32
      %mul3A_509 = arith.muli %scan3A_289, %mul3A_508 : i32
      %add3A_510 = arith.constant 3 : i32
      %add3A_511 = arith.addi %mul3A_509, %add3A_510 : i32
      %get3A_512 = arith.index_cast %add3A_511 : i32 to index
      %get3A_513 = arith.constant 48 : index
      %get3A_514 = tpu.vector_load %arg8[%get3A_512, %get3A_513] {strides = array<i32>} : memref<128x64xf32, #tpu.memory_space<vmem>>, vector<16xf32>,
      %add3A_515 = arith.addf %add3A_507, %get3A_514 : vector<16xf32>
      %mul3A_516 = arith.constant 8 : i32
      %mul3A_517 = arith.muli %scan3A_289, %mul3A_516 : i32
      %add3A_518 = arith.constant 4 : i32
      %add3A_519 = arith.addi %mul3A_517, %add3A_518 : i32
      %get3A_520 = arith.index_cast %add3A_519 : i32 to index
      %get3A_521 = arith.constant 48 : index
      %get3A_522 = tpu.vector_load %arg8[%get3A_520, %get3A_521] {strides = array<i32>} : memref<128x64xf32, #tpu.memory_space<vmem>>, vector<16xf32>,
      %add3A_523 = arith.addf %add3A_515, %get3A_522 : vector<16xf32>
      %mul3A_524 = arith.constant 8 : i32
      %mul3A_525 = arith.muli %scan3A_289, %mul3A_524 : i32
      %add3A_526 = arith.constant 5 : i32
      %add3A_527 = arith.addi %mul3A_525, %add3A_526 : i32
      %get3A_528 = arith.index_cast %add3A_527 : i32 to index
      %get3A_529 = arith.constant 48 : index
      %get3A_530 = tpu.vector_load %arg8[%get3A_528, %get3A_529] {strides = array<i32>} : memref<128x64xf32, #tpu.memory_space<vmem>>, vector<16xf32>,
      %add3A_531 = arith.addf %add3A_523, %get3A_530 : vector<16xf32>
      %mul3A_532 = arith.constant 8 : i32
      %mul3A_533 = arith.muli %scan3A_289, %mul3A_532 : i32
      %add3A_534 = arith.constant 6 : i32
      %add3A_535 = arith.addi %mul3A_533, %add3A_534 : i32
      %get3A_536 = arith.index_cast %add3A_535 : i32 to index
      %get3A_537 = arith.constant 48 : index
      %get3A_538 = tpu.vector_load %arg8[%get3A_536, %get3A_537] {strides = array<i32>} : memref<128x64xf32, #tpu.memory_space<vmem>>, vector<16xf32>,
      %add3A_539 = arith.addf %add3A_531, %get3A_538 : vector<16xf32>
      %mul3A_540 = arith.constant 8 : i32
      %mul3A_541 = arith.muli %scan3A_289, %mul3A_540 : i32
      %add3A_542 = arith.constant 7 : i32
      %add3A_543 = arith.addi %mul3A_541, %add3A_542 : i32
      %get3A_544 = arith.index_cast %add3A_543 : i32 to index
      %get3A_545 = arith.constant 48 : index
      %get3A_546 = tpu.vector_load %arg8[%get3A_544, %get3A_545] {strides = array<i32>} : memref<128x64xf32, #tpu.memory_space<vmem>>, vector<16xf32>,
      %add3A_547 = arith.addf %add3A_539, %get3A_546 : vector<16xf32>
      %add3A_548 = arith.constant 96 : i32
      %add3A_549 = arith.addi %add3A_548, %scan3A_289 : i32
      %swap3A_550 = arith.index_cast %add3A_549 : i32 to index
      %swap3A_551 = arith.constant 48 : index
      %swap3A_552 = tpu.vector_load %arg10[%swap3A_550, %swap3A_551] {strides = array<i32>} : memref<128x64xf32, #tpu.memory_space<vmem>>, vector<16xf32>,
      tpu.vector_store %arg10[%swap3A_550, %swap3A_551], %add3A_547 {strides = array<i32>} : memref<128x64xf32, #tpu.memory_space<vmem>>, vector<16xf32>,
      %scan3A_553 = arith.constant 0 : i32
      scf.yield %scan3A_553 : i32
    }
    %scan3A_272 = arith.constant 16 : i32
    %scan3A_273 = arith.constant 0 : i32
    %scan3A_274 = arith.constant 0 : i32
    %scan3A_275 = arith.constant 25 : i32
    %scan3A_276 = arith.addi %scan3A_274, %scan3A_275 : i32
    %scan3A_277 = arith.constant 1 : i32
    %scan3A_278 = scf.for %scan3A_289 = %scan3A_274 to %scan3A_276 step %scan3A_277 iter_args(%scan3A_290 = %scan3A_273) -> (i32)  : i32 {
      %dma_wait3A = arith.constant 0 : i32
      %dma_wait3A_291 = tpu.memref_slice %arg7[%dma_wait3A] : memref<3200xi32, #tpu.memory_space<vmem>> -> memref<128xi32, #tpu.memory_space<vmem>>
      %dma_wait3A_292 = arith.constant 0 : i32
      %dma_wait3A_293 = arith.constant 0 : i32
      %dma_wait3A_294 = tpu.memref_slice %arg3[%dma_wait3A_292, %dma_wait3A_293] : memref<1000000x64xf32, #tpu.memory_space<hbm>> -> memref<1000000x64xf32, #tpu.memory_space<hbm>>
      tpu.wait_indirect_dma semaphore(%arg12 : memref<!tpu.dma_semaphore, #tpu.memory_space<semaphore_mem>>) src(%dma_wait3A_294 : memref<1000000x64xf32, #tpu.memory_space<hbm>>) dst(%arg9 : memref<128x64xf32, #tpu.memory_space<vmem>>)
      %scan3A_295 = arith.constant 0 : i32
      scf.yield %scan3A_295 : i32
    }
    %scan3A_279 = arith.constant 25 : i32
    %scan3A_280 = arith.constant 0 : i32
    %scan3A_281 = arith.constant 0 : i32
    %scan3A_282 = arith.constant 16 : i32
    %scan3A_283 = arith.addi %scan3A_281, %scan3A_282 : i32
    %scan3A_284 = arith.constant 1 : i32
    %scan3A_285 = scf.for %scan3A_289 = %scan3A_281 to %scan3A_283 step %scan3A_284 iter_args(%scan3A_290 = %scan3A_280) -> (i32)  : i32 {
      %mul3A_291 = arith.constant 8 : i32
      %mul3A_292 = arith.muli %scan3A_289, %mul3A_291 : i32
      %get3A = arith.index_cast %mul3A_292 : i32 to index
      %get3A_293 = arith.constant 0 : index
      %get3A_294 = tpu.vector_load %arg9[%get3A, %get3A_293] {strides = array<i32>} : memref<128x64xf32, #tpu.memory_space<vmem>>, vector<16xf32>,
      %mul3A_295 = arith.constant 8 : i32
      %mul3A_296 = arith.muli %scan3A_289, %mul3A_295 : i32
      %add3A_297 = arith.constant 1 : i32
      %add3A_298 = arith.addi %mul3A_296, %add3A_297 : i32
      %get3A_299 = arith.index_cast %add3A_298 : i32 to index
      %get3A_300 = arith.constant 0 : index
      %get3A_301 = tpu.vector_load %arg9[%get3A_299, %get3A_300] {strides = array<i32>} : memref<128x64xf32, #tpu.memory_space<vmem>>, vector<16xf32>,
      %add3A_302 = arith.addf %get3A_294, %get3A_301 : vector<16xf32>
      %mul3A_303 = arith.constant 8 : i32
      %mul3A_304 = arith.muli %scan3A_289, %mul3A_303 : i32
      %add3A_305 = arith.constant 2 : i32
      %add3A_306 = arith.addi %mul3A_304, %add3A_305 : i32
      %get3A_307 = arith.index_cast %add3A_306 : i32 to index
      %get3A_308 = arith.constant 0 : index
      %get3A_309 = tpu.vector_load %arg9[%get3A_307, %get3A_308] {strides = array<i32>} : memref<128x64xf32, #tpu.memory_space<vmem>>, vector<16xf32>,
      %add3A_310 = arith.addf %add3A_302, %get3A_309 : vector<16xf32>
      %mul3A_311 = arith.constant 8 : i32
      %mul3A_312 = arith.muli %scan3A_289, %mul3A_311 : i32
      %add3A_313 = arith.constant 3 : i32
      %add3A_314 = arith.addi %mul3A_312, %add3A_313 : i32
      %get3A_315 = arith.index_cast %add3A_314 : i32 to index
      %get3A_316 = arith.constant 0 : index
      %get3A_317 = tpu.vector_load %arg9[%get3A_315, %get3A_316] {strides = array<i32>} : memref<128x64xf32, #tpu.memory_space<vmem>>, vector<16xf32>,
      %add3A_318 = arith.addf %add3A_310, %get3A_317 : vector<16xf32>
      %mul3A_319 = arith.constant 8 : i32
      %mul3A_320 = arith.muli %scan3A_289, %mul3A_319 : i32
      %add3A_321 = arith.constant 4 : i32
      %add3A_322 = arith.addi %mul3A_320, %add3A_321 : i32
      %get3A_323 = arith.index_cast %add3A_322 : i32 to index
      %get3A_324 = arith.constant 0 : index
      %get3A_325 = tpu.vector_load %arg9[%get3A_323, %get3A_324] {strides = array<i32>} : memref<128x64xf32, #tpu.memory_space<vmem>>, vector<16xf32>,
      %add3A_326 = arith.addf %add3A_318, %get3A_325 : vector<16xf32>
      %mul3A_327 = arith.constant 8 : i32
      %mul3A_328 = arith.muli %scan3A_289, %mul3A_327 : i32
      %add3A_329 = arith.constant 5 : i32
      %add3A_330 = arith.addi %mul3A_328, %add3A_329 : i32
      %get3A_331 = arith.index_cast %add3A_330 : i32 to index
      %get3A_332 = arith.constant 0 : index
      %get3A_333 = tpu.vector_load %arg9[%get3A_331, %get3A_332] {strides = array<i32>} : memref<128x64xf32, #tpu.memory_space<vmem>>, vector<16xf32>,
      %add3A_334 = arith.addf %add3A_326, %get3A_333 : vector<16xf32>
      %mul3A_335 = arith.constant 8 : i32
      %mul3A_336 = arith.muli %scan3A_289, %mul3A_335 : i32
      %add3A_337 = arith.constant 6 : i32
      %add3A_338 = arith.addi %mul3A_336, %add3A_337 : i32
      %get3A_339 = arith.index_cast %add3A_338 : i32 to index
      %get3A_340 = arith.constant 0 : index
      %get3A_341 = tpu.vector_load %arg9[%get3A_339, %get3A_340] {strides = array<i32>} : memref<128x64xf32, #tpu.memory_space<vmem>>, vector<16xf32>,
      %add3A_342 = arith.addf %add3A_334, %get3A_341 : vector<16xf32>
      %mul3A_343 = arith.constant 8 : i32
      %mul3A_344 = arith.muli %scan3A_289, %mul3A_343 : i32
      %add3A_345 = arith.constant 7 : i32
      %add3A_346 = arith.addi %mul3A_344, %add3A_345 : i32
      %get3A_347 = arith.index_cast %add3A_346 : i32 to index
      %get3A_348 = arith.constant 0 : index
      %get3A_349 = tpu.vector_load %arg9[%get3A_347, %get3A_348] {strides = array<i32>} : memref<128x64xf32, #tpu.memory_space<vmem>>, vector<16xf32>,
      %add3A_350 = arith.addf %add3A_342, %get3A_349 : vector<16xf32>
      %add3A_351 = arith.constant 112 : i32
      %add3A_352 = arith.addi %add3A_351, %scan3A_289 : i32
      %swap3A = arith.index_cast %add3A_352 : i32 to index
      %swap3A_353 = arith.constant 0 : index
      %swap3A_354 = tpu.vector_load %arg10[%swap3A, %swap3A_353] {strides = array<i32>} : memref<128x64xf32, #tpu.memory_space<vmem>>, vector<16xf32>,
      tpu.vector_store %arg10[%swap3A, %swap3A_353], %add3A_350 {strides = array<i32>} : memref<128x64xf32, #tpu.memory_space<vmem>>, vector<16xf32>,
      %mul3A_355 = arith.constant 8 : i32
      %mul3A_356 = arith.muli %scan3A_289, %mul3A_355 : i32
      %get3A_357 = arith.index_cast %mul3A_356 : i32 to index
      %get3A_358 = arith.constant 16 : index
      %get3A_359 = tpu.vector_load %arg9[%get3A_357, %get3A_358] {strides = array<i32>} : memref<128x64xf32, #tpu.memory_space<vmem>>, vector<16xf32>,
      %mul3A_360 = arith.constant 8 : i32
      %mul3A_361 = arith.muli %scan3A_289, %mul3A_360 : i32
      %add3A_362 = arith.constant 1 : i32
      %add3A_363 = arith.addi %mul3A_361, %add3A_362 : i32
      %get3A_364 = arith.index_cast %add3A_363 : i32 to index
      %get3A_365 = arith.constant 16 : index
      %get3A_366 = tpu.vector_load %arg9[%get3A_364, %get3A_365] {strides = array<i32>} : memref<128x64xf32, #tpu.memory_space<vmem>>, vector<16xf32>,
      %add3A_367 = arith.addf %get3A_359, %get3A_366 : vector<16xf32>
      %mul3A_368 = arith.constant 8 : i32
      %mul3A_369 = arith.muli %scan3A_289, %mul3A_368 : i32
      %add3A_370 = arith.constant 2 : i32
      %add3A_371 = arith.addi %mul3A_369, %add3A_370 : i32
      %get3A_372 = arith.index_cast %add3A_371 : i32 to index
      %get3A_373 = arith.constant 16 : index
      %get3A_374 = tpu.vector_load %arg9[%get3A_372, %get3A_373] {strides = array<i32>} : memref<128x64xf32, #tpu.memory_space<vmem>>, vector<16xf32>,
      %add3A_375 = arith.addf %add3A_367, %get3A_374 : vector<16xf32>
      %mul3A_376 = arith.constant 8 : i32
      %mul3A_377 = arith.muli %scan3A_289, %mul3A_376 : i32
      %add3A_378 = arith.constant 3 : i32
      %add3A_379 = arith.addi %mul3A_377, %add3A_378 : i32
      %get3A_380 = arith.index_cast %add3A_379 : i32 to index
      %get3A_381 = arith.constant 16 : index
      %get3A_382 = tpu.vector_load %arg9[%get3A_380, %get3A_381] {strides = array<i32>} : memref<128x64xf32, #tpu.memory_space<vmem>>, vector<16xf32>,
      %add3A_383 = arith.addf %add3A_375, %get3A_382 : vector<16xf32>
      %mul3A_384 = arith.constant 8 : i32
      %mul3A_385 = arith.muli %scan3A_289, %mul3A_384 : i32
      %add3A_386 = arith.constant 4 : i32
      %add3A_387 = arith.addi %mul3A_385, %add3A_386 : i32
      %get3A_388 = arith.index_cast %add3A_387 : i32 to index
      %get3A_389 = arith.constant 16 : index
      %get3A_390 = tpu.vector_load %arg9[%get3A_388, %get3A_389] {strides = array<i32>} : memref<128x64xf32, #tpu.memory_space<vmem>>, vector<16xf32>,
      %add3A_391 = arith.addf %add3A_383, %get3A_390 : vector<16xf32>
      %mul3A_392 = arith.constant 8 : i32
      %mul3A_393 = arith.muli %scan3A_289, %mul3A_392 : i32
      %add3A_394 = arith.constant 5 : i32
      %add3A_395 = arith.addi %mul3A_393, %add3A_394 : i32
      %get3A_396 = arith.index_cast %add3A_395 : i32 to index
      %get3A_397 = arith.constant 16 : index
      %get3A_398 = tpu.vector_load %arg9[%get3A_396, %get3A_397] {strides = array<i32>} : memref<128x64xf32, #tpu.memory_space<vmem>>, vector<16xf32>,
      %add3A_399 = arith.addf %add3A_391, %get3A_398 : vector<16xf32>
      %mul3A_400 = arith.constant 8 : i32
      %mul3A_401 = arith.muli %scan3A_289, %mul3A_400 : i32
      %add3A_402 = arith.constant 6 : i32
      %add3A_403 = arith.addi %mul3A_401, %add3A_402 : i32
      %get3A_404 = arith.index_cast %add3A_403 : i32 to index
      %get3A_405 = arith.constant 16 : index
      %get3A_406 = tpu.vector_load %arg9[%get3A_404, %get3A_405] {strides = array<i32>} : memref<128x64xf32, #tpu.memory_space<vmem>>, vector<16xf32>,
      %add3A_407 = arith.addf %add3A_399, %get3A_406 : vector<16xf32>
      %mul3A_408 = arith.constant 8 : i32
      %mul3A_409 = arith.muli %scan3A_289, %mul3A_408 : i32
      %add3A_410 = arith.constant 7 : i32
      %add3A_411 = arith.addi %mul3A_409, %add3A_410 : i32
      %get3A_412 = arith.index_cast %add3A_411 : i32 to index
      %get3A_413 = arith.constant 16 : index
      %get3A_414 = tpu.vector_load %arg9[%get3A_412, %get3A_413] {strides = array<i32>} : memref<128x64xf32, #tpu.memory_space<vmem>>, vector<16xf32>,
      %add3A_415 = arith.addf %add3A_407, %get3A_414 : vector<16xf32>
      %add3A_416 = arith.constant 112 : i32
      %add3A_417 = arith.addi %add3A_416, %scan3A_289 : i32
      %swap3A_418 = arith.index_cast %add3A_417 : i32 to index
      %swap3A_419 = arith.constant 16 : index
      %swap3A_420 = tpu.vector_load %arg10[%swap3A_418, %swap3A_419] {strides = array<i32>} : memref<128x64xf32, #tpu.memory_space<vmem>>, vector<16xf32>,
      tpu.vector_store %arg10[%swap3A_418, %swap3A_419], %add3A_415 {strides = array<i32>} : memref<128x64xf32, #tpu.memory_space<vmem>>, vector<16xf32>,
      %mul3A_421 = arith.constant 8 : i32
      %mul3A_422 = arith.muli %scan3A_289, %mul3A_421 : i32
      %get3A_423 = arith.index_cast %mul3A_422 : i32 to index
      %get3A_424 = arith.constant 32 : index
      %get3A_425 = tpu.vector_load %arg9[%get3A_423, %get3A_424] {strides = array<i32>} : memref<128x64xf32, #tpu.memory_space<vmem>>, vector<16xf32>,
      %mul3A_426 = arith.constant 8 : i32
      %mul3A_427 = arith.muli %scan3A_289, %mul3A_426 : i32
      %add3A_428 = arith.constant 1 : i32
      %add3A_429 = arith.addi %mul3A_427, %add3A_428 : i32
      %get3A_430 = arith.index_cast %add3A_429 : i32 to index
      %get3A_431 = arith.constant 32 : index
      %get3A_432 = tpu.vector_load %arg9[%get3A_430, %get3A_431] {strides = array<i32>} : memref<128x64xf32, #tpu.memory_space<vmem>>, vector<16xf32>,
      %add3A_433 = arith.addf %get3A_425, %get3A_432 : vector<16xf32>
      %mul3A_434 = arith.constant 8 : i32
      %mul3A_435 = arith.muli %scan3A_289, %mul3A_434 : i32
      %add3A_436 = arith.constant 2 : i32
      %add3A_437 = arith.addi %mul3A_435, %add3A_436 : i32
      %get3A_438 = arith.index_cast %add3A_437 : i32 to index
      %get3A_439 = arith.constant 32 : index
      %get3A_440 = tpu.vector_load %arg9[%get3A_438, %get3A_439] {strides = array<i32>} : memref<128x64xf32, #tpu.memory_space<vmem>>, vector<16xf32>,
      %add3A_441 = arith.addf %add3A_433, %get3A_440 : vector<16xf32>
      %mul3A_442 = arith.constant 8 : i32
      %mul3A_443 = arith.muli %scan3A_289, %mul3A_442 : i32
      %add3A_444 = arith.constant 3 : i32
      %add3A_445 = arith.addi %mul3A_443, %add3A_444 : i32
      %get3A_446 = arith.index_cast %add3A_445 : i32 to index
      %get3A_447 = arith.constant 32 : index
      %get3A_448 = tpu.vector_load %arg9[%get3A_446, %get3A_447] {strides = array<i32>} : memref<128x64xf32, #tpu.memory_space<vmem>>, vector<16xf32>,
      %add3A_449 = arith.addf %add3A_441, %get3A_448 : vector<16xf32>
      %mul3A_450 = arith.constant 8 : i32
      %mul3A_451 = arith.muli %scan3A_289, %mul3A_450 : i32
      %add3A_452 = arith.constant 4 : i32
      %add3A_453 = arith.addi %mul3A_451, %add3A_452 : i32
      %get3A_454 = arith.index_cast %add3A_453 : i32 to index
      %get3A_455 = arith.constant 32 : index
      %get3A_456 = tpu.vector_load %arg9[%get3A_454, %get3A_455] {strides = array<i32>} : memref<128x64xf32, #tpu.memory_space<vmem>>, vector<16xf32>,
      %add3A_457 = arith.addf %add3A_449, %get3A_456 : vector<16xf32>
      %mul3A_458 = arith.constant 8 : i32
      %mul3A_459 = arith.muli %scan3A_289, %mul3A_458 : i32
      %add3A_460 = arith.constant 5 : i32
      %add3A_461 = arith.addi %mul3A_459, %add3A_460 : i32
      %get3A_462 = arith.index_cast %add3A_461 : i32 to index
      %get3A_463 = arith.constant 32 : index
      %get3A_464 = tpu.vector_load %arg9[%get3A_462, %get3A_463] {strides = array<i32>} : memref<128x64xf32, #tpu.memory_space<vmem>>, vector<16xf32>,
      %add3A_465 = arith.addf %add3A_457, %get3A_464 : vector<16xf32>
      %mul3A_466 = arith.constant 8 : i32
      %mul3A_467 = arith.muli %scan3A_289, %mul3A_466 : i32
      %add3A_468 = arith.constant 6 : i32
      %add3A_469 = arith.addi %mul3A_467, %add3A_468 : i32
      %get3A_470 = arith.index_cast %add3A_469 : i32 to index
      %get3A_471 = arith.constant 32 : index
      %get3A_472 = tpu.vector_load %arg9[%get3A_470, %get3A_471] {strides = array<i32>} : memref<128x64xf32, #tpu.memory_space<vmem>>, vector<16xf32>,
      %add3A_473 = arith.addf %add3A_465, %get3A_472 : vector<16xf32>
      %mul3A_474 = arith.constant 8 : i32
      %mul3A_475 = arith.muli %scan3A_289, %mul3A_474 : i32
      %add3A_476 = arith.constant 7 : i32
      %add3A_477 = arith.addi %mul3A_475, %add3A_476 : i32
      %get3A_478 = arith.index_cast %add3A_477 : i32 to index
      %get3A_479 = arith.constant 32 : index
      %get3A_480 = tpu.vector_load %arg9[%get3A_478, %get3A_479] {strides = array<i32>} : memref<128x64xf32, #tpu.memory_space<vmem>>, vector<16xf32>,
      %add3A_481 = arith.addf %add3A_473, %get3A_480 : vector<16xf32>
      %add3A_482 = arith.constant 112 : i32
      %add3A_483 = arith.addi %add3A_482, %scan3A_289 : i32
      %swap3A_484 = arith.index_cast %add3A_483 : i32 to index
      %swap3A_485 = arith.constant 32 : index
      %swap3A_486 = tpu.vector_load %arg10[%swap3A_484, %swap3A_485] {strides = array<i32>} : memref<128x64xf32, #tpu.memory_space<vmem>>, vector<16xf32>,
      tpu.vector_store %arg10[%swap3A_484, %swap3A_485], %add3A_481 {strides = array<i32>} : memref<128x64xf32, #tpu.memory_space<vmem>>, vector<16xf32>,
      %mul3A_487 = arith.constant 8 : i32
      %mul3A_488 = arith.muli %scan3A_289, %mul3A_487 : i32
      %get3A_489 = arith.index_cast %mul3A_488 : i32 to index
      %get3A_490 = arith.constant 48 : index
      %get3A_491 = tpu.vector_load %arg9[%get3A_489, %get3A_490] {strides = array<i32>} : memref<128x64xf32, #tpu.memory_space<vmem>>, vector<16xf32>,
      %mul3A_492 = arith.constant 8 : i32
      %mul3A_493 = arith.muli %scan3A_289, %mul3A_492 : i32
      %add3A_494 = arith.constant 1 : i32
      %add3A_495 = arith.addi %mul3A_493, %add3A_494 : i32
      %get3A_496 = arith.index_cast %add3A_495 : i32 to index
      %get3A_497 = arith.constant 48 : index
      %get3A_498 = tpu.vector_load %arg9[%get3A_496, %get3A_497] {strides = array<i32>} : memref<128x64xf32, #tpu.memory_space<vmem>>, vector<16xf32>,
      %add3A_499 = arith.addf %get3A_491, %get3A_498 : vector<16xf32>
      %mul3A_500 = arith.constant 8 : i32
      %mul3A_501 = arith.muli %scan3A_289, %mul3A_500 : i32
      %add3A_502 = arith.constant 2 : i32
      %add3A_503 = arith.addi %mul3A_501, %add3A_502 : i32
      %get3A_504 = arith.index_cast %add3A_503 : i32 to index
      %get3A_505 = arith.constant 48 : index
      %get3A_506 = tpu.vector_load %arg9[%get3A_504, %get3A_505] {strides = array<i32>} : memref<128x64xf32, #tpu.memory_space<vmem>>, vector<16xf32>,
      %add3A_507 = arith.addf %add3A_499, %get3A_506 : vector<16xf32>
      %mul3A_508 = arith.constant 8 : i32
      %mul3A_509 = arith.muli %scan3A_289, %mul3A_508 : i32
      %add3A_510 = arith.constant 3 : i32
      %add3A_511 = arith.addi %mul3A_509, %add3A_510 : i32
      %get3A_512 = arith.index_cast %add3A_511 : i32 to index
      %get3A_513 = arith.constant 48 : index
      %get3A_514 = tpu.vector_load %arg9[%get3A_512, %get3A_513] {strides = array<i32>} : memref<128x64xf32, #tpu.memory_space<vmem>>, vector<16xf32>,
      %add3A_515 = arith.addf %add3A_507, %get3A_514 : vector<16xf32>
      %mul3A_516 = arith.constant 8 : i32
      %mul3A_517 = arith.muli %scan3A_289, %mul3A_516 : i32
      %add3A_518 = arith.constant 4 : i32
      %add3A_519 = arith.addi %mul3A_517, %add3A_518 : i32
      %get3A_520 = arith.index_cast %add3A_519 : i32 to index
      %get3A_521 = arith.constant 48 : index
      %get3A_522 = tpu.vector_load %arg9[%get3A_520, %get3A_521] {strides = array<i32>} : memref<128x64xf32, #tpu.memory_space<vmem>>, vector<16xf32>,
      %add3A_523 = arith.addf %add3A_515, %get3A_522 : vector<16xf32>
      %mul3A_524 = arith.constant 8 : i32
      %mul3A_525 = arith.muli %scan3A_289, %mul3A_524 : i32
      %add3A_526 = arith.constant 5 : i32
      %add3A_527 = arith.addi %mul3A_525, %add3A_526 : i32
      %get3A_528 = arith.index_cast %add3A_527 : i32 to index
      %get3A_529 = arith.constant 48 : index
      %get3A_530 = tpu.vector_load %arg9[%get3A_528, %get3A_529] {strides = array<i32>} : memref<128x64xf32, #tpu.memory_space<vmem>>, vector<16xf32>,
      %add3A_531 = arith.addf %add3A_523, %get3A_530 : vector<16xf32>
      %mul3A_532 = arith.constant 8 : i32
      %mul3A_533 = arith.muli %scan3A_289, %mul3A_532 : i32
      %add3A_534 = arith.constant 6 : i32
      %add3A_535 = arith.addi %mul3A_533, %add3A_534 : i32
      %get3A_536 = arith.index_cast %add3A_535 : i32 to index
      %get3A_537 = arith.constant 48 : index
      %get3A_538 = tpu.vector_load %arg9[%get3A_536, %get3A_537] {strides = array<i32>} : memref<128x64xf32, #tpu.memory_space<vmem>>, vector<16xf32>,
      %add3A_539 = arith.addf %add3A_531, %get3A_538 : vector<16xf32>
      %mul3A_540 = arith.constant 8 : i32
      %mul3A_541 = arith.muli %scan3A_289, %mul3A_540 : i32
      %add3A_542 = arith.constant 7 : i32
      %add3A_543 = arith.addi %mul3A_541, %add3A_542 : i32
      %get3A_544 = arith.index_cast %add3A_543 : i32 to index
      %get3A_545 = arith.constant 48 : index
      %get3A_546 = tpu.vector_load %arg9[%get3A_544, %get3A_545] {strides = array<i32>} : memref<128x64xf32, #tpu.memory_space<vmem>>, vector<16xf32>,
      %add3A_547 = arith.addf %add3A_539, %get3A_546 : vector<16xf32>
      %add3A_548 = arith.constant 112 : i32
      %add3A_549 = arith.addi %add3A_548, %scan3A_289 : i32
      %swap3A_550 = arith.index_cast %add3A_549 : i32 to index
      %swap3A_551 = arith.constant 48 : index
      %swap3A_552 = tpu.vector_load %arg10[%swap3A_550, %swap3A_551] {strides = array<i32>} : memref<128x64xf32, #tpu.memory_space<vmem>>, vector<16xf32>,
      tpu.vector_store %arg10[%swap3A_550, %swap3A_551], %add3A_547 {strides = array<i32>} : memref<128x64xf32, #tpu.memory_space<vmem>>, vector<16xf32>,
      %scan3A_553 = arith.constant 0 : i32
      scf.yield %scan3A_553 : i32
    }
    %scan3A_286 = arith.constant 16 : i32
    %mul3A_287 = arith.constant 128 : i32
    %mul3A_288 = arith.muli %add3A, %mul3A_287 : i32
    "tpu.region"() ({
      %run_scoped3A = tpu.sem_alloc : memref<!tpu.dma_semaphore, #tpu.memory_space<semaphore_mem>>
      %dma_start3A = arith.constant 0 : i32
      %dma_start3A_289 = tpu.memref_slice %arg4[%mul3A_288, %dma_start3A] : memref<4096x64xf32, #tpu.memory_space<hbm>> -> memref<128x64xf32, #tpu.memory_space<hbm>>
      %dma_start3A_290 = arith.constant 0 : i32
      %dma_start3A_291 = tpu.memref_slice %arg4[%mul3A_288, %dma_start3A_290] : memref<4096x64xf32, #tpu.memory_space<hbm>> -> memref<128x64xf32, #tpu.memory_space<hbm>>
      tpu.enqueue_dma source(%arg10 : memref<128x64xf32, #tpu.memory_space<vmem>>) target(%dma_start3A_291 : memref<128x64xf32, #tpu.memory_space<hbm>>) target_semaphore(%run_scoped3A : memref<!tpu.dma_semaphore, #tpu.memory_space<semaphore_mem>>)
      %dma_wait3A = arith.constant 0 : i32
      %dma_wait3A_292 = tpu.memref_slice %arg4[%mul3A_288, %dma_wait3A] : memref<4096x64xf32, #tpu.memory_space<hbm>> -> memref<128x64xf32, #tpu.memory_space<hbm>>
      %dma_wait3A_293 = arith.constant 0 : i32
      %dma_wait3A_294 = tpu.memref_slice %arg4[%mul3A_288, %dma_wait3A_293] : memref<4096x64xf32, #tpu.memory_space<hbm>> -> memref<128x64xf32, #tpu.memory_space<hbm>>
      tpu.wait_dma2 semaphore(%run_scoped3A : memref<!tpu.dma_semaphore, #tpu.memory_space<semaphore_mem>>) src(%arg10 : memref<128x64xf32, #tpu.memory_space<vmem>>) dst(%dma_wait3A_294 : memref<128x64xf32, #tpu.memory_space<hbm>>)
      tpu.yield
    }) : () -> ()
    return
  }
}

module attributes {stable_mosaic.version = 14 : i64} {
  func.func @_proj_body(%arg0: memref<4096x64xf32, #tpu.memory_space<vmem>>, %arg1: memref<2x64xf32, #tpu.memory_space<vmem>>, %arg2: memref<1x2xf32, #tpu.memory_space<vmem>>, %arg3: memref<4096x2xf32, #tpu.memory_space<vmem>>) attributes {dimension_semantics = [], scalar_prefetch = 0 : i64, scratch_operands = 0 : i64, tpu.core_type = #tpu.core_type<tc>} {
    %get3A = arith.constant 0 : index
    %get3A_0 = arith.constant 0 : index
    %get3A_1 = vector.load %arg0[%get3A, %get3A_0] : memref<4096x64xf32, #tpu.memory_space<vmem>>, vector<4096x64xf32>
    %get3A_2 = arith.constant 0 : index
    %get3A_3 = arith.constant 0 : index
    %get3A_4 = vector.load %arg1[%get3A_2, %get3A_3] : memref<2x64xf32, #tpu.memory_space<vmem>>, vector<2x64xf32>
    %dot_general3A = arith.constant dense<0.000000e+00> : vector<4096x2xf32>
    %dot_general3A_5 = tpu.matmul %get3A_1, %get3A_4, %dot_general3A {dimension_numbers = #tpu.dot_dimension_numbers<[1], [1], [0], [0], [0, 0, 1, 0], [], []>, precision = #tpu.contract_precision<fp32>, transpose_lhs_hint = false} : vector<4096x64xf32>, vector<2x64xf32>, vector<4096x2xf32> -> vector<4096x2xf32>
    %mul3A = arith.constant 5.000000e-03 : f32
    %mul3A_6 = vector.broadcast %mul3A : f32 to vector<4096x2xf32>
    %mul3A_7 = arith.mulf %dot_general3A_5, %mul3A_6 : vector<4096x2xf32>
    %get3A_8 = arith.constant 0 : index
    %get3A_9 = arith.constant 0 : index
    %get3A_10 = vector.load %arg2[%get3A_8, %get3A_9] : memref<1x2xf32, #tpu.memory_space<vmem>>, vector<1x2xf32>
    %add3A = vector.broadcast %get3A_10 : vector<1x2xf32> to vector<4096x2xf32>
    %add3A_11 = arith.addf %mul3A_7, %add3A : vector<4096x2xf32>
    %swap3A = arith.constant 0 : index
    %swap3A_12 = arith.constant 0 : index
    %swap3A_13 = vector.load %arg3[%swap3A, %swap3A_12] : memref<4096x2xf32, #tpu.memory_space<vmem>>, vector<4096x2xf32>
    tpu.vector_store %arg3[%swap3A, %swap3A_12], %add3A_11 {strides = array<i32>} : memref<4096x2xf32, #tpu.memory_space<vmem>>, vector<4096x2xf32>,
    return
  }
}

</mosaic_0001>

<sc_bundles>
// kernel: kernel.4.cloned.1.call-start
scs
__scs_entry_jumppad:
0x0: {  	(pc) =	sbr.rel $0x88, $3  }
0x1: {  	(tag) =	ssettag $0x0;
	lr =	simm.s32 $0x1  }
0x2: {  	[smem:$0x3F9D] =	sst lr;
	_ =	strace $0xD0000000  }
0x3: {  	_ = 	snop  }
0x4: {  	_ = 	snop  }
0x5: {  	_ = 	snop  }
0x6: {  	_ = 	snop  }
0x7: {  	_ = 	snop  }
__scs_overlays_trampoline_lowered:
0x8: {  	[smem:$0x3FAC] =	sst s0  }
0x9: {  	[smem:$0x3FAD] =	sst s1  }
0xa: {  	[smem:$0x3FAE] =	sst s2  }
0xb: {  	[smem:$0x3FAF] =	sst s3  }
0xc: {  	[smem:$0x3FB0] =	sst s4  }
0xd: {  	[smem:$0x3FB1] =	sst s5  }
0xe: {  	[smem:$0x3FB2] =	sst s6  }
0xf: {  	[smem:$0x3FB3] =	sst s7  }
0x10: {  	[smem:$0x3FB4] =	sst s8  }
0x11: {  	[smem:$0x3FB5] =	sst s9;
	s0 =	simm.s32 @!p0 $0x0  }
0x12: {  	s1 =	sld [smem:$0x3F9B];
	s0 =	simm.s32 @p0 $0x1  }
0x13: {  	[smem:$0x3FB6] =	sst s0;
	s0 =	simm.s32 @!p1 $0x0  }
0x14: {  	s2 =	sld [smem:$0x3F9A];
	s0 =	simm.s32 @p1 $0x1  }
0x15: {  	[smem:$0x3FB7] =	sst s0;
	s0 =	simm.s32 @!p2 $0x0  }
0x16: {  	s3 =	sld [smem:$0x3FDB];
	s0 =	simm.s32 @p2 $0x1  }
0x17: {  	s4 =	simm.s32 $0x1BF5;
	[smem:$0x3FB9] =	sst s0  }
0x18: {  	s0 =	sld [smem:$0x3F9C];
	_ =	swait.ge [sflag:s4], $0x0  }
0x19: {  	s7 =	sld [smem:$0x3F9D]  }
0x1a: {  	s8 =	sadd.s32 $0xFFFFE003, lr  }
0x1b: {  	s9 =	sadd.s32 $0xFFFFFEF7, lr;
	s5 =	simm.s32 $0xFFFFFFFF;
	p2 =	slt.u32 s8, $0xFFFFF086  }
0x1c: {  	p1 =	slt.u32 s9, $0xF7A;
	s5 =	simm.s32 @!p2 $0x0  }
0x1d: {  	s5 =	simm.s32 @p1 $0x1;
	p0 =	seq.s32 s7, s2  }
0x1e: {  	s7 =	smul.u32 @!p0 $0xF7A, s2;
	p2 =	seq.s32 @!p0 s5, $0x0  }
0x1f: {  	s9 =	smul.u32 $0xF7A, s1;
	s8 =	simm.s32 @!p0 $0x1BF5;
	p2 =	por !p2, p0  }
0x20: {  	[sflag:s8] =	ssyncset.s32 @!p0 $0xFFFFF086;
	s6 =	sadd.s32 @!p0 s3, s7;
	s7 =	simm.s32 @!p0 $0x108  }
0x21: {  	s3 =	sadd.s32 s3, s9;
	s6 =	sadd.s32 @!p0 $0x88, s6;
	s7 =	simm.s32 @p2 $0x1082  }
0x22: {  	[simem:s7], [sflag:s8] =	dma.local @!p0 [hbm:s6], $0xF7A  }
0x23: {  	s9 =	sor.u32 $0xD0000000, s2;
	s6 =	simm.s32 $0x108;
	_ =	swait.ge @!p0 [sflag:s8], $0x0  }
0x24: {  	s3 =	sadd.s32 $0x88, s3;
	s6 =	simm.s32 @!p1 $0x1082;
	[sflag:s4] =	ssyncset.s32 $0xFFFFF086  }
0x25: {  	[simem:s6], [sflag:s4] =	dma.local [hbm:s3], $0xF7A  }
0x26: {  	[smem:$0x3F9D] =	sst s1;
	(tag) =	ssettag s2;
	_ =	strace s9  }
0x27: {  	s1 =	sld [smem:$0x3FAD]  }
0x28: {  	s2 =	sld [smem:$0x3FAE]  }
0x29: {  	s4 =	sld [smem:$0x3FB0]  }
0x2a: {  	p0 =	seq.s32 s5, $0x0;
	s5 =	sld [smem:$0x3FB1]  }
0x2b: {  	s6 =	sld [smem:$0x3FB2]  }
0x2c: {  	s7 =	sld [smem:$0x3FB3]  }
0x2d: {  	s3 =	simm.s32 $0x108;
	s8 =	sld [smem:$0x3FB4]  }
0x2e: {  	s3 =	simm.s32 @!p0 $0x1082;
	s9 =	sld [smem:$0x3FB5]  }
0x2f: {  	lr =	sadd.s32 s0, s3;
	s0 =	sld [smem:$0x3FAC]  }
0x30: {  	s3 =	sld [smem:$0x3FAF]  }
0x31: {  	[smem:$0x3FB8] =	sst s10  }
0x32: {  	s10 =	sld [smem:$0x3FB6];
	_ =	sdelay $0x3  }
0x33: {  	p0 =	seq.s32 s10, $0x1;
	s10 =	sld [smem:$0x3FB8];
	_ =	sdelay $0x3  }
0x34: {  	[smem:$0x3FB8] =	sst s10  }
0x35: {  	s10 =	sld [smem:$0x3FB7];
	_ =	sdelay $0x3  }
0x36: {  	p1 =	seq.s32 s10, $0x1;
	s10 =	sld [smem:$0x3FB8];
	_ =	sdelay $0x3  }
0x37: {  	[smem:$0x3FB8] =	sst s10  }
0x38: {  	s10 =	sld [smem:$0x3FB9]  }
0x39: {  	_ = 	snop;
	(pc) =	sbr.ind lr, $3  }
0x3a: {  	_ = 	snop  }
0x3b: {  	_ = 	snop  }
0x3c: {  	p2 =	seq.s32 s10, $0x1;
	s10 =	sld [smem:$0x3FB8]  }
0x3d: {  	_ =	shalt  }
0x3e: {  	_ =	shalt  }
0x3f: {  	_ =	shalt  }
0x40: {  	_ =	shalt  }
0x41: {  	_ =	shalt  }
0x42: {  	_ =	shalt  }
0x43: {  	_ =	shalt  }
0x44: {  	_ =	shalt  }
0x45: {  	_ =	shalt  }
0x46: {  	_ =	shalt  }
0x47: {  	_ =	shalt  }
0x48: {  	_ =	shalt  }
0x49: {  	_ =	shalt  }
0x4a: {  	_ =	shalt  }
0x4b: {  	_ =	shalt  }
0x4c: {  	_ =	shalt  }
0x4d: {  	_ =	shalt  }
0x4e: {  	_ =	shalt  }
0x4f: {  	_ =	shalt  }
0x50: {  	_ =	shalt  }
0x51: {  	_ =	shalt  }
0x52: {  	_ =	shalt  }
0x53: {  	_ =	shalt  }
0x54: {  	_ =	shalt  }
0x55: {  	_ =	shalt  }
0x56: {  	_ =	shalt  }
0x57: {  	_ =	shalt  }
0x58: {  	_ =	shalt  }
0x59: {  	_ =	shalt  }
0x5a: {  	_ =	shalt  }
0x5b: {  	_ =	shalt  }
0x5c: {  	_ =	shalt  }
0x5d: {  	_ =	shalt  }
0x5e: {  	_ =	shalt  }
0x5f: {  	_ =	shalt  }
0x60: {  	_ =	shalt  }
0x61: {  	_ =	shalt  }
0x62: {  	_ =	shalt  }
0x63: {  	_ =	shalt  }
0x64: {  	_ =	shalt  }
0x65: {  	_ =	shalt  }
0x66: {  	_ =	shalt  }
0x67: {  	_ =	shalt  }
0x68: {  	_ =	shalt  }
0x69: {  	_ =	shalt  }
0x6a: {  	_ =	shalt  }
0x6b: {  	_ =	shalt  }
0x6c: {  	_ =	shalt  }
0x6d: {  	_ =	shalt  }
0x6e: {  	_ =	shalt  }
0x6f: {  	_ =	shalt  }
0x70: {  	_ =	shalt  }
0x71: {  	_ =	shalt  }
0x72: {  	_ =	shalt  }
0x73: {  	_ =	shalt  }
0x74: {  	_ =	shalt  }
0x75: {  	_ =	shalt  }
0x76: {  	_ =	shalt  }
0x77: {  	_ =	shalt  }
0x78: {  	_ =	shalt  }
0x79: {  	_ =	shalt  }
0x7a: {  	_ =	shalt  }
0x7b: {  	_ =	shalt  }
0x7c: {  	_ =	shalt  }
0x7d: {  	_ =	shalt  }
0x7e: {  	_ =	shalt  }
0x7f: {  	_ =	shalt  }
0x80: {  	_ =	shalt  }
0x81: {  	_ =	shalt  }
0x82: {  	_ =	shalt  }
0x83: {  	_ =	shalt  }
0x84: {  	_ =	shalt  }
0x85: {  	_ =	shalt  }
0x86: {  	_ =	shalt  }
0x87: {  	_ =	shalt  }
.Lfunc_end0:
.L_simem_size_0:
called_computation_lowered:
.L_overlay_start_0:
0x88: {  	s2 =	sld [smem:$0x3FD9]  }
0x89: {  	s3 =	sld [smem:$0x3FFE];
	_ =	sdelay $0x1  }
0x8a: {  	s1 =	srdreg.scid  }
0x8b: {  	s0 =	sand.u32 $0x1, s1  }
0x8c: {  	s16 =	sshll.u32 s0, $0xA;
	s2 =	sadd.s32 s3, s2  }
0x8d: {  	s2 =	sadd.s32 s2, s16  }
0x8e: {  	[smem:$0x3FC4] =	sst s2  }
0x8f: {  	_ = 	snop  }
0x90: {  	(tm) =	ssettm $0x1  }
0x91: {  	s17 =	sld [smem:$0x3FFB];
	_ =	sdelay $0x3  }
0x92: {  	_ =	strace s17  }
0x93: {  	s2 =	sld [smem:$0x3FFC];
	_ =	sdelay $0x3  }
0x94: {  	_ =	strace s2  }
0x95: {  	s2 =	sld [smem:$0x3FFD];
	_ =	sdelay $0x3  }
0x96: {  	_ =	strace s2  }
0x97: {  	_ =	strace $0x8FFFFFFF  }
0x98: {  	s18 =	sld [smem:$0x3FDB];
	_ =	sdelay $0x1  }
0x99: {  	s19 =	simm.s32 $_scs_section_size  }
0x9a: {  	s4 =	simm.s32 $_size__tile_overlayer_lowered;
	s5 =	simm.s32 $_tile_overlayer_lowered  }
0x9b: {  	s22 =	simm.s32 $0x1BFF;
	s21 =	sshll.u32 s5, $0x1;
	s2 =	sadd.s32 s19, s18  }
0x9c: {  	s6 =	simm.s32 $0x0;
	s20 =	sshll.u32 s4, $0x1;
	s4 =	sadd.s32 s21, s2  }
0x9d: {  	[timem:s6], [sflag:s22] =	dma.local [hbm:s4], s20  }
0x9e: {  	_ =	swait.ge [sflag:s22], s20  }
0x9f: {  	s3 =	ssub.s32 $0x0, s20;
	[sflag:s22] =	ssyncset.done $0x0  }
0xa0: {  	[sflag:s22] =	ssyncadd.s32 s3;
	_ =	sdelay $0x1  }
0xa1: {  	s23 =	simm.s32 $0x1B8B  }
0xa2: {  	_ =	swait.ge [sflag:s23], $0x1  }
0xa3: {  	[sflag:s23] =	ssyncset.done $0x0  }
0xa4: {  	s25 =	simm.s32 $0x1B8E;
	s24 =	sld [smem:$0x3FFE];
	[sflag:s23] =	ssyncadd.s32 $0xFFFFFFFF  }
0xa5: {  	s26 =	simm.s32 $execute0_lowered;
	[smem:$0x3FD2] =	sst s25  }
0xa6: {  	s4 =	sshll.u32 s26, $0x1;
	_ =	strace $0x80000046;
	[dreg:$0x1] =	wrdreg $0xFFFFFFFF  }
0xa7: {  	s28 =	simm.s32 $_size_execute0_lowered;
	s2 =	sadd.s32 s2, s4;
	[dreg:$0x0] =	wrdreg $0x0  }
0xa8: {  	s4 =	sshll.u32 s28, $0x1;
	[dreg:$0x2] =	wrdreg s2  }
0xa9: {  	[dreg:$0x3] =	wrdreg s4  }
0xaa: {  	[dreg:$0x4] =	wrdreg $0xC0  }
0xab: {  	_ =	task [dreg:s6], $0x5FFFF  }
0xac: {  	[dreg:$0x1] =	wrdreg $0xFFFFFFFF  }
0xad: {  	[dreg:$0x0] =	wrdreg $0x60  }
0xae: {  	[dreg:$0x2] =	wrdreg s24  }
0xaf: {  	[dreg:$0x3] =	wrdreg $0x9  }
0xb0: {  	_ =	task.clear_ibuf [dreg:s6], $0x4FFFF;
	_ =	strace $0x90000046  }
0xb1: {  	s29 =	simm.s32 $0x9;
	_ =	strace $0x80000048  }
0xb2: {  	_ =	swait.ge [sflag:s29], $0x1  }
0xb3: {  	[sflag:s29] =	ssyncadd.s32 $0xFFFFFFFF  }
0xb4: {  	_ =	strace $0x90000048  }
0xb5: {  	_ =	sfence  }
0xb6: {  	s30 =	sld [smem:$0x0];
	_ =	sdelay $0x2  }
0xb7: {  	s31 =	sshll.u32 s1, $0xD;
	s1 =	sshrl.u32 s1, $0x2  }
0xb8: {  	s3 =	sand.u32 $0x4000, s31;
	s1 =	sadd.s32 s1, s30  }
0xb9: {  	s0 =	sor.u32 s3, s0;
	s1 =	sshll.u32 s1, $0x11  }
0xba: {  	s0 =	sor.u32 s1, s0  }
0xbb: {  	s0 =	sadd.s32 $0x8F2B, s0  }
0xbc: {  	[sflag:s0] =	ssyncadd.remote.s32 $0x1  }
0xbd: {  	_ =	sfence.sel $0xFFFF  }
0xbe: {  	[dreg:$0x0] =	wrdreg $0xFFFFFFFF;
	(pc) =	sbr.abs _section_cstart, $3  }
0xbf: {  	[dreg:$0x1] =	wrdreg $0xFFFFFFFF  }
0xc0: {  	_ =	task.clear_ibuf [dreg:s6], $0x2FFFF;
	_ =	strace $0x9FFFFFFF  }
0xc1: {  	(tm) =	ssettm $0x7FFFFFFF  }
tec
execute0_lowered:
.L_overlay_start_1:
0x0: {  	(tag) =	ssettag $0x1  }
0x1: {  	s0 =	srdreg.scid;
	s1 =	stileid.u32  }
0x2: {  	s4 =	rddreg [dreg:$0x0];
	s2 =	simm.s32 $0x0;
	s7 =	simm.s32 $0x3  }
0x3: {  	s8 =	simm.s32 $0x80;
	s10 =	simm.s32 $0x7D00;
	s9 =	simm.s32 $0x9D00  }
0x4: {  	s18 =	simm.s32 $0x7480;
	s19 =	simm.s32 $0x7500;
	s20 =	simm.s32 $0x7580  }
0x5: {  	s21 =	simm.s32 $0x7600;
	s22 =	simm.s32 $0x7680;
	s23 =	simm.s32 $0x7700  }
0x6: {  	s24 =	simm.s32 $0x7780;
	s25 =	simm.s32 $0x7800;
	s28 =	simm.s32 $0x7900  }
0x7: {  	s29 =	simm.s32 $0x7980;
	s30 =	simm.s32 $0x7A00;
	s31 =	simm.s32 $0x7A80  }
0x8: {  	s11 =	simm.s32 $0x2;
	s0 =	sand.u32 $0x1, s0;
	s1 =	sshll.u32 s1, $0x1  }
0x9: {  	v1 =	vimm.s32 $0x76543210;
	s12 =	simm.s32 $0x0;
	[smem:$0x7FF] =	sst s2;
	s1 =	sor.u32 s0, s1  }
0xa: {  	v0 =	vimm.s32 $0xCBCAC9C8;
	v2 =	vimm.s32 $0xCFCECDCC;
	v1 =	vunpack.c.l.s4.s8 v1;
	s0 =	ssub.s32 $0x2, s0;
	s3 =	smul.u32 $0xC80, s1;
	s1 =	sshll.u32 s1, $0xA  }
0xb: {  	v0 =	vunpack.c.0.s8.s32 v0;
	v2 =	vunpack.c.0.s8.s32 v2;
	_ =	strace $0x80000047;
	s6 =	sshrl.u32 s0, $0x1;
	s1 =	sadd.s32 s1, s4  }
0xc: {  	vm0 =	vcmask $0x1F10;
	v1 =	vunpack.c.0.s8.s32 v1;
	s0 =	ssub.s32 s0, s6;
	s6 =	simm.s32 $0x1;
	s5 =	sadd.s32 s3, s4  }
0xd: {  	v0 =	vsel vm0, v2, v0;
	s3 =	sadd.s32 $0xF42E00, s4;
	s1 =	sadd.s32 $0x19A00, s1;
	s0 =	smax.u32 s0, $0x1  }
0xe: {  	v0 =	vcombine.low v1, v0;
	s4 =	simm.s32 $0x7C00;
	s26 =	sadd.s32 $0xA00, s5;
	[dreg:$0x3] =	wrdreg s1  }
0xf: {  	v1 =	vlaneseq.u32;
	[dreg:$0x4] =	wrdreg s0;
	s1 =	simm.s32 $0x7B00;
	s0 =	simm.s32 $0x7B80  }
0x10: {  	v2 =	vimm.f32 $0.0e+00;
	s5 =	simm.s32 $0x7C80;
	v1 =	vand.u32 $0x7, v1;
	[dreg:$0x2] =	wrdreg s26;
	s26 =	simm.s32 $0x7880;
	v0 =	vand.u32 $0xFF, v0  }
.LBB2_1:
0x11: {  	s13 =	rddreg [dreg:$0x2]  }
0x12: {  	[tilespmem:s2], [sflag:$0x3] =	stream.linear.gather [hbm4b:s13+s2], $0x6400, $0x38;
	[tilespmem:$0xDD00] =	vst v63  }
0x13: {  	_ =	swait.ge [sflag:s7], $0x6400  }
0x14: {  	[sflag:s7] =	ssyncset.done $0x0  }
0x15: {  	s14 =	simm.s32 $0x0;
	s13 =	simm.s32 $0x6400;
	[sflag:s7] =	ssyncadd.s32 $0xFFFF9C00  }
.LBB2_2:
0x16: {  	s15 =	simm.s32 $0x0  }
0x17: {  	v3 =	vmov s15  }
0x18: {  	s16 =	sshll.u32 s14, $0x3;
	v4 =	vmul.u32 $0xC8, v3  }
0x19: {  	v3 =	vmov s16  }
0x1a: {  	v4 =	vadd.s32 v3, v4  }
0x1b: {  	v4 =	vbroadcast v4, $0x0  }
0x1c: {  	s17 =	simm.s32 $0x2  }
0x1d: {  	v5 =	vmov s17;
	v4 =	vadd.s32 v0, v4  }
0x1e: {  	v5 =	vmul.u32 $0xC8, v5;
	v4 =	vand.u32 $0xFFFFFFF8, v4  }
0x1f: {  	v4 =	vor.u32 v1, v4  }
0x20: {  	v5 =	vadd.s32 v3, v5  }
0x21: {  	v5 =	vbroadcast v5, $0x0  }
0x22: {  	s16 =	simm.s32 $0x4  }
0x23: {  	v6 =	vmov s16;
	v5 =	vadd.s32 v0, v5  }
0x24: {  	v6 =	vmul.u32 $0xC8, v6;
	v5 =	vand.u32 $0xFFFFFFF8, v5;
	v4 =	vld.idx.msk [tilespmem:v4+s2+$0x0], $0xffff  }
0x25: {  	v5 =	vor.u32 v1, v5  }
0x26: {  	v6 =	vadd.s32 v3, v6  }
0x27: {  	v6 =	vbroadcast v6, $0x0;
	_ =	sdelay $0x1  }
0x28: {  	s17 =	simm.s32 $0x6;
	v6 =	vadd.s32 v0, v6;
	[tilespmem:s13+$0x0] =	vst v4  }
0x29: {  	s15 =	smov.u32 s13;
	s16 =	simm.s32 $0x8;
	v6 =	vand.u32 $0xFFFFFFF8, v6;
	v4 =	vld.idx.msk [tilespmem:v5+s2+$0x0], $0xffff;
	v5 =	vmov s17  }
.LBB2_3:
0x2a: {  	p0 =	sne.s32 s16, $0xE;
	v5 =	vmul.u32 $0xC8, v5;
	v6 =	vor.u32 v1, v6;
	_ =	sdelay $0x1  }
.Ltmp0:
0x2b: {  	v5 =	vadd.s32 v3, v5;
	(pc) =	sbr.rel @p0 .LBB2_3-.Ltmp0, $4  }
0x2c: {  	s15 =	sadd.s32 $0x10, s15;
	v5 =	vbroadcast v5, $0x0  }
0x2d: {  	[tilespmem:s15+$0x0] =	vst v4  }
0x2e: {  	v7 =	vadd.s32 v0, v5;
	v4 =	vld.idx.msk [tilespmem:v6+s2+$0x0], $0xffff  }
0x2f: {  	v5 =	vmov s16;
	s16 =	sadd.s32 $0x2, s16;
	v6 =	vand.u32 $0xFFFFFFF8, v7  }
0x30: {  	v5 =	vmul.u32 $0xC8, v5  }
0x31: {  	v6 =	vor.u32 v1, v6  }
0x32: {  	v3 =	vadd.s32 v3, v5  }
0x33: {  	v3 =	vbroadcast v3, $0x0  }
0x34: {  	s15 =	sadd.s32 $0x10, s15  }
0x35: {  	[tilespmem:s15+$0x0] =	vst v4;
	v3 =	vadd.s32 v0, v3  }
0x36: {  	v4 =	vld.idx.msk [tilespmem:v6+s2+$0x0], $0xffff;
	v3 =	vand.u32 $0xFFFFFFF8, v3  }
0x37: {  	v3 =	vor.u32 v1, v3;
	_ =	sdelay $0x2  }
0x38: {  	s15 =	sadd.s32 $0x10, s15  }
0x39: {  	s14 =	sadd.s32 $0x1, s14;
	[tilespmem:s15+$0x0] =	vst v4  }
0x3a: {  	p0 =	sne.s32 s14, $0x19;
	v3 =	vld.idx.msk [tilespmem:v3+s2+$0x0], $0xffff  }
.Ltmp1:
0x3b: {  	_ = 	snop;
	(pc) =	sbr.rel @p0 .LBB2_2-.Ltmp1, $3  }
0x3c: {  	_ =	sdelay $0x1  }
0x3d: {  	s15 =	sadd.s32 $0x10, s15  }
0x3e: {  	s13 =	sadd.s32 $0x80, s13;
	[tilespmem:s15+$0x0] =	vst v3  }
0x3f: {  	s14 =	simm.s32 $0x100;
	s13 =	simm.s32 $0x0  }
.LBB2_6:
0x40: {  	p0 =	sne.s32 s14, $0x7F00;
	[tilespmem:s13+$0x7D30] =	vst v2;
	s15 =	smov.u32 s14;
	s14 =	sadd.s32 $0x100, s14  }
.Ltmp2:
0x41: {  	[tilespmem:s13+$0x7D20] =	vst v2;
	(pc) =	sbr.rel @p0 .LBB2_6-.Ltmp2, $3  }
0x42: {  	[tilespmem:s13+$0x7D00] =	vst v2  }
0x43: {  	[tilespmem:s13+$0x7D10] =	vst v2;
	_ =	sdelay $0x1  }
0x44: {  	s13 =	sshra.s32 s15, $0x2  }
0x45: {  	[tilespmem:s13+$0x7D30] =	vst v2  }
0x46: {  	[tilespmem:s13+$0x7D20] =	vst v2  }
0x47: {  	[tilespmem:s13+$0x7D00] =	vst v2  }
0x48: {  	[tilespmem:s13+$0x7D10] =	vst v2;
	s17 =	simm.s32 $0x6400  }
0x49: {  	[tilespmem:s10], [sflag:$0x1] =	stream.indirect.gather.add.f32 [hbm:s3], $0x40, s17, s8, $0xb8;
	[tilespmem:$0xDD00] =	vst v63  }
0x4a: {  	s14 =	simm.s32 $0x6480  }
0x4b: {  	[tilespmem:s10], [sflag:$0x1] =	stream.indirect.gather.add.f32 [hbm:s3], $0x40, s14, s8, $0xb8;
	[tilespmem:$0xDD00] =	vst v63  }
0x4c: {  	s15 =	simm.s32 $0x6500  }
0x4d: {  	[tilespmem:s10], [sflag:$0x1] =	stream.indirect.gather.add.f32 [hbm:s3], $0x40, s15, s8, $0xb8;
	[tilespmem:$0xDD00] =	vst v63  }
0x4e: {  	s16 =	simm.s32 $0x6580  }
0x4f: {  	[tilespmem:s10], [sflag:$0x1] =	stream.indirect.gather.add.f32 [hbm:s3], $0x40, s16, s8, $0xb8;
	[tilespmem:$0xDD00] =	vst v63  }
0x50: {  	s17 =	simm.s32 $0x6600  }
0x51: {  	[tilespmem:s10], [sflag:$0x1] =	stream.indirect.gather.add.f32 [hbm:s3], $0x40, s17, s8, $0xb8;
	[tilespmem:$0xDD00] =	vst v63  }
0x52: {  	s14 =	simm.s32 $0x6680  }
0x53: {  	[tilespmem:s10], [sflag:$0x1] =	stream.indirect.gather.add.f32 [hbm:s3], $0x40, s14, s8, $0xb8;
	[tilespmem:$0xDD00] =	vst v63  }
0x54: {  	s15 =	simm.s32 $0x6700  }
0x55: {  	[tilespmem:s10], [sflag:$0x1] =	stream.indirect.gather.add.f32 [hbm:s3], $0x40, s15, s8, $0xb8;
	[tilespmem:$0xDD00] =	vst v63  }
0x56: {  	s16 =	simm.s32 $0x6780  }
0x57: {  	[tilespmem:s10], [sflag:$0x1] =	stream.indirect.gather.add.f32 [hbm:s3], $0x40, s16, s8, $0xb8;
	[tilespmem:$0xDD00] =	vst v63  }
0x58: {  	s17 =	simm.s32 $0x6800  }
0x59: {  	[tilespmem:s10], [sflag:$0x1] =	stream.indirect.gather.add.f32 [hbm:s3], $0x40, s17, s8, $0xb8;
	[tilespmem:$0xDD00] =	vst v63  }
0x5a: {  	s14 =	simm.s32 $0x6880  }
0x5b: {  	[tilespmem:s10], [sflag:$0x1] =	stream.indirect.gather.add.f32 [hbm:s3], $0x40, s14, s8, $0xb8;
	[tilespmem:$0xDD00] =	vst v63  }
0x5c: {  	s15 =	simm.s32 $0x6900  }
0x5d: {  	[tilespmem:s10], [sflag:$0x1] =	stream.indirect.gather.add.f32 [hbm:s3], $0x40, s15, s8, $0xb8;
	[tilespmem:$0xDD00] =	vst v63  }
0x5e: {  	s16 =	simm.s32 $0x6980  }
0x5f: {  	[tilespmem:s10], [sflag:$0x1] =	stream.indirect.gather.add.f32 [hbm:s3], $0x40, s16, s8, $0xb8;
	[tilespmem:$0xDD00] =	vst v63  }
0x60: {  	s17 =	simm.s32 $0x6A00  }
0x61: {  	[tilespmem:s10], [sflag:$0x1] =	stream.indirect.gather.add.f32 [hbm:s3], $0x40, s17, s8, $0xb8;
	[tilespmem:$0xDD00] =	vst v63  }
0x62: {  	s14 =	simm.s32 $0x6A80  }
0x63: {  	[tilespmem:s10], [sflag:$0x1] =	stream.indirect.gather.add.f32 [hbm:s3], $0x40, s14, s8, $0xb8;
	[tilespmem:$0xDD00] =	vst v63  }
0x64: {  	s15 =	simm.s32 $0x6B00  }
0x65: {  	[tilespmem:s10], [sflag:$0x1] =	stream.indirect.gather.add.f32 [hbm:s3], $0x40, s15, s8, $0xb8;
	[tilespmem:$0xDD00] =	vst v63  }
0x66: {  	s16 =	simm.s32 $0x6B80  }
0x67: {  	[tilespmem:s10], [sflag:$0x1] =	stream.indirect.gather.add.f32 [hbm:s3], $0x40, s16, s8, $0xb8;
	[tilespmem:$0xDD00] =	vst v63  }
0x68: {  	s17 =	simm.s32 $0x6C00  }
0x69: {  	[tilespmem:s10], [sflag:$0x1] =	stream.indirect.gather.add.f32 [hbm:s3], $0x40, s17, s8, $0xb8;
	[tilespmem:$0xDD00] =	vst v63  }
0x6a: {  	s14 =	simm.s32 $0x6C80  }
0x6b: {  	[tilespmem:s10], [sflag:$0x1] =	stream.indirect.gather.add.f32 [hbm:s3], $0x40, s14, s8, $0xb8;
	[tilespmem:$0xDD00] =	vst v63  }
0x6c: {  	s15 =	simm.s32 $0x6D00  }
0x6d: {  	[tilespmem:s10], [sflag:$0x1] =	stream.indirect.gather.add.f32 [hbm:s3], $0x40, s15, s8, $0xb8;
	[tilespmem:$0xDD00] =	vst v63  }
0x6e: {  	s16 =	simm.s32 $0x6D80  }
0x6f: {  	[tilespmem:s10], [sflag:$0x1] =	stream.indirect.gather.add.f32 [hbm:s3], $0x40, s16, s8, $0xb8;
	[tilespmem:$0xDD00] =	vst v63  }
0x70: {  	s17 =	simm.s32 $0x6E00  }
0x71: {  	[tilespmem:s10], [sflag:$0x1] =	stream.indirect.gather.add.f32 [hbm:s3], $0x40, s17, s8, $0xb8;
	[tilespmem:$0xDD00] =	vst v63  }
0x72: {  	s14 =	simm.s32 $0x6E80  }
0x73: {  	[tilespmem:s10], [sflag:$0x1] =	stream.indirect.gather.add.f32 [hbm:s3], $0x40, s14, s8, $0xb8;
	[tilespmem:$0xDD00] =	vst v63  }
0x74: {  	s15 =	simm.s32 $0x6F00  }
0x75: {  	[tilespmem:s10], [sflag:$0x1] =	stream.indirect.gather.add.f32 [hbm:s3], $0x40, s15, s8, $0xb8;
	[tilespmem:$0xDD00] =	vst v63  }
0x76: {  	s16 =	simm.s32 $0x6F80  }
0x77: {  	[tilespmem:s10], [sflag:$0x1] =	stream.indirect.gather.add.f32 [hbm:s3], $0x40, s16, s8, $0xb8;
	[tilespmem:$0xDD00] =	vst v63  }
0x78: {  	s13 =	simm.s32 $0x0;
	s17 =	simm.s32 $0x7000;
	s14 =	simm.s32 $0x7080  }
0x79: {  	[tilespmem:s10], [sflag:$0x1] =	stream.indirect.gather.add.f32 [hbm:s3], $0x40, s17, s8, $0xb8;
	[tilespmem:$0xDD00] =	vst v63  }
.LBB2_8:
0x7a: {  	s15 =	simm.s32 $0x10  }
0x7b: {  	v3 =	vmov s15  }
0x7c: {  	s16 =	sshll.u32 s13, $0x3;
	v4 =	vmul.u32 $0xC8, v3  }
0x7d: {  	v3 =	vmov s16  }
0x7e: {  	v4 =	vadd.s32 v3, v4  }
0x7f: {  	v4 =	vbroadcast v4, $0x0  }
0x80: {  	s17 =	simm.s32 $0x12  }
0x81: {  	v5 =	vmov s17;
	v4 =	vadd.s32 v0, v4  }
0x82: {  	v5 =	vmul.u32 $0xC8, v5;
	v4 =	vand.u32 $0xFFFFFFF8, v4  }
0x83: {  	v4 =	vor.u32 v1, v4  }
0x84: {  	v5 =	vadd.s32 v3, v5  }
0x85: {  	v5 =	vbroadcast v5, $0x0  }
0x86: {  	s16 =	simm.s32 $0x14  }
0x87: {  	v6 =	vmov s16;
	v5 =	vadd.s32 v0, v5  }
0x88: {  	v6 =	vmul.u32 $0xC8, v6;
	v5 =	vand.u32 $0xFFFFFFF8, v5;
	v4 =	vld.idx.msk [tilespmem:v4+s2+$0x0], $0xffff  }
0x89: {  	v5 =	vor.u32 v1, v5  }
0x8a: {  	v6 =	vadd.s32 v3, v6  }
0x8b: {  	v6 =	vbroadcast v6, $0x0;
	_ =	sdelay $0x1  }
0x8c: {  	s17 =	simm.s32 $0x16;
	v6 =	vadd.s32 v0, v6;
	[tilespmem:s14+$0x0] =	vst v4  }
0x8d: {  	s15 =	smov.u32 s14;
	s16 =	simm.s32 $0x18;
	v6 =	vand.u32 $0xFFFFFFF8, v6;
	v4 =	vld.idx.msk [tilespmem:v5+s2+$0x0], $0xffff;
	v5 =	vmov s17  }
.LBB2_9:
0x8e: {  	p0 =	sne.s32 s16, $0x1E;
	v5 =	vmul.u32 $0xC8, v5;
	v6 =	vor.u32 v1, v6;
	_ =	sdelay $0x1  }
.Ltmp3:
0x8f: {  	v5 =	vadd.s32 v3, v5;
	(pc) =	sbr.rel @p0 .LBB2_9-.Ltmp3, $4  }
0x90: {  	s15 =	sadd.s32 $0x10, s15;
	v5 =	vbroadcast v5, $0x0  }
0x91: {  	[tilespmem:s15+$0x0] =	vst v4  }
0x92: {  	v7 =	vadd.s32 v0, v5;
	v4 =	vld.idx.msk [tilespmem:v6+s2+$0x0], $0xffff  }
0x93: {  	v5 =	vmov s16;
	s16 =	sadd.s32 $0x2, s16;
	v6 =	vand.u32 $0xFFFFFFF8, v7  }
0x94: {  	v5 =	vmul.u32 $0xC8, v5  }
0x95: {  	v6 =	vor.u32 v1, v6  }
0x96: {  	v3 =	vadd.s32 v3, v5  }
0x97: {  	v3 =	vbroadcast v3, $0x0  }
0x98: {  	s15 =	sadd.s32 $0x10, s15  }
0x99: {  	[tilespmem:s15+$0x0] =	vst v4;
	v3 =	vadd.s32 v0, v3  }
0x9a: {  	v4 =	vld.idx.msk [tilespmem:v6+s2+$0x0], $0xffff;
	v3 =	vand.u32 $0xFFFFFFF8, v3  }
0x9b: {  	v3 =	vor.u32 v1, v3;
	_ =	sdelay $0x2  }
0x9c: {  	s15 =	sadd.s32 $0x10, s15  }
0x9d: {  	s13 =	sadd.s32 $0x1, s13;
	[tilespmem:s15+$0x0] =	vst v4  }
0x9e: {  	p0 =	sne.s32 s13, $0x19;
	v3 =	vld.idx.msk [tilespmem:v3+s2+$0x0], $0xffff  }
.Ltmp4:
0x9f: {  	_ = 	snop;
	(pc) =	sbr.rel @p0 .LBB2_8-.Ltmp4, $3  }
0xa0: {  	_ =	sdelay $0x1  }
0xa1: {  	s15 =	sadd.s32 $0x10, s15  }
0xa2: {  	s14 =	sadd.s32 $0x80, s14;
	[tilespmem:s15+$0x0] =	vst v3  }
0xa3: {  	s14 =	simm.s32 $0x100;
	s13 =	simm.s32 $0x0  }
.LBB2_12:
0xa4: {  	p0 =	sne.s32 s14, $0x7F00;
	[tilespmem:s13+$0x9D30] =	vst v2;
	s15 =	smov.u32 s14;
	s14 =	sadd.s32 $0x100, s14  }
.Ltmp5:
0xa5: {  	[tilespmem:s13+$0x9D20] =	vst v2;
	(pc) =	sbr.rel @p0 .LBB2_12-.Ltmp5, $3  }
0xa6: {  	[tilespmem:s13+$0x9D00] =	vst v2  }
0xa7: {  	[tilespmem:s13+$0x9D10] =	vst v2;
	_ =	sdelay $0x1  }
0xa8: {  	s13 =	sshra.s32 s15, $0x2  }
0xa9: {  	[tilespmem:s13+$0x9D30] =	vst v2  }
0xaa: {  	[tilespmem:s13+$0x9D20] =	vst v2  }
0xab: {  	[tilespmem:s13+$0x9D00] =	vst v2  }
0xac: {  	[tilespmem:s13+$0x9D10] =	vst v2;
	s14 =	simm.s32 $0x7080  }
0xad: {  	[tilespmem:s9], [sflag:$0x2] =	stream.indirect.gather.add.f32 [hbm:s3], $0x40, s14, s8, $0xb8;
	[tilespmem:$0xDD00] =	vst v63  }
0xae: {  	s15 =	simm.s32 $0x7100  }
0xaf: {  	[tilespmem:s9], [sflag:$0x2] =	stream.indirect.gather.add.f32 [hbm:s3], $0x40, s15, s8, $0xb8;
	[tilespmem:$0xDD00] =	vst v63  }
0xb0: {  	s16 =	simm.s32 $0x7180  }
0xb1: {  	[tilespmem:s9], [sflag:$0x2] =	stream.indirect.gather.add.f32 [hbm:s3], $0x40, s16, s8, $0xb8;
	[tilespmem:$0xDD00] =	vst v63  }
0xb2: {  	s17 =	simm.s32 $0x7200  }
0xb3: {  	[tilespmem:s9], [sflag:$0x2] =	stream.indirect.gather.add.f32 [hbm:s3], $0x40, s17, s8, $0xb8;
	[tilespmem:$0xDD00] =	vst v63  }
0xb4: {  	s14 =	simm.s32 $0x7280  }
0xb5: {  	[tilespmem:s9], [sflag:$0x2] =	stream.indirect.gather.add.f32 [hbm:s3], $0x40, s14, s8, $0xb8;
	[tilespmem:$0xDD00] =	vst v63  }
0xb6: {  	s15 =	simm.s32 $0x7300  }
0xb7: {  	[tilespmem:s9], [sflag:$0x2] =	stream.indirect.gather.add.f32 [hbm:s3], $0x40, s15, s8, $0xb8;
	[tilespmem:$0xDD00] =	vst v63  }
0xb8: {  	s16 =	simm.s32 $0x7380  }
0xb9: {  	[tilespmem:s9], [sflag:$0x2] =	stream.indirect.gather.add.f32 [hbm:s3], $0x40, s16, s8, $0xb8;
	[tilespmem:$0xDD00] =	vst v63  }
0xba: {  	s17 =	simm.s32 $0x7400  }
0xbb: {  	[tilespmem:s9], [sflag:$0x2] =	stream.indirect.gather.add.f32 [hbm:s3], $0x40, s17, s8, $0xb8;
	[tilespmem:$0xDD00] =	vst v63  }
0xbc: {  	_ = 	snop  }
0xbd: {  	[tilespmem:s9], [sflag:$0x2] =	stream.indirect.gather.add.f32 [hbm:s3], $0x40, s18, s8, $0xb8;
	[tilespmem:$0xDD00] =	vst v63  }
0xbe: {  	_ = 	snop  }
0xbf: {  	[tilespmem:s9], [sflag:$0x2] =	stream.indirect.gather.add.f32 [hbm:s3], $0x40, s19, s8, $0xb8;
	[tilespmem:$0xDD00] =	vst v63  }
0xc0: {  	_ = 	snop  }
0xc1: {  	[tilespmem:s9], [sflag:$0x2] =	stream.indirect.gather.add.f32 [hbm:s3], $0x40, s20, s8, $0xb8;
	[tilespmem:$0xDD00] =	vst v63  }
0xc2: {  	_ = 	snop  }
0xc3: {  	[tilespmem:s9], [sflag:$0x2] =	stream.indirect.gather.add.f32 [hbm:s3], $0x40, s21, s8, $0xb8;
	[tilespmem:$0xDD00] =	vst v63  }
0xc4: {  	_ = 	snop  }
0xc5: {  	[tilespmem:s9], [sflag:$0x2] =	stream.indirect.gather.add.f32 [hbm:s3], $0x40, s22, s8, $0xb8;
	[tilespmem:$0xDD00] =	vst v63  }
0xc6: {  	_ = 	snop  }
0xc7: {  	[tilespmem:s9], [sflag:$0x2] =	stream.indirect.gather.add.f32 [hbm:s3], $0x40, s23, s8, $0xb8;
	[tilespmem:$0xDD00] =	vst v63  }
0xc8: {  	_ = 	snop  }
0xc9: {  	[tilespmem:s9], [sflag:$0x2] =	stream.indirect.gather.add.f32 [hbm:s3], $0x40, s24, s8, $0xb8;
	[tilespmem:$0xDD00] =	vst v63  }
0xca: {  	_ = 	snop  }
0xcb: {  	[tilespmem:s9], [sflag:$0x2] =	stream.indirect.gather.add.f32 [hbm:s3], $0x40, s25, s8, $0xb8;
	[tilespmem:$0xDD00] =	vst v63  }
0xcc: {  	_ = 	snop  }
0xcd: {  	[tilespmem:s9], [sflag:$0x2] =	stream.indirect.gather.add.f32 [hbm:s3], $0x40, s26, s8, $0xb8;
	[tilespmem:$0xDD00] =	vst v63  }
0xce: {  	_ = 	snop  }
0xcf: {  	[tilespmem:s9], [sflag:$0x2] =	stream.indirect.gather.add.f32 [hbm:s3], $0x40, s28, s8, $0xb8;
	[tilespmem:$0xDD00] =	vst v63  }
0xd0: {  	_ = 	snop  }
0xd1: {  	[tilespmem:s9], [sflag:$0x2] =	stream.indirect.gather.add.f32 [hbm:s3], $0x40, s29, s8, $0xb8;
	[tilespmem:$0xDD00] =	vst v63  }
0xd2: {  	_ = 	snop  }
0xd3: {  	[tilespmem:s9], [sflag:$0x2] =	stream.indirect.gather.add.f32 [hbm:s3], $0x40, s30, s8, $0xb8;
	[tilespmem:$0xDD00] =	vst v63  }
0xd4: {  	_ = 	snop  }
0xd5: {  	[tilespmem:s9], [sflag:$0x2] =	stream.indirect.gather.add.f32 [hbm:s3], $0x40, s31, s8, $0xb8;
	[tilespmem:$0xDD00] =	vst v63  }
0xd6: {  	_ = 	snop  }
0xd7: {  	[tilespmem:s9], [sflag:$0x2] =	stream.indirect.gather.add.f32 [hbm:s3], $0x40, s1, s8, $0xb8;
	[tilespmem:$0xDD00] =	vst v63  }
0xd8: {  	_ = 	snop  }
0xd9: {  	[tilespmem:s9], [sflag:$0x2] =	stream.indirect.gather.add.f32 [hbm:s3], $0x40, s0, s8, $0xb8;
	[tilespmem:$0xDD00] =	vst v63  }
0xda: {  	_ = 	snop  }
0xdb: {  	[tilespmem:s9], [sflag:$0x2] =	stream.indirect.gather.add.f32 [hbm:s3], $0x40, s4, s8, $0xb8;
	[tilespmem:$0xDD00] =	vst v63  }
0xdc: {  	_ = 	snop  }
0xdd: {  	[tilespmem:s9], [sflag:$0x2] =	stream.indirect.gather.add.f32 [hbm:s3], $0x40, s5, s8, $0xb8;
	[tilespmem:$0xDD00] =	vst v63  }
0xde: {  	_ =	swait.ge [sflag:s6], $0x2000  }
0xdf: {  	[sflag:s6] =	ssyncset.done $0x0  }
0xe0: {  	[sflag:s6] =	ssyncadd.s32 $0xFFFFE000  }
0xe1: {  	_ =	swait.ge [sflag:s6], $0x2000  }
0xe2: {  	[sflag:s6] =	ssyncset.done $0x0  }
0xe3: {  	[sflag:s6] =	ssyncadd.s32 $0xFFFFE000  }
0xe4: {  	_ =	swait.ge [sflag:s6], $0x2000  }
0xe5: {  	[sflag:s6] =	ssyncset.done $0x0  }
0xe6: {  	[sflag:s6] =	ssyncadd.s32 $0xFFFFE000  }
0xe7: {  	_ =	swait.ge [sflag:s6], $0x2000  }
0xe8: {  	[sflag:s6] =	ssyncset.done $0x0  }
0xe9: {  	[sflag:s6] =	ssyncadd.s32 $0xFFFFE000  }
0xea: {  	_ =	swait.ge [sflag:s6], $0x2000  }
0xeb: {  	[sflag:s6] =	ssyncset.done $0x0  }
0xec: {  	[sflag:s6] =	ssyncadd.s32 $0xFFFFE000  }
0xed: {  	_ =	swait.ge [sflag:s6], $0x2000  }
0xee: {  	[sflag:s6] =	ssyncset.done $0x0  }
0xef: {  	[sflag:s6] =	ssyncadd.s32 $0xFFFFE000  }
0xf0: {  	_ =	swait.ge [sflag:s6], $0x2000  }
0xf1: {  	[sflag:s6] =	ssyncset.done $0x0  }
0xf2: {  	[sflag:s6] =	ssyncadd.s32 $0xFFFFE000  }
0xf3: {  	_ =	swait.ge [sflag:s6], $0x2000  }
0xf4: {  	[sflag:s6] =	ssyncset.done $0x0  }
0xf5: {  	[sflag:s6] =	ssyncadd.s32 $0xFFFFE000  }
0xf6: {  	_ =	swait.ge [sflag:s6], $0x2000  }
0xf7: {  	[sflag:s6] =	ssyncset.done $0x0  }
0xf8: {  	[sflag:s6] =	ssyncadd.s32 $0xFFFFE000  }
0xf9: {  	_ =	swait.ge [sflag:s6], $0x2000  }
0xfa: {  	[sflag:s6] =	ssyncset.done $0x0  }
0xfb: {  	[sflag:s6] =	ssyncadd.s32 $0xFFFFE000  }
0xfc: {  	_ =	swait.ge [sflag:s6], $0x2000  }
0xfd: {  	[sflag:s6] =	ssyncset.done $0x0  }
0xfe: {  	[sflag:s6] =	ssyncadd.s32 $0xFFFFE000  }
0xff: {  	_ =	swait.ge [sflag:s6], $0x2000  }
0x100: {  	[sflag:s6] =	ssyncset.done $0x0  }
0x101: {  	[sflag:s6] =	ssyncadd.s32 $0xFFFFE000  }
0x102: {  	_ =	swait.ge [sflag:s6], $0x2000  }
0x103: {  	[sflag:s6] =	ssyncset.done $0x0  }
0x104: {  	[sflag:s6] =	ssyncadd.s32 $0xFFFFE000  }
0x105: {  	_ =	swait.ge [sflag:s6], $0x2000  }
0x106: {  	[sflag:s6] =	ssyncset.done $0x0  }
0x107: {  	[sflag:s6] =	ssyncadd.s32 $0xFFFFE000  }
0x108: {  	_ =	swait.ge [sflag:s6], $0x2000  }
0x109: {  	[sflag:s6] =	ssyncset.done $0x0  }
0x10a: {  	[sflag:s6] =	ssyncadd.s32 $0xFFFFE000  }
0x10b: {  	_ =	swait.ge [sflag:s6], $0x2000  }
0x10c: {  	[sflag:s6] =	ssyncset.done $0x0  }
0x10d: {  	[sflag:s6] =	ssyncadd.s32 $0xFFFFE000  }
0x10e: {  	_ =	swait.ge [sflag:s6], $0x2000  }
0x10f: {  	[sflag:s6] =	ssyncset.done $0x0  }
0x110: {  	[sflag:s6] =	ssyncadd.s32 $0xFFFFE000  }
0x111: {  	_ =	swait.ge [sflag:s6], $0x2000  }
0x112: {  	[sflag:s6] =	ssyncset.done $0x0  }
0x113: {  	[sflag:s6] =	ssyncadd.s32 $0xFFFFE000  }
0x114: {  	_ =	swait.ge [sflag:s6], $0x2000  }
0x115: {  	[sflag:s6] =	ssyncset.done $0x0  }
0x116: {  	[sflag:s6] =	ssyncadd.s32 $0xFFFFE000  }
0x117: {  	_ =	swait.ge [sflag:s6], $0x2000  }
0x118: {  	[sflag:s6] =	ssyncset.done $0x0  }
0x119: {  	[sflag:s6] =	ssyncadd.s32 $0xFFFFE000  }
0x11a: {  	_ =	swait.ge [sflag:s6], $0x2000  }
0x11b: {  	[sflag:s6] =	ssyncset.done $0x0  }
0x11c: {  	[sflag:s6] =	ssyncadd.s32 $0xFFFFE000  }
0x11d: {  	_ =	swait.ge [sflag:s6], $0x2000  }
0x11e: {  	[sflag:s6] =	ssyncset.done $0x0  }
0x11f: {  	[sflag:s6] =	ssyncadd.s32 $0xFFFFE000  }
0x120: {  	_ =	swait.ge [sflag:s6], $0x2000  }
0x121: {  	[sflag:s6] =	ssyncset.done $0x0  }
0x122: {  	[sflag:s6] =	ssyncadd.s32 $0xFFFFE000  }
0x123: {  	_ =	swait.ge [sflag:s6], $0x2000  }
0x124: {  	[sflag:s6] =	ssyncset.done $0x0  }
0x125: {  	[sflag:s6] =	ssyncadd.s32 $0xFFFFE000  }
0x126: {  	_ =	swait.ge [sflag:s6], $0x2000  }
0x127: {  	[sflag:s6] =	ssyncset.done $0x0  }
0x128: {  	s14 =	simm.s32 $0x7E00;
	[sflag:s6] =	ssyncadd.s32 $0xFFFFE000  }
0x129: {  	v3 =	vld [tilespmem:s14+$0xFFFFFF40]  }
0x12a: {  	v4 =	vld [tilespmem:s14+$0xFFFFFF00];
	_ =	sdelay $0x1  }
0x12b: {  	v5 =	vld [tilespmem:s14+$0xFFFFFF80];
	_ =	sdelay $0x1  }
0x12c: {  	v6 =	vld [tilespmem:s14+$0xFFFFFFC0]  }
0x12d: {  	v3 =	vadd.f32 v3, v4  }
0x12e: {  	v4 =	vld [tilespmem:s14+$0x0]  }
0x12f: {  	v3 =	vadd.f32 v5, v3  }
0x130: {  	v5 =	vld [tilespmem:s14+$0x40]  }
0x131: {  	v3 =	vadd.f32 v6, v3  }
0x132: {  	v6 =	vld [tilespmem:s14+$0x80]  }
0x133: {  	v3 =	vadd.f32 v4, v3  }
0x134: {  	v4 =	vld [tilespmem:s14+$0xC0]  }
0x135: {  	v3 =	vadd.f32 v5, v3;
	_ =	sdelay $0x1  }
0x136: {  	v3 =	vadd.f32 v6, v3;
	_ =	sdelay $0x1  }
0x137: {  	v3 =	vadd.f32 v4, v3  }
0x138: {  	s15 =	simm.s32 $0x0  }
0x139: {  	[tilespmem:s15+$0xBD00] =	vst v3  }
0x13a: {  	v3 =	vld [tilespmem:s14+$0xFFFFFF10]  }
0x13b: {  	v4 =	vld [tilespmem:s14+$0xFFFFFF50];
	_ =	sdelay $0x1  }
0x13c: {  	v5 =	vld [tilespmem:s14+$0xFFFFFF90];
	_ =	sdelay $0x1  }
0x13d: {  	v6 =	vld [tilespmem:s14+$0xFFFFFFD0]  }
0x13e: {  	v3 =	vadd.f32 v4, v3  }
0x13f: {  	v4 =	vld [tilespmem:s14+$0x10]  }
0x140: {  	v3 =	vadd.f32 v5, v3  }
0x141: {  	v5 =	vld [tilespmem:s14+$0x50]  }
0x142: {  	v3 =	vadd.f32 v6, v3  }
0x143: {  	v6 =	vld [tilespmem:s14+$0x90]  }
0x144: {  	v3 =	vadd.f32 v4, v3  }
0x145: {  	v4 =	vld [tilespmem:s14+$0xD0]  }
0x146: {  	v3 =	vadd.f32 v5, v3;
	_ =	sdelay $0x1  }
0x147: {  	v3 =	vadd.f32 v6, v3;
	_ =	sdelay $0x1  }
0x148: {  	v3 =	vadd.f32 v4, v3;
	_ =	sdelay $0x1  }
0x149: {  	[tilespmem:s15+$0xBD10] =	vst v3  }
0x14a: {  	v3 =	vld [tilespmem:s14+$0xFFFFFF20]  }
0x14b: {  	v4 =	vld [tilespmem:s14+$0xFFFFFF60];
	_ =	sdelay $0x1  }
0x14c: {  	v5 =	vld [tilespmem:s14+$0xFFFFFFA0];
	_ =	sdelay $0x1  }
0x14d: {  	v6 =	vld [tilespmem:s14+$0xFFFFFFE0]  }
0x14e: {  	v3 =	vadd.f32 v4, v3  }
0x14f: {  	v4 =	vld [tilespmem:s14+$0x20]  }
0x150: {  	v3 =	vadd.f32 v5, v3  }
0x151: {  	v5 =	vld [tilespmem:s14+$0x60]  }
0x152: {  	v3 =	vadd.f32 v6, v3  }
0x153: {  	v6 =	vld [tilespmem:s14+$0xA0]  }
0x154: {  	v3 =	vadd.f32 v4, v3  }
0x155: {  	v4 =	vld [tilespmem:s14+$0xE0]  }
0x156: {  	v3 =	vadd.f32 v5, v3;
	_ =	sdelay $0x1  }
0x157: {  	v3 =	vadd.f32 v6, v3;
	_ =	sdelay $0x1  }
0x158: {  	v3 =	vadd.f32 v4, v3;
	_ =	sdelay $0x1  }
0x159: {  	[tilespmem:s15+$0xBD20] =	vst v3  }
0x15a: {  	v3 =	vld [tilespmem:s14+$0xFFFFFF30]  }
0x15b: {  	v4 =	vld [tilespmem:s14+$0xFFFFFF70];
	_ =	sdelay $0x1  }
0x15c: {  	v5 =	vld [tilespmem:s14+$0xFFFFFFB0];
	_ =	sdelay $0x1  }
0x15d: {  	v6 =	vld [tilespmem:s14+$0xFFFFFFF0]  }
0x15e: {  	v3 =	vadd.f32 v4, v3  }
0x15f: {  	v4 =	vld [tilespmem:s14+$0x30]  }
0x160: {  	v3 =	vadd.f32 v5, v3;
	_ =	sdelay $0x1  }
0x161: {  	v5 =	vld [tilespmem:s14+$0x70];
	v3 =	vadd.f32 v6, v3;
	_ =	sdelay $0x1  }
0x162: {  	v6 =	vadd.f32 v4, v3;
	v4 =	vld [tilespmem:s14+$0xB0];
	_ =	sdelay $0x1  }
0x163: {  	v3 =	vld [tilespmem:s14+$0xF0]  }
0x164: {  	s13 =	simm.s32 $0x0;
	s16 =	simm.s32 $0x100;
	v5 =	vadd.f32 v5, v6  }
.LBB2_14:
0x165: {  	p0 =	sne.s32 s16, $0xF00  }
0x166: {  	s14 =	sadd.s32 $0x200, s14;
	s17 =	smov.u32 s16;
	s16 =	sadd.s32 $0x100, s16;
	v4 =	vadd.f32 v4, v5  }
0x167: {  	_ = 	snop  }
0x168: {  	v3 =	vadd.f32 v3, v4;
	_ =	sdelay $0x1  }
0x169: {  	[tilespmem:s15+$0xBD30] =	vst v3  }
0x16a: {  	v3 =	vld [tilespmem:s14+$0xFFFFFF40]  }
0x16b: {  	v4 =	vld [tilespmem:s14+$0xFFFFFF00];
	_ =	sdelay $0x1  }
0x16c: {  	v5 =	vld [tilespmem:s14+$0xFFFFFF80];
	_ =	sdelay $0x1  }
0x16d: {  	v6 =	vld [tilespmem:s14+$0xFFFFFFC0]  }
0x16e: {  	v3 =	vadd.f32 v3, v4  }
0x16f: {  	v4 =	vld [tilespmem:s14+$0x0]  }
0x170: {  	v3 =	vadd.f32 v5, v3  }
0x171: {  	v5 =	vld [tilespmem:s14+$0x40]  }
0x172: {  	v3 =	vadd.f32 v6, v3  }
0x173: {  	v6 =	vld [tilespmem:s14+$0x80]  }
0x174: {  	v3 =	vadd.f32 v4, v3  }
0x175: {  	v4 =	vld [tilespmem:s14+$0xC0]  }
0x176: {  	v3 =	vadd.f32 v5, v3;
	_ =	sdelay $0x1  }
0x177: {  	v3 =	vadd.f32 v6, v3;
	_ =	sdelay $0x1  }
0x178: {  	v3 =	vadd.f32 v4, v3  }
0x179: {  	s15 =	sshra.s32 s17, $0x2  }
0x17a: {  	[tilespmem:s15+$0xBD00] =	vst v3  }
0x17b: {  	v3 =	vld [tilespmem:s14+$0xFFFFFF10]  }
0x17c: {  	v4 =	vld [tilespmem:s14+$0xFFFFFF50];
	_ =	sdelay $0x1  }
0x17d: {  	v5 =	vld [tilespmem:s14+$0xFFFFFF90];
	_ =	sdelay $0x1  }
0x17e: {  	v6 =	vld [tilespmem:s14+$0xFFFFFFD0]  }
0x17f: {  	v3 =	vadd.f32 v4, v3  }
0x180: {  	v4 =	vld [tilespmem:s14+$0x10]  }
0x181: {  	v3 =	vadd.f32 v5, v3  }
0x182: {  	v5 =	vld [tilespmem:s14+$0x50]  }
0x183: {  	v3 =	vadd.f32 v6, v3  }
0x184: {  	v6 =	vld [tilespmem:s14+$0x90]  }
0x185: {  	v3 =	vadd.f32 v4, v3  }
0x186: {  	v4 =	vld [tilespmem:s14+$0xD0]  }
0x187: {  	v3 =	vadd.f32 v5, v3;
	_ =	sdelay $0x1  }
0x188: {  	v3 =	vadd.f32 v6, v3;
	_ =	sdelay $0x1  }
0x189: {  	v3 =	vadd.f32 v4, v3;
	_ =	sdelay $0x1  }
0x18a: {  	[tilespmem:s15+$0xBD10] =	vst v3  }
0x18b: {  	v3 =	vld [tilespmem:s14+$0xFFFFFF20]  }
0x18c: {  	v4 =	vld [tilespmem:s14+$0xFFFFFF60];
	_ =	sdelay $0x1  }
0x18d: {  	v5 =	vld [tilespmem:s14+$0xFFFFFFA0];
	_ =	sdelay $0x1  }
0x18e: {  	v6 =	vld [tilespmem:s14+$0xFFFFFFE0]  }
0x18f: {  	v3 =	vadd.f32 v4, v3  }
0x190: {  	v4 =	vld [tilespmem:s14+$0x20]  }
0x191: {  	v3 =	vadd.f32 v5, v3  }
0x192: {  	v5 =	vld [tilespmem:s14+$0x60]  }
0x193: {  	v3 =	vadd.f32 v6, v3  }
0x194: {  	v6 =	vld [tilespmem:s14+$0xA0]  }
0x195: {  	v3 =	vadd.f32 v4, v3  }
0x196: {  	v4 =	vld [tilespmem:s14+$0xE0]  }
0x197: {  	v3 =	vadd.f32 v5, v3;
	_ =	sdelay $0x1  }
0x198: {  	v3 =	vadd.f32 v6, v3;
	_ =	sdelay $0x1  }
0x199: {  	v3 =	vadd.f32 v4, v3;
	_ =	sdelay $0x1  }
0x19a: {  	[tilespmem:s15+$0xBD20] =	vst v3  }
0x19b: {  	v3 =	vld [tilespmem:s14+$0xFFFFFF30]  }
0x19c: {  	v4 =	vld [tilespmem:s14+$0xFFFFFF70]  }
0x19d: {  	v5 =	vld [tilespmem:s14+$0xFFFFFFB0]  }
0x19e: {  	v6 =	vld [tilespmem:s14+$0xFFFFFFF0]  }
0x19f: {  	v7 =	vld [tilespmem:s14+$0x30]  }
0x1a0: {  	v8 =	vld [tilespmem:s14+$0x70]  }
0x1a1: {  	v9 =	vadd.f32 v4, v3;
	v4 =	vld [tilespmem:s14+$0xB0]  }
0x1a2: {  	v3 =	vld [tilespmem:s14+$0xF0]  }
0x1a3: {  	v5 =	vadd.f32 v5, v9;
	_ =	sdelay $0x1  }
.Ltmp6:
0x1a4: {  	v5 =	vadd.f32 v6, v5;
	(pc) =	sbr.rel @p0 .LBB2_14-.Ltmp6, $3  }
0x1a5: {  	_ = 	snop  }
0x1a6: {  	v5 =	vadd.f32 v7, v5;
	_ =	sdelay $0x1  }
0x1a7: {  	v5 =	vadd.f32 v8, v5  }
0x1a8: {  	_ = 	snop  }
0x1a9: {  	v4 =	vadd.f32 v4, v5;
	_ =	sdelay $0x1  }
0x1aa: {  	v3 =	vadd.f32 v3, v4;
	_ =	sdelay $0x1  }
0x1ab: {  	s14 =	simm.s32 $0x6400;
	[tilespmem:s15+$0xBD30] =	vst v3  }
.LBB2_16:
0x1ac: {  	s15 =	simm.s32 $0x20  }
0x1ad: {  	v3 =	vmov s15  }
0x1ae: {  	s16 =	sshll.u32 s13, $0x3;
	v4 =	vmul.u32 $0xC8, v3  }
0x1af: {  	v3 =	vmov s16  }
0x1b0: {  	v4 =	vadd.s32 v3, v4  }
0x1b1: {  	v4 =	vbroadcast v4, $0x0  }
0x1b2: {  	s17 =	simm.s32 $0x22  }
0x1b3: {  	v5 =	vmov s17;
	v4 =	vadd.s32 v0, v4  }
0x1b4: {  	v5 =	vmul.u32 $0xC8, v5;
	v4 =	vand.u32 $0xFFFFFFF8, v4  }
0x1b5: {  	v4 =	vor.u32 v1, v4  }
0x1b6: {  	v5 =	vadd.s32 v3, v5  }
0x1b7: {  	v5 =	vbroadcast v5, $0x0  }
0x1b8: {  	s16 =	simm.s32 $0x24  }
0x1b9: {  	v6 =	vmov s16;
	v5 =	vadd.s32 v0, v5  }
0x1ba: {  	v6 =	vmul.u32 $0xC8, v6;
	v5 =	vand.u32 $0xFFFFFFF8, v5;
	v4 =	vld.idx.msk [tilespmem:v4+s2+$0x0], $0xffff  }
0x1bb: {  	v5 =	vor.u32 v1, v5  }
0x1bc: {  	v6 =	vadd.s32 v3, v6  }
0x1bd: {  	v6 =	vbroadcast v6, $0x0;
	_ =	sdelay $0x1  }
0x1be: {  	s17 =	simm.s32 $0x26;
	v6 =	vadd.s32 v0, v6;
	[tilespmem:s14+$0x0] =	vst v4  }
0x1bf: {  	s15 =	smov.u32 s14;
	s16 =	simm.s32 $0x28;
	v6 =	vand.u32 $0xFFFFFFF8, v6;
	v4 =	vld.idx.msk [tilespmem:v5+s2+$0x0], $0xffff;
	v5 =	vmov s17  }
.LBB2_17:
0x1c0: {  	p0 =	sne.s32 s16, $0x2E;
	v5 =	vmul.u32 $0xC8, v5;
	v6 =	vor.u32 v1, v6;
	_ =	sdelay $0x1  }
.Ltmp7:
0x1c1: {  	v5 =	vadd.s32 v3, v5;
	(pc) =	sbr.rel @p0 .LBB2_17-.Ltmp7, $4  }
0x1c2: {  	s15 =	sadd.s32 $0x10, s15;
	v5 =	vbroadcast v5, $0x0  }
0x1c3: {  	[tilespmem:s15+$0x0] =	vst v4  }
0x1c4: {  	v7 =	vadd.s32 v0, v5;
	v4 =	vld.idx.msk [tilespmem:v6+s2+$0x0], $0xffff  }
0x1c5: {  	v5 =	vmov s16;
	s16 =	sadd.s32 $0x2, s16;
	v6 =	vand.u32 $0xFFFFFFF8, v7  }
0x1c6: {  	v5 =	vmul.u32 $0xC8, v5  }
0x1c7: {  	v6 =	vor.u32 v1, v6  }
0x1c8: {  	v3 =	vadd.s32 v3, v5  }
0x1c9: {  	v3 =	vbroadcast v3, $0x0  }
0x1ca: {  	s15 =	sadd.s32 $0x10, s15  }
0x1cb: {  	[tilespmem:s15+$0x0] =	vst v4;
	v3 =	vadd.s32 v0, v3  }
0x1cc: {  	v4 =	vld.idx.msk [tilespmem:v6+s2+$0x0], $0xffff;
	v3 =	vand.u32 $0xFFFFFFF8, v3  }
0x1cd: {  	v3 =	vor.u32 v1, v3;
	_ =	sdelay $0x2  }
0x1ce: {  	s15 =	sadd.s32 $0x10, s15  }
0x1cf: {  	s13 =	sadd.s32 $0x1, s13;
	[tilespmem:s15+$0x0] =	vst v4  }
0x1d0: {  	p0 =	sne.s32 s13, $0x19;
	v3 =	vld.idx.msk [tilespmem:v3+s2+$0x0], $0xffff  }
.Ltmp8:
0x1d1: {  	_ = 	snop;
	(pc) =	sbr.rel @p0 .LBB2_16-.Ltmp8, $3  }
0x1d2: {  	_ =	sdelay $0x1  }
0x1d3: {  	s15 =	sadd.s32 $0x10, s15  }
0x1d4: {  	s14 =	sadd.s32 $0x80, s14;
	[tilespmem:s15+$0x0] =	vst v3  }
0x1d5: {  	s14 =	simm.s32 $0x100;
	s13 =	simm.s32 $0x0  }
.LBB2_20:
0x1d6: {  	p0 =	sne.s32 s14, $0x7F00;
	[tilespmem:s13+$0x7D30] =	vst v2;
	s15 =	smov.u32 s14;
	s14 =	sadd.s32 $0x100, s14  }
.Ltmp9:
0x1d7: {  	[tilespmem:s13+$0x7D20] =	vst v2;
	(pc) =	sbr.rel @p0 .LBB2_20-.Ltmp9, $3  }
0x1d8: {  	[tilespmem:s13+$0x7D00] =	vst v2  }
0x1d9: {  	[tilespmem:s13+$0x7D10] =	vst v2;
	_ =	sdelay $0x1  }
0x1da: {  	s13 =	sshra.s32 s15, $0x2  }
0x1db: {  	[tilespmem:s13+$0x7D30] =	vst v2  }
0x1dc: {  	[tilespmem:s13+$0x7D20] =	vst v2  }
0x1dd: {  	[tilespmem:s13+$0x7D00] =	vst v2  }
0x1de: {  	[tilespmem:s13+$0x7D10] =	vst v2;
	s17 =	simm.s32 $0x6400  }
0x1df: {  	[tilespmem:s10], [sflag:$0x1] =	stream.indirect.gather.add.f32 [hbm:s3], $0x40, s17, s8, $0xb8;
	[tilespmem:$0xDD00] =	vst v63  }
0x1e0: {  	s14 =	simm.s32 $0x6480  }
0x1e1: {  	[tilespmem:s10], [sflag:$0x1] =	stream.indirect.gather.add.f32 [hbm:s3], $0x40, s14, s8, $0xb8;
	[tilespmem:$0xDD00] =	vst v63  }
0x1e2: {  	s15 =	simm.s32 $0x6500  }
0x1e3: {  	[tilespmem:s10], [sflag:$0x1] =	stream.indirect.gather.add.f32 [hbm:s3], $0x40, s15, s8, $0xb8;
	[tilespmem:$0xDD00] =	vst v63  }
0x1e4: {  	s16 =	simm.s32 $0x6580  }
0x1e5: {  	[tilespmem:s10], [sflag:$0x1] =	stream.indirect.gather.add.f32 [hbm:s3], $0x40, s16, s8, $0xb8;
	[tilespmem:$0xDD00] =	vst v63  }
0x1e6: {  	s17 =	simm.s32 $0x6600  }
0x1e7: {  	[tilespmem:s10], [sflag:$0x1] =	stream.indirect.gather.add.f32 [hbm:s3], $0x40, s17, s8, $0xb8;
	[tilespmem:$0xDD00] =	vst v63  }
0x1e8: {  	s14 =	simm.s32 $0x6680  }
0x1e9: {  	[tilespmem:s10], [sflag:$0x1] =	stream.indirect.gather.add.f32 [hbm:s3], $0x40, s14, s8, $0xb8;
	[tilespmem:$0xDD00] =	vst v63  }
0x1ea: {  	s15 =	simm.s32 $0x6700  }
0x1eb: {  	[tilespmem:s10], [sflag:$0x1] =	stream.indirect.gather.add.f32 [hbm:s3], $0x40, s15, s8, $0xb8;
	[tilespmem:$0xDD00] =	vst v63  }
0x1ec: {  	s16 =	simm.s32 $0x6780  }
0x1ed: {  	[tilespmem:s10], [sflag:$0x1] =	stream.indirect.gather.add.f32 [hbm:s3], $0x40, s16, s8, $0xb8;
	[tilespmem:$0xDD00] =	vst v63  }
0x1ee: {  	s17 =	simm.s32 $0x6800  }
0x1ef: {  	[tilespmem:s10], [sflag:$0x1] =	stream.indirect.gather.add.f32 [hbm:s3], $0x40, s17, s8, $0xb8;
	[tilespmem:$0xDD00] =	vst v63  }
0x1f0: {  	s14 =	simm.s32 $0x6880  }
0x1f1: {  	[tilespmem:s10], [sflag:$0x1] =	stream.indirect.gather.add.f32 [hbm:s3], $0x40, s14, s8, $0xb8;
	[tilespmem:$0xDD00] =	vst v63  }
0x1f2: {  	s15 =	simm.s32 $0x6900  }
0x1f3: {  	[tilespmem:s10], [sflag:$0x1] =	stream.indirect.gather.add.f32 [hbm:s3], $0x40, s15, s8, $0xb8;
	[tilespmem:$0xDD00] =	vst v63  }
0x1f4: {  	s16 =	simm.s32 $0x6980  }
0x1f5: {  	[tilespmem:s10], [sflag:$0x1] =	stream.indirect.gather.add.f32 [hbm:s3], $0x40, s16, s8, $0xb8;
	[tilespmem:$0xDD00] =	vst v63  }
0x1f6: {  	s17 =	simm.s32 $0x6A00  }
0x1f7: {  	[tilespmem:s10], [sflag:$0x1] =	stream.indirect.gather.add.f32 [hbm:s3], $0x40, s17, s8, $0xb8;
	[tilespmem:$0xDD00] =	vst v63  }
0x1f8: {  	s14 =	simm.s32 $0x6A80  }
0x1f9: {  	[tilespmem:s10], [sflag:$0x1] =	stream.indirect.gather.add.f32 [hbm:s3], $0x40, s14, s8, $0xb8;
	[tilespmem:$0xDD00] =	vst v63  }
0x1fa: {  	s15 =	simm.s32 $0x6B00  }
0x1fb: {  	[tilespmem:s10], [sflag:$0x1] =	stream.indirect.gather.add.f32 [hbm:s3], $0x40, s15, s8, $0xb8;
	[tilespmem:$0xDD00] =	vst v63  }
0x1fc: {  	s16 =	simm.s32 $0x6B80  }
0x1fd: {  	[tilespmem:s10], [sflag:$0x1] =	stream.indirect.gather.add.f32 [hbm:s3], $0x40, s16, s8, $0xb8;
	[tilespmem:$0xDD00] =	vst v63  }
0x1fe: {  	s17 =	simm.s32 $0x6C00  }
0x1ff: {  	[tilespmem:s10], [sflag:$0x1] =	stream.indirect.gather.add.f32 [hbm:s3], $0x40, s17, s8, $0xb8;
	[tilespmem:$0xDD00] =	vst v63  }
0x200: {  	s14 =	simm.s32 $0x6C80  }
0x201: {  	[tilespmem:s10], [sflag:$0x1] =	stream.indirect.gather.add.f32 [hbm:s3], $0x40, s14, s8, $0xb8;
	[tilespmem:$0xDD00] =	vst v63  }
0x202: {  	s15 =	simm.s32 $0x6D00  }
0x203: {  	[tilespmem:s10], [sflag:$0x1] =	stream.indirect.gather.add.f32 [hbm:s3], $0x40, s15, s8, $0xb8;
	[tilespmem:$0xDD00] =	vst v63  }
0x204: {  	s16 =	simm.s32 $0x6D80  }
0x205: {  	[tilespmem:s10], [sflag:$0x1] =	stream.indirect.gather.add.f32 [hbm:s3], $0x40, s16, s8, $0xb8;
	[tilespmem:$0xDD00] =	vst v63  }
0x206: {  	s17 =	simm.s32 $0x6E00  }
0x207: {  	[tilespmem:s10], [sflag:$0x1] =	stream.indirect.gather.add.f32 [hbm:s3], $0x40, s17, s8, $0xb8;
	[tilespmem:$0xDD00] =	vst v63  }
0x208: {  	s14 =	simm.s32 $0x6E80  }
0x209: {  	[tilespmem:s10], [sflag:$0x1] =	stream.indirect.gather.add.f32 [hbm:s3], $0x40, s14, s8, $0xb8;
	[tilespmem:$0xDD00] =	vst v63  }
0x20a: {  	s15 =	simm.s32 $0x6F00  }
0x20b: {  	[tilespmem:s10], [sflag:$0x1] =	stream.indirect.gather.add.f32 [hbm:s3], $0x40, s15, s8, $0xb8;
	[tilespmem:$0xDD00] =	vst v63  }
0x20c: {  	s16 =	simm.s32 $0x6F80  }
0x20d: {  	[tilespmem:s10], [sflag:$0x1] =	stream.indirect.gather.add.f32 [hbm:s3], $0x40, s16, s8, $0xb8;
	[tilespmem:$0xDD00] =	vst v63  }
0x20e: {  	s17 =	simm.s32 $0x7000  }
0x20f: {  	[tilespmem:s10], [sflag:$0x1] =	stream.indirect.gather.add.f32 [hbm:s3], $0x40, s17, s8, $0xb8;
	[tilespmem:$0xDD00] =	vst v63  }
0x210: {  	_ =	swait.ge [sflag:s11], $0x2000  }
0x211: {  	[sflag:s11] =	ssyncset.done $0x0  }
0x212: {  	[sflag:s11] =	ssyncadd.s32 $0xFFFFE000  }
0x213: {  	_ =	swait.ge [sflag:s11], $0x2000  }
0x214: {  	[sflag:s11] =	ssyncset.done $0x0  }
0x215: {  	[sflag:s11] =	ssyncadd.s32 $0xFFFFE000  }
0x216: {  	_ =	swait.ge [sflag:s11], $0x2000  }
0x217: {  	[sflag:s11] =	ssyncset.done $0x0  }
0x218: {  	[sflag:s11] =	ssyncadd.s32 $0xFFFFE000  }
0x219: {  	_ =	swait.ge [sflag:s11], $0x2000  }
0x21a: {  	[sflag:s11] =	ssyncset.done $0x0  }
0x21b: {  	[sflag:s11] =	ssyncadd.s32 $0xFFFFE000  }
0x21c: {  	_ =	swait.ge [sflag:s11], $0x2000  }
0x21d: {  	[sflag:s11] =	ssyncset.done $0x0  }
0x21e: {  	[sflag:s11] =	ssyncadd.s32 $0xFFFFE000  }
0x21f: {  	_ =	swait.ge [sflag:s11], $0x2000  }
0x220: {  	[sflag:s11] =	ssyncset.done $0x0  }
0x221: {  	[sflag:s11] =	ssyncadd.s32 $0xFFFFE000  }
0x222: {  	_ =	swait.ge [sflag:s11], $0x2000  }
0x223: {  	[sflag:s11] =	ssyncset.done $0x0  }
0x224: {  	[sflag:s11] =	ssyncadd.s32 $0xFFFFE000  }
0x225: {  	_ =	swait.ge [sflag:s11], $0x2000  }
0x226: {  	[sflag:s11] =	ssyncset.done $0x0  }
0x227: {  	[sflag:s11] =	ssyncadd.s32 $0xFFFFE000  }
0x228: {  	_ =	swait.ge [sflag:s11], $0x2000  }
0x229: {  	[sflag:s11] =	ssyncset.done $0x0  }
0x22a: {  	[sflag:s11] =	ssyncadd.s32 $0xFFFFE000  }
0x22b: {  	_ =	swait.ge [sflag:s11], $0x2000  }
0x22c: {  	[sflag:s11] =	ssyncset.done $0x0  }
0x22d: {  	[sflag:s11] =	ssyncadd.s32 $0xFFFFE000  }
0x22e: {  	_ =	swait.ge [sflag:s11], $0x2000  }
0x22f: {  	[sflag:s11] =	ssyncset.done $0x0  }
0x230: {  	[sflag:s11] =	ssyncadd.s32 $0xFFFFE000  }
0x231: {  	_ =	swait.ge [sflag:s11], $0x2000  }
0x232: {  	[sflag:s11] =	ssyncset.done $0x0  }
0x233: {  	[sflag:s11] =	ssyncadd.s32 $0xFFFFE000  }
0x234: {  	_ =	swait.ge [sflag:s11], $0x2000  }
0x235: {  	[sflag:s11] =	ssyncset.done $0x0  }
0x236: {  	[sflag:s11] =	ssyncadd.s32 $0xFFFFE000  }
0x237: {  	_ =	swait.ge [sflag:s11], $0x2000  }
0x238: {  	[sflag:s11] =	ssyncset.done $0x0  }
0x239: {  	[sflag:s11] =	ssyncadd.s32 $0xFFFFE000  }
0x23a: {  	_ =	swait.ge [sflag:s11], $0x2000  }
0x23b: {  	[sflag:s11] =	ssyncset.done $0x0  }
0x23c: {  	[sflag:s11] =	ssyncadd.s32 $0xFFFFE000  }
0x23d: {  	_ =	swait.ge [sflag:s11], $0x2000  }
0x23e: {  	[sflag:s11] =	ssyncset.done $0x0  }
0x23f: {  	[sflag:s11] =	ssyncadd.s32 $0xFFFFE000  }
0x240: {  	_ =	swait.ge [sflag:s11], $0x2000  }
0x241: {  	[sflag:s11] =	ssyncset.done $0x0  }
0x242: {  	[sflag:s11] =	ssyncadd.s32 $0xFFFFE000  }
0x243: {  	_ =	swait.ge [sflag:s11], $0x2000  }
0x244: {  	[sflag:s11] =	ssyncset.done $0x0  }
0x245: {  	[sflag:s11] =	ssyncadd.s32 $0xFFFFE000  }
0x246: {  	_ =	swait.ge [sflag:s11], $0x2000  }
0x247: {  	[sflag:s11] =	ssyncset.done $0x0  }
0x248: {  	[sflag:s11] =	ssyncadd.s32 $0xFFFFE000  }
0x249: {  	_ =	swait.ge [sflag:s11], $0x2000  }
0x24a: {  	[sflag:s11] =	ssyncset.done $0x0  }
0x24b: {  	[sflag:s11] =	ssyncadd.s32 $0xFFFFE000  }
0x24c: {  	_ =	swait.ge [sflag:s11], $0x2000  }
0x24d: {  	[sflag:s11] =	ssyncset.done $0x0  }
0x24e: {  	[sflag:s11] =	ssyncadd.s32 $0xFFFFE000  }
0x24f: {  	_ =	swait.ge [sflag:s11], $0x2000  }
0x250: {  	[sflag:s11] =	ssyncset.done $0x0  }
0x251: {  	[sflag:s11] =	ssyncadd.s32 $0xFFFFE000  }
0x252: {  	_ =	swait.ge [sflag:s11], $0x2000  }
0x253: {  	[sflag:s11] =	ssyncset.done $0x0  }
0x254: {  	[sflag:s11] =	ssyncadd.s32 $0xFFFFE000  }
0x255: {  	_ =	swait.ge [sflag:s11], $0x2000  }
0x256: {  	[sflag:s11] =	ssyncset.done $0x0  }
0x257: {  	[sflag:s11] =	ssyncadd.s32 $0xFFFFE000  }
0x258: {  	_ =	swait.ge [sflag:s11], $0x2000  }
0x259: {  	[sflag:s11] =	ssyncset.done $0x0  }
0x25a: {  	s14 =	simm.s32 $0x9E00;
	[sflag:s11] =	ssyncadd.s32 $0xFFFFE000  }
0x25b: {  	v3 =	vld [tilespmem:s14+$0xFFFFFF40]  }
0x25c: {  	v4 =	vld [tilespmem:s14+$0xFFFFFF00];
	_ =	sdelay $0x1  }
0x25d: {  	v5 =	vld [tilespmem:s14+$0xFFFFFF80];
	_ =	sdelay $0x1  }
0x25e: {  	v6 =	vld [tilespmem:s14+$0xFFFFFFC0]  }
0x25f: {  	v3 =	vadd.f32 v3, v4  }
0x260: {  	v4 =	vld [tilespmem:s14+$0x0]  }
0x261: {  	v3 =	vadd.f32 v5, v3  }
0x262: {  	v5 =	vld [tilespmem:s14+$0x40]  }
0x263: {  	v3 =	vadd.f32 v6, v3  }
0x264: {  	v6 =	vld [tilespmem:s14+$0x80]  }
0x265: {  	v3 =	vadd.f32 v4, v3  }
0x266: {  	v4 =	vld [tilespmem:s14+$0xC0]  }
0x267: {  	v3 =	vadd.f32 v5, v3;
	_ =	sdelay $0x1  }
0x268: {  	v3 =	vadd.f32 v6, v3;
	_ =	sdelay $0x1  }
0x269: {  	v3 =	vadd.f32 v4, v3  }
0x26a: {  	s15 =	simm.s32 $0x0  }
0x26b: {  	[tilespmem:s15+$0xC100] =	vst v3  }
0x26c: {  	v3 =	vld [tilespmem:s14+$0xFFFFFF10]  }
0x26d: {  	v4 =	vld [tilespmem:s14+$0xFFFFFF50];
	_ =	sdelay $0x1  }
0x26e: {  	v5 =	vld [tilespmem:s14+$0xFFFFFF90];
	_ =	sdelay $0x1  }
0x26f: {  	v6 =	vld [tilespmem:s14+$0xFFFFFFD0]  }
0x270: {  	v3 =	vadd.f32 v4, v3  }
0x271: {  	v4 =	vld [tilespmem:s14+$0x10]  }
0x272: {  	v3 =	vadd.f32 v5, v3  }
0x273: {  	v5 =	vld [tilespmem:s14+$0x50]  }
0x274: {  	v3 =	vadd.f32 v6, v3  }
0x275: {  	v6 =	vld [tilespmem:s14+$0x90]  }
0x276: {  	v3 =	vadd.f32 v4, v3  }
0x277: {  	v4 =	vld [tilespmem:s14+$0xD0]  }
0x278: {  	v3 =	vadd.f32 v5, v3;
	_ =	sdelay $0x1  }
0x279: {  	v3 =	vadd.f32 v6, v3;
	_ =	sdelay $0x1  }
0x27a: {  	v3 =	vadd.f32 v4, v3;
	_ =	sdelay $0x1  }
0x27b: {  	[tilespmem:s15+$0xC110] =	vst v3  }
0x27c: {  	v3 =	vld [tilespmem:s14+$0xFFFFFF20]  }
0x27d: {  	v4 =	vld [tilespmem:s14+$0xFFFFFF60];
	_ =	sdelay $0x1  }
0x27e: {  	v5 =	vld [tilespmem:s14+$0xFFFFFFA0];
	_ =	sdelay $0x1  }
0x27f: {  	v6 =	vld [tilespmem:s14+$0xFFFFFFE0]  }
0x280: {  	v3 =	vadd.f32 v4, v3  }
0x281: {  	v4 =	vld [tilespmem:s14+$0x20]  }
0x282: {  	v3 =	vadd.f32 v5, v3  }
0x283: {  	v5 =	vld [tilespmem:s14+$0x60]  }
0x284: {  	v3 =	vadd.f32 v6, v3  }
0x285: {  	v6 =	vld [tilespmem:s14+$0xA0]  }
0x286: {  	v3 =	vadd.f32 v4, v3  }
0x287: {  	v4 =	vld [tilespmem:s14+$0xE0]  }
0x288: {  	v3 =	vadd.f32 v5, v3;
	_ =	sdelay $0x1  }
0x289: {  	v3 =	vadd.f32 v6, v3;
	_ =	sdelay $0x1  }
0x28a: {  	v3 =	vadd.f32 v4, v3;
	_ =	sdelay $0x1  }
0x28b: {  	[tilespmem:s15+$0xC120] =	vst v3  }
0x28c: {  	v3 =	vld [tilespmem:s14+$0xFFFFFF30]  }
0x28d: {  	v4 =	vld [tilespmem:s14+$0xFFFFFF70];
	_ =	sdelay $0x1  }
0x28e: {  	v5 =	vld [tilespmem:s14+$0xFFFFFFB0];
	_ =	sdelay $0x1  }
0x28f: {  	v6 =	vld [tilespmem:s14+$0xFFFFFFF0]  }
0x290: {  	v3 =	vadd.f32 v4, v3  }
0x291: {  	v4 =	vld [tilespmem:s14+$0x30]  }
0x292: {  	v3 =	vadd.f32 v5, v3;
	_ =	sdelay $0x1  }
0x293: {  	v5 =	vld [tilespmem:s14+$0x70];
	v3 =	vadd.f32 v6, v3;
	_ =	sdelay $0x1  }
0x294: {  	v6 =	vadd.f32 v4, v3;
	v4 =	vld [tilespmem:s14+$0xB0];
	_ =	sdelay $0x1  }
0x295: {  	v3 =	vld [tilespmem:s14+$0xF0]  }
0x296: {  	s13 =	simm.s32 $0x0;
	s16 =	simm.s32 $0x100;
	v5 =	vadd.f32 v5, v6  }
.LBB2_22:
0x297: {  	p0 =	sne.s32 s16, $0xF00  }
0x298: {  	s14 =	sadd.s32 $0x200, s14;
	s17 =	smov.u32 s16;
	s16 =	sadd.s32 $0x100, s16;
	v4 =	vadd.f32 v4, v5  }
0x299: {  	_ = 	snop  }
0x29a: {  	v3 =	vadd.f32 v3, v4;
	_ =	sdelay $0x1  }
0x29b: {  	[tilespmem:s15+$0xC130] =	vst v3  }
0x29c: {  	v3 =	vld [tilespmem:s14+$0xFFFFFF40]  }
0x29d: {  	v4 =	vld [tilespmem:s14+$0xFFFFFF00];
	_ =	sdelay $0x1  }
0x29e: {  	v5 =	vld [tilespmem:s14+$0xFFFFFF80];
	_ =	sdelay $0x1  }
0x29f: {  	v6 =	vld [tilespmem:s14+$0xFFFFFFC0]  }
0x2a0: {  	v3 =	vadd.f32 v3, v4  }
0x2a1: {  	v4 =	vld [tilespmem:s14+$0x0]  }
0x2a2: {  	v3 =	vadd.f32 v5, v3  }
0x2a3: {  	v5 =	vld [tilespmem:s14+$0x40]  }
0x2a4: {  	v3 =	vadd.f32 v6, v3  }
0x2a5: {  	v6 =	vld [tilespmem:s14+$0x80]  }
0x2a6: {  	v3 =	vadd.f32 v4, v3  }
0x2a7: {  	v4 =	vld [tilespmem:s14+$0xC0]  }
0x2a8: {  	v3 =	vadd.f32 v5, v3;
	_ =	sdelay $0x1  }
0x2a9: {  	v3 =	vadd.f32 v6, v3;
	_ =	sdelay $0x1  }
0x2aa: {  	v3 =	vadd.f32 v4, v3  }
0x2ab: {  	s15 =	sshra.s32 s17, $0x2  }
0x2ac: {  	[tilespmem:s15+$0xC100] =	vst v3  }
0x2ad: {  	v3 =	vld [tilespmem:s14+$0xFFFFFF10]  }
0x2ae: {  	v4 =	vld [tilespmem:s14+$0xFFFFFF50];
	_ =	sdelay $0x1  }
0x2af: {  	v5 =	vld [tilespmem:s14+$0xFFFFFF90];
	_ =	sdelay $0x1  }
0x2b0: {  	v6 =	vld [tilespmem:s14+$0xFFFFFFD0]  }
0x2b1: {  	v3 =	vadd.f32 v4, v3  }
0x2b2: {  	v4 =	vld [tilespmem:s14+$0x10]  }
0x2b3: {  	v3 =	vadd.f32 v5, v3  }
0x2b4: {  	v5 =	vld [tilespmem:s14+$0x50]  }
0x2b5: {  	v3 =	vadd.f32 v6, v3  }
0x2b6: {  	v6 =	vld [tilespmem:s14+$0x90]  }
0x2b7: {  	v3 =	vadd.f32 v4, v3  }
0x2b8: {  	v4 =	vld [tilespmem:s14+$0xD0]  }
0x2b9: {  	v3 =	vadd.f32 v5, v3;
	_ =	sdelay $0x1  }
0x2ba: {  	v3 =	vadd.f32 v6, v3;
	_ =	sdelay $0x1  }
0x2bb: {  	v3 =	vadd.f32 v4, v3;
	_ =	sdelay $0x1  }
0x2bc: {  	[tilespmem:s15+$0xC110] =	vst v3  }
0x2bd: {  	v3 =	vld [tilespmem:s14+$0xFFFFFF20]  }
0x2be: {  	v4 =	vld [tilespmem:s14+$0xFFFFFF60];
	_ =	sdelay $0x1  }
0x2bf: {  	v5 =	vld [tilespmem:s14+$0xFFFFFFA0];
	_ =	sdelay $0x1  }
0x2c0: {  	v6 =	vld [tilespmem:s14+$0xFFFFFFE0]  }
0x2c1: {  	v3 =	vadd.f32 v4, v3  }
0x2c2: {  	v4 =	vld [tilespmem:s14+$0x20]  }
0x2c3: {  	v3 =	vadd.f32 v5, v3  }
0x2c4: {  	v5 =	vld [tilespmem:s14+$0x60]  }
0x2c5: {  	v3 =	vadd.f32 v6, v3  }
0x2c6: {  	v6 =	vld [tilespmem:s14+$0xA0]  }
0x2c7: {  	v3 =	vadd.f32 v4, v3  }
0x2c8: {  	v4 =	vld [tilespmem:s14+$0xE0]  }
0x2c9: {  	v3 =	vadd.f32 v5, v3;
	_ =	sdelay $0x1  }
0x2ca: {  	v3 =	vadd.f32 v6, v3;
	_ =	sdelay $0x1  }
0x2cb: {  	v3 =	vadd.f32 v4, v3;
	_ =	sdelay $0x1  }
0x2cc: {  	[tilespmem:s15+$0xC120] =	vst v3  }
0x2cd: {  	v3 =	vld [tilespmem:s14+$0xFFFFFF30]  }
0x2ce: {  	v4 =	vld [tilespmem:s14+$0xFFFFFF70]  }
0x2cf: {  	v5 =	vld [tilespmem:s14+$0xFFFFFFB0]  }
0x2d0: {  	v6 =	vld [tilespmem:s14+$0xFFFFFFF0]  }
0x2d1: {  	v7 =	vld [tilespmem:s14+$0x30]  }
0x2d2: {  	v8 =	vld [tilespmem:s14+$0x70]  }
0x2d3: {  	v9 =	vadd.f32 v4, v3;
	v4 =	vld [tilespmem:s14+$0xB0]  }
0x2d4: {  	v3 =	vld [tilespmem:s14+$0xF0]  }
0x2d5: {  	v5 =	vadd.f32 v5, v9;
	_ =	sdelay $0x1  }
.Ltmp10:
0x2d6: {  	v5 =	vadd.f32 v6, v5;
	(pc) =	sbr.rel @p0 .LBB2_22-.Ltmp10, $3  }
0x2d7: {  	_ = 	snop  }
0x2d8: {  	v5 =	vadd.f32 v7, v5;
	_ =	sdelay $0x1  }
0x2d9: {  	v5 =	vadd.f32 v8, v5  }
0x2da: {  	_ = 	snop  }
0x2db: {  	v4 =	vadd.f32 v4, v5;
	_ =	sdelay $0x1  }
0x2dc: {  	v3 =	vadd.f32 v3, v4;
	_ =	sdelay $0x1  }
0x2dd: {  	s14 =	simm.s32 $0x7080;
	[tilespmem:s15+$0xC130] =	vst v3  }
.LBB2_24:
0x2de: {  	s15 =	simm.s32 $0x30  }
0x2df: {  	v3 =	vmov s15  }
0x2e0: {  	s16 =	sshll.u32 s13, $0x3;
	v4 =	vmul.u32 $0xC8, v3  }
0x2e1: {  	v3 =	vmov s16  }
0x2e2: {  	v4 =	vadd.s32 v3, v4  }
0x2e3: {  	v4 =	vbroadcast v4, $0x0  }
0x2e4: {  	s17 =	simm.s32 $0x32  }
0x2e5: {  	v5 =	vmov s17;
	v4 =	vadd.s32 v0, v4  }
0x2e6: {  	v5 =	vmul.u32 $0xC8, v5;
	v4 =	vand.u32 $0xFFFFFFF8, v4  }
0x2e7: {  	v4 =	vor.u32 v1, v4  }
0x2e8: {  	v5 =	vadd.s32 v3, v5  }
0x2e9: {  	v5 =	vbroadcast v5, $0x0  }
0x2ea: {  	s16 =	simm.s32 $0x34  }
0x2eb: {  	v6 =	vmov s16;
	v5 =	vadd.s32 v0, v5  }
0x2ec: {  	v6 =	vmul.u32 $0xC8, v6;
	v5 =	vand.u32 $0xFFFFFFF8, v5;
	v4 =	vld.idx.msk [tilespmem:v4+s2+$0x0], $0xffff  }
0x2ed: {  	v5 =	vor.u32 v1, v5  }
0x2ee: {  	v6 =	vadd.s32 v3, v6  }
0x2ef: {  	v6 =	vbroadcast v6, $0x0;
	_ =	sdelay $0x1  }
0x2f0: {  	s17 =	simm.s32 $0x36;
	v6 =	vadd.s32 v0, v6;
	[tilespmem:s14+$0x0] =	vst v4  }
0x2f1: {  	s15 =	smov.u32 s14;
	s16 =	simm.s32 $0x38;
	v6 =	vand.u32 $0xFFFFFFF8, v6;
	v4 =	vld.idx.msk [tilespmem:v5+s2+$0x0], $0xffff;
	v5 =	vmov s17  }
.LBB2_25:
0x2f2: {  	p0 =	sne.s32 s16, $0x3E;
	v5 =	vmul.u32 $0xC8, v5;
	v6 =	vor.u32 v1, v6;
	_ =	sdelay $0x1  }
.Ltmp11:
0x2f3: {  	v5 =	vadd.s32 v3, v5;
	(pc) =	sbr.rel @p0 .LBB2_25-.Ltmp11, $4  }
0x2f4: {  	s15 =	sadd.s32 $0x10, s15;
	v5 =	vbroadcast v5, $0x0  }
0x2f5: {  	[tilespmem:s15+$0x0] =	vst v4  }
0x2f6: {  	v7 =	vadd.s32 v0, v5;
	v4 =	vld.idx.msk [tilespmem:v6+s2+$0x0], $0xffff  }
0x2f7: {  	v5 =	vmov s16;
	s16 =	sadd.s32 $0x2, s16;
	v6 =	vand.u32 $0xFFFFFFF8, v7  }
0x2f8: {  	v5 =	vmul.u32 $0xC8, v5  }
0x2f9: {  	v6 =	vor.u32 v1, v6  }
0x2fa: {  	v3 =	vadd.s32 v3, v5  }
0x2fb: {  	v3 =	vbroadcast v3, $0x0  }
0x2fc: {  	s15 =	sadd.s32 $0x10, s15  }
0x2fd: {  	[tilespmem:s15+$0x0] =	vst v4;
	v3 =	vadd.s32 v0, v3  }
0x2fe: {  	v4 =	vld.idx.msk [tilespmem:v6+s2+$0x0], $0xffff;
	v3 =	vand.u32 $0xFFFFFFF8, v3  }
0x2ff: {  	v3 =	vor.u32 v1, v3;
	_ =	sdelay $0x2  }
0x300: {  	s15 =	sadd.s32 $0x10, s15  }
0x301: {  	s13 =	sadd.s32 $0x1, s13;
	[tilespmem:s15+$0x0] =	vst v4  }
0x302: {  	p0 =	sne.s32 s13, $0x19;
	v3 =	vld.idx.msk [tilespmem:v3+s2+$0x0], $0xffff  }
.Ltmp12:
0x303: {  	_ = 	snop;
	(pc) =	sbr.rel @p0 .LBB2_24-.Ltmp12, $3  }
0x304: {  	_ =	sdelay $0x1  }
0x305: {  	s15 =	sadd.s32 $0x10, s15  }
0x306: {  	s14 =	sadd.s32 $0x80, s14;
	[tilespmem:s15+$0x0] =	vst v3  }
0x307: {  	s14 =	simm.s32 $0x100;
	s13 =	simm.s32 $0x0  }
.LBB2_28:
0x308: {  	p0 =	sne.s32 s14, $0x7F00;
	[tilespmem:s13+$0x9D30] =	vst v2;
	s15 =	smov.u32 s14;
	s14 =	sadd.s32 $0x100, s14  }
.Ltmp13:
0x309: {  	[tilespmem:s13+$0x9D20] =	vst v2;
	(pc) =	sbr.rel @p0 .LBB2_28-.Ltmp13, $3  }
0x30a: {  	[tilespmem:s13+$0x9D00] =	vst v2  }
0x30b: {  	[tilespmem:s13+$0x9D10] =	vst v2;
	_ =	sdelay $0x1  }
0x30c: {  	s13 =	sshra.s32 s15, $0x2  }
0x30d: {  	[tilespmem:s13+$0x9D30] =	vst v2  }
0x30e: {  	[tilespmem:s13+$0x9D20] =	vst v2  }
0x30f: {  	[tilespmem:s13+$0x9D00] =	vst v2  }
0x310: {  	[tilespmem:s13+$0x9D10] =	vst v2;
	s14 =	simm.s32 $0x7080  }
0x311: {  	[tilespmem:s9], [sflag:$0x2] =	stream.indirect.gather.add.f32 [hbm:s3], $0x40, s14, s8, $0xb8;
	[tilespmem:$0xDD00] =	vst v63  }
0x312: {  	s15 =	simm.s32 $0x7100  }
0x313: {  	[tilespmem:s9], [sflag:$0x2] =	stream.indirect.gather.add.f32 [hbm:s3], $0x40, s15, s8, $0xb8;
	[tilespmem:$0xDD00] =	vst v63  }
0x314: {  	s16 =	simm.s32 $0x7180  }
0x315: {  	[tilespmem:s9], [sflag:$0x2] =	stream.indirect.gather.add.f32 [hbm:s3], $0x40, s16, s8, $0xb8;
	[tilespmem:$0xDD00] =	vst v63  }
0x316: {  	s17 =	simm.s32 $0x7200  }
0x317: {  	[tilespmem:s9], [sflag:$0x2] =	stream.indirect.gather.add.f32 [hbm:s3], $0x40, s17, s8, $0xb8;
	[tilespmem:$0xDD00] =	vst v63  }
0x318: {  	s14 =	simm.s32 $0x7280  }
0x319: {  	[tilespmem:s9], [sflag:$0x2] =	stream.indirect.gather.add.f32 [hbm:s3], $0x40, s14, s8, $0xb8;
	[tilespmem:$0xDD00] =	vst v63  }
0x31a: {  	s15 =	simm.s32 $0x7300  }
0x31b: {  	[tilespmem:s9], [sflag:$0x2] =	stream.indirect.gather.add.f32 [hbm:s3], $0x40, s15, s8, $0xb8;
	[tilespmem:$0xDD00] =	vst v63  }
0x31c: {  	s16 =	simm.s32 $0x7380  }
0x31d: {  	[tilespmem:s9], [sflag:$0x2] =	stream.indirect.gather.add.f32 [hbm:s3], $0x40, s16, s8, $0xb8;
	[tilespmem:$0xDD00] =	vst v63  }
0x31e: {  	s17 =	simm.s32 $0x7400  }
0x31f: {  	[tilespmem:s9], [sflag:$0x2] =	stream.indirect.gather.add.f32 [hbm:s3], $0x40, s17, s8, $0xb8;
	[tilespmem:$0xDD00] =	vst v63  }
0x320: {  	_ = 	snop  }
0x321: {  	[tilespmem:s9], [sflag:$0x2] =	stream.indirect.gather.add.f32 [hbm:s3], $0x40, s18, s8, $0xb8;
	[tilespmem:$0xDD00] =	vst v63  }
0x322: {  	_ = 	snop  }
0x323: {  	[tilespmem:s9], [sflag:$0x2] =	stream.indirect.gather.add.f32 [hbm:s3], $0x40, s19, s8, $0xb8;
	[tilespmem:$0xDD00] =	vst v63  }
0x324: {  	_ = 	snop  }
0x325: {  	[tilespmem:s9], [sflag:$0x2] =	stream.indirect.gather.add.f32 [hbm:s3], $0x40, s20, s8, $0xb8;
	[tilespmem:$0xDD00] =	vst v63  }
0x326: {  	_ = 	snop  }
0x327: {  	[tilespmem:s9], [sflag:$0x2] =	stream.indirect.gather.add.f32 [hbm:s3], $0x40, s21, s8, $0xb8;
	[tilespmem:$0xDD00] =	vst v63  }
0x328: {  	_ = 	snop  }
0x329: {  	[tilespmem:s9], [sflag:$0x2] =	stream.indirect.gather.add.f32 [hbm:s3], $0x40, s22, s8, $0xb8;
	[tilespmem:$0xDD00] =	vst v63  }
0x32a: {  	_ = 	snop  }
0x32b: {  	[tilespmem:s9], [sflag:$0x2] =	stream.indirect.gather.add.f32 [hbm:s3], $0x40, s23, s8, $0xb8;
	[tilespmem:$0xDD00] =	vst v63  }
0x32c: {  	_ = 	snop  }
0x32d: {  	[tilespmem:s9], [sflag:$0x2] =	stream.indirect.gather.add.f32 [hbm:s3], $0x40, s24, s8, $0xb8;
	[tilespmem:$0xDD00] =	vst v63  }
0x32e: {  	_ = 	snop  }
0x32f: {  	[tilespmem:s9], [sflag:$0x2] =	stream.indirect.gather.add.f32 [hbm:s3], $0x40, s25, s8, $0xb8;
	[tilespmem:$0xDD00] =	vst v63  }
0x330: {  	_ = 	snop  }
0x331: {  	[tilespmem:s9], [sflag:$0x2] =	stream.indirect.gather.add.f32 [hbm:s3], $0x40, s26, s8, $0xb8;
	[tilespmem:$0xDD00] =	vst v63  }
0x332: {  	_ = 	snop  }
0x333: {  	[tilespmem:s9], [sflag:$0x2] =	stream.indirect.gather.add.f32 [hbm:s3], $0x40, s28, s8, $0xb8;
	[tilespmem:$0xDD00] =	vst v63  }
0x334: {  	_ = 	snop  }
0x335: {  	[tilespmem:s9], [sflag:$0x2] =	stream.indirect.gather.add.f32 [hbm:s3], $0x40, s29, s8, $0xb8;
	[tilespmem:$0xDD00] =	vst v63  }
0x336: {  	_ = 	snop  }
0x337: {  	[tilespmem:s9], [sflag:$0x2] =	stream.indirect.gather.add.f32 [hbm:s3], $0x40, s30, s8, $0xb8;
	[tilespmem:$0xDD00] =	vst v63  }
0x338: {  	_ = 	snop  }
0x339: {  	[tilespmem:s9], [sflag:$0x2] =	stream.indirect.gather.add.f32 [hbm:s3], $0x40, s31, s8, $0xb8;
	[tilespmem:$0xDD00] =	vst v63  }
0x33a: {  	_ = 	snop  }
0x33b: {  	[tilespmem:s9], [sflag:$0x2] =	stream.indirect.gather.add.f32 [hbm:s3], $0x40, s1, s8, $0xb8;
	[tilespmem:$0xDD00] =	vst v63  }
0x33c: {  	_ = 	snop  }
0x33d: {  	[tilespmem:s9], [sflag:$0x2] =	stream.indirect.gather.add.f32 [hbm:s3], $0x40, s0, s8, $0xb8;
	[tilespmem:$0xDD00] =	vst v63  }
0x33e: {  	_ = 	snop  }
0x33f: {  	[tilespmem:s9], [sflag:$0x2] =	stream.indirect.gather.add.f32 [hbm:s3], $0x40, s4, s8, $0xb8;
	[tilespmem:$0xDD00] =	vst v63  }
0x340: {  	_ = 	snop  }
0x341: {  	[tilespmem:s9], [sflag:$0x2] =	stream.indirect.gather.add.f32 [hbm:s3], $0x40, s5, s8, $0xb8;
	[tilespmem:$0xDD00] =	vst v63  }
0x342: {  	_ =	swait.ge [sflag:s6], $0x2000  }
0x343: {  	[sflag:s6] =	ssyncset.done $0x0  }
0x344: {  	[sflag:s6] =	ssyncadd.s32 $0xFFFFE000  }
0x345: {  	_ =	swait.ge [sflag:s6], $0x2000  }
0x346: {  	[sflag:s6] =	ssyncset.done $0x0  }
0x347: {  	[sflag:s6] =	ssyncadd.s32 $0xFFFFE000  }
0x348: {  	_ =	swait.ge [sflag:s6], $0x2000  }
0x349: {  	[sflag:s6] =	ssyncset.done $0x0  }
0x34a: {  	[sflag:s6] =	ssyncadd.s32 $0xFFFFE000  }
0x34b: {  	_ =	swait.ge [sflag:s6], $0x2000  }
0x34c: {  	[sflag:s6] =	ssyncset.done $0x0  }
0x34d: {  	[sflag:s6] =	ssyncadd.s32 $0xFFFFE000  }
0x34e: {  	_ =	swait.ge [sflag:s6], $0x2000  }
0x34f: {  	[sflag:s6] =	ssyncset.done $0x0  }
0x350: {  	[sflag:s6] =	ssyncadd.s32 $0xFFFFE000  }
0x351: {  	_ =	swait.ge [sflag:s6], $0x2000  }
0x352: {  	[sflag:s6] =	ssyncset.done $0x0  }
0x353: {  	[sflag:s6] =	ssyncadd.s32 $0xFFFFE000  }
0x354: {  	_ =	swait.ge [sflag:s6], $0x2000  }
0x355: {  	[sflag:s6] =	ssyncset.done $0x0  }
0x356: {  	[sflag:s6] =	ssyncadd.s32 $0xFFFFE000  }
0x357: {  	_ =	swait.ge [sflag:s6], $0x2000  }
0x358: {  	[sflag:s6] =	ssyncset.done $0x0  }
0x359: {  	[sflag:s6] =	ssyncadd.s32 $0xFFFFE000  }
0x35a: {  	_ =	swait.ge [sflag:s6], $0x2000  }
0x35b: {  	[sflag:s6] =	ssyncset.done $0x0  }
0x35c: {  	[sflag:s6] =	ssyncadd.s32 $0xFFFFE000  }
0x35d: {  	_ =	swait.ge [sflag:s6], $0x2000  }
0x35e: {  	[sflag:s6] =	ssyncset.done $0x0  }
0x35f: {  	[sflag:s6] =	ssyncadd.s32 $0xFFFFE000  }
0x360: {  	_ =	swait.ge [sflag:s6], $0x2000  }
0x361: {  	[sflag:s6] =	ssyncset.done $0x0  }
0x362: {  	[sflag:s6] =	ssyncadd.s32 $0xFFFFE000  }
0x363: {  	_ =	swait.ge [sflag:s6], $0x2000  }
0x364: {  	[sflag:s6] =	ssyncset.done $0x0  }
0x365: {  	[sflag:s6] =	ssyncadd.s32 $0xFFFFE000  }
0x366: {  	_ =	swait.ge [sflag:s6], $0x2000  }
0x367: {  	[sflag:s6] =	ssyncset.done $0x0  }
0x368: {  	[sflag:s6] =	ssyncadd.s32 $0xFFFFE000  }
0x369: {  	_ =	swait.ge [sflag:s6], $0x2000  }
0x36a: {  	[sflag:s6] =	ssyncset.done $0x0  }
0x36b: {  	[sflag:s6] =	ssyncadd.s32 $0xFFFFE000  }
0x36c: {  	_ =	swait.ge [sflag:s6], $0x2000  }
0x36d: {  	[sflag:s6] =	ssyncset.done $0x0  }
0x36e: {  	[sflag:s6] =	ssyncadd.s32 $0xFFFFE000  }
0x36f: {  	_ =	swait.ge [sflag:s6], $0x2000  }
0x370: {  	[sflag:s6] =	ssyncset.done $0x0  }
0x371: {  	[sflag:s6] =	ssyncadd.s32 $0xFFFFE000  }
0x372: {  	_ =	swait.ge [sflag:s6], $0x2000  }
0x373: {  	[sflag:s6] =	ssyncset.done $0x0  }
0x374: {  	[sflag:s6] =	ssyncadd.s32 $0xFFFFE000  }
0x375: {  	_ =	swait.ge [sflag:s6], $0x2000  }
0x376: {  	[sflag:s6] =	ssyncset.done $0x0  }
0x377: {  	[sflag:s6] =	ssyncadd.s32 $0xFFFFE000  }
0x378: {  	_ =	swait.ge [sflag:s6], $0x2000  }
0x379: {  	[sflag:s6] =	ssyncset.done $0x0  }
0x37a: {  	[sflag:s6] =	ssyncadd.s32 $0xFFFFE000  }
0x37b: {  	_ =	swait.ge [sflag:s6], $0x2000  }
0x37c: {  	[sflag:s6] =	ssyncset.done $0x0  }
0x37d: {  	[sflag:s6] =	ssyncadd.s32 $0xFFFFE000  }
0x37e: {  	_ =	swait.ge [sflag:s6], $0x2000  }
0x37f: {  	[sflag:s6] =	ssyncset.done $0x0  }
0x380: {  	[sflag:s6] =	ssyncadd.s32 $0xFFFFE000  }
0x381: {  	_ =	swait.ge [sflag:s6], $0x2000  }
0x382: {  	[sflag:s6] =	ssyncset.done $0x0  }
0x383: {  	[sflag:s6] =	ssyncadd.s32 $0xFFFFE000  }
0x384: {  	_ =	swait.ge [sflag:s6], $0x2000  }
0x385: {  	[sflag:s6] =	ssyncset.done $0x0  }
0x386: {  	[sflag:s6] =	ssyncadd.s32 $0xFFFFE000  }
0x387: {  	_ =	swait.ge [sflag:s6], $0x2000  }
0x388: {  	[sflag:s6] =	ssyncset.done $0x0  }
0x389: {  	[sflag:s6] =	ssyncadd.s32 $0xFFFFE000  }
0x38a: {  	_ =	swait.ge [sflag:s6], $0x2000  }
0x38b: {  	[sflag:s6] =	ssyncset.done $0x0  }
0x38c: {  	s14 =	simm.s32 $0x7E00;
	[sflag:s6] =	ssyncadd.s32 $0xFFFFE000  }
0x38d: {  	v3 =	vld [tilespmem:s14+$0xFFFFFF40]  }
0x38e: {  	v4 =	vld [tilespmem:s14+$0xFFFFFF00];
	_ =	sdelay $0x1  }
0x38f: {  	v5 =	vld [tilespmem:s14+$0xFFFFFF80];
	_ =	sdelay $0x1  }
0x390: {  	v6 =	vld [tilespmem:s14+$0xFFFFFFC0]  }
0x391: {  	v3 =	vadd.f32 v3, v4  }
0x392: {  	v4 =	vld [tilespmem:s14+$0x0]  }
0x393: {  	v3 =	vadd.f32 v5, v3  }
0x394: {  	v5 =	vld [tilespmem:s14+$0x40]  }
0x395: {  	v3 =	vadd.f32 v6, v3  }
0x396: {  	v6 =	vld [tilespmem:s14+$0x80]  }
0x397: {  	v3 =	vadd.f32 v4, v3  }
0x398: {  	v4 =	vld [tilespmem:s14+$0xC0]  }
0x399: {  	v3 =	vadd.f32 v5, v3;
	_ =	sdelay $0x1  }
0x39a: {  	v3 =	vadd.f32 v6, v3;
	_ =	sdelay $0x1  }
0x39b: {  	v3 =	vadd.f32 v4, v3  }
0x39c: {  	s15 =	simm.s32 $0x0  }
0x39d: {  	[tilespmem:s15+$0xC500] =	vst v3  }
0x39e: {  	v3 =	vld [tilespmem:s14+$0xFFFFFF10]  }
0x39f: {  	v4 =	vld [tilespmem:s14+$0xFFFFFF50];
	_ =	sdelay $0x1  }
0x3a0: {  	v5 =	vld [tilespmem:s14+$0xFFFFFF90];
	_ =	sdelay $0x1  }
0x3a1: {  	v6 =	vld [tilespmem:s14+$0xFFFFFFD0]  }
0x3a2: {  	v3 =	vadd.f32 v4, v3  }
0x3a3: {  	v4 =	vld [tilespmem:s14+$0x10]  }
0x3a4: {  	v3 =	vadd.f32 v5, v3  }
0x3a5: {  	v5 =	vld [tilespmem:s14+$0x50]  }
0x3a6: {  	v3 =	vadd.f32 v6, v3  }
0x3a7: {  	v6 =	vld [tilespmem:s14+$0x90]  }
0x3a8: {  	v3 =	vadd.f32 v4, v3  }
0x3a9: {  	v4 =	vld [tilespmem:s14+$0xD0]  }
0x3aa: {  	v3 =	vadd.f32 v5, v3;
	_ =	sdelay $0x1  }
0x3ab: {  	v3 =	vadd.f32 v6, v3;
	_ =	sdelay $0x1  }
0x3ac: {  	v3 =	vadd.f32 v4, v3;
	_ =	sdelay $0x1  }
0x3ad: {  	[tilespmem:s15+$0xC510] =	vst v3  }
0x3ae: {  	v3 =	vld [tilespmem:s14+$0xFFFFFF20]  }
0x3af: {  	v4 =	vld [tilespmem:s14+$0xFFFFFF60];
	_ =	sdelay $0x1  }
0x3b0: {  	v5 =	vld [tilespmem:s14+$0xFFFFFFA0];
	_ =	sdelay $0x1  }
0x3b1: {  	v6 =	vld [tilespmem:s14+$0xFFFFFFE0]  }
0x3b2: {  	v3 =	vadd.f32 v4, v3  }
0x3b3: {  	v4 =	vld [tilespmem:s14+$0x20]  }
0x3b4: {  	v3 =	vadd.f32 v5, v3  }
0x3b5: {  	v5 =	vld [tilespmem:s14+$0x60]  }
0x3b6: {  	v3 =	vadd.f32 v6, v3  }
0x3b7: {  	v6 =	vld [tilespmem:s14+$0xA0]  }
0x3b8: {  	v3 =	vadd.f32 v4, v3  }
0x3b9: {  	v4 =	vld [tilespmem:s14+$0xE0]  }
0x3ba: {  	v3 =	vadd.f32 v5, v3;
	_ =	sdelay $0x1  }
0x3bb: {  	v3 =	vadd.f32 v6, v3;
	_ =	sdelay $0x1  }
0x3bc: {  	v3 =	vadd.f32 v4, v3;
	_ =	sdelay $0x1  }
0x3bd: {  	[tilespmem:s15+$0xC520] =	vst v3  }
0x3be: {  	v3 =	vld [tilespmem:s14+$0xFFFFFF30]  }
0x3bf: {  	v4 =	vld [tilespmem:s14+$0xFFFFFF70];
	_ =	sdelay $0x1  }
0x3c0: {  	v5 =	vld [tilespmem:s14+$0xFFFFFFB0];
	_ =	sdelay $0x1  }
0x3c1: {  	v6 =	vld [tilespmem:s14+$0xFFFFFFF0]  }
0x3c2: {  	v3 =	vadd.f32 v4, v3  }
0x3c3: {  	v4 =	vld [tilespmem:s14+$0x30]  }
0x3c4: {  	v3 =	vadd.f32 v5, v3;
	_ =	sdelay $0x1  }
0x3c5: {  	v5 =	vld [tilespmem:s14+$0x70];
	v3 =	vadd.f32 v6, v3;
	_ =	sdelay $0x1  }
0x3c6: {  	v6 =	vadd.f32 v4, v3;
	v4 =	vld [tilespmem:s14+$0xB0];
	_ =	sdelay $0x1  }
0x3c7: {  	v3 =	vld [tilespmem:s14+$0xF0]  }
0x3c8: {  	s13 =	simm.s32 $0x0;
	s16 =	simm.s32 $0x100;
	v5 =	vadd.f32 v5, v6  }
.LBB2_30:
0x3c9: {  	p0 =	sne.s32 s16, $0xF00  }
0x3ca: {  	s14 =	sadd.s32 $0x200, s14;
	s17 =	smov.u32 s16;
	s16 =	sadd.s32 $0x100, s16;
	v4 =	vadd.f32 v4, v5  }
0x3cb: {  	_ = 	snop  }
0x3cc: {  	v3 =	vadd.f32 v3, v4;
	_ =	sdelay $0x1  }
0x3cd: {  	[tilespmem:s15+$0xC530] =	vst v3  }
0x3ce: {  	v3 =	vld [tilespmem:s14+$0xFFFFFF40]  }
0x3cf: {  	v4 =	vld [tilespmem:s14+$0xFFFFFF00];
	_ =	sdelay $0x1  }
0x3d0: {  	v5 =	vld [tilespmem:s14+$0xFFFFFF80];
	_ =	sdelay $0x1  }
0x3d1: {  	v6 =	vld [tilespmem:s14+$0xFFFFFFC0]  }
0x3d2: {  	v3 =	vadd.f32 v3, v4  }
0x3d3: {  	v4 =	vld [tilespmem:s14+$0x0]  }
0x3d4: {  	v3 =	vadd.f32 v5, v3  }
0x3d5: {  	v5 =	vld [tilespmem:s14+$0x40]  }
0x3d6: {  	v3 =	vadd.f32 v6, v3  }
0x3d7: {  	v6 =	vld [tilespmem:s14+$0x80]  }
0x3d8: {  	v3 =	vadd.f32 v4, v3  }
0x3d9: {  	v4 =	vld [tilespmem:s14+$0xC0]  }
0x3da: {  	v3 =	vadd.f32 v5, v3;
	_ =	sdelay $0x1  }
0x3db: {  	v3 =	vadd.f32 v6, v3;
	_ =	sdelay $0x1  }
0x3dc: {  	v3 =	vadd.f32 v4, v3  }
0x3dd: {  	s15 =	sshra.s32 s17, $0x2  }
0x3de: {  	[tilespmem:s15+$0xC500] =	vst v3  }
0x3df: {  	v3 =	vld [tilespmem:s14+$0xFFFFFF10]  }
0x3e0: {  	v4 =	vld [tilespmem:s14+$0xFFFFFF50];
	_ =	sdelay $0x1  }
0x3e1: {  	v5 =	vld [tilespmem:s14+$0xFFFFFF90];
	_ =	sdelay $0x1  }
0x3e2: {  	v6 =	vld [tilespmem:s14+$0xFFFFFFD0]  }
0x3e3: {  	v3 =	vadd.f32 v4, v3  }
0x3e4: {  	v4 =	vld [tilespmem:s14+$0x10]  }
0x3e5: {  	v3 =	vadd.f32 v5, v3  }
0x3e6: {  	v5 =	vld [tilespmem:s14+$0x50]  }
0x3e7: {  	v3 =	vadd.f32 v6, v3  }
0x3e8: {  	v6 =	vld [tilespmem:s14+$0x90]  }
0x3e9: {  	v3 =	vadd.f32 v4, v3  }
0x3ea: {  	v4 =	vld [tilespmem:s14+$0xD0]  }
0x3eb: {  	v3 =	vadd.f32 v5, v3;
	_ =	sdelay $0x1  }
0x3ec: {  	v3 =	vadd.f32 v6, v3;
	_ =	sdelay $0x1  }
0x3ed: {  	v3 =	vadd.f32 v4, v3;
	_ =	sdelay $0x1  }
0x3ee: {  	[tilespmem:s15+$0xC510] =	vst v3  }
0x3ef: {  	v3 =	vld [tilespmem:s14+$0xFFFFFF20]  }
0x3f0: {  	v4 =	vld [tilespmem:s14+$0xFFFFFF60];
	_ =	sdelay $0x1  }
0x3f1: {  	v5 =	vld [tilespmem:s14+$0xFFFFFFA0];
	_ =	sdelay $0x1  }
0x3f2: {  	v6 =	vld [tilespmem:s14+$0xFFFFFFE0]  }
0x3f3: {  	v3 =	vadd.f32 v4, v3  }
0x3f4: {  	v4 =	vld [tilespmem:s14+$0x20]  }
0x3f5: {  	v3 =	vadd.f32 v5, v3  }
0x3f6: {  	v5 =	vld [tilespmem:s14+$0x60]  }
0x3f7: {  	v3 =	vadd.f32 v6, v3  }
0x3f8: {  	v6 =	vld [tilespmem:s14+$0xA0]  }
0x3f9: {  	v3 =	vadd.f32 v4, v3  }
0x3fa: {  	v4 =	vld [tilespmem:s14+$0xE0]  }
0x3fb: {  	v3 =	vadd.f32 v5, v3;
	_ =	sdelay $0x1  }
0x3fc: {  	v3 =	vadd.f32 v6, v3;
	_ =	sdelay $0x1  }
0x3fd: {  	v3 =	vadd.f32 v4, v3;
	_ =	sdelay $0x1  }
0x3fe: {  	[tilespmem:s15+$0xC520] =	vst v3  }
0x3ff: {  	v3 =	vld [tilespmem:s14+$0xFFFFFF30]  }
0x400: {  	v4 =	vld [tilespmem:s14+$0xFFFFFF70]  }
0x401: {  	v5 =	vld [tilespmem:s14+$0xFFFFFFB0]  }
0x402: {  	v6 =	vld [tilespmem:s14+$0xFFFFFFF0]  }
0x403: {  	v7 =	vld [tilespmem:s14+$0x30]  }
0x404: {  	v8 =	vld [tilespmem:s14+$0x70]  }
0x405: {  	v9 =	vadd.f32 v4, v3;
	v4 =	vld [tilespmem:s14+$0xB0]  }
0x406: {  	v3 =	vld [tilespmem:s14+$0xF0]  }
0x407: {  	v5 =	vadd.f32 v5, v9;
	_ =	sdelay $0x1  }
.Ltmp14:
0x408: {  	v5 =	vadd.f32 v6, v5;
	(pc) =	sbr.rel @p0 .LBB2_30-.Ltmp14, $3  }
0x409: {  	_ = 	snop  }
0x40a: {  	v5 =	vadd.f32 v7, v5;
	_ =	sdelay $0x1  }
0x40b: {  	v5 =	vadd.f32 v8, v5  }
0x40c: {  	_ = 	snop  }
0x40d: {  	v4 =	vadd.f32 v4, v5;
	_ =	sdelay $0x1  }
0x40e: {  	v3 =	vadd.f32 v3, v4;
	_ =	sdelay $0x1  }
0x40f: {  	s14 =	simm.s32 $0x6400;
	[tilespmem:s15+$0xC530] =	vst v3  }
.LBB2_32:
0x410: {  	s15 =	simm.s32 $0x40  }
0x411: {  	v3 =	vmov s15  }
0x412: {  	s16 =	sshll.u32 s13, $0x3;
	v4 =	vmul.u32 $0xC8, v3  }
0x413: {  	v3 =	vmov s16  }
0x414: {  	v4 =	vadd.s32 v3, v4  }
0x415: {  	v4 =	vbroadcast v4, $0x0  }
0x416: {  	s17 =	simm.s32 $0x42  }
0x417: {  	v5 =	vmov s17;
	v4 =	vadd.s32 v0, v4  }
0x418: {  	v5 =	vmul.u32 $0xC8, v5;
	v4 =	vand.u32 $0xFFFFFFF8, v4  }
0x419: {  	v4 =	vor.u32 v1, v4  }
0x41a: {  	v5 =	vadd.s32 v3, v5  }
0x41b: {  	v5 =	vbroadcast v5, $0x0  }
0x41c: {  	s16 =	simm.s32 $0x44  }
0x41d: {  	v6 =	vmov s16;
	v5 =	vadd.s32 v0, v5  }
0x41e: {  	v6 =	vmul.u32 $0xC8, v6;
	v5 =	vand.u32 $0xFFFFFFF8, v5;
	v4 =	vld.idx.msk [tilespmem:v4+s2+$0x0], $0xffff  }
0x41f: {  	v5 =	vor.u32 v1, v5  }
0x420: {  	v6 =	vadd.s32 v3, v6  }
0x421: {  	v6 =	vbroadcast v6, $0x0;
	_ =	sdelay $0x1  }
0x422: {  	s17 =	simm.s32 $0x46;
	v6 =	vadd.s32 v0, v6;
	[tilespmem:s14+$0x0] =	vst v4  }
0x423: {  	s15 =	smov.u32 s14;
	s16 =	simm.s32 $0x48;
	v6 =	vand.u32 $0xFFFFFFF8, v6;
	v4 =	vld.idx.msk [tilespmem:v5+s2+$0x0], $0xffff;
	v5 =	vmov s17  }
.LBB2_33:
0x424: {  	p0 =	sne.s32 s16, $0x4E;
	v5 =	vmul.u32 $0xC8, v5;
	v6 =	vor.u32 v1, v6;
	_ =	sdelay $0x1  }
.Ltmp15:
0x425: {  	v5 =	vadd.s32 v3, v5;
	(pc) =	sbr.rel @p0 .LBB2_33-.Ltmp15, $4  }
0x426: {  	s15 =	sadd.s32 $0x10, s15;
	v5 =	vbroadcast v5, $0x0  }
0x427: {  	[tilespmem:s15+$0x0] =	vst v4  }
0x428: {  	v7 =	vadd.s32 v0, v5;
	v4 =	vld.idx.msk [tilespmem:v6+s2+$0x0], $0xffff  }
0x429: {  	v5 =	vmov s16;
	s16 =	sadd.s32 $0x2, s16;
	v6 =	vand.u32 $0xFFFFFFF8, v7  }
0x42a: {  	v5 =	vmul.u32 $0xC8, v5  }
0x42b: {  	v6 =	vor.u32 v1, v6  }
0x42c: {  	v3 =	vadd.s32 v3, v5  }
0x42d: {  	v3 =	vbroadcast v3, $0x0  }
0x42e: {  	s15 =	sadd.s32 $0x10, s15  }
0x42f: {  	[tilespmem:s15+$0x0] =	vst v4;
	v3 =	vadd.s32 v0, v3  }
0x430: {  	v4 =	vld.idx.msk [tilespmem:v6+s2+$0x0], $0xffff;
	v3 =	vand.u32 $0xFFFFFFF8, v3  }
0x431: {  	v3 =	vor.u32 v1, v3;
	_ =	sdelay $0x2  }
0x432: {  	s15 =	sadd.s32 $0x10, s15  }
0x433: {  	s13 =	sadd.s32 $0x1, s13;
	[tilespmem:s15+$0x0] =	vst v4  }
0x434: {  	p0 =	sne.s32 s13, $0x19;
	v3 =	vld.idx.msk [tilespmem:v3+s2+$0x0], $0xffff  }
.Ltmp16:
0x435: {  	_ = 	snop;
	(pc) =	sbr.rel @p0 .LBB2_32-.Ltmp16, $3  }
0x436: {  	_ =	sdelay $0x1  }
0x437: {  	s15 =	sadd.s32 $0x10, s15  }
0x438: {  	s14 =	sadd.s32 $0x80, s14;
	[tilespmem:s15+$0x0] =	vst v3  }
0x439: {  	s14 =	simm.s32 $0x100;
	s13 =	simm.s32 $0x0  }
.LBB2_36:
0x43a: {  	p0 =	sne.s32 s14, $0x7F00;
	[tilespmem:s13+$0x7D30] =	vst v2;
	s15 =	smov.u32 s14;
	s14 =	sadd.s32 $0x100, s14  }
.Ltmp17:
0x43b: {  	[tilespmem:s13+$0x7D20] =	vst v2;
	(pc) =	sbr.rel @p0 .LBB2_36-.Ltmp17, $3  }
0x43c: {  	[tilespmem:s13+$0x7D00] =	vst v2  }
0x43d: {  	[tilespmem:s13+$0x7D10] =	vst v2;
	_ =	sdelay $0x1  }
0x43e: {  	s13 =	sshra.s32 s15, $0x2  }
0x43f: {  	[tilespmem:s13+$0x7D30] =	vst v2  }
0x440: {  	[tilespmem:s13+$0x7D20] =	vst v2  }
0x441: {  	[tilespmem:s13+$0x7D00] =	vst v2  }
0x442: {  	[tilespmem:s13+$0x7D10] =	vst v2;
	s17 =	simm.s32 $0x6400  }
0x443: {  	[tilespmem:s10], [sflag:$0x1] =	stream.indirect.gather.add.f32 [hbm:s3], $0x40, s17, s8, $0xb8;
	[tilespmem:$0xDD00] =	vst v63  }
0x444: {  	s14 =	simm.s32 $0x6480  }
0x445: {  	[tilespmem:s10], [sflag:$0x1] =	stream.indirect.gather.add.f32 [hbm:s3], $0x40, s14, s8, $0xb8;
	[tilespmem:$0xDD00] =	vst v63  }
0x446: {  	s15 =	simm.s32 $0x6500  }
0x447: {  	[tilespmem:s10], [sflag:$0x1] =	stream.indirect.gather.add.f32 [hbm:s3], $0x40, s15, s8, $0xb8;
	[tilespmem:$0xDD00] =	vst v63  }
0x448: {  	s16 =	simm.s32 $0x6580  }
0x449: {  	[tilespmem:s10], [sflag:$0x1] =	stream.indirect.gather.add.f32 [hbm:s3], $0x40, s16, s8, $0xb8;
	[tilespmem:$0xDD00] =	vst v63  }
0x44a: {  	s17 =	simm.s32 $0x6600  }
0x44b: {  	[tilespmem:s10], [sflag:$0x1] =	stream.indirect.gather.add.f32 [hbm:s3], $0x40, s17, s8, $0xb8;
	[tilespmem:$0xDD00] =	vst v63  }
0x44c: {  	s14 =	simm.s32 $0x6680  }
0x44d: {  	[tilespmem:s10], [sflag:$0x1] =	stream.indirect.gather.add.f32 [hbm:s3], $0x40, s14, s8, $0xb8;
	[tilespmem:$0xDD00] =	vst v63  }
0x44e: {  	s15 =	simm.s32 $0x6700  }
0x44f: {  	[tilespmem:s10], [sflag:$0x1] =	stream.indirect.gather.add.f32 [hbm:s3], $0x40, s15, s8, $0xb8;
	[tilespmem:$0xDD00] =	vst v63  }
0x450: {  	s16 =	simm.s32 $0x6780  }
0x451: {  	[tilespmem:s10], [sflag:$0x1] =	stream.indirect.gather.add.f32 [hbm:s3], $0x40, s16, s8, $0xb8;
	[tilespmem:$0xDD00] =	vst v63  }
0x452: {  	s17 =	simm.s32 $0x6800  }
0x453: {  	[tilespmem:s10], [sflag:$0x1] =	stream.indirect.gather.add.f32 [hbm:s3], $0x40, s17, s8, $0xb8;
	[tilespmem:$0xDD00] =	vst v63  }
0x454: {  	s14 =	simm.s32 $0x6880  }
0x455: {  	[tilespmem:s10], [sflag:$0x1] =	stream.indirect.gather.add.f32 [hbm:s3], $0x40, s14, s8, $0xb8;
	[tilespmem:$0xDD00] =	vst v63  }
0x456: {  	s15 =	simm.s32 $0x6900  }
0x457: {  	[tilespmem:s10], [sflag:$0x1] =	stream.indirect.gather.add.f32 [hbm:s3], $0x40, s15, s8, $0xb8;
	[tilespmem:$0xDD00] =	vst v63  }
0x458: {  	s16 =	simm.s32 $0x6980  }
0x459: {  	[tilespmem:s10], [sflag:$0x1] =	stream.indirect.gather.add.f32 [hbm:s3], $0x40, s16, s8, $0xb8;
	[tilespmem:$0xDD00] =	vst v63  }
0x45a: {  	s17 =	simm.s32 $0x6A00  }
0x45b: {  	[tilespmem:s10], [sflag:$0x1] =	stream.indirect.gather.add.f32 [hbm:s3], $0x40, s17, s8, $0xb8;
	[tilespmem:$0xDD00] =	vst v63  }
0x45c: {  	s14 =	simm.s32 $0x6A80  }
0x45d: {  	[tilespmem:s10], [sflag:$0x1] =	stream.indirect.gather.add.f32 [hbm:s3], $0x40, s14, s8, $0xb8;
	[tilespmem:$0xDD00] =	vst v63  }
0x45e: {  	s15 =	simm.s32 $0x6B00  }
0x45f: {  	[tilespmem:s10], [sflag:$0x1] =	stream.indirect.gather.add.f32 [hbm:s3], $0x40, s15, s8, $0xb8;
	[tilespmem:$0xDD00] =	vst v63  }
0x460: {  	s16 =	simm.s32 $0x6B80  }
0x461: {  	[tilespmem:s10], [sflag:$0x1] =	stream.indirect.gather.add.f32 [hbm:s3], $0x40, s16, s8, $0xb8;
	[tilespmem:$0xDD00] =	vst v63  }
0x462: {  	s17 =	simm.s32 $0x6C00  }
0x463: {  	[tilespmem:s10], [sflag:$0x1] =	stream.indirect.gather.add.f32 [hbm:s3], $0x40, s17, s8, $0xb8;
	[tilespmem:$0xDD00] =	vst v63  }
0x464: {  	s14 =	simm.s32 $0x6C80  }
0x465: {  	[tilespmem:s10], [sflag:$0x1] =	stream.indirect.gather.add.f32 [hbm:s3], $0x40, s14, s8, $0xb8;
	[tilespmem:$0xDD00] =	vst v63  }
0x466: {  	s15 =	simm.s32 $0x6D00  }
0x467: {  	[tilespmem:s10], [sflag:$0x1] =	stream.indirect.gather.add.f32 [hbm:s3], $0x40, s15, s8, $0xb8;
	[tilespmem:$0xDD00] =	vst v63  }
0x468: {  	s16 =	simm.s32 $0x6D80  }
0x469: {  	[tilespmem:s10], [sflag:$0x1] =	stream.indirect.gather.add.f32 [hbm:s3], $0x40, s16, s8, $0xb8;
	[tilespmem:$0xDD00] =	vst v63  }
0x46a: {  	s17 =	simm.s32 $0x6E00  }
0x46b: {  	[tilespmem:s10], [sflag:$0x1] =	stream.indirect.gather.add.f32 [hbm:s3], $0x40, s17, s8, $0xb8;
	[tilespmem:$0xDD00] =	vst v63  }
0x46c: {  	s14 =	simm.s32 $0x6E80  }
0x46d: {  	[tilespmem:s10], [sflag:$0x1] =	stream.indirect.gather.add.f32 [hbm:s3], $0x40, s14, s8, $0xb8;
	[tilespmem:$0xDD00] =	vst v63  }
0x46e: {  	s15 =	simm.s32 $0x6F00  }
0x46f: {  	[tilespmem:s10], [sflag:$0x1] =	stream.indirect.gather.add.f32 [hbm:s3], $0x40, s15, s8, $0xb8;
	[tilespmem:$0xDD00] =	vst v63  }
0x470: {  	s16 =	simm.s32 $0x6F80  }
0x471: {  	[tilespmem:s10], [sflag:$0x1] =	stream.indirect.gather.add.f32 [hbm:s3], $0x40, s16, s8, $0xb8;
	[tilespmem:$0xDD00] =	vst v63  }
0x472: {  	s17 =	simm.s32 $0x7000  }
0x473: {  	[tilespmem:s10], [sflag:$0x1] =	stream.indirect.gather.add.f32 [hbm:s3], $0x40, s17, s8, $0xb8;
	[tilespmem:$0xDD00] =	vst v63  }
0x474: {  	_ =	swait.ge [sflag:s11], $0x2000  }
0x475: {  	[sflag:s11] =	ssyncset.done $0x0  }
0x476: {  	[sflag:s11] =	ssyncadd.s32 $0xFFFFE000  }
0x477: {  	_ =	swait.ge [sflag:s11], $0x2000  }
0x478: {  	[sflag:s11] =	ssyncset.done $0x0  }
0x479: {  	[sflag:s11] =	ssyncadd.s32 $0xFFFFE000  }
0x47a: {  	_ =	swait.ge [sflag:s11], $0x2000  }
0x47b: {  	[sflag:s11] =	ssyncset.done $0x0  }
0x47c: {  	[sflag:s11] =	ssyncadd.s32 $0xFFFFE000  }
0x47d: {  	_ =	swait.ge [sflag:s11], $0x2000  }
0x47e: {  	[sflag:s11] =	ssyncset.done $0x0  }
0x47f: {  	[sflag:s11] =	ssyncadd.s32 $0xFFFFE000  }
0x480: {  	_ =	swait.ge [sflag:s11], $0x2000  }
0x481: {  	[sflag:s11] =	ssyncset.done $0x0  }
0x482: {  	[sflag:s11] =	ssyncadd.s32 $0xFFFFE000  }
0x483: {  	_ =	swait.ge [sflag:s11], $0x2000  }
0x484: {  	[sflag:s11] =	ssyncset.done $0x0  }
0x485: {  	[sflag:s11] =	ssyncadd.s32 $0xFFFFE000  }
0x486: {  	_ =	swait.ge [sflag:s11], $0x2000  }
0x487: {  	[sflag:s11] =	ssyncset.done $0x0  }
0x488: {  	[sflag:s11] =	ssyncadd.s32 $0xFFFFE000  }
0x489: {  	_ =	swait.ge [sflag:s11], $0x2000  }
0x48a: {  	[sflag:s11] =	ssyncset.done $0x0  }
0x48b: {  	[sflag:s11] =	ssyncadd.s32 $0xFFFFE000  }
0x48c: {  	_ =	swait.ge [sflag:s11], $0x2000  }
0x48d: {  	[sflag:s11] =	ssyncset.done $0x0  }
0x48e: {  	[sflag:s11] =	ssyncadd.s32 $0xFFFFE000  }
0x48f: {  	_ =	swait.ge [sflag:s11], $0x2000  }
0x490: {  	[sflag:s11] =	ssyncset.done $0x0  }
0x491: {  	[sflag:s11] =	ssyncadd.s32 $0xFFFFE000  }
0x492: {  	_ =	swait.ge [sflag:s11], $0x2000  }
0x493: {  	[sflag:s11] =	ssyncset.done $0x0  }
0x494: {  	[sflag:s11] =	ssyncadd.s32 $0xFFFFE000  }
0x495: {  	_ =	swait.ge [sflag:s11], $0x2000  }
0x496: {  	[sflag:s11] =	ssyncset.done $0x0  }
0x497: {  	[sflag:s11] =	ssyncadd.s32 $0xFFFFE000  }
0x498: {  	_ =	swait.ge [sflag:s11], $0x2000  }
0x499: {  	[sflag:s11] =	ssyncset.done $0x0  }
0x49a: {  	[sflag:s11] =	ssyncadd.s32 $0xFFFFE000  }
0x49b: {  	_ =	swait.ge [sflag:s11], $0x2000  }
0x49c: {  	[sflag:s11] =	ssyncset.done $0x0  }
0x49d: {  	[sflag:s11] =	ssyncadd.s32 $0xFFFFE000  }
0x49e: {  	_ =	swait.ge [sflag:s11], $0x2000  }
0x49f: {  	[sflag:s11] =	ssyncset.done $0x0  }
0x4a0: {  	[sflag:s11] =	ssyncadd.s32 $0xFFFFE000  }
0x4a1: {  	_ =	swait.ge [sflag:s11], $0x2000  }
0x4a2: {  	[sflag:s11] =	ssyncset.done $0x0  }
0x4a3: {  	[sflag:s11] =	ssyncadd.s32 $0xFFFFE000  }
0x4a4: {  	_ =	swait.ge [sflag:s11], $0x2000  }
0x4a5: {  	[sflag:s11] =	ssyncset.done $0x0  }
0x4a6: {  	[sflag:s11] =	ssyncadd.s32 $0xFFFFE000  }
0x4a7: {  	_ =	swait.ge [sflag:s11], $0x2000  }
0x4a8: {  	[sflag:s11] =	ssyncset.done $0x0  }
0x4a9: {  	[sflag:s11] =	ssyncadd.s32 $0xFFFFE000  }
0x4aa: {  	_ =	swait.ge [sflag:s11], $0x2000  }
0x4ab: {  	[sflag:s11] =	ssyncset.done $0x0  }
0x4ac: {  	[sflag:s11] =	ssyncadd.s32 $0xFFFFE000  }
0x4ad: {  	_ =	swait.ge [sflag:s11], $0x2000  }
0x4ae: {  	[sflag:s11] =	ssyncset.done $0x0  }
0x4af: {  	[sflag:s11] =	ssyncadd.s32 $0xFFFFE000  }
0x4b0: {  	_ =	swait.ge [sflag:s11], $0x2000  }
0x4b1: {  	[sflag:s11] =	ssyncset.done $0x0  }
0x4b2: {  	[sflag:s11] =	ssyncadd.s32 $0xFFFFE000  }
0x4b3: {  	_ =	swait.ge [sflag:s11], $0x2000  }
0x4b4: {  	[sflag:s11] =	ssyncset.done $0x0  }
0x4b5: {  	[sflag:s11] =	ssyncadd.s32 $0xFFFFE000  }
0x4b6: {  	_ =	swait.ge [sflag:s11], $0x2000  }
0x4b7: {  	[sflag:s11] =	ssyncset.done $0x0  }
0x4b8: {  	[sflag:s11] =	ssyncadd.s32 $0xFFFFE000  }
0x4b9: {  	_ =	swait.ge [sflag:s11], $0x2000  }
0x4ba: {  	[sflag:s11] =	ssyncset.done $0x0  }
0x4bb: {  	[sflag:s11] =	ssyncadd.s32 $0xFFFFE000  }
0x4bc: {  	_ =	swait.ge [sflag:s11], $0x2000  }
0x4bd: {  	[sflag:s11] =	ssyncset.done $0x0  }
0x4be: {  	s14 =	simm.s32 $0x9E00;
	[sflag:s11] =	ssyncadd.s32 $0xFFFFE000  }
0x4bf: {  	v3 =	vld [tilespmem:s14+$0xFFFFFF40]  }
0x4c0: {  	v4 =	vld [tilespmem:s14+$0xFFFFFF00];
	_ =	sdelay $0x1  }
0x4c1: {  	v5 =	vld [tilespmem:s14+$0xFFFFFF80];
	_ =	sdelay $0x1  }
0x4c2: {  	v6 =	vld [tilespmem:s14+$0xFFFFFFC0]  }
0x4c3: {  	v3 =	vadd.f32 v3, v4  }
0x4c4: {  	v4 =	vld [tilespmem:s14+$0x0]  }
0x4c5: {  	v3 =	vadd.f32 v5, v3  }
0x4c6: {  	v5 =	vld [tilespmem:s14+$0x40]  }
0x4c7: {  	v3 =	vadd.f32 v6, v3  }
0x4c8: {  	v6 =	vld [tilespmem:s14+$0x80]  }
0x4c9: {  	v3 =	vadd.f32 v4, v3  }
0x4ca: {  	v4 =	vld [tilespmem:s14+$0xC0]  }
0x4cb: {  	v3 =	vadd.f32 v5, v3;
	_ =	sdelay $0x1  }
0x4cc: {  	v3 =	vadd.f32 v6, v3;
	_ =	sdelay $0x1  }
0x4cd: {  	v3 =	vadd.f32 v4, v3  }
0x4ce: {  	s15 =	simm.s32 $0x0  }
0x4cf: {  	[tilespmem:s15+$0xC900] =	vst v3  }
0x4d0: {  	v3 =	vld [tilespmem:s14+$0xFFFFFF10]  }
0x4d1: {  	v4 =	vld [tilespmem:s14+$0xFFFFFF50];
	_ =	sdelay $0x1  }
0x4d2: {  	v5 =	vld [tilespmem:s14+$0xFFFFFF90];
	_ =	sdelay $0x1  }
0x4d3: {  	v6 =	vld [tilespmem:s14+$0xFFFFFFD0]  }
0x4d4: {  	v3 =	vadd.f32 v4, v3  }
0x4d5: {  	v4 =	vld [tilespmem:s14+$0x10]  }
0x4d6: {  	v3 =	vadd.f32 v5, v3  }
0x4d7: {  	v5 =	vld [tilespmem:s14+$0x50]  }
0x4d8: {  	v3 =	vadd.f32 v6, v3  }
0x4d9: {  	v6 =	vld [tilespmem:s14+$0x90]  }
0x4da: {  	v3 =	vadd.f32 v4, v3  }
0x4db: {  	v4 =	vld [tilespmem:s14+$0xD0]  }
0x4dc: {  	v3 =	vadd.f32 v5, v3;
	_ =	sdelay $0x1  }
0x4dd: {  	v3 =	vadd.f32 v6, v3;
	_ =	sdelay $0x1  }
0x4de: {  	v3 =	vadd.f32 v4, v3;
	_ =	sdelay $0x1  }
0x4df: {  	[tilespmem:s15+$0xC910] =	vst v3  }
0x4e0: {  	v3 =	vld [tilespmem:s14+$0xFFFFFF20]  }
0x4e1: {  	v4 =	vld [tilespmem:s14+$0xFFFFFF60];
	_ =	sdelay $0x1  }
0x4e2: {  	v5 =	vld [tilespmem:s14+$0xFFFFFFA0];
	_ =	sdelay $0x1  }
0x4e3: {  	v6 =	vld [tilespmem:s14+$0xFFFFFFE0]  }
0x4e4: {  	v3 =	vadd.f32 v4, v3  }
0x4e5: {  	v4 =	vld [tilespmem:s14+$0x20]  }
0x4e6: {  	v3 =	vadd.f32 v5, v3  }
0x4e7: {  	v5 =	vld [tilespmem:s14+$0x60]  }
0x4e8: {  	v3 =	vadd.f32 v6, v3  }
0x4e9: {  	v6 =	vld [tilespmem:s14+$0xA0]  }
0x4ea: {  	v3 =	vadd.f32 v4, v3  }
0x4eb: {  	v4 =	vld [tilespmem:s14+$0xE0]  }
0x4ec: {  	v3 =	vadd.f32 v5, v3;
	_ =	sdelay $0x1  }
0x4ed: {  	v3 =	vadd.f32 v6, v3;
	_ =	sdelay $0x1  }
0x4ee: {  	v3 =	vadd.f32 v4, v3;
	_ =	sdelay $0x1  }
0x4ef: {  	[tilespmem:s15+$0xC920] =	vst v3  }
0x4f0: {  	v3 =	vld [tilespmem:s14+$0xFFFFFF30]  }
0x4f1: {  	v4 =	vld [tilespmem:s14+$0xFFFFFF70];
	_ =	sdelay $0x1  }
0x4f2: {  	v5 =	vld [tilespmem:s14+$0xFFFFFFB0];
	_ =	sdelay $0x1  }
0x4f3: {  	v6 =	vld [tilespmem:s14+$0xFFFFFFF0]  }
0x4f4: {  	v3 =	vadd.f32 v4, v3  }
0x4f5: {  	v4 =	vld [tilespmem:s14+$0x30]  }
0x4f6: {  	v3 =	vadd.f32 v5, v3;
	_ =	sdelay $0x1  }
0x4f7: {  	v5 =	vld [tilespmem:s14+$0x70];
	v3 =	vadd.f32 v6, v3;
	_ =	sdelay $0x1  }
0x4f8: {  	v6 =	vadd.f32 v4, v3;
	v4 =	vld [tilespmem:s14+$0xB0];
	_ =	sdelay $0x1  }
0x4f9: {  	v3 =	vld [tilespmem:s14+$0xF0]  }
0x4fa: {  	s13 =	simm.s32 $0x0;
	s16 =	simm.s32 $0x100;
	v5 =	vadd.f32 v5, v6  }
.LBB2_38:
0x4fb: {  	p0 =	sne.s32 s16, $0xF00  }
0x4fc: {  	s14 =	sadd.s32 $0x200, s14;
	s17 =	smov.u32 s16;
	s16 =	sadd.s32 $0x100, s16;
	v4 =	vadd.f32 v4, v5  }
0x4fd: {  	_ = 	snop  }
0x4fe: {  	v3 =	vadd.f32 v3, v4;
	_ =	sdelay $0x1  }
0x4ff: {  	[tilespmem:s15+$0xC930] =	vst v3  }
0x500: {  	v3 =	vld [tilespmem:s14+$0xFFFFFF40]  }
0x501: {  	v4 =	vld [tilespmem:s14+$0xFFFFFF00];
	_ =	sdelay $0x1  }
0x502: {  	v5 =	vld [tilespmem:s14+$0xFFFFFF80];
	_ =	sdelay $0x1  }
0x503: {  	v6 =	vld [tilespmem:s14+$0xFFFFFFC0]  }
0x504: {  	v3 =	vadd.f32 v3, v4  }
0x505: {  	v4 =	vld [tilespmem:s14+$0x0]  }
0x506: {  	v3 =	vadd.f32 v5, v3  }
0x507: {  	v5 =	vld [tilespmem:s14+$0x40]  }
0x508: {  	v3 =	vadd.f32 v6, v3  }
0x509: {  	v6 =	vld [tilespmem:s14+$0x80]  }
0x50a: {  	v3 =	vadd.f32 v4, v3  }
0x50b: {  	v4 =	vld [tilespmem:s14+$0xC0]  }
0x50c: {  	v3 =	vadd.f32 v5, v3;
	_ =	sdelay $0x1  }
0x50d: {  	v3 =	vadd.f32 v6, v3;
	_ =	sdelay $0x1  }
0x50e: {  	v3 =	vadd.f32 v4, v3  }
0x50f: {  	s15 =	sshra.s32 s17, $0x2  }
0x510: {  	[tilespmem:s15+$0xC900] =	vst v3  }
0x511: {  	v3 =	vld [tilespmem:s14+$0xFFFFFF10]  }
0x512: {  	v4 =	vld [tilespmem:s14+$0xFFFFFF50];
	_ =	sdelay $0x1  }
0x513: {  	v5 =	vld [tilespmem:s14+$0xFFFFFF90];
	_ =	sdelay $0x1  }
0x514: {  	v6 =	vld [tilespmem:s14+$0xFFFFFFD0]  }
0x515: {  	v3 =	vadd.f32 v4, v3  }
0x516: {  	v4 =	vld [tilespmem:s14+$0x10]  }
0x517: {  	v3 =	vadd.f32 v5, v3  }
0x518: {  	v5 =	vld [tilespmem:s14+$0x50]  }
0x519: {  	v3 =	vadd.f32 v6, v3  }
0x51a: {  	v6 =	vld [tilespmem:s14+$0x90]  }
0x51b: {  	v3 =	vadd.f32 v4, v3  }
0x51c: {  	v4 =	vld [tilespmem:s14+$0xD0]  }
0x51d: {  	v3 =	vadd.f32 v5, v3;
	_ =	sdelay $0x1  }
0x51e: {  	v3 =	vadd.f32 v6, v3;
	_ =	sdelay $0x1  }
0x51f: {  	v3 =	vadd.f32 v4, v3;
	_ =	sdelay $0x1  }
0x520: {  	[tilespmem:s15+$0xC910] =	vst v3  }
0x521: {  	v3 =	vld [tilespmem:s14+$0xFFFFFF20]  }
0x522: {  	v4 =	vld [tilespmem:s14+$0xFFFFFF60];
	_ =	sdelay $0x1  }
0x523: {  	v5 =	vld [tilespmem:s14+$0xFFFFFFA0];
	_ =	sdelay $0x1  }
0x524: {  	v6 =	vld [tilespmem:s14+$0xFFFFFFE0]  }
0x525: {  	v3 =	vadd.f32 v4, v3  }
0x526: {  	v4 =	vld [tilespmem:s14+$0x20]  }
0x527: {  	v3 =	vadd.f32 v5, v3  }
0x528: {  	v5 =	vld [tilespmem:s14+$0x60]  }
0x529: {  	v3 =	vadd.f32 v6, v3  }
0x52a: {  	v6 =	vld [tilespmem:s14+$0xA0]  }
0x52b: {  	v3 =	vadd.f32 v4, v3  }
0x52c: {  	v4 =	vld [tilespmem:s14+$0xE0]  }
0x52d: {  	v3 =	vadd.f32 v5, v3;
	_ =	sdelay $0x1  }
0x52e: {  	v3 =	vadd.f32 v6, v3;
	_ =	sdelay $0x1  }
0x52f: {  	v3 =	vadd.f32 v4, v3;
	_ =	sdelay $0x1  }
0x530: {  	[tilespmem:s15+$0xC920] =	vst v3  }
0x531: {  	v3 =	vld [tilespmem:s14+$0xFFFFFF30]  }
0x532: {  	v4 =	vld [tilespmem:s14+$0xFFFFFF70]  }
0x533: {  	v5 =	vld [tilespmem:s14+$0xFFFFFFB0]  }
0x534: {  	v6 =	vld [tilespmem:s14+$0xFFFFFFF0]  }
0x535: {  	v7 =	vld [tilespmem:s14+$0x30]  }
0x536: {  	v8 =	vld [tilespmem:s14+$0x70]  }
0x537: {  	v9 =	vadd.f32 v4, v3;
	v4 =	vld [tilespmem:s14+$0xB0]  }
0x538: {  	v3 =	vld [tilespmem:s14+$0xF0]  }
0x539: {  	v5 =	vadd.f32 v5, v9;
	_ =	sdelay $0x1  }
.Ltmp18:
0x53a: {  	v5 =	vadd.f32 v6, v5;
	(pc) =	sbr.rel @p0 .LBB2_38-.Ltmp18, $3  }
0x53b: {  	_ = 	snop  }
0x53c: {  	v5 =	vadd.f32 v7, v5;
	_ =	sdelay $0x1  }
0x53d: {  	v5 =	vadd.f32 v8, v5  }
0x53e: {  	_ = 	snop  }
0x53f: {  	v4 =	vadd.f32 v4, v5;
	_ =	sdelay $0x1  }
0x540: {  	v3 =	vadd.f32 v3, v4;
	_ =	sdelay $0x1  }
0x541: {  	s14 =	simm.s32 $0x7080;
	[tilespmem:s15+$0xC930] =	vst v3  }
.LBB2_40:
0x542: {  	s15 =	simm.s32 $0x50  }
0x543: {  	v3 =	vmov s15  }
0x544: {  	s16 =	sshll.u32 s13, $0x3;
	v4 =	vmul.u32 $0xC8, v3  }
0x545: {  	v3 =	vmov s16  }
0x546: {  	v4 =	vadd.s32 v3, v4  }
0x547: {  	v4 =	vbroadcast v4, $0x0  }
0x548: {  	s17 =	simm.s32 $0x52  }
0x549: {  	v5 =	vmov s17;
	v4 =	vadd.s32 v0, v4  }
0x54a: {  	v5 =	vmul.u32 $0xC8, v5;
	v4 =	vand.u32 $0xFFFFFFF8, v4  }
0x54b: {  	v4 =	vor.u32 v1, v4  }
0x54c: {  	v5 =	vadd.s32 v3, v5  }
0x54d: {  	v5 =	vbroadcast v5, $0x0  }
0x54e: {  	s16 =	simm.s32 $0x54  }
0x54f: {  	v6 =	vmov s16;
	v5 =	vadd.s32 v0, v5  }
0x550: {  	v6 =	vmul.u32 $0xC8, v6;
	v5 =	vand.u32 $0xFFFFFFF8, v5;
	v4 =	vld.idx.msk [tilespmem:v4+s2+$0x0], $0xffff  }
0x551: {  	v5 =	vor.u32 v1, v5  }
0x552: {  	v6 =	vadd.s32 v3, v6  }
0x553: {  	v6 =	vbroadcast v6, $0x0;
	_ =	sdelay $0x1  }
0x554: {  	s17 =	simm.s32 $0x56;
	v6 =	vadd.s32 v0, v6;
	[tilespmem:s14+$0x0] =	vst v4  }
0x555: {  	s15 =	smov.u32 s14;
	s16 =	simm.s32 $0x58;
	v6 =	vand.u32 $0xFFFFFFF8, v6;
	v4 =	vld.idx.msk [tilespmem:v5+s2+$0x0], $0xffff;
	v5 =	vmov s17  }
.LBB2_41:
0x556: {  	p0 =	sne.s32 s16, $0x5E;
	v5 =	vmul.u32 $0xC8, v5;
	v6 =	vor.u32 v1, v6;
	_ =	sdelay $0x1  }
.Ltmp19:
0x557: {  	v5 =	vadd.s32 v3, v5;
	(pc) =	sbr.rel @p0 .LBB2_41-.Ltmp19, $4  }
0x558: {  	s15 =	sadd.s32 $0x10, s15;
	v5 =	vbroadcast v5, $0x0  }
0x559: {  	[tilespmem:s15+$0x0] =	vst v4  }
0x55a: {  	v7 =	vadd.s32 v0, v5;
	v4 =	vld.idx.msk [tilespmem:v6+s2+$0x0], $0xffff  }
0x55b: {  	v5 =	vmov s16;
	s16 =	sadd.s32 $0x2, s16;
	v6 =	vand.u32 $0xFFFFFFF8, v7  }
0x55c: {  	v5 =	vmul.u32 $0xC8, v5  }
0x55d: {  	v6 =	vor.u32 v1, v6  }
0x55e: {  	v3 =	vadd.s32 v3, v5  }
0x55f: {  	v3 =	vbroadcast v3, $0x0  }
0x560: {  	s15 =	sadd.s32 $0x10, s15  }
0x561: {  	[tilespmem:s15+$0x0] =	vst v4;
	v3 =	vadd.s32 v0, v3  }
0x562: {  	v4 =	vld.idx.msk [tilespmem:v6+s2+$0x0], $0xffff;
	v3 =	vand.u32 $0xFFFFFFF8, v3  }
0x563: {  	v3 =	vor.u32 v1, v3;
	_ =	sdelay $0x2  }
0x564: {  	s15 =	sadd.s32 $0x10, s15  }
0x565: {  	s13 =	sadd.s32 $0x1, s13;
	[tilespmem:s15+$0x0] =	vst v4  }
0x566: {  	p0 =	sne.s32 s13, $0x19;
	v3 =	vld.idx.msk [tilespmem:v3+s2+$0x0], $0xffff  }
.Ltmp20:
0x567: {  	_ = 	snop;
	(pc) =	sbr.rel @p0 .LBB2_40-.Ltmp20, $3  }
0x568: {  	_ =	sdelay $0x1  }
0x569: {  	s15 =	sadd.s32 $0x10, s15  }
0x56a: {  	s14 =	sadd.s32 $0x80, s14;
	[tilespmem:s15+$0x0] =	vst v3  }
0x56b: {  	s14 =	simm.s32 $0x100;
	s13 =	simm.s32 $0x0  }
.LBB2_44:
0x56c: {  	p0 =	sne.s32 s14, $0x7F00;
	[tilespmem:s13+$0x9D30] =	vst v2;
	s15 =	smov.u32 s14;
	s14 =	sadd.s32 $0x100, s14  }
.Ltmp21:
0x56d: {  	[tilespmem:s13+$0x9D20] =	vst v2;
	(pc) =	sbr.rel @p0 .LBB2_44-.Ltmp21, $3  }
0x56e: {  	[tilespmem:s13+$0x9D00] =	vst v2  }
0x56f: {  	[tilespmem:s13+$0x9D10] =	vst v2;
	_ =	sdelay $0x1  }
0x570: {  	s13 =	sshra.s32 s15, $0x2  }
0x571: {  	[tilespmem:s13+$0x9D30] =	vst v2  }
0x572: {  	[tilespmem:s13+$0x9D20] =	vst v2  }
0x573: {  	[tilespmem:s13+$0x9D00] =	vst v2  }
0x574: {  	[tilespmem:s13+$0x9D10] =	vst v2;
	s14 =	simm.s32 $0x7080  }
0x575: {  	[tilespmem:s9], [sflag:$0x2] =	stream.indirect.gather.add.f32 [hbm:s3], $0x40, s14, s8, $0xb8;
	[tilespmem:$0xDD00] =	vst v63  }
0x576: {  	s15 =	simm.s32 $0x7100  }
0x577: {  	[tilespmem:s9], [sflag:$0x2] =	stream.indirect.gather.add.f32 [hbm:s3], $0x40, s15, s8, $0xb8;
	[tilespmem:$0xDD00] =	vst v63  }
0x578: {  	s16 =	simm.s32 $0x7180  }
0x579: {  	[tilespmem:s9], [sflag:$0x2] =	stream.indirect.gather.add.f32 [hbm:s3], $0x40, s16, s8, $0xb8;
	[tilespmem:$0xDD00] =	vst v63  }
0x57a: {  	s17 =	simm.s32 $0x7200  }
0x57b: {  	[tilespmem:s9], [sflag:$0x2] =	stream.indirect.gather.add.f32 [hbm:s3], $0x40, s17, s8, $0xb8;
	[tilespmem:$0xDD00] =	vst v63  }
0x57c: {  	s14 =	simm.s32 $0x7280  }
0x57d: {  	[tilespmem:s9], [sflag:$0x2] =	stream.indirect.gather.add.f32 [hbm:s3], $0x40, s14, s8, $0xb8;
	[tilespmem:$0xDD00] =	vst v63  }
0x57e: {  	s15 =	simm.s32 $0x7300  }
0x57f: {  	[tilespmem:s9], [sflag:$0x2] =	stream.indirect.gather.add.f32 [hbm:s3], $0x40, s15, s8, $0xb8;
	[tilespmem:$0xDD00] =	vst v63  }
0x580: {  	s16 =	simm.s32 $0x7380  }
0x581: {  	[tilespmem:s9], [sflag:$0x2] =	stream.indirect.gather.add.f32 [hbm:s3], $0x40, s16, s8, $0xb8;
	[tilespmem:$0xDD00] =	vst v63  }
0x582: {  	s17 =	simm.s32 $0x7400  }
0x583: {  	[tilespmem:s9], [sflag:$0x2] =	stream.indirect.gather.add.f32 [hbm:s3], $0x40, s17, s8, $0xb8;
	[tilespmem:$0xDD00] =	vst v63  }
0x584: {  	_ = 	snop  }
0x585: {  	[tilespmem:s9], [sflag:$0x2] =	stream.indirect.gather.add.f32 [hbm:s3], $0x40, s18, s8, $0xb8;
	[tilespmem:$0xDD00] =	vst v63  }
0x586: {  	_ = 	snop  }
0x587: {  	[tilespmem:s9], [sflag:$0x2] =	stream.indirect.gather.add.f32 [hbm:s3], $0x40, s19, s8, $0xb8;
	[tilespmem:$0xDD00] =	vst v63  }
0x588: {  	_ = 	snop  }
0x589: {  	[tilespmem:s9], [sflag:$0x2] =	stream.indirect.gather.add.f32 [hbm:s3], $0x40, s20, s8, $0xb8;
	[tilespmem:$0xDD00] =	vst v63  }
0x58a: {  	_ = 	snop  }
0x58b: {  	[tilespmem:s9], [sflag:$0x2] =	stream.indirect.gather.add.f32 [hbm:s3], $0x40, s21, s8, $0xb8;
	[tilespmem:$0xDD00] =	vst v63  }
0x58c: {  	_ = 	snop  }
0x58d: {  	[tilespmem:s9], [sflag:$0x2] =	stream.indirect.gather.add.f32 [hbm:s3], $0x40, s22, s8, $0xb8;
	[tilespmem:$0xDD00] =	vst v63  }
0x58e: {  	_ = 	snop  }
0x58f: {  	[tilespmem:s9], [sflag:$0x2] =	stream.indirect.gather.add.f32 [hbm:s3], $0x40, s23, s8, $0xb8;
	[tilespmem:$0xDD00] =	vst v63  }
0x590: {  	_ = 	snop  }
0x591: {  	[tilespmem:s9], [sflag:$0x2] =	stream.indirect.gather.add.f32 [hbm:s3], $0x40, s24, s8, $0xb8;
	[tilespmem:$0xDD00] =	vst v63  }
0x592: {  	_ = 	snop  }
0x593: {  	[tilespmem:s9], [sflag:$0x2] =	stream.indirect.gather.add.f32 [hbm:s3], $0x40, s25, s8, $0xb8;
	[tilespmem:$0xDD00] =	vst v63  }
0x594: {  	_ = 	snop  }
0x595: {  	[tilespmem:s9], [sflag:$0x2] =	stream.indirect.gather.add.f32 [hbm:s3], $0x40, s26, s8, $0xb8;
	[tilespmem:$0xDD00] =	vst v63  }
0x596: {  	_ = 	snop  }
0x597: {  	[tilespmem:s9], [sflag:$0x2] =	stream.indirect.gather.add.f32 [hbm:s3], $0x40, s28, s8, $0xb8;
	[tilespmem:$0xDD00] =	vst v63  }
0x598: {  	_ = 	snop  }
0x599: {  	[tilespmem:s9], [sflag:$0x2] =	stream.indirect.gather.add.f32 [hbm:s3], $0x40, s29, s8, $0xb8;
	[tilespmem:$0xDD00] =	vst v63  }
0x59a: {  	_ = 	snop  }
0x59b: {  	[tilespmem:s9], [sflag:$0x2] =	stream.indirect.gather.add.f32 [hbm:s3], $0x40, s30, s8, $0xb8;
	[tilespmem:$0xDD00] =	vst v63  }
0x59c: {  	_ = 	snop  }
0x59d: {  	[tilespmem:s9], [sflag:$0x2] =	stream.indirect.gather.add.f32 [hbm:s3], $0x40, s31, s8, $0xb8;
	[tilespmem:$0xDD00] =	vst v63  }
0x59e: {  	_ = 	snop  }
0x59f: {  	[tilespmem:s9], [sflag:$0x2] =	stream.indirect.gather.add.f32 [hbm:s3], $0x40, s1, s8, $0xb8;
	[tilespmem:$0xDD00] =	vst v63  }
0x5a0: {  	_ = 	snop  }
0x5a1: {  	[tilespmem:s9], [sflag:$0x2] =	stream.indirect.gather.add.f32 [hbm:s3], $0x40, s0, s8, $0xb8;
	[tilespmem:$0xDD00] =	vst v63  }
0x5a2: {  	_ = 	snop  }
0x5a3: {  	[tilespmem:s9], [sflag:$0x2] =	stream.indirect.gather.add.f32 [hbm:s3], $0x40, s4, s8, $0xb8;
	[tilespmem:$0xDD00] =	vst v63  }
0x5a4: {  	_ = 	snop  }
0x5a5: {  	[tilespmem:s9], [sflag:$0x2] =	stream.indirect.gather.add.f32 [hbm:s3], $0x40, s5, s8, $0xb8;
	[tilespmem:$0xDD00] =	vst v63  }
0x5a6: {  	_ =	swait.ge [sflag:s6], $0x2000  }
0x5a7: {  	[sflag:s6] =	ssyncset.done $0x0  }
0x5a8: {  	[sflag:s6] =	ssyncadd.s32 $0xFFFFE000  }
0x5a9: {  	_ =	swait.ge [sflag:s6], $0x2000  }
0x5aa: {  	[sflag:s6] =	ssyncset.done $0x0  }
0x5ab: {  	[sflag:s6] =	ssyncadd.s32 $0xFFFFE000  }
0x5ac: {  	_ =	swait.ge [sflag:s6], $0x2000  }
0x5ad: {  	[sflag:s6] =	ssyncset.done $0x0  }
0x5ae: {  	[sflag:s6] =	ssyncadd.s32 $0xFFFFE000  }
0x5af: {  	_ =	swait.ge [sflag:s6], $0x2000  }
0x5b0: {  	[sflag:s6] =	ssyncset.done $0x0  }
0x5b1: {  	[sflag:s6] =	ssyncadd.s32 $0xFFFFE000  }
0x5b2: {  	_ =	swait.ge [sflag:s6], $0x2000  }
0x5b3: {  	[sflag:s6] =	ssyncset.done $0x0  }
0x5b4: {  	[sflag:s6] =	ssyncadd.s32 $0xFFFFE000  }
0x5b5: {  	_ =	swait.ge [sflag:s6], $0x2000  }
0x5b6: {  	[sflag:s6] =	ssyncset.done $0x0  }
0x5b7: {  	[sflag:s6] =	ssyncadd.s32 $0xFFFFE000  }
0x5b8: {  	_ =	swait.ge [sflag:s6], $0x2000  }
0x5b9: {  	[sflag:s6] =	ssyncset.done $0x0  }
0x5ba: {  	[sflag:s6] =	ssyncadd.s32 $0xFFFFE000  }
0x5bb: {  	_ =	swait.ge [sflag:s6], $0x2000  }
0x5bc: {  	[sflag:s6] =	ssyncset.done $0x0  }
0x5bd: {  	[sflag:s6] =	ssyncadd.s32 $0xFFFFE000  }
0x5be: {  	_ =	swait.ge [sflag:s6], $0x2000  }
0x5bf: {  	[sflag:s6] =	ssyncset.done $0x0  }
0x5c0: {  	[sflag:s6] =	ssyncadd.s32 $0xFFFFE000  }
0x5c1: {  	_ =	swait.ge [sflag:s6], $0x2000  }
0x5c2: {  	[sflag:s6] =	ssyncset.done $0x0  }
0x5c3: {  	[sflag:s6] =	ssyncadd.s32 $0xFFFFE000  }
0x5c4: {  	_ =	swait.ge [sflag:s6], $0x2000  }
0x5c5: {  	[sflag:s6] =	ssyncset.done $0x0  }
0x5c6: {  	[sflag:s6] =	ssyncadd.s32 $0xFFFFE000  }
0x5c7: {  	_ =	swait.ge [sflag:s6], $0x2000  }
0x5c8: {  	[sflag:s6] =	ssyncset.done $0x0  }
0x5c9: {  	[sflag:s6] =	ssyncadd.s32 $0xFFFFE000  }
0x5ca: {  	_ =	swait.ge [sflag:s6], $0x2000  }
0x5cb: {  	[sflag:s6] =	ssyncset.done $0x0  }
0x5cc: {  	[sflag:s6] =	ssyncadd.s32 $0xFFFFE000  }
0x5cd: {  	_ =	swait.ge [sflag:s6], $0x2000  }
0x5ce: {  	[sflag:s6] =	ssyncset.done $0x0  }
0x5cf: {  	[sflag:s6] =	ssyncadd.s32 $0xFFFFE000  }
0x5d0: {  	_ =	swait.ge [sflag:s6], $0x2000  }
0x5d1: {  	[sflag:s6] =	ssyncset.done $0x0  }
0x5d2: {  	[sflag:s6] =	ssyncadd.s32 $0xFFFFE000  }
0x5d3: {  	_ =	swait.ge [sflag:s6], $0x2000  }
0x5d4: {  	[sflag:s6] =	ssyncset.done $0x0  }
0x5d5: {  	[sflag:s6] =	ssyncadd.s32 $0xFFFFE000  }
0x5d6: {  	_ =	swait.ge [sflag:s6], $0x2000  }
0x5d7: {  	[sflag:s6] =	ssyncset.done $0x0  }
0x5d8: {  	[sflag:s6] =	ssyncadd.s32 $0xFFFFE000  }
0x5d9: {  	_ =	swait.ge [sflag:s6], $0x2000  }
0x5da: {  	[sflag:s6] =	ssyncset.done $0x0  }
0x5db: {  	[sflag:s6] =	ssyncadd.s32 $0xFFFFE000  }
0x5dc: {  	_ =	swait.ge [sflag:s6], $0x2000  }
0x5dd: {  	[sflag:s6] =	ssyncset.done $0x0  }
0x5de: {  	[sflag:s6] =	ssyncadd.s32 $0xFFFFE000  }
0x5df: {  	_ =	swait.ge [sflag:s6], $0x2000  }
0x5e0: {  	[sflag:s6] =	ssyncset.done $0x0  }
0x5e1: {  	[sflag:s6] =	ssyncadd.s32 $0xFFFFE000  }
0x5e2: {  	_ =	swait.ge [sflag:s6], $0x2000  }
0x5e3: {  	[sflag:s6] =	ssyncset.done $0x0  }
0x5e4: {  	[sflag:s6] =	ssyncadd.s32 $0xFFFFE000  }
0x5e5: {  	_ =	swait.ge [sflag:s6], $0x2000  }
0x5e6: {  	[sflag:s6] =	ssyncset.done $0x0  }
0x5e7: {  	[sflag:s6] =	ssyncadd.s32 $0xFFFFE000  }
0x5e8: {  	_ =	swait.ge [sflag:s6], $0x2000  }
0x5e9: {  	[sflag:s6] =	ssyncset.done $0x0  }
0x5ea: {  	[sflag:s6] =	ssyncadd.s32 $0xFFFFE000  }
0x5eb: {  	_ =	swait.ge [sflag:s6], $0x2000  }
0x5ec: {  	[sflag:s6] =	ssyncset.done $0x0  }
0x5ed: {  	[sflag:s6] =	ssyncadd.s32 $0xFFFFE000  }
0x5ee: {  	_ =	swait.ge [sflag:s6], $0x2000  }
0x5ef: {  	[sflag:s6] =	ssyncset.done $0x0  }
0x5f0: {  	s14 =	simm.s32 $0x7E00;
	[sflag:s6] =	ssyncadd.s32 $0xFFFFE000  }
0x5f1: {  	v3 =	vld [tilespmem:s14+$0xFFFFFF40]  }
0x5f2: {  	v4 =	vld [tilespmem:s14+$0xFFFFFF00];
	_ =	sdelay $0x1  }
0x5f3: {  	v5 =	vld [tilespmem:s14+$0xFFFFFF80];
	_ =	sdelay $0x1  }
0x5f4: {  	v6 =	vld [tilespmem:s14+$0xFFFFFFC0]  }
0x5f5: {  	v3 =	vadd.f32 v3, v4  }
0x5f6: {  	v4 =	vld [tilespmem:s14+$0x0]  }
0x5f7: {  	v3 =	vadd.f32 v5, v3  }
0x5f8: {  	v5 =	vld [tilespmem:s14+$0x40]  }
0x5f9: {  	v3 =	vadd.f32 v6, v3  }
0x5fa: {  	v6 =	vld [tilespmem:s14+$0x80]  }
0x5fb: {  	v3 =	vadd.f32 v4, v3  }
0x5fc: {  	v4 =	vld [tilespmem:s14+$0xC0]  }
0x5fd: {  	v3 =	vadd.f32 v5, v3;
	_ =	sdelay $0x1  }
0x5fe: {  	v3 =	vadd.f32 v6, v3;
	_ =	sdelay $0x1  }
0x5ff: {  	v3 =	vadd.f32 v4, v3  }
0x600: {  	s15 =	simm.s32 $0x0  }
0x601: {  	[tilespmem:s15+$0xCD00] =	vst v3  }
0x602: {  	v3 =	vld [tilespmem:s14+$0xFFFFFF10]  }
0x603: {  	v4 =	vld [tilespmem:s14+$0xFFFFFF50];
	_ =	sdelay $0x1  }
0x604: {  	v5 =	vld [tilespmem:s14+$0xFFFFFF90];
	_ =	sdelay $0x1  }
0x605: {  	v6 =	vld [tilespmem:s14+$0xFFFFFFD0]  }
0x606: {  	v3 =	vadd.f32 v4, v3  }
0x607: {  	v4 =	vld [tilespmem:s14+$0x10]  }
0x608: {  	v3 =	vadd.f32 v5, v3  }
0x609: {  	v5 =	vld [tilespmem:s14+$0x50]  }
0x60a: {  	v3 =	vadd.f32 v6, v3  }
0x60b: {  	v6 =	vld [tilespmem:s14+$0x90]  }
0x60c: {  	v3 =	vadd.f32 v4, v3  }
0x60d: {  	v4 =	vld [tilespmem:s14+$0xD0]  }
0x60e: {  	v3 =	vadd.f32 v5, v3;
	_ =	sdelay $0x1  }
0x60f: {  	v3 =	vadd.f32 v6, v3;
	_ =	sdelay $0x1  }
0x610: {  	v3 =	vadd.f32 v4, v3;
	_ =	sdelay $0x1  }
0x611: {  	[tilespmem:s15+$0xCD10] =	vst v3  }
0x612: {  	v3 =	vld [tilespmem:s14+$0xFFFFFF20]  }
0x613: {  	v4 =	vld [tilespmem:s14+$0xFFFFFF60];
	_ =	sdelay $0x1  }
0x614: {  	v5 =	vld [tilespmem:s14+$0xFFFFFFA0];
	_ =	sdelay $0x1  }
0x615: {  	v6 =	vld [tilespmem:s14+$0xFFFFFFE0]  }
0x616: {  	v3 =	vadd.f32 v4, v3  }
0x617: {  	v4 =	vld [tilespmem:s14+$0x20]  }
0x618: {  	v3 =	vadd.f32 v5, v3  }
0x619: {  	v5 =	vld [tilespmem:s14+$0x60]  }
0x61a: {  	v3 =	vadd.f32 v6, v3  }
0x61b: {  	v6 =	vld [tilespmem:s14+$0xA0]  }
0x61c: {  	v3 =	vadd.f32 v4, v3  }
0x61d: {  	v4 =	vld [tilespmem:s14+$0xE0]  }
0x61e: {  	v3 =	vadd.f32 v5, v3;
	_ =	sdelay $0x1  }
0x61f: {  	v3 =	vadd.f32 v6, v3;
	_ =	sdelay $0x1  }
0x620: {  	v3 =	vadd.f32 v4, v3;
	_ =	sdelay $0x1  }
0x621: {  	[tilespmem:s15+$0xCD20] =	vst v3  }
0x622: {  	v3 =	vld [tilespmem:s14+$0xFFFFFF30]  }
0x623: {  	v4 =	vld [tilespmem:s14+$0xFFFFFF70];
	_ =	sdelay $0x1  }
0x624: {  	v5 =	vld [tilespmem:s14+$0xFFFFFFB0];
	_ =	sdelay $0x1  }
0x625: {  	v6 =	vld [tilespmem:s14+$0xFFFFFFF0]  }
0x626: {  	v3 =	vadd.f32 v4, v3  }
0x627: {  	v4 =	vld [tilespmem:s14+$0x30]  }
0x628: {  	v3 =	vadd.f32 v5, v3;
	_ =	sdelay $0x1  }
0x629: {  	v5 =	vld [tilespmem:s14+$0x70];
	v3 =	vadd.f32 v6, v3;
	_ =	sdelay $0x1  }
0x62a: {  	v6 =	vadd.f32 v4, v3;
	v4 =	vld [tilespmem:s14+$0xB0];
	_ =	sdelay $0x1  }
0x62b: {  	v3 =	vld [tilespmem:s14+$0xF0]  }
0x62c: {  	s13 =	simm.s32 $0x0;
	s16 =	simm.s32 $0x100;
	v5 =	vadd.f32 v5, v6  }
.LBB2_46:
0x62d: {  	p0 =	sne.s32 s16, $0xF00  }
0x62e: {  	s14 =	sadd.s32 $0x200, s14;
	s17 =	smov.u32 s16;
	s16 =	sadd.s32 $0x100, s16;
	v4 =	vadd.f32 v4, v5  }
0x62f: {  	_ = 	snop  }
0x630: {  	v3 =	vadd.f32 v3, v4;
	_ =	sdelay $0x1  }
0x631: {  	[tilespmem:s15+$0xCD30] =	vst v3  }
0x632: {  	v3 =	vld [tilespmem:s14+$0xFFFFFF40]  }
0x633: {  	v4 =	vld [tilespmem:s14+$0xFFFFFF00];
	_ =	sdelay $0x1  }
0x634: {  	v5 =	vld [tilespmem:s14+$0xFFFFFF80];
	_ =	sdelay $0x1  }
0x635: {  	v6 =	vld [tilespmem:s14+$0xFFFFFFC0]  }
0x636: {  	v3 =	vadd.f32 v3, v4  }
0x637: {  	v4 =	vld [tilespmem:s14+$0x0]  }
0x638: {  	v3 =	vadd.f32 v5, v3  }
0x639: {  	v5 =	vld [tilespmem:s14+$0x40]  }
0x63a: {  	v3 =	vadd.f32 v6, v3  }
0x63b: {  	v6 =	vld [tilespmem:s14+$0x80]  }
0x63c: {  	v3 =	vadd.f32 v4, v3  }
0x63d: {  	v4 =	vld [tilespmem:s14+$0xC0]  }
0x63e: {  	v3 =	vadd.f32 v5, v3;
	_ =	sdelay $0x1  }
0x63f: {  	v3 =	vadd.f32 v6, v3;
	_ =	sdelay $0x1  }
0x640: {  	v3 =	vadd.f32 v4, v3  }
0x641: {  	s15 =	sshra.s32 s17, $0x2  }
0x642: {  	[tilespmem:s15+$0xCD00] =	vst v3  }
0x643: {  	v3 =	vld [tilespmem:s14+$0xFFFFFF10]  }
0x644: {  	v4 =	vld [tilespmem:s14+$0xFFFFFF50];
	_ =	sdelay $0x1  }
0x645: {  	v5 =	vld [tilespmem:s14+$0xFFFFFF90];
	_ =	sdelay $0x1  }
0x646: {  	v6 =	vld [tilespmem:s14+$0xFFFFFFD0]  }
0x647: {  	v3 =	vadd.f32 v4, v3  }
0x648: {  	v4 =	vld [tilespmem:s14+$0x10]  }
0x649: {  	v3 =	vadd.f32 v5, v3  }
0x64a: {  	v5 =	vld [tilespmem:s14+$0x50]  }
0x64b: {  	v3 =	vadd.f32 v6, v3  }
0x64c: {  	v6 =	vld [tilespmem:s14+$0x90]  }
0x64d: {  	v3 =	vadd.f32 v4, v3  }
0x64e: {  	v4 =	vld [tilespmem:s14+$0xD0]  }
0x64f: {  	v3 =	vadd.f32 v5, v3;
	_ =	sdelay $0x1  }
0x650: {  	v3 =	vadd.f32 v6, v3;
	_ =	sdelay $0x1  }
0x651: {  	v3 =	vadd.f32 v4, v3;
	_ =	sdelay $0x1  }
0x652: {  	[tilespmem:s15+$0xCD10] =	vst v3  }
0x653: {  	v3 =	vld [tilespmem:s14+$0xFFFFFF20]  }
0x654: {  	v4 =	vld [tilespmem:s14+$0xFFFFFF60];
	_ =	sdelay $0x1  }
0x655: {  	v5 =	vld [tilespmem:s14+$0xFFFFFFA0];
	_ =	sdelay $0x1  }
0x656: {  	v6 =	vld [tilespmem:s14+$0xFFFFFFE0]  }
0x657: {  	v3 =	vadd.f32 v4, v3  }
0x658: {  	v4 =	vld [tilespmem:s14+$0x20]  }
0x659: {  	v3 =	vadd.f32 v5, v3  }
0x65a: {  	v5 =	vld [tilespmem:s14+$0x60]  }
0x65b: {  	v3 =	vadd.f32 v6, v3  }
0x65c: {  	v6 =	vld [tilespmem:s14+$0xA0]  }
0x65d: {  	v3 =	vadd.f32 v4, v3  }
0x65e: {  	v4 =	vld [tilespmem:s14+$0xE0]  }
0x65f: {  	v3 =	vadd.f32 v5, v3;
	_ =	sdelay $0x1  }
0x660: {  	v3 =	vadd.f32 v6, v3;
	_ =	sdelay $0x1  }
0x661: {  	v3 =	vadd.f32 v4, v3;
	_ =	sdelay $0x1  }
0x662: {  	[tilespmem:s15+$0xCD20] =	vst v3  }
0x663: {  	v3 =	vld [tilespmem:s14+$0xFFFFFF30]  }
0x664: {  	v4 =	vld [tilespmem:s14+$0xFFFFFF70]  }
0x665: {  	v5 =	vld [tilespmem:s14+$0xFFFFFFB0]  }
0x666: {  	v6 =	vld [tilespmem:s14+$0xFFFFFFF0]  }
0x667: {  	v7 =	vld [tilespmem:s14+$0x30]  }
0x668: {  	v8 =	vld [tilespmem:s14+$0x70]  }
0x669: {  	v9 =	vadd.f32 v4, v3;
	v4 =	vld [tilespmem:s14+$0xB0]  }
0x66a: {  	v3 =	vld [tilespmem:s14+$0xF0]  }
0x66b: {  	v5 =	vadd.f32 v5, v9;
	_ =	sdelay $0x1  }
.Ltmp22:
0x66c: {  	v5 =	vadd.f32 v6, v5;
	(pc) =	sbr.rel @p0 .LBB2_46-.Ltmp22, $3  }
0x66d: {  	_ = 	snop  }
0x66e: {  	v5 =	vadd.f32 v7, v5;
	_ =	sdelay $0x1  }
0x66f: {  	v5 =	vadd.f32 v8, v5  }
0x670: {  	_ = 	snop  }
0x671: {  	v4 =	vadd.f32 v4, v5;
	_ =	sdelay $0x1  }
0x672: {  	v3 =	vadd.f32 v3, v4;
	_ =	sdelay $0x1  }
0x673: {  	s14 =	simm.s32 $0x6400;
	[tilespmem:s15+$0xCD30] =	vst v3  }
.LBB2_48:
0x674: {  	s15 =	simm.s32 $0x60  }
0x675: {  	v3 =	vmov s15  }
0x676: {  	s16 =	sshll.u32 s13, $0x3;
	v4 =	vmul.u32 $0xC8, v3  }
0x677: {  	v3 =	vmov s16  }
0x678: {  	v4 =	vadd.s32 v3, v4  }
0x679: {  	v4 =	vbroadcast v4, $0x0  }
0x67a: {  	s17 =	simm.s32 $0x62  }
0x67b: {  	v5 =	vmov s17;
	v4 =	vadd.s32 v0, v4  }
0x67c: {  	v5 =	vmul.u32 $0xC8, v5;
	v4 =	vand.u32 $0xFFFFFFF8, v4  }
0x67d: {  	v4 =	vor.u32 v1, v4  }
0x67e: {  	v5 =	vadd.s32 v3, v5  }
0x67f: {  	v5 =	vbroadcast v5, $0x0  }
0x680: {  	s16 =	simm.s32 $0x64  }
0x681: {  	v6 =	vmov s16;
	v5 =	vadd.s32 v0, v5  }
0x682: {  	v6 =	vmul.u32 $0xC8, v6;
	v5 =	vand.u32 $0xFFFFFFF8, v5;
	v4 =	vld.idx.msk [tilespmem:v4+s2+$0x0], $0xffff  }
0x683: {  	v5 =	vor.u32 v1, v5  }
0x684: {  	v6 =	vadd.s32 v3, v6  }
0x685: {  	v6 =	vbroadcast v6, $0x0;
	_ =	sdelay $0x1  }
0x686: {  	s17 =	simm.s32 $0x66;
	v6 =	vadd.s32 v0, v6;
	[tilespmem:s14+$0x0] =	vst v4  }
0x687: {  	s15 =	smov.u32 s14;
	s16 =	simm.s32 $0x68;
	v6 =	vand.u32 $0xFFFFFFF8, v6;
	v4 =	vld.idx.msk [tilespmem:v5+s2+$0x0], $0xffff;
	v5 =	vmov s17  }
.LBB2_49:
0x688: {  	p0 =	sne.s32 s16, $0x6E;
	v5 =	vmul.u32 $0xC8, v5;
	v6 =	vor.u32 v1, v6;
	_ =	sdelay $0x1  }
.Ltmp23:
0x689: {  	v5 =	vadd.s32 v3, v5;
	(pc) =	sbr.rel @p0 .LBB2_49-.Ltmp23, $4  }
0x68a: {  	s15 =	sadd.s32 $0x10, s15;
	v5 =	vbroadcast v5, $0x0  }
0x68b: {  	[tilespmem:s15+$0x0] =	vst v4  }
0x68c: {  	v7 =	vadd.s32 v0, v5;
	v4 =	vld.idx.msk [tilespmem:v6+s2+$0x0], $0xffff  }
0x68d: {  	v5 =	vmov s16;
	s16 =	sadd.s32 $0x2, s16;
	v6 =	vand.u32 $0xFFFFFFF8, v7  }
0x68e: {  	v5 =	vmul.u32 $0xC8, v5  }
0x68f: {  	v6 =	vor.u32 v1, v6  }
0x690: {  	v3 =	vadd.s32 v3, v5  }
0x691: {  	v3 =	vbroadcast v3, $0x0  }
0x692: {  	s15 =	sadd.s32 $0x10, s15  }
0x693: {  	[tilespmem:s15+$0x0] =	vst v4;
	v3 =	vadd.s32 v0, v3  }
0x694: {  	v4 =	vld.idx.msk [tilespmem:v6+s2+$0x0], $0xffff;
	v3 =	vand.u32 $0xFFFFFFF8, v3  }
0x695: {  	v3 =	vor.u32 v1, v3;
	_ =	sdelay $0x2  }
0x696: {  	s15 =	sadd.s32 $0x10, s15  }
0x697: {  	s13 =	sadd.s32 $0x1, s13;
	[tilespmem:s15+$0x0] =	vst v4  }
0x698: {  	p0 =	sne.s32 s13, $0x19;
	v3 =	vld.idx.msk [tilespmem:v3+s2+$0x0], $0xffff  }
.Ltmp24:
0x699: {  	_ = 	snop;
	(pc) =	sbr.rel @p0 .LBB2_48-.Ltmp24, $3  }
0x69a: {  	_ =	sdelay $0x1  }
0x69b: {  	s15 =	sadd.s32 $0x10, s15  }
0x69c: {  	s14 =	sadd.s32 $0x80, s14;
	[tilespmem:s15+$0x0] =	vst v3  }
0x69d: {  	s14 =	simm.s32 $0x100;
	s13 =	simm.s32 $0x0  }
.LBB2_52:
0x69e: {  	p0 =	sne.s32 s14, $0x7F00;
	[tilespmem:s13+$0x7D30] =	vst v2;
	s15 =	smov.u32 s14;
	s14 =	sadd.s32 $0x100, s14  }
.Ltmp25:
0x69f: {  	[tilespmem:s13+$0x7D20] =	vst v2;
	(pc) =	sbr.rel @p0 .LBB2_52-.Ltmp25, $3  }
0x6a0: {  	[tilespmem:s13+$0x7D00] =	vst v2  }
0x6a1: {  	[tilespmem:s13+$0x7D10] =	vst v2;
	_ =	sdelay $0x1  }
0x6a2: {  	s13 =	sshra.s32 s15, $0x2  }
0x6a3: {  	[tilespmem:s13+$0x7D30] =	vst v2  }
0x6a4: {  	[tilespmem:s13+$0x7D20] =	vst v2  }
0x6a5: {  	[tilespmem:s13+$0x7D00] =	vst v2  }
0x6a6: {  	[tilespmem:s13+$0x7D10] =	vst v2;
	s17 =	simm.s32 $0x6400  }
0x6a7: {  	[tilespmem:s10], [sflag:$0x1] =	stream.indirect.gather.add.f32 [hbm:s3], $0x40, s17, s8, $0xb8;
	[tilespmem:$0xDD00] =	vst v63  }
0x6a8: {  	s14 =	simm.s32 $0x6480  }
0x6a9: {  	[tilespmem:s10], [sflag:$0x1] =	stream.indirect.gather.add.f32 [hbm:s3], $0x40, s14, s8, $0xb8;
	[tilespmem:$0xDD00] =	vst v63  }
0x6aa: {  	s15 =	simm.s32 $0x6500  }
0x6ab: {  	[tilespmem:s10], [sflag:$0x1] =	stream.indirect.gather.add.f32 [hbm:s3], $0x40, s15, s8, $0xb8;
	[tilespmem:$0xDD00] =	vst v63  }
0x6ac: {  	s16 =	simm.s32 $0x6580  }
0x6ad: {  	[tilespmem:s10], [sflag:$0x1] =	stream.indirect.gather.add.f32 [hbm:s3], $0x40, s16, s8, $0xb8;
	[tilespmem:$0xDD00] =	vst v63  }
0x6ae: {  	s17 =	simm.s32 $0x6600  }
0x6af: {  	[tilespmem:s10], [sflag:$0x1] =	stream.indirect.gather.add.f32 [hbm:s3], $0x40, s17, s8, $0xb8;
	[tilespmem:$0xDD00] =	vst v63  }
0x6b0: {  	s14 =	simm.s32 $0x6680  }
0x6b1: {  	[tilespmem:s10], [sflag:$0x1] =	stream.indirect.gather.add.f32 [hbm:s3], $0x40, s14, s8, $0xb8;
	[tilespmem:$0xDD00] =	vst v63  }
0x6b2: {  	s15 =	simm.s32 $0x6700  }
0x6b3: {  	[tilespmem:s10], [sflag:$0x1] =	stream.indirect.gather.add.f32 [hbm:s3], $0x40, s15, s8, $0xb8;
	[tilespmem:$0xDD00] =	vst v63  }
0x6b4: {  	s16 =	simm.s32 $0x6780  }
0x6b5: {  	[tilespmem:s10], [sflag:$0x1] =	stream.indirect.gather.add.f32 [hbm:s3], $0x40, s16, s8, $0xb8;
	[tilespmem:$0xDD00] =	vst v63  }
0x6b6: {  	s17 =	simm.s32 $0x6800  }
0x6b7: {  	[tilespmem:s10], [sflag:$0x1] =	stream.indirect.gather.add.f32 [hbm:s3], $0x40, s17, s8, $0xb8;
	[tilespmem:$0xDD00] =	vst v63  }
0x6b8: {  	s14 =	simm.s32 $0x6880  }
0x6b9: {  	[tilespmem:s10], [sflag:$0x1] =	stream.indirect.gather.add.f32 [hbm:s3], $0x40, s14, s8, $0xb8;
	[tilespmem:$0xDD00] =	vst v63  }
0x6ba: {  	s15 =	simm.s32 $0x6900  }
0x6bb: {  	[tilespmem:s10], [sflag:$0x1] =	stream.indirect.gather.add.f32 [hbm:s3], $0x40, s15, s8, $0xb8;
	[tilespmem:$0xDD00] =	vst v63  }
0x6bc: {  	s16 =	simm.s32 $0x6980  }
0x6bd: {  	[tilespmem:s10], [sflag:$0x1] =	stream.indirect.gather.add.f32 [hbm:s3], $0x40, s16, s8, $0xb8;
	[tilespmem:$0xDD00] =	vst v63  }
0x6be: {  	s17 =	simm.s32 $0x6A00  }
0x6bf: {  	[tilespmem:s10], [sflag:$0x1] =	stream.indirect.gather.add.f32 [hbm:s3], $0x40, s17, s8, $0xb8;
	[tilespmem:$0xDD00] =	vst v63  }
0x6c0: {  	s14 =	simm.s32 $0x6A80  }
0x6c1: {  	[tilespmem:s10], [sflag:$0x1] =	stream.indirect.gather.add.f32 [hbm:s3], $0x40, s14, s8, $0xb8;
	[tilespmem:$0xDD00] =	vst v63  }
0x6c2: {  	s15 =	simm.s32 $0x6B00  }
0x6c3: {  	[tilespmem:s10], [sflag:$0x1] =	stream.indirect.gather.add.f32 [hbm:s3], $0x40, s15, s8, $0xb8;
	[tilespmem:$0xDD00] =	vst v63  }
0x6c4: {  	s16 =	simm.s32 $0x6B80  }
0x6c5: {  	[tilespmem:s10], [sflag:$0x1] =	stream.indirect.gather.add.f32 [hbm:s3], $0x40, s16, s8, $0xb8;
	[tilespmem:$0xDD00] =	vst v63  }
0x6c6: {  	s17 =	simm.s32 $0x6C00  }
0x6c7: {  	[tilespmem:s10], [sflag:$0x1] =	stream.indirect.gather.add.f32 [hbm:s3], $0x40, s17, s8, $0xb8;
	[tilespmem:$0xDD00] =	vst v63  }
0x6c8: {  	s14 =	simm.s32 $0x6C80  }
0x6c9: {  	[tilespmem:s10], [sflag:$0x1] =	stream.indirect.gather.add.f32 [hbm:s3], $0x40, s14, s8, $0xb8;
	[tilespmem:$0xDD00] =	vst v63  }
0x6ca: {  	s15 =	simm.s32 $0x6D00  }
0x6cb: {  	[tilespmem:s10], [sflag:$0x1] =	stream.indirect.gather.add.f32 [hbm:s3], $0x40, s15, s8, $0xb8;
	[tilespmem:$0xDD00] =	vst v63  }
0x6cc: {  	s16 =	simm.s32 $0x6D80  }
0x6cd: {  	[tilespmem:s10], [sflag:$0x1] =	stream.indirect.gather.add.f32 [hbm:s3], $0x40, s16, s8, $0xb8;
	[tilespmem:$0xDD00] =	vst v63  }
0x6ce: {  	s17 =	simm.s32 $0x6E00  }
0x6cf: {  	[tilespmem:s10], [sflag:$0x1] =	stream.indirect.gather.add.f32 [hbm:s3], $0x40, s17, s8, $0xb8;
	[tilespmem:$0xDD00] =	vst v63  }
0x6d0: {  	s14 =	simm.s32 $0x6E80  }
0x6d1: {  	[tilespmem:s10], [sflag:$0x1] =	stream.indirect.gather.add.f32 [hbm:s3], $0x40, s14, s8, $0xb8;
	[tilespmem:$0xDD00] =	vst v63  }
0x6d2: {  	s15 =	simm.s32 $0x6F00  }
0x6d3: {  	[tilespmem:s10], [sflag:$0x1] =	stream.indirect.gather.add.f32 [hbm:s3], $0x40, s15, s8, $0xb8;
	[tilespmem:$0xDD00] =	vst v63  }
0x6d4: {  	s16 =	simm.s32 $0x6F80  }
0x6d5: {  	[tilespmem:s10], [sflag:$0x1] =	stream.indirect.gather.add.f32 [hbm:s3], $0x40, s16, s8, $0xb8;
	[tilespmem:$0xDD00] =	vst v63  }
0x6d6: {  	s17 =	simm.s32 $0x7000  }
0x6d7: {  	[tilespmem:s10], [sflag:$0x1] =	stream.indirect.gather.add.f32 [hbm:s3], $0x40, s17, s8, $0xb8;
	[tilespmem:$0xDD00] =	vst v63  }
0x6d8: {  	_ =	swait.ge [sflag:s11], $0x2000  }
0x6d9: {  	[sflag:s11] =	ssyncset.done $0x0  }
0x6da: {  	[sflag:s11] =	ssyncadd.s32 $0xFFFFE000  }
0x6db: {  	_ =	swait.ge [sflag:s11], $0x2000  }
0x6dc: {  	[sflag:s11] =	ssyncset.done $0x0  }
0x6dd: {  	[sflag:s11] =	ssyncadd.s32 $0xFFFFE000  }
0x6de: {  	_ =	swait.ge [sflag:s11], $0x2000  }
0x6df: {  	[sflag:s11] =	ssyncset.done $0x0  }
0x6e0: {  	[sflag:s11] =	ssyncadd.s32 $0xFFFFE000  }
0x6e1: {  	_ =	swait.ge [sflag:s11], $0x2000  }
0x6e2: {  	[sflag:s11] =	ssyncset.done $0x0  }
0x6e3: {  	[sflag:s11] =	ssyncadd.s32 $0xFFFFE000  }
0x6e4: {  	_ =	swait.ge [sflag:s11], $0x2000  }
0x6e5: {  	[sflag:s11] =	ssyncset.done $0x0  }
0x6e6: {  	[sflag:s11] =	ssyncadd.s32 $0xFFFFE000  }
0x6e7: {  	_ =	swait.ge [sflag:s11], $0x2000  }
0x6e8: {  	[sflag:s11] =	ssyncset.done $0x0  }
0x6e9: {  	[sflag:s11] =	ssyncadd.s32 $0xFFFFE000  }
0x6ea: {  	_ =	swait.ge [sflag:s11], $0x2000  }
0x6eb: {  	[sflag:s11] =	ssyncset.done $0x0  }
0x6ec: {  	[sflag:s11] =	ssyncadd.s32 $0xFFFFE000  }
0x6ed: {  	_ =	swait.ge [sflag:s11], $0x2000  }
0x6ee: {  	[sflag:s11] =	ssyncset.done $0x0  }
0x6ef: {  	[sflag:s11] =	ssyncadd.s32 $0xFFFFE000  }
0x6f0: {  	_ =	swait.ge [sflag:s11], $0x2000  }
0x6f1: {  	[sflag:s11] =	ssyncset.done $0x0  }
0x6f2: {  	[sflag:s11] =	ssyncadd.s32 $0xFFFFE000  }
0x6f3: {  	_ =	swait.ge [sflag:s11], $0x2000  }
0x6f4: {  	[sflag:s11] =	ssyncset.done $0x0  }
0x6f5: {  	[sflag:s11] =	ssyncadd.s32 $0xFFFFE000  }
0x6f6: {  	_ =	swait.ge [sflag:s11], $0x2000  }
0x6f7: {  	[sflag:s11] =	ssyncset.done $0x0  }
0x6f8: {  	[sflag:s11] =	ssyncadd.s32 $0xFFFFE000  }
0x6f9: {  	_ =	swait.ge [sflag:s11], $0x2000  }
0x6fa: {  	[sflag:s11] =	ssyncset.done $0x0  }
0x6fb: {  	[sflag:s11] =	ssyncadd.s32 $0xFFFFE000  }
0x6fc: {  	_ =	swait.ge [sflag:s11], $0x2000  }
0x6fd: {  	[sflag:s11] =	ssyncset.done $0x0  }
0x6fe: {  	[sflag:s11] =	ssyncadd.s32 $0xFFFFE000  }
0x6ff: {  	_ =	swait.ge [sflag:s11], $0x2000  }
0x700: {  	[sflag:s11] =	ssyncset.done $0x0  }
0x701: {  	[sflag:s11] =	ssyncadd.s32 $0xFFFFE000  }
0x702: {  	_ =	swait.ge [sflag:s11], $0x2000  }
0x703: {  	[sflag:s11] =	ssyncset.done $0x0  }
0x704: {  	[sflag:s11] =	ssyncadd.s32 $0xFFFFE000  }
0x705: {  	_ =	swait.ge [sflag:s11], $0x2000  }
0x706: {  	[sflag:s11] =	ssyncset.done $0x0  }
0x707: {  	[sflag:s11] =	ssyncadd.s32 $0xFFFFE000  }
0x708: {  	_ =	swait.ge [sflag:s11], $0x2000  }
0x709: {  	[sflag:s11] =	ssyncset.done $0x0  }
0x70a: {  	[sflag:s11] =	ssyncadd.s32 $0xFFFFE000  }
0x70b: {  	_ =	swait.ge [sflag:s11], $0x2000  }
0x70c: {  	[sflag:s11] =	ssyncset.done $0x0  }
0x70d: {  	[sflag:s11] =	ssyncadd.s32 $0xFFFFE000  }
0x70e: {  	_ =	swait.ge [sflag:s11], $0x2000  }
0x70f: {  	[sflag:s11] =	ssyncset.done $0x0  }
0x710: {  	[sflag:s11] =	ssyncadd.s32 $0xFFFFE000  }
0x711: {  	_ =	swait.ge [sflag:s11], $0x2000  }
0x712: {  	[sflag:s11] =	ssyncset.done $0x0  }
0x713: {  	[sflag:s11] =	ssyncadd.s32 $0xFFFFE000  }
0x714: {  	_ =	swait.ge [sflag:s11], $0x2000  }
0x715: {  	[sflag:s11] =	ssyncset.done $0x0  }
0x716: {  	[sflag:s11] =	ssyncadd.s32 $0xFFFFE000  }
0x717: {  	_ =	swait.ge [sflag:s11], $0x2000  }
0x718: {  	[sflag:s11] =	ssyncset.done $0x0  }
0x719: {  	[sflag:s11] =	ssyncadd.s32 $0xFFFFE000  }
0x71a: {  	_ =	swait.ge [sflag:s11], $0x2000  }
0x71b: {  	[sflag:s11] =	ssyncset.done $0x0  }
0x71c: {  	[sflag:s11] =	ssyncadd.s32 $0xFFFFE000  }
0x71d: {  	_ =	swait.ge [sflag:s11], $0x2000  }
0x71e: {  	[sflag:s11] =	ssyncset.done $0x0  }
0x71f: {  	[sflag:s11] =	ssyncadd.s32 $0xFFFFE000  }
0x720: {  	_ =	swait.ge [sflag:s11], $0x2000  }
0x721: {  	[sflag:s11] =	ssyncset.done $0x0  }
0x722: {  	s14 =	simm.s32 $0x9E00;
	[sflag:s11] =	ssyncadd.s32 $0xFFFFE000  }
0x723: {  	v3 =	vld [tilespmem:s14+$0xFFFFFF40]  }
0x724: {  	v4 =	vld [tilespmem:s14+$0xFFFFFF00];
	_ =	sdelay $0x1  }
0x725: {  	v5 =	vld [tilespmem:s14+$0xFFFFFF80];
	_ =	sdelay $0x1  }
0x726: {  	v6 =	vld [tilespmem:s14+$0xFFFFFFC0]  }
0x727: {  	v3 =	vadd.f32 v3, v4  }
0x728: {  	v4 =	vld [tilespmem:s14+$0x0]  }
0x729: {  	v3 =	vadd.f32 v5, v3  }
0x72a: {  	v5 =	vld [tilespmem:s14+$0x40]  }
0x72b: {  	v3 =	vadd.f32 v6, v3  }
0x72c: {  	v6 =	vld [tilespmem:s14+$0x80]  }
0x72d: {  	v3 =	vadd.f32 v4, v3  }
0x72e: {  	v4 =	vld [tilespmem:s14+$0xC0]  }
0x72f: {  	v3 =	vadd.f32 v5, v3;
	_ =	sdelay $0x1  }
0x730: {  	v3 =	vadd.f32 v6, v3;
	_ =	sdelay $0x1  }
0x731: {  	v3 =	vadd.f32 v4, v3  }
0x732: {  	s15 =	simm.s32 $0x0  }
0x733: {  	[tilespmem:s15+$0xD100] =	vst v3  }
0x734: {  	v3 =	vld [tilespmem:s14+$0xFFFFFF10]  }
0x735: {  	v4 =	vld [tilespmem:s14+$0xFFFFFF50];
	_ =	sdelay $0x1  }
0x736: {  	v5 =	vld [tilespmem:s14+$0xFFFFFF90];
	_ =	sdelay $0x1  }
0x737: {  	v6 =	vld [tilespmem:s14+$0xFFFFFFD0]  }
0x738: {  	v3 =	vadd.f32 v4, v3  }
0x739: {  	v4 =	vld [tilespmem:s14+$0x10]  }
0x73a: {  	v3 =	vadd.f32 v5, v3  }
0x73b: {  	v5 =	vld [tilespmem:s14+$0x50]  }
0x73c: {  	v3 =	vadd.f32 v6, v3  }
0x73d: {  	v6 =	vld [tilespmem:s14+$0x90]  }
0x73e: {  	v3 =	vadd.f32 v4, v3  }
0x73f: {  	v4 =	vld [tilespmem:s14+$0xD0]  }
0x740: {  	v3 =	vadd.f32 v5, v3;
	_ =	sdelay $0x1  }
0x741: {  	v3 =	vadd.f32 v6, v3;
	_ =	sdelay $0x1  }
0x742: {  	v3 =	vadd.f32 v4, v3;
	_ =	sdelay $0x1  }
0x743: {  	[tilespmem:s15+$0xD110] =	vst v3  }
0x744: {  	v3 =	vld [tilespmem:s14+$0xFFFFFF20]  }
0x745: {  	v4 =	vld [tilespmem:s14+$0xFFFFFF60];
	_ =	sdelay $0x1  }
0x746: {  	v5 =	vld [tilespmem:s14+$0xFFFFFFA0];
	_ =	sdelay $0x1  }
0x747: {  	v6 =	vld [tilespmem:s14+$0xFFFFFFE0]  }
0x748: {  	v3 =	vadd.f32 v4, v3  }
0x749: {  	v4 =	vld [tilespmem:s14+$0x20]  }
0x74a: {  	v3 =	vadd.f32 v5, v3  }
0x74b: {  	v5 =	vld [tilespmem:s14+$0x60]  }
0x74c: {  	v3 =	vadd.f32 v6, v3  }
0x74d: {  	v6 =	vld [tilespmem:s14+$0xA0]  }
0x74e: {  	v3 =	vadd.f32 v4, v3  }
0x74f: {  	v4 =	vld [tilespmem:s14+$0xE0]  }
0x750: {  	v3 =	vadd.f32 v5, v3;
	_ =	sdelay $0x1  }
0x751: {  	v3 =	vadd.f32 v6, v3;
	_ =	sdelay $0x1  }
0x752: {  	v3 =	vadd.f32 v4, v3;
	_ =	sdelay $0x1  }
0x753: {  	[tilespmem:s15+$0xD120] =	vst v3  }
0x754: {  	v3 =	vld [tilespmem:s14+$0xFFFFFF30]  }
0x755: {  	v4 =	vld [tilespmem:s14+$0xFFFFFF70];
	_ =	sdelay $0x1  }
0x756: {  	v5 =	vld [tilespmem:s14+$0xFFFFFFB0];
	_ =	sdelay $0x1  }
0x757: {  	v6 =	vld [tilespmem:s14+$0xFFFFFFF0]  }
0x758: {  	v3 =	vadd.f32 v4, v3  }
0x759: {  	v4 =	vld [tilespmem:s14+$0x30]  }
0x75a: {  	v3 =	vadd.f32 v5, v3;
	_ =	sdelay $0x1  }
0x75b: {  	v5 =	vld [tilespmem:s14+$0x70];
	v3 =	vadd.f32 v6, v3;
	_ =	sdelay $0x1  }
0x75c: {  	v6 =	vadd.f32 v4, v3;
	v4 =	vld [tilespmem:s14+$0xB0];
	_ =	sdelay $0x1  }
0x75d: {  	v3 =	vld [tilespmem:s14+$0xF0]  }
0x75e: {  	s13 =	simm.s32 $0x0;
	s16 =	simm.s32 $0x100;
	v5 =	vadd.f32 v5, v6  }
.LBB2_54:
0x75f: {  	p0 =	sne.s32 s16, $0xF00  }
0x760: {  	s14 =	sadd.s32 $0x200, s14;
	s17 =	smov.u32 s16;
	s16 =	sadd.s32 $0x100, s16;
	v4 =	vadd.f32 v4, v5  }
0x761: {  	_ = 	snop  }
0x762: {  	v3 =	vadd.f32 v3, v4;
	_ =	sdelay $0x1  }
0x763: {  	[tilespmem:s15+$0xD130] =	vst v3  }
0x764: {  	v3 =	vld [tilespmem:s14+$0xFFFFFF40]  }
0x765: {  	v4 =	vld [tilespmem:s14+$0xFFFFFF00];
	_ =	sdelay $0x1  }
0x766: {  	v5 =	vld [tilespmem:s14+$0xFFFFFF80];
	_ =	sdelay $0x1  }
0x767: {  	v6 =	vld [tilespmem:s14+$0xFFFFFFC0]  }
0x768: {  	v3 =	vadd.f32 v3, v4  }
0x769: {  	v4 =	vld [tilespmem:s14+$0x0]  }
0x76a: {  	v3 =	vadd.f32 v5, v3  }
0x76b: {  	v5 =	vld [tilespmem:s14+$0x40]  }
0x76c: {  	v3 =	vadd.f32 v6, v3  }
0x76d: {  	v6 =	vld [tilespmem:s14+$0x80]  }
0x76e: {  	v3 =	vadd.f32 v4, v3  }
0x76f: {  	v4 =	vld [tilespmem:s14+$0xC0]  }
0x770: {  	v3 =	vadd.f32 v5, v3;
	_ =	sdelay $0x1  }
0x771: {  	v3 =	vadd.f32 v6, v3;
	_ =	sdelay $0x1  }
0x772: {  	v3 =	vadd.f32 v4, v3  }
0x773: {  	s15 =	sshra.s32 s17, $0x2  }
0x774: {  	[tilespmem:s15+$0xD100] =	vst v3  }
0x775: {  	v3 =	vld [tilespmem:s14+$0xFFFFFF10]  }
0x776: {  	v4 =	vld [tilespmem:s14+$0xFFFFFF50];
	_ =	sdelay $0x1  }
0x777: {  	v5 =	vld [tilespmem:s14+$0xFFFFFF90];
	_ =	sdelay $0x1  }
0x778: {  	v6 =	vld [tilespmem:s14+$0xFFFFFFD0]  }
0x779: {  	v3 =	vadd.f32 v4, v3  }
0x77a: {  	v4 =	vld [tilespmem:s14+$0x10]  }
0x77b: {  	v3 =	vadd.f32 v5, v3  }
0x77c: {  	v5 =	vld [tilespmem:s14+$0x50]  }
0x77d: {  	v3 =	vadd.f32 v6, v3  }
0x77e: {  	v6 =	vld [tilespmem:s14+$0x90]  }
0x77f: {  	v3 =	vadd.f32 v4, v3  }
0x780: {  	v4 =	vld [tilespmem:s14+$0xD0]  }
0x781: {  	v3 =	vadd.f32 v5, v3;
	_ =	sdelay $0x1  }
0x782: {  	v3 =	vadd.f32 v6, v3;
	_ =	sdelay $0x1  }
0x783: {  	v3 =	vadd.f32 v4, v3;
	_ =	sdelay $0x1  }
0x784: {  	[tilespmem:s15+$0xD110] =	vst v3  }
0x785: {  	v3 =	vld [tilespmem:s14+$0xFFFFFF20]  }
0x786: {  	v4 =	vld [tilespmem:s14+$0xFFFFFF60];
	_ =	sdelay $0x1  }
0x787: {  	v5 =	vld [tilespmem:s14+$0xFFFFFFA0];
	_ =	sdelay $0x1  }
0x788: {  	v6 =	vld [tilespmem:s14+$0xFFFFFFE0]  }
0x789: {  	v3 =	vadd.f32 v4, v3  }
0x78a: {  	v4 =	vld [tilespmem:s14+$0x20]  }
0x78b: {  	v3 =	vadd.f32 v5, v3  }
0x78c: {  	v5 =	vld [tilespmem:s14+$0x60]  }
0x78d: {  	v3 =	vadd.f32 v6, v3  }
0x78e: {  	v6 =	vld [tilespmem:s14+$0xA0]  }
0x78f: {  	v3 =	vadd.f32 v4, v3  }
0x790: {  	v4 =	vld [tilespmem:s14+$0xE0]  }
0x791: {  	v3 =	vadd.f32 v5, v3;
	_ =	sdelay $0x1  }
0x792: {  	v3 =	vadd.f32 v6, v3;
	_ =	sdelay $0x1  }
0x793: {  	v3 =	vadd.f32 v4, v3;
	_ =	sdelay $0x1  }
0x794: {  	[tilespmem:s15+$0xD120] =	vst v3  }
0x795: {  	v3 =	vld [tilespmem:s14+$0xFFFFFF30]  }
0x796: {  	v4 =	vld [tilespmem:s14+$0xFFFFFF70]  }
0x797: {  	v5 =	vld [tilespmem:s14+$0xFFFFFFB0]  }
0x798: {  	v6 =	vld [tilespmem:s14+$0xFFFFFFF0]  }
0x799: {  	v7 =	vld [tilespmem:s14+$0x30]  }
0x79a: {  	v8 =	vld [tilespmem:s14+$0x70]  }
0x79b: {  	v9 =	vadd.f32 v4, v3;
	v4 =	vld [tilespmem:s14+$0xB0]  }
0x79c: {  	v3 =	vld [tilespmem:s14+$0xF0]  }
0x79d: {  	v5 =	vadd.f32 v5, v9;
	_ =	sdelay $0x1  }
.Ltmp26:
0x79e: {  	v5 =	vadd.f32 v6, v5;
	(pc) =	sbr.rel @p0 .LBB2_54-.Ltmp26, $3  }
0x79f: {  	_ = 	snop  }
0x7a0: {  	v5 =	vadd.f32 v7, v5;
	_ =	sdelay $0x1  }
0x7a1: {  	v5 =	vadd.f32 v8, v5  }
0x7a2: {  	_ = 	snop  }
0x7a3: {  	v4 =	vadd.f32 v4, v5;
	_ =	sdelay $0x1  }
0x7a4: {  	v3 =	vadd.f32 v3, v4;
	_ =	sdelay $0x1  }
0x7a5: {  	s14 =	simm.s32 $0x7080;
	[tilespmem:s15+$0xD130] =	vst v3  }
.LBB2_56:
0x7a6: {  	s15 =	simm.s32 $0x70  }
0x7a7: {  	v3 =	vmov s15  }
0x7a8: {  	s16 =	sshll.u32 s13, $0x3;
	v4 =	vmul.u32 $0xC8, v3  }
0x7a9: {  	v3 =	vmov s16  }
0x7aa: {  	v4 =	vadd.s32 v3, v4  }
0x7ab: {  	v4 =	vbroadcast v4, $0x0  }
0x7ac: {  	s17 =	simm.s32 $0x72  }
0x7ad: {  	v5 =	vmov s17;
	v4 =	vadd.s32 v0, v4  }
0x7ae: {  	v5 =	vmul.u32 $0xC8, v5;
	v4 =	vand.u32 $0xFFFFFFF8, v4  }
0x7af: {  	v4 =	vor.u32 v1, v4  }
0x7b0: {  	v5 =	vadd.s32 v3, v5  }
0x7b1: {  	v5 =	vbroadcast v5, $0x0  }
0x7b2: {  	s16 =	simm.s32 $0x74  }
0x7b3: {  	v6 =	vmov s16;
	v5 =	vadd.s32 v0, v5  }
0x7b4: {  	v6 =	vmul.u32 $0xC8, v6;
	v5 =	vand.u32 $0xFFFFFFF8, v5;
	v4 =	vld.idx.msk [tilespmem:v4+s2+$0x0], $0xffff  }
0x7b5: {  	v5 =	vor.u32 v1, v5  }
0x7b6: {  	v6 =	vadd.s32 v3, v6  }
0x7b7: {  	v6 =	vbroadcast v6, $0x0;
	_ =	sdelay $0x1  }
0x7b8: {  	s17 =	simm.s32 $0x76;
	v6 =	vadd.s32 v0, v6;
	[tilespmem:s14+$0x0] =	vst v4  }
0x7b9: {  	s15 =	smov.u32 s14;
	s16 =	simm.s32 $0x78;
	v6 =	vand.u32 $0xFFFFFFF8, v6;
	v4 =	vld.idx.msk [tilespmem:v5+s2+$0x0], $0xffff;
	v5 =	vmov s17  }
.LBB2_57:
0x7ba: {  	p0 =	sne.s32 s16, $0x7E;
	v5 =	vmul.u32 $0xC8, v5;
	v6 =	vor.u32 v1, v6;
	_ =	sdelay $0x1  }
.Ltmp27:
0x7bb: {  	v5 =	vadd.s32 v3, v5;
	(pc) =	sbr.rel @p0 .LBB2_57-.Ltmp27, $4  }
0x7bc: {  	s15 =	sadd.s32 $0x10, s15;
	v5 =	vbroadcast v5, $0x0  }
0x7bd: {  	[tilespmem:s15+$0x0] =	vst v4  }
0x7be: {  	v7 =	vadd.s32 v0, v5;
	v4 =	vld.idx.msk [tilespmem:v6+s2+$0x0], $0xffff  }
0x7bf: {  	v5 =	vmov s16;
	s16 =	sadd.s32 $0x2, s16;
	v6 =	vand.u32 $0xFFFFFFF8, v7  }
0x7c0: {  	v5 =	vmul.u32 $0xC8, v5  }
0x7c1: {  	v6 =	vor.u32 v1, v6  }
0x7c2: {  	v3 =	vadd.s32 v3, v5  }
0x7c3: {  	v3 =	vbroadcast v3, $0x0  }
0x7c4: {  	s15 =	sadd.s32 $0x10, s15  }
0x7c5: {  	[tilespmem:s15+$0x0] =	vst v4;
	v3 =	vadd.s32 v0, v3  }
0x7c6: {  	v4 =	vld.idx.msk [tilespmem:v6+s2+$0x0], $0xffff;
	v3 =	vand.u32 $0xFFFFFFF8, v3  }
0x7c7: {  	v3 =	vor.u32 v1, v3;
	_ =	sdelay $0x2  }
0x7c8: {  	s15 =	sadd.s32 $0x10, s15  }
0x7c9: {  	s13 =	sadd.s32 $0x1, s13;
	[tilespmem:s15+$0x0] =	vst v4  }
0x7ca: {  	p0 =	sne.s32 s13, $0x19;
	v3 =	vld.idx.msk [tilespmem:v3+s2+$0x0], $0xffff  }
.Ltmp28:
0x7cb: {  	_ = 	snop;
	(pc) =	sbr.rel @p0 .LBB2_56-.Ltmp28, $3  }
0x7cc: {  	_ =	sdelay $0x1  }
0x7cd: {  	s15 =	sadd.s32 $0x10, s15  }
0x7ce: {  	s14 =	sadd.s32 $0x80, s14;
	[tilespmem:s15+$0x0] =	vst v3  }
0x7cf: {  	s14 =	simm.s32 $0x100;
	s13 =	simm.s32 $0x0  }
.LBB2_60:
0x7d0: {  	p0 =	sne.s32 s14, $0x7F00;
	[tilespmem:s13+$0x9D30] =	vst v2;
	s15 =	smov.u32 s14;
	s14 =	sadd.s32 $0x100, s14  }
.Ltmp29:
0x7d1: {  	[tilespmem:s13+$0x9D20] =	vst v2;
	(pc) =	sbr.rel @p0 .LBB2_60-.Ltmp29, $3  }
0x7d2: {  	[tilespmem:s13+$0x9D00] =	vst v2  }
0x7d3: {  	[tilespmem:s13+$0x9D10] =	vst v2;
	_ =	sdelay $0x1  }
0x7d4: {  	s13 =	sshra.s32 s15, $0x2  }
0x7d5: {  	[tilespmem:s13+$0x9D30] =	vst v2  }
0x7d6: {  	[tilespmem:s13+$0x9D20] =	vst v2  }
0x7d7: {  	[tilespmem:s13+$0x9D00] =	vst v2  }
0x7d8: {  	[tilespmem:s13+$0x9D10] =	vst v2;
	s14 =	simm.s32 $0x7080  }
0x7d9: {  	[tilespmem:s9], [sflag:$0x2] =	stream.indirect.gather.add.f32 [hbm:s3], $0x40, s14, s8, $0xb8;
	[tilespmem:$0xDD00] =	vst v63  }
0x7da: {  	s15 =	simm.s32 $0x7100  }
0x7db: {  	[tilespmem:s9], [sflag:$0x2] =	stream.indirect.gather.add.f32 [hbm:s3], $0x40, s15, s8, $0xb8;
	[tilespmem:$0xDD00] =	vst v63  }
0x7dc: {  	s16 =	simm.s32 $0x7180  }
0x7dd: {  	[tilespmem:s9], [sflag:$0x2] =	stream.indirect.gather.add.f32 [hbm:s3], $0x40, s16, s8, $0xb8;
	[tilespmem:$0xDD00] =	vst v63  }
0x7de: {  	s17 =	simm.s32 $0x7200  }
0x7df: {  	[tilespmem:s9], [sflag:$0x2] =	stream.indirect.gather.add.f32 [hbm:s3], $0x40, s17, s8, $0xb8;
	[tilespmem:$0xDD00] =	vst v63  }
0x7e0: {  	s14 =	simm.s32 $0x7280  }
0x7e1: {  	[tilespmem:s9], [sflag:$0x2] =	stream.indirect.gather.add.f32 [hbm:s3], $0x40, s14, s8, $0xb8;
	[tilespmem:$0xDD00] =	vst v63  }
0x7e2: {  	s15 =	simm.s32 $0x7300  }
0x7e3: {  	[tilespmem:s9], [sflag:$0x2] =	stream.indirect.gather.add.f32 [hbm:s3], $0x40, s15, s8, $0xb8;
	[tilespmem:$0xDD00] =	vst v63  }
0x7e4: {  	s16 =	simm.s32 $0x7380  }
0x7e5: {  	[tilespmem:s9], [sflag:$0x2] =	stream.indirect.gather.add.f32 [hbm:s3], $0x40, s16, s8, $0xb8;
	[tilespmem:$0xDD00] =	vst v63  }
0x7e6: {  	s17 =	simm.s32 $0x7400  }
0x7e7: {  	[tilespmem:s9], [sflag:$0x2] =	stream.indirect.gather.add.f32 [hbm:s3], $0x40, s17, s8, $0xb8;
	[tilespmem:$0xDD00] =	vst v63  }
0x7e8: {  	_ = 	snop  }
0x7e9: {  	[tilespmem:s9], [sflag:$0x2] =	stream.indirect.gather.add.f32 [hbm:s3], $0x40, s18, s8, $0xb8;
	[tilespmem:$0xDD00] =	vst v63  }
0x7ea: {  	_ = 	snop  }
0x7eb: {  	[tilespmem:s9], [sflag:$0x2] =	stream.indirect.gather.add.f32 [hbm:s3], $0x40, s19, s8, $0xb8;
	[tilespmem:$0xDD00] =	vst v63  }
0x7ec: {  	_ = 	snop  }
0x7ed: {  	[tilespmem:s9], [sflag:$0x2] =	stream.indirect.gather.add.f32 [hbm:s3], $0x40, s20, s8, $0xb8;
	[tilespmem:$0xDD00] =	vst v63  }
0x7ee: {  	_ = 	snop  }
0x7ef: {  	[tilespmem:s9], [sflag:$0x2] =	stream.indirect.gather.add.f32 [hbm:s3], $0x40, s21, s8, $0xb8;
	[tilespmem:$0xDD00] =	vst v63  }
0x7f0: {  	_ = 	snop  }
0x7f1: {  	[tilespmem:s9], [sflag:$0x2] =	stream.indirect.gather.add.f32 [hbm:s3], $0x40, s22, s8, $0xb8;
	[tilespmem:$0xDD00] =	vst v63  }
0x7f2: {  	_ = 	snop  }
0x7f3: {  	[tilespmem:s9], [sflag:$0x2] =	stream.indirect.gather.add.f32 [hbm:s3], $0x40, s23, s8, $0xb8;
	[tilespmem:$0xDD00] =	vst v63  }
0x7f4: {  	_ = 	snop  }
0x7f5: {  	[tilespmem:s9], [sflag:$0x2] =	stream.indirect.gather.add.f32 [hbm:s3], $0x40, s24, s8, $0xb8;
	[tilespmem:$0xDD00] =	vst v63  }
0x7f6: {  	_ = 	snop  }
0x7f7: {  	[tilespmem:s9], [sflag:$0x2] =	stream.indirect.gather.add.f32 [hbm:s3], $0x40, s25, s8, $0xb8;
	[tilespmem:$0xDD00] =	vst v63  }
0x7f8: {  	_ = 	snop  }
0x7f9: {  	[tilespmem:s9], [sflag:$0x2] =	stream.indirect.gather.add.f32 [hbm:s3], $0x40, s26, s8, $0xb8;
	[tilespmem:$0xDD00] =	vst v63  }
0x7fa: {  	_ = 	snop  }
0x7fb: {  	[tilespmem:s9], [sflag:$0x2] =	stream.indirect.gather.add.f32 [hbm:s3], $0x40, s28, s8, $0xb8;
	[tilespmem:$0xDD00] =	vst v63  }
0x7fc: {  	_ = 	snop  }
0x7fd: {  	[tilespmem:s9], [sflag:$0x2] =	stream.indirect.gather.add.f32 [hbm:s3], $0x40, s29, s8, $0xb8;
	[tilespmem:$0xDD00] =	vst v63  }
0x7fe: {  	_ = 	snop  }
0x7ff: {  	[tilespmem:s9], [sflag:$0x2] =	stream.indirect.gather.add.f32 [hbm:s3], $0x40, s30, s8, $0xb8;
	[tilespmem:$0xDD00] =	vst v63  }
0x800: {  	_ = 	snop  }
0x801: {  	[tilespmem:s9], [sflag:$0x2] =	stream.indirect.gather.add.f32 [hbm:s3], $0x40, s31, s8, $0xb8;
	[tilespmem:$0xDD00] =	vst v63  }
0x802: {  	_ = 	snop  }
0x803: {  	[tilespmem:s9], [sflag:$0x2] =	stream.indirect.gather.add.f32 [hbm:s3], $0x40, s1, s8, $0xb8;
	[tilespmem:$0xDD00] =	vst v63  }
0x804: {  	_ = 	snop  }
0x805: {  	[tilespmem:s9], [sflag:$0x2] =	stream.indirect.gather.add.f32 [hbm:s3], $0x40, s0, s8, $0xb8;
	[tilespmem:$0xDD00] =	vst v63  }
0x806: {  	_ = 	snop  }
0x807: {  	[tilespmem:s9], [sflag:$0x2] =	stream.indirect.gather.add.f32 [hbm:s3], $0x40, s4, s8, $0xb8;
	[tilespmem:$0xDD00] =	vst v63  }
0x808: {  	_ = 	snop  }
0x809: {  	[tilespmem:s9], [sflag:$0x2] =	stream.indirect.gather.add.f32 [hbm:s3], $0x40, s5, s8, $0xb8;
	[tilespmem:$0xDD00] =	vst v63  }
0x80a: {  	_ =	swait.ge [sflag:s6], $0x2000  }
0x80b: {  	[sflag:s6] =	ssyncset.done $0x0  }
0x80c: {  	[sflag:s6] =	ssyncadd.s32 $0xFFFFE000  }
0x80d: {  	_ =	swait.ge [sflag:s6], $0x2000  }
0x80e: {  	[sflag:s6] =	ssyncset.done $0x0  }
0x80f: {  	[sflag:s6] =	ssyncadd.s32 $0xFFFFE000  }
0x810: {  	_ =	swait.ge [sflag:s6], $0x2000  }
0x811: {  	[sflag:s6] =	ssyncset.done $0x0  }
0x812: {  	[sflag:s6] =	ssyncadd.s32 $0xFFFFE000  }
0x813: {  	_ =	swait.ge [sflag:s6], $0x2000  }
0x814: {  	[sflag:s6] =	ssyncset.done $0x0  }
0x815: {  	[sflag:s6] =	ssyncadd.s32 $0xFFFFE000  }
0x816: {  	_ =	swait.ge [sflag:s6], $0x2000  }
0x817: {  	[sflag:s6] =	ssyncset.done $0x0  }
0x818: {  	[sflag:s6] =	ssyncadd.s32 $0xFFFFE000  }
0x819: {  	_ =	swait.ge [sflag:s6], $0x2000  }
0x81a: {  	[sflag:s6] =	ssyncset.done $0x0  }
0x81b: {  	[sflag:s6] =	ssyncadd.s32 $0xFFFFE000  }
0x81c: {  	_ =	swait.ge [sflag:s6], $0x2000  }
0x81d: {  	[sflag:s6] =	ssyncset.done $0x0  }
0x81e: {  	[sflag:s6] =	ssyncadd.s32 $0xFFFFE000  }
0x81f: {  	_ =	swait.ge [sflag:s6], $0x2000  }
0x820: {  	[sflag:s6] =	ssyncset.done $0x0  }
0x821: {  	[sflag:s6] =	ssyncadd.s32 $0xFFFFE000  }
0x822: {  	_ =	swait.ge [sflag:s6], $0x2000  }
0x823: {  	[sflag:s6] =	ssyncset.done $0x0  }
0x824: {  	[sflag:s6] =	ssyncadd.s32 $0xFFFFE000  }
0x825: {  	_ =	swait.ge [sflag:s6], $0x2000  }
0x826: {  	[sflag:s6] =	ssyncset.done $0x0  }
0x827: {  	[sflag:s6] =	ssyncadd.s32 $0xFFFFE000  }
0x828: {  	_ =	swait.ge [sflag:s6], $0x2000  }
0x829: {  	[sflag:s6] =	ssyncset.done $0x0  }
0x82a: {  	[sflag:s6] =	ssyncadd.s32 $0xFFFFE000  }
0x82b: {  	_ =	swait.ge [sflag:s6], $0x2000  }
0x82c: {  	[sflag:s6] =	ssyncset.done $0x0  }
0x82d: {  	[sflag:s6] =	ssyncadd.s32 $0xFFFFE000  }
0x82e: {  	_ =	swait.ge [sflag:s6], $0x2000  }
0x82f: {  	[sflag:s6] =	ssyncset.done $0x0  }
0x830: {  	[sflag:s6] =	ssyncadd.s32 $0xFFFFE000  }
0x831: {  	_ =	swait.ge [sflag:s6], $0x2000  }
0x832: {  	[sflag:s6] =	ssyncset.done $0x0  }
0x833: {  	[sflag:s6] =	ssyncadd.s32 $0xFFFFE000  }
0x834: {  	_ =	swait.ge [sflag:s6], $0x2000  }
0x835: {  	[sflag:s6] =	ssyncset.done $0x0  }
0x836: {  	[sflag:s6] =	ssyncadd.s32 $0xFFFFE000  }
0x837: {  	_ =	swait.ge [sflag:s6], $0x2000  }
0x838: {  	[sflag:s6] =	ssyncset.done $0x0  }
0x839: {  	[sflag:s6] =	ssyncadd.s32 $0xFFFFE000  }
0x83a: {  	_ =	swait.ge [sflag:s6], $0x2000  }
0x83b: {  	[sflag:s6] =	ssyncset.done $0x0  }
0x83c: {  	[sflag:s6] =	ssyncadd.s32 $0xFFFFE000  }
0x83d: {  	_ =	swait.ge [sflag:s6], $0x2000  }
0x83e: {  	[sflag:s6] =	ssyncset.done $0x0  }
0x83f: {  	[sflag:s6] =	ssyncadd.s32 $0xFFFFE000  }
0x840: {  	_ =	swait.ge [sflag:s6], $0x2000  }
0x841: {  	[sflag:s6] =	ssyncset.done $0x0  }
0x842: {  	[sflag:s6] =	ssyncadd.s32 $0xFFFFE000  }
0x843: {  	_ =	swait.ge [sflag:s6], $0x2000  }
0x844: {  	[sflag:s6] =	ssyncset.done $0x0  }
0x845: {  	[sflag:s6] =	ssyncadd.s32 $0xFFFFE000  }
0x846: {  	_ =	swait.ge [sflag:s6], $0x2000  }
0x847: {  	[sflag:s6] =	ssyncset.done $0x0  }
0x848: {  	[sflag:s6] =	ssyncadd.s32 $0xFFFFE000  }
0x849: {  	_ =	swait.ge [sflag:s6], $0x2000  }
0x84a: {  	[sflag:s6] =	ssyncset.done $0x0  }
0x84b: {  	[sflag:s6] =	ssyncadd.s32 $0xFFFFE000  }
0x84c: {  	_ =	swait.ge [sflag:s6], $0x2000  }
0x84d: {  	[sflag:s6] =	ssyncset.done $0x0  }
0x84e: {  	[sflag:s6] =	ssyncadd.s32 $0xFFFFE000  }
0x84f: {  	_ =	swait.ge [sflag:s6], $0x2000  }
0x850: {  	[sflag:s6] =	ssyncset.done $0x0  }
0x851: {  	[sflag:s6] =	ssyncadd.s32 $0xFFFFE000  }
0x852: {  	_ =	swait.ge [sflag:s6], $0x2000  }
0x853: {  	[sflag:s6] =	ssyncset.done $0x0  }
0x854: {  	s13 =	simm.s32 $0x7E00;
	[sflag:s6] =	ssyncadd.s32 $0xFFFFE000  }
0x855: {  	v3 =	vld [tilespmem:s13+$0xFFFFFF40]  }
0x856: {  	v4 =	vld [tilespmem:s13+$0xFFFFFF00];
	_ =	sdelay $0x1  }
0x857: {  	v5 =	vld [tilespmem:s13+$0xFFFFFF80];
	_ =	sdelay $0x1  }
0x858: {  	v6 =	vld [tilespmem:s13+$0xFFFFFFC0]  }
0x859: {  	v3 =	vadd.f32 v3, v4  }
0x85a: {  	v4 =	vld [tilespmem:s13+$0x0]  }
0x85b: {  	v3 =	vadd.f32 v5, v3  }
0x85c: {  	v5 =	vld [tilespmem:s13+$0x40]  }
0x85d: {  	v3 =	vadd.f32 v6, v3  }
0x85e: {  	v6 =	vld [tilespmem:s13+$0x80]  }
0x85f: {  	v3 =	vadd.f32 v4, v3  }
0x860: {  	v4 =	vld [tilespmem:s13+$0xC0]  }
0x861: {  	v3 =	vadd.f32 v5, v3;
	_ =	sdelay $0x1  }
0x862: {  	v3 =	vadd.f32 v6, v3;
	_ =	sdelay $0x1  }
0x863: {  	v3 =	vadd.f32 v4, v3  }
0x864: {  	s14 =	simm.s32 $0x0  }
0x865: {  	[tilespmem:s14+$0xD500] =	vst v3  }
0x866: {  	v3 =	vld [tilespmem:s13+$0xFFFFFF10]  }
0x867: {  	v4 =	vld [tilespmem:s13+$0xFFFFFF50];
	_ =	sdelay $0x1  }
0x868: {  	v5 =	vld [tilespmem:s13+$0xFFFFFF90];
	_ =	sdelay $0x1  }
0x869: {  	v6 =	vld [tilespmem:s13+$0xFFFFFFD0]  }
0x86a: {  	v3 =	vadd.f32 v4, v3  }
0x86b: {  	v4 =	vld [tilespmem:s13+$0x10]  }
0x86c: {  	v3 =	vadd.f32 v5, v3  }
0x86d: {  	v5 =	vld [tilespmem:s13+$0x50]  }
0x86e: {  	v3 =	vadd.f32 v6, v3  }
0x86f: {  	v6 =	vld [tilespmem:s13+$0x90]  }
0x870: {  	v3 =	vadd.f32 v4, v3  }
0x871: {  	v4 =	vld [tilespmem:s13+$0xD0]  }
0x872: {  	v3 =	vadd.f32 v5, v3;
	_ =	sdelay $0x1  }
0x873: {  	v3 =	vadd.f32 v6, v3;
	_ =	sdelay $0x1  }
0x874: {  	v3 =	vadd.f32 v4, v3;
	_ =	sdelay $0x1  }
0x875: {  	[tilespmem:s14+$0xD510] =	vst v3  }
0x876: {  	v3 =	vld [tilespmem:s13+$0xFFFFFF20]  }
0x877: {  	v4 =	vld [tilespmem:s13+$0xFFFFFF60];
	_ =	sdelay $0x1  }
0x878: {  	v5 =	vld [tilespmem:s13+$0xFFFFFFA0];
	_ =	sdelay $0x1  }
0x879: {  	v6 =	vld [tilespmem:s13+$0xFFFFFFE0]  }
0x87a: {  	v3 =	vadd.f32 v4, v3  }
0x87b: {  	v4 =	vld [tilespmem:s13+$0x20]  }
0x87c: {  	v3 =	vadd.f32 v5, v3  }
0x87d: {  	v5 =	vld [tilespmem:s13+$0x60]  }
0x87e: {  	v3 =	vadd.f32 v6, v3  }
0x87f: {  	v6 =	vld [tilespmem:s13+$0xA0]  }
0x880: {  	v3 =	vadd.f32 v4, v3  }
0x881: {  	v4 =	vld [tilespmem:s13+$0xE0]  }
0x882: {  	v3 =	vadd.f32 v5, v3;
	_ =	sdelay $0x1  }
0x883: {  	v3 =	vadd.f32 v6, v3;
	_ =	sdelay $0x1  }
0x884: {  	v3 =	vadd.f32 v4, v3;
	_ =	sdelay $0x1  }
0x885: {  	[tilespmem:s14+$0xD520] =	vst v3  }
0x886: {  	v3 =	vld [tilespmem:s13+$0xFFFFFF30]  }
0x887: {  	v4 =	vld [tilespmem:s13+$0xFFFFFF70];
	_ =	sdelay $0x1  }
0x888: {  	v5 =	vld [tilespmem:s13+$0xFFFFFFB0];
	_ =	sdelay $0x1  }
0x889: {  	v6 =	vld [tilespmem:s13+$0xFFFFFFF0]  }
0x88a: {  	v3 =	vadd.f32 v4, v3  }
0x88b: {  	v4 =	vld [tilespmem:s13+$0x30]  }
0x88c: {  	v3 =	vadd.f32 v5, v3;
	_ =	sdelay $0x1  }
0x88d: {  	v5 =	vld [tilespmem:s13+$0x70];
	v3 =	vadd.f32 v6, v3;
	_ =	sdelay $0x1  }
0x88e: {  	v6 =	vadd.f32 v4, v3;
	v4 =	vld [tilespmem:s13+$0xB0];
	_ =	sdelay $0x1  }
0x88f: {  	v3 =	vld [tilespmem:s13+$0xF0]  }
0x890: {  	s15 =	simm.s32 $0x100;
	v5 =	vadd.f32 v5, v6  }
.LBB2_62:
0x891: {  	p0 =	sne.s32 s15, $0xF00  }
0x892: {  	s13 =	sadd.s32 $0x200, s13;
	s16 =	smov.u32 s15;
	s15 =	sadd.s32 $0x100, s15;
	v4 =	vadd.f32 v4, v5  }
0x893: {  	_ = 	snop  }
0x894: {  	v3 =	vadd.f32 v3, v4;
	_ =	sdelay $0x1  }
0x895: {  	[tilespmem:s14+$0xD530] =	vst v3  }
0x896: {  	v3 =	vld [tilespmem:s13+$0xFFFFFF40]  }
0x897: {  	v4 =	vld [tilespmem:s13+$0xFFFFFF00];
	_ =	sdelay $0x1  }
0x898: {  	v5 =	vld [tilespmem:s13+$0xFFFFFF80];
	_ =	sdelay $0x1  }
0x899: {  	v6 =	vld [tilespmem:s13+$0xFFFFFFC0]  }
0x89a: {  	v3 =	vadd.f32 v3, v4  }
0x89b: {  	v4 =	vld [tilespmem:s13+$0x0]  }
0x89c: {  	v3 =	vadd.f32 v5, v3  }
0x89d: {  	v5 =	vld [tilespmem:s13+$0x40]  }
0x89e: {  	v3 =	vadd.f32 v6, v3  }
0x89f: {  	v6 =	vld [tilespmem:s13+$0x80]  }
0x8a0: {  	v3 =	vadd.f32 v4, v3  }
0x8a1: {  	v4 =	vld [tilespmem:s13+$0xC0]  }
0x8a2: {  	v3 =	vadd.f32 v5, v3;
	_ =	sdelay $0x1  }
0x8a3: {  	v3 =	vadd.f32 v6, v3;
	_ =	sdelay $0x1  }
0x8a4: {  	v3 =	vadd.f32 v4, v3  }
0x8a5: {  	s14 =	sshra.s32 s16, $0x2  }
0x8a6: {  	[tilespmem:s14+$0xD500] =	vst v3  }
0x8a7: {  	v3 =	vld [tilespmem:s13+$0xFFFFFF10]  }
0x8a8: {  	v4 =	vld [tilespmem:s13+$0xFFFFFF50];
	_ =	sdelay $0x1  }
0x8a9: {  	v5 =	vld [tilespmem:s13+$0xFFFFFF90];
	_ =	sdelay $0x1  }
0x8aa: {  	v6 =	vld [tilespmem:s13+$0xFFFFFFD0]  }
0x8ab: {  	v3 =	vadd.f32 v4, v3  }
0x8ac: {  	v4 =	vld [tilespmem:s13+$0x10]  }
0x8ad: {  	v3 =	vadd.f32 v5, v3  }
0x8ae: {  	v5 =	vld [tilespmem:s13+$0x50]  }
0x8af: {  	v3 =	vadd.f32 v6, v3  }
0x8b0: {  	v6 =	vld [tilespmem:s13+$0x90]  }
0x8b1: {  	v3 =	vadd.f32 v4, v3  }
0x8b2: {  	v4 =	vld [tilespmem:s13+$0xD0]  }
0x8b3: {  	v3 =	vadd.f32 v5, v3;
	_ =	sdelay $0x1  }
0x8b4: {  	v3 =	vadd.f32 v6, v3;
	_ =	sdelay $0x1  }
0x8b5: {  	v3 =	vadd.f32 v4, v3;
	_ =	sdelay $0x1  }
0x8b6: {  	[tilespmem:s14+$0xD510] =	vst v3  }
0x8b7: {  	v3 =	vld [tilespmem:s13+$0xFFFFFF20]  }
0x8b8: {  	v4 =	vld [tilespmem:s13+$0xFFFFFF60];
	_ =	sdelay $0x1  }
0x8b9: {  	v5 =	vld [tilespmem:s13+$0xFFFFFFA0];
	_ =	sdelay $0x1  }
0x8ba: {  	v6 =	vld [tilespmem:s13+$0xFFFFFFE0]  }
0x8bb: {  	v3 =	vadd.f32 v4, v3  }
0x8bc: {  	v4 =	vld [tilespmem:s13+$0x20]  }
0x8bd: {  	v3 =	vadd.f32 v5, v3  }
0x8be: {  	v5 =	vld [tilespmem:s13+$0x60]  }
0x8bf: {  	v3 =	vadd.f32 v6, v3  }
0x8c0: {  	v6 =	vld [tilespmem:s13+$0xA0]  }
0x8c1: {  	v3 =	vadd.f32 v4, v3  }
0x8c2: {  	v4 =	vld [tilespmem:s13+$0xE0]  }
0x8c3: {  	v3 =	vadd.f32 v5, v3;
	_ =	sdelay $0x1  }
0x8c4: {  	v3 =	vadd.f32 v6, v3;
	_ =	sdelay $0x1  }
0x8c5: {  	v3 =	vadd.f32 v4, v3;
	_ =	sdelay $0x1  }
0x8c6: {  	[tilespmem:s14+$0xD520] =	vst v3  }
0x8c7: {  	v3 =	vld [tilespmem:s13+$0xFFFFFF30]  }
0x8c8: {  	v4 =	vld [tilespmem:s13+$0xFFFFFF70]  }
0x8c9: {  	v5 =	vld [tilespmem:s13+$0xFFFFFFB0]  }
0x8ca: {  	v6 =	vld [tilespmem:s13+$0xFFFFFFF0]  }
0x8cb: {  	v7 =	vld [tilespmem:s13+$0x30]  }
0x8cc: {  	v8 =	vld [tilespmem:s13+$0x70]  }
0x8cd: {  	v9 =	vadd.f32 v4, v3;
	v4 =	vld [tilespmem:s13+$0xB0]  }
0x8ce: {  	v3 =	vld [tilespmem:s13+$0xF0]  }
0x8cf: {  	v5 =	vadd.f32 v5, v9;
	_ =	sdelay $0x1  }
.Ltmp30:
0x8d0: {  	v5 =	vadd.f32 v6, v5;
	(pc) =	sbr.rel @p0 .LBB2_62-.Ltmp30, $3  }
0x8d1: {  	_ = 	snop  }
0x8d2: {  	v5 =	vadd.f32 v7, v5;
	_ =	sdelay $0x1  }
0x8d3: {  	v5 =	vadd.f32 v8, v5  }
0x8d4: {  	_ = 	snop  }
0x8d5: {  	v4 =	vadd.f32 v4, v5;
	_ =	sdelay $0x1  }
0x8d6: {  	v3 =	vadd.f32 v3, v4;
	_ =	sdelay $0x1  }
0x8d7: {  	[tilespmem:s14+$0xD530] =	vst v3  }
0x8d8: {  	_ =	swait.ge [sflag:s11], $0x2000  }
0x8d9: {  	[sflag:s11] =	ssyncset.done $0x0  }
0x8da: {  	[sflag:s11] =	ssyncadd.s32 $0xFFFFE000  }
0x8db: {  	_ =	swait.ge [sflag:s11], $0x2000  }
0x8dc: {  	[sflag:s11] =	ssyncset.done $0x0  }
0x8dd: {  	[sflag:s11] =	ssyncadd.s32 $0xFFFFE000  }
0x8de: {  	_ =	swait.ge [sflag:s11], $0x2000  }
0x8df: {  	[sflag:s11] =	ssyncset.done $0x0  }
0x8e0: {  	[sflag:s11] =	ssyncadd.s32 $0xFFFFE000  }
0x8e1: {  	_ =	swait.ge [sflag:s11], $0x2000  }
0x8e2: {  	[sflag:s11] =	ssyncset.done $0x0  }
0x8e3: {  	[sflag:s11] =	ssyncadd.s32 $0xFFFFE000  }
0x8e4: {  	_ =	swait.ge [sflag:s11], $0x2000  }
0x8e5: {  	[sflag:s11] =	ssyncset.done $0x0  }
0x8e6: {  	[sflag:s11] =	ssyncadd.s32 $0xFFFFE000  }
0x8e7: {  	_ =	swait.ge [sflag:s11], $0x2000  }
0x8e8: {  	[sflag:s11] =	ssyncset.done $0x0  }
0x8e9: {  	[sflag:s11] =	ssyncadd.s32 $0xFFFFE000  }
0x8ea: {  	_ =	swait.ge [sflag:s11], $0x2000  }
0x8eb: {  	[sflag:s11] =	ssyncset.done $0x0  }
0x8ec: {  	[sflag:s11] =	ssyncadd.s32 $0xFFFFE000  }
0x8ed: {  	_ =	swait.ge [sflag:s11], $0x2000  }
0x8ee: {  	[sflag:s11] =	ssyncset.done $0x0  }
0x8ef: {  	[sflag:s11] =	ssyncadd.s32 $0xFFFFE000  }
0x8f0: {  	_ =	swait.ge [sflag:s11], $0x2000  }
0x8f1: {  	[sflag:s11] =	ssyncset.done $0x0  }
0x8f2: {  	[sflag:s11] =	ssyncadd.s32 $0xFFFFE000  }
0x8f3: {  	_ =	swait.ge [sflag:s11], $0x2000  }
0x8f4: {  	[sflag:s11] =	ssyncset.done $0x0  }
0x8f5: {  	[sflag:s11] =	ssyncadd.s32 $0xFFFFE000  }
0x8f6: {  	_ =	swait.ge [sflag:s11], $0x2000  }
0x8f7: {  	[sflag:s11] =	ssyncset.done $0x0  }
0x8f8: {  	[sflag:s11] =	ssyncadd.s32 $0xFFFFE000  }
0x8f9: {  	_ =	swait.ge [sflag:s11], $0x2000  }
0x8fa: {  	[sflag:s11] =	ssyncset.done $0x0  }
0x8fb: {  	[sflag:s11] =	ssyncadd.s32 $0xFFFFE000  }
0x8fc: {  	_ =	swait.ge [sflag:s11], $0x2000  }
0x8fd: {  	[sflag:s11] =	ssyncset.done $0x0  }
0x8fe: {  	[sflag:s11] =	ssyncadd.s32 $0xFFFFE000  }
0x8ff: {  	_ =	swait.ge [sflag:s11], $0x2000  }
0x900: {  	[sflag:s11] =	ssyncset.done $0x0  }
0x901: {  	[sflag:s11] =	ssyncadd.s32 $0xFFFFE000  }
0x902: {  	_ =	swait.ge [sflag:s11], $0x2000  }
0x903: {  	[sflag:s11] =	ssyncset.done $0x0  }
0x904: {  	[sflag:s11] =	ssyncadd.s32 $0xFFFFE000  }
0x905: {  	_ =	swait.ge [sflag:s11], $0x2000  }
0x906: {  	[sflag:s11] =	ssyncset.done $0x0  }
0x907: {  	[sflag:s11] =	ssyncadd.s32 $0xFFFFE000  }
0x908: {  	_ =	swait.ge [sflag:s11], $0x2000  }
0x909: {  	[sflag:s11] =	ssyncset.done $0x0  }
0x90a: {  	[sflag:s11] =	ssyncadd.s32 $0xFFFFE000  }
0x90b: {  	_ =	swait.ge [sflag:s11], $0x2000  }
0x90c: {  	[sflag:s11] =	ssyncset.done $0x0  }
0x90d: {  	[sflag:s11] =	ssyncadd.s32 $0xFFFFE000  }
0x90e: {  	_ =	swait.ge [sflag:s11], $0x2000  }
0x90f: {  	[sflag:s11] =	ssyncset.done $0x0  }
0x910: {  	[sflag:s11] =	ssyncadd.s32 $0xFFFFE000  }
0x911: {  	_ =	swait.ge [sflag:s11], $0x2000  }
0x912: {  	[sflag:s11] =	ssyncset.done $0x0  }
0x913: {  	[sflag:s11] =	ssyncadd.s32 $0xFFFFE000  }
0x914: {  	_ =	swait.ge [sflag:s11], $0x2000  }
0x915: {  	[sflag:s11] =	ssyncset.done $0x0  }
0x916: {  	[sflag:s11] =	ssyncadd.s32 $0xFFFFE000  }
0x917: {  	_ =	swait.ge [sflag:s11], $0x2000  }
0x918: {  	[sflag:s11] =	ssyncset.done $0x0  }
0x919: {  	[sflag:s11] =	ssyncadd.s32 $0xFFFFE000  }
0x91a: {  	_ =	swait.ge [sflag:s11], $0x2000  }
0x91b: {  	[sflag:s11] =	ssyncset.done $0x0  }
0x91c: {  	[sflag:s11] =	ssyncadd.s32 $0xFFFFE000  }
0x91d: {  	_ =	swait.ge [sflag:s11], $0x2000  }
0x91e: {  	[sflag:s11] =	ssyncset.done $0x0  }
0x91f: {  	[sflag:s11] =	ssyncadd.s32 $0xFFFFE000  }
0x920: {  	_ =	swait.ge [sflag:s11], $0x2000  }
0x921: {  	[sflag:s11] =	ssyncset.done $0x0  }
0x922: {  	s13 =	simm.s32 $0x9E00;
	[sflag:s11] =	ssyncadd.s32 $0xFFFFE000  }
0x923: {  	v3 =	vld [tilespmem:s13+$0xFFFFFF40]  }
0x924: {  	v4 =	vld [tilespmem:s13+$0xFFFFFF00];
	_ =	sdelay $0x1  }
0x925: {  	v5 =	vld [tilespmem:s13+$0xFFFFFF80];
	_ =	sdelay $0x1  }
0x926: {  	v6 =	vld [tilespmem:s13+$0xFFFFFFC0]  }
0x927: {  	v3 =	vadd.f32 v3, v4  }
0x928: {  	v4 =	vld [tilespmem:s13+$0x0]  }
0x929: {  	v3 =	vadd.f32 v5, v3  }
0x92a: {  	v5 =	vld [tilespmem:s13+$0x40]  }
0x92b: {  	v3 =	vadd.f32 v6, v3  }
0x92c: {  	v6 =	vld [tilespmem:s13+$0x80]  }
0x92d: {  	v3 =	vadd.f32 v4, v3  }
0x92e: {  	v4 =	vld [tilespmem:s13+$0xC0]  }
0x92f: {  	v3 =	vadd.f32 v5, v3;
	_ =	sdelay $0x1  }
0x930: {  	v3 =	vadd.f32 v6, v3;
	_ =	sdelay $0x1  }
0x931: {  	v3 =	vadd.f32 v4, v3  }
0x932: {  	s14 =	simm.s32 $0x0  }
0x933: {  	[tilespmem:s14+$0xD900] =	vst v3  }
0x934: {  	v3 =	vld [tilespmem:s13+$0xFFFFFF10]  }
0x935: {  	v4 =	vld [tilespmem:s13+$0xFFFFFF50];
	_ =	sdelay $0x1  }
0x936: {  	v5 =	vld [tilespmem:s13+$0xFFFFFF90];
	_ =	sdelay $0x1  }
0x937: {  	v6 =	vld [tilespmem:s13+$0xFFFFFFD0]  }
0x938: {  	v3 =	vadd.f32 v4, v3  }
0x939: {  	v4 =	vld [tilespmem:s13+$0x10]  }
0x93a: {  	v3 =	vadd.f32 v5, v3  }
0x93b: {  	v5 =	vld [tilespmem:s13+$0x50]  }
0x93c: {  	v3 =	vadd.f32 v6, v3  }
0x93d: {  	v6 =	vld [tilespmem:s13+$0x90]  }
0x93e: {  	v3 =	vadd.f32 v4, v3  }
0x93f: {  	v4 =	vld [tilespmem:s13+$0xD0]  }
0x940: {  	v3 =	vadd.f32 v5, v3;
	_ =	sdelay $0x1  }
0x941: {  	v3 =	vadd.f32 v6, v3;
	_ =	sdelay $0x1  }
0x942: {  	v3 =	vadd.f32 v4, v3;
	_ =	sdelay $0x1  }
0x943: {  	[tilespmem:s14+$0xD910] =	vst v3  }
0x944: {  	v3 =	vld [tilespmem:s13+$0xFFFFFF20]  }
0x945: {  	v4 =	vld [tilespmem:s13+$0xFFFFFF60];
	_ =	sdelay $0x1  }
0x946: {  	v5 =	vld [tilespmem:s13+$0xFFFFFFA0];
	_ =	sdelay $0x1  }
0x947: {  	v6 =	vld [tilespmem:s13+$0xFFFFFFE0]  }
0x948: {  	v3 =	vadd.f32 v4, v3  }
0x949: {  	v4 =	vld [tilespmem:s13+$0x20]  }
0x94a: {  	v3 =	vadd.f32 v5, v3  }
0x94b: {  	v5 =	vld [tilespmem:s13+$0x60]  }
0x94c: {  	v3 =	vadd.f32 v6, v3  }
0x94d: {  	v6 =	vld [tilespmem:s13+$0xA0]  }
0x94e: {  	v3 =	vadd.f32 v4, v3  }
0x94f: {  	v4 =	vld [tilespmem:s13+$0xE0]  }
0x950: {  	v3 =	vadd.f32 v5, v3;
	_ =	sdelay $0x1  }
0x951: {  	v3 =	vadd.f32 v6, v3;
	_ =	sdelay $0x1  }
0x952: {  	v3 =	vadd.f32 v4, v3;
	_ =	sdelay $0x1  }
0x953: {  	[tilespmem:s14+$0xD920] =	vst v3  }
0x954: {  	v3 =	vld [tilespmem:s13+$0xFFFFFF30]  }
0x955: {  	v4 =	vld [tilespmem:s13+$0xFFFFFF70];
	_ =	sdelay $0x1  }
0x956: {  	v5 =	vld [tilespmem:s13+$0xFFFFFFB0];
	_ =	sdelay $0x1  }
0x957: {  	v6 =	vld [tilespmem:s13+$0xFFFFFFF0]  }
0x958: {  	v3 =	vadd.f32 v4, v3  }
0x959: {  	v4 =	vld [tilespmem:s13+$0x30]  }
0x95a: {  	v3 =	vadd.f32 v5, v3;
	_ =	sdelay $0x1  }
0x95b: {  	v5 =	vld [tilespmem:s13+$0x70];
	v3 =	vadd.f32 v6, v3;
	_ =	sdelay $0x1  }
0x95c: {  	v6 =	vadd.f32 v4, v3;
	v4 =	vld [tilespmem:s13+$0xB0];
	_ =	sdelay $0x1  }
0x95d: {  	v3 =	vld [tilespmem:s13+$0xF0]  }
0x95e: {  	s15 =	simm.s32 $0x100;
	v5 =	vadd.f32 v5, v6  }
.LBB2_64:
0x95f: {  	p0 =	sne.s32 s15, $0xF00  }
0x960: {  	s13 =	sadd.s32 $0x200, s13;
	s16 =	smov.u32 s15;
	s15 =	sadd.s32 $0x100, s15;
	v4 =	vadd.f32 v4, v5  }
0x961: {  	_ = 	snop  }
0x962: {  	v3 =	vadd.f32 v3, v4;
	_ =	sdelay $0x1  }
0x963: {  	[tilespmem:s14+$0xD930] =	vst v3  }
0x964: {  	v3 =	vld [tilespmem:s13+$0xFFFFFF40]  }
0x965: {  	v4 =	vld [tilespmem:s13+$0xFFFFFF00];
	_ =	sdelay $0x1  }
0x966: {  	v5 =	vld [tilespmem:s13+$0xFFFFFF80];
	_ =	sdelay $0x1  }
0x967: {  	v6 =	vld [tilespmem:s13+$0xFFFFFFC0]  }
0x968: {  	v3 =	vadd.f32 v3, v4  }
0x969: {  	v4 =	vld [tilespmem:s13+$0x0]  }
0x96a: {  	v3 =	vadd.f32 v5, v3  }
0x96b: {  	v5 =	vld [tilespmem:s13+$0x40]  }
0x96c: {  	v3 =	vadd.f32 v6, v3  }
0x96d: {  	v6 =	vld [tilespmem:s13+$0x80]  }
0x96e: {  	v3 =	vadd.f32 v4, v3  }
0x96f: {  	v4 =	vld [tilespmem:s13+$0xC0]  }
0x970: {  	v3 =	vadd.f32 v5, v3;
	_ =	sdelay $0x1  }
0x971: {  	v3 =	vadd.f32 v6, v3;
	_ =	sdelay $0x1  }
0x972: {  	v3 =	vadd.f32 v4, v3  }
0x973: {  	s14 =	sshra.s32 s16, $0x2  }
0x974: {  	[tilespmem:s14+$0xD900] =	vst v3  }
0x975: {  	v3 =	vld [tilespmem:s13+$0xFFFFFF10]  }
0x976: {  	v4 =	vld [tilespmem:s13+$0xFFFFFF50];
	_ =	sdelay $0x1  }
0x977: {  	v5 =	vld [tilespmem:s13+$0xFFFFFF90];
	_ =	sdelay $0x1  }
0x978: {  	v6 =	vld [tilespmem:s13+$0xFFFFFFD0]  }
0x979: {  	v3 =	vadd.f32 v4, v3  }
0x97a: {  	v4 =	vld [tilespmem:s13+$0x10]  }
0x97b: {  	v3 =	vadd.f32 v5, v3  }
0x97c: {  	v5 =	vld [tilespmem:s13+$0x50]  }
0x97d: {  	v3 =	vadd.f32 v6, v3  }
0x97e: {  	v6 =	vld [tilespmem:s13+$0x90]  }
0x97f: {  	v3 =	vadd.f32 v4, v3  }
0x980: {  	v4 =	vld [tilespmem:s13+$0xD0]  }
0x981: {  	v3 =	vadd.f32 v5, v3;
	_ =	sdelay $0x1  }
0x982: {  	v3 =	vadd.f32 v6, v3;
	_ =	sdelay $0x1  }
0x983: {  	v3 =	vadd.f32 v4, v3;
	_ =	sdelay $0x1  }
0x984: {  	[tilespmem:s14+$0xD910] =	vst v3  }
0x985: {  	v3 =	vld [tilespmem:s13+$0xFFFFFF20]  }
0x986: {  	v4 =	vld [tilespmem:s13+$0xFFFFFF60];
	_ =	sdelay $0x1  }
0x987: {  	v5 =	vld [tilespmem:s13+$0xFFFFFFA0];
	_ =	sdelay $0x1  }
0x988: {  	v6 =	vld [tilespmem:s13+$0xFFFFFFE0]  }
0x989: {  	v3 =	vadd.f32 v4, v3  }
0x98a: {  	v4 =	vld [tilespmem:s13+$0x20]  }
0x98b: {  	v3 =	vadd.f32 v5, v3  }
0x98c: {  	v5 =	vld [tilespmem:s13+$0x60]  }
0x98d: {  	v3 =	vadd.f32 v6, v3  }
0x98e: {  	v6 =	vld [tilespmem:s13+$0xA0]  }
0x98f: {  	v3 =	vadd.f32 v4, v3  }
0x990: {  	v4 =	vld [tilespmem:s13+$0xE0]  }
0x991: {  	v3 =	vadd.f32 v5, v3;
	_ =	sdelay $0x1  }
0x992: {  	v3 =	vadd.f32 v6, v3;
	_ =	sdelay $0x1  }
0x993: {  	v3 =	vadd.f32 v4, v3;
	_ =	sdelay $0x1  }
0x994: {  	[tilespmem:s14+$0xD920] =	vst v3  }
0x995: {  	v3 =	vld [tilespmem:s13+$0xFFFFFF30]  }
0x996: {  	v4 =	vld [tilespmem:s13+$0xFFFFFF70]  }
0x997: {  	v5 =	vld [tilespmem:s13+$0xFFFFFFB0]  }
0x998: {  	v6 =	vld [tilespmem:s13+$0xFFFFFFF0]  }
0x999: {  	v7 =	vld [tilespmem:s13+$0x30]  }
0x99a: {  	v8 =	vld [tilespmem:s13+$0x70]  }
0x99b: {  	v9 =	vadd.f32 v4, v3;
	v4 =	vld [tilespmem:s13+$0xB0]  }
0x99c: {  	v3 =	vld [tilespmem:s13+$0xF0]  }
0x99d: {  	v5 =	vadd.f32 v5, v9;
	_ =	sdelay $0x1  }
.Ltmp31:
0x99e: {  	v5 =	vadd.f32 v6, v5;
	(pc) =	sbr.rel @p0 .LBB2_64-.Ltmp31, $3  }
0x99f: {  	_ = 	snop  }
0x9a0: {  	v5 =	vadd.f32 v7, v5;
	_ =	sdelay $0x1  }
0x9a1: {  	v5 =	vadd.f32 v8, v5  }
0x9a2: {  	_ = 	snop  }
0x9a3: {  	v4 =	vadd.f32 v4, v5;
	_ =	sdelay $0x1  }
0x9a4: {  	v3 =	vadd.f32 v3, v4;
	_ =	sdelay $0x1  }
0x9a5: {  	s13 =	rddreg [dreg:$0x3];
	s16 =	simm.s32 $0xBD00;
	[tilespmem:s14+$0xD930] =	vst v3  }
0x9a6: {  	[hbm4b:s13+s2] =	stream.linear.scatter [tilespmem:s16], [sflag:$0x3], $0x2000, $0x38;
	[tilespmem:$0xDD00] =	vst v63  }
0x9a7: {  	_ =	swait.ge [sflag:s7], $0x2000  }
0x9a8: {  	s12 =	sadd.s32 $0x1, s12;
	s17 =	rddreg [dreg:$0x4]  }
0x9a9: {  	p0 =	sne.s32 s12, s17  }
.Ltmp32:
0x9aa: {  	_ = 	snop;
	(pc) =	sbr.rel @p0 .LBB2_1-.Ltmp32, $3  }
0x9ab: {  	_ =	sdelay $0x1  }
0x9ac: {  	[sflag:s7] =	ssyncset.done $0x0  }
0x9ad: {  	[sflag:s7] =	ssyncadd.s32 $0xFFFFE000  }
0x9ae: {  	_ =	sfence.sel $0x180000  }
0x9af: {  	[bflag:$0x0] =	sbarrier.arrive $0xFFFF  }
0x9b0: {  	_ =	strace $0x90000047  }
0x9b1: {  	s0 =	stileid.u32;
	[bflag:$0x2] =	sbarrier.arrive $0xFFFF  }
0x9b2: {  	p0 =	sne.s32 s0, $0x0;
	s0 =	rddreg [dreg:$0x1]  }
0x9b3: {  	s0 =	sadd.s32 @!p0 $0x100000, s0  }
0x9b4: {  	[sflag:s0] =	ssyncadd.tile.s32 @!p0 $0x1;
	_ =	shalt  }
.Lfunc_end2:
_tile_overlayer_lowered:
.L_overlay_start_2:
0x9b5: {  	(tag) =	ssettag $0x2  }
0x9b6: {  	s0 =	rddreg [dreg:$0x0];
	s2 =	stileid.u32  }
0x9b7: {  	s1 =	rddreg [dreg:$0x1];
	p0 =	sne.s32 s2, $0x0  }
0x9b8: {  	s3 =	rddreg [dreg:$0x2];
	[bflag:$0x3] =	sbarrier.arrive $0xFFFF;
	s2 =	simm.s32 @!p0 $0x1C03  }
0x9b9: {  	[timem:s3], [sflag:s2] =	dma.local @!p0 [hbm:s0], s1  }
0x9ba: {  	s0 =	simm.s32 @!p0 $0x3  }
0x9bb: {  	_ =	swait.ge @!p0 [sflag:s0], s1  }
0x9bc: {  	s1 =	ssub.s32 @!p0 $0x0, s1;
	[sflag:s0] =	ssyncset.done @!p0 $0x0  }
0x9bd: {  	[sflag:s0] =	ssyncadd.s32 @!p0 s1  }
0x9be: {  	[bflag:$0x3] =	sbarrier.arrive $0xFFFF  }
0x9bf: {  	_ =	shalt  }

</sc_bundles>
